<compile_context>
chip_gen: v7x
topology: tpu7x:2x2x1
jax: 0.10.2.dev20260603
libtpu: 0.0.44.dev20260713+nightly
codegen_flags: <defaults>
</compile_context>

<pallas_src>
import functools

import jax
import jax.numpy as jnp
from jax import lax
from jax.experimental import pallas as pl
from jax.experimental.pallas import tpu as pltpu
from jax.experimental.pallas import tpu_sc as plsc

_L = 1000
_BT = 128
_PIECES = ((0, 256), (256, 256), (512, 256), (768, 232))
_XRING = 4
_NUM_CORES = 2
_NUM_SUBCORES = 16


@functools.partial(jax.jit, static_argnums=(1, 2))
def _one_hot_sc_t(xt, b, f):
    nw = _NUM_CORES * _NUM_SUBCORES
    nbt = b // _BT
    spw = f * nbt // nw
    mesh = plsc.VectorSubcoreMesh(core_axis_name="c", subcore_axis_name="s",
                                  num_cores=_NUM_CORES,
                                  num_subcores=_NUM_SUBCORES)

    @functools.partial(
        pl.kernel,
        out_type=jax.ShapeDtypeStruct((f, _L, b), jnp.float32),
        mesh=mesh,
        compiler_params=pltpu.CompilerParams(needs_layout_passes=False),
        scratch_types=[
            pltpu.VMEM((_XRING, _BT), jnp.int32),
            pltpu.VMEM((_L, _BT), jnp.float32),
        ] + [pltpu.SemaphoreType.DMA] * _XRING
          + [pltpu.SemaphoreType.DMA] * len(_PIECES),
    )
    def k(xt_hbm, out_hbm, xbuf, slab, *all_sems):
        xsems = all_sems[:_XRING]
        sems = all_sems[_XRING:]
        wid = lax.axis_index("c") * _NUM_SUBCORES + lax.axis_index("s")

        zero16 = jnp.zeros((16,), jnp.float32)
        one16 = jnp.ones((16,), jnp.float32)
        iota16 = lax.iota(jnp.int32, 16)

        def fetch_x(j):
            sid = j * nw + wid
            pltpu.async_copy(
                xt_hbm.at[sid // nbt, pl.ds((sid % nbt) * _BT, _BT)],
                xbuf.at[j % _XRING],
                xsems[j % _XRING],
            )

        def drain_x(j):
            pltpu.make_async_copy(
                xt_hbm.at[0, pl.ds(0, _BT)], xbuf.at[0], xsems[j % _XRING]
            ).wait()

        def drain_piece(h):
            l0, hlen = _PIECES[h]
            pltpu.make_async_copy(
                slab.at[pl.ds(l0, hlen)],
                out_hbm.at[0, pl.ds(l0, hlen), pl.ds(0, _BT)],
                sems[h],
            ).wait()

        def fire_piece(h, j):
            l0, hlen = _PIECES[h]
            sid = j * nw + wid
            pltpu.async_copy(
                slab.at[pl.ds(l0, hlen)],
                out_hbm.at[
                    sid // nbt, pl.ds(l0, hlen), pl.ds((sid % nbt) * _BT, _BT)
                ],
                sems[h],
            )

        def touch(j, l0, hlen, val16):
            for c in range(_BT // 16):
                xv = xbuf[j % _XRING, pl.ds(c * 16, 16)]
                m = (xv >= l0) & (xv < l0 + hlen)
                plsc.store_scatter(slab, [xv, iota16 + c * 16], val16, mask=m)

        def zero_rows(i, carry):
            for r in range(8):
                for c in range(_BT // 16):
                    slab[i * 8 + r, pl.ds(c * 16, 16)] = zero16
            return carry

        for j in range(_XRING - 1):
            fetch_x(j)
        drain_x(0)
        for h, (l0, hlen) in enumerate(_PIECES):
            lax.fori_loop(l0 // 8, (l0 + hlen) // 8, zero_rows, 0)
            touch(0, l0, hlen, one16)
            fire_piece(h, 0)
        fetch_x(_XRING - 1)

        def body(j, carry):
            for s in range(_XRING):
                @pl.when(j % _XRING == s)
                def _():
                    drain_x(s)
            for h, (l0, hlen) in enumerate(_PIECES):
                drain_piece(h)
                touch(j - 1, l0, hlen, zero16)
                touch(j, l0, hlen, one16)
                fire_piece(h, j)

            jn = j + _XRING - 1
            for s in range(_XRING):
                @pl.when((jn < spw) & (jn % _XRING == s))
                def _():
                    sid = jn * nw + wid
                    pltpu.async_copy(
                        xt_hbm.at[sid // nbt, pl.ds((sid % nbt) * _BT, _BT)],
                        xbuf.at[s],
                        xsems[s],
                    )

            return carry

        lax.fori_loop(1, spw, body, 0)
        for h in range(len(_PIECES)):
            drain_piece(h)

    return k(xt)


def kernel(x):
    b, f = x.shape
    out_t = _one_hot_sc_t(x.T, b, f)
    return out_t.transpose(2, 0, 1)

# --- scband reference (transcript-rebuilt; emitter-appended) ---
"""Pipeline reference for scband-one-hot-30124900614517 (READ-ONLY COPY).

The authoritative reference and input builder live on the scoring server;
editing this copy changes nothing except your own understanding.
"""

import jax, jax.numpy as jnp
import numpy as np

L = 1000
Ldim = -1
B = 4096
F = 26

def setup_inputs(seed: int = 0) -> dict:
    key = jax.random.key(seed)
    x = jax.random.randint(key, (B, F), 0, L, dtype=jnp.int64 if jax.config.read('jax_enable_x64') else jnp.int32)
    x = x.astype(jnp.int32)
    return {"x": x}

def reference(x) -> jnp.ndarray:
    # Faithful translation of one_hot(x, L, Ldim=-1):
    #   out_shape = x.shape + (L,); zeros scatter_(dim=-1, index=x.unsqueeze(-1), 1)
    b_idx = jnp.arange(x.shape[0])[:, None]
    f_idx = jnp.arange(x.shape[1])[None, :]
    oh = jnp.zeros(x.shape + (L,), dtype=jnp.float32)
    oh = oh.at[b_idx, f_idx, x].set(1.0)
    return oh

if __name__ == "__main__":
    import jax
    _d = setup_inputs()
    print(jax.jit(kernel)(*tuple(_d.values())))

</pallas_src>

<mosaic_0001>
#map = affine_map<(d0, d1) -> (0, 0)>
#map1 = affine_map<(d0, d1) -> (0, 0, 0)>
module attributes {stable_mosaic.version = 14 : i64} {
  func.func @k(%arg0: i32, %arg1: i32, %arg2: memref<26x4096xi32, #tpu.memory_space<hbm>>, %arg3: memref<26x1000x4096xf32, #tpu.memory_space<hbm>>, %arg4: memref<4x128xi32, #tpu.memory_space<vmem>>, %arg5: memref<1000x128xf32, #tpu.memory_space<vmem>>, %arg6: memref<!tpu.dma_semaphore, #tpu.memory_space<semaphore_mem>>, %arg7: memref<!tpu.dma_semaphore, #tpu.memory_space<semaphore_mem>>, %arg8: memref<!tpu.dma_semaphore, #tpu.memory_space<semaphore_mem>>, %arg9: memref<!tpu.dma_semaphore, #tpu.memory_space<semaphore_mem>>, %arg10: memref<!tpu.dma_semaphore, #tpu.memory_space<semaphore_mem>>, %arg11: memref<!tpu.dma_semaphore, #tpu.memory_space<semaphore_mem>>, %arg12: memref<!tpu.dma_semaphore, #tpu.memory_space<semaphore_mem>>, %arg13: memref<!tpu.dma_semaphore, #tpu.memory_space<semaphore_mem>>) attributes {dimension_semantics = [#tpu.dimension_semantics<core_parallel>, #tpu.dimension_semantics<subcore_parallel>], iteration_bounds = array<i64: 2, 16>, scalar_prefetch = 0 : i64, scratch_operands = 10 : i64, tpu.core_type = #tpu.core_type<sc_vector_subcore>, window_params = [{transform_indices = #map}, {transform_indices = #map1}]} {
    %mul3A = arith.constant 16 : i32
    %mul3A_0 = arith.muli %arg0, %mul3A : i32
    %add3A = arith.addi %mul3A_0, %arg1 : i32
    %broadcast_in_dim3A = arith.constant 0.000000e+00 : f32
    %broadcast_in_dim3A_1 = vector.broadcast %broadcast_in_dim3A : f32 to vector<16xf32>
    %broadcast_in_dim3A_2 = arith.constant 1.000000e+00 : f32
    %broadcast_in_dim3A_3 = vector.broadcast %broadcast_in_dim3A_2 : f32 to vector<16xf32>
    %iota3A = tpu.iota {dimensions = array<i32: 0>} : vector<16xi32>
    %add3A_4 = arith.constant 0 : i32
    %add3A_5 = arith.addi %add3A_4, %add3A : i32
    %jit3A = arith.constant 32 : i32
    %div3A = arith.divsi %add3A_5, %jit3A : i32
    %sign3A = arith.constant 0 : i32
    %sign3A_6 = arith.cmpi sgt, %add3A_5, %sign3A : i32
    %sign3A_7 = arith.extui %sign3A_6 : i1 to i32
    %sign3A_8 = arith.constant 0 : i32
    %sign3A_9 = arith.cmpi slt, %add3A_5, %sign3A_8 : i32
    %sign3A_10 = arith.extui %sign3A_9 : i1 to i32
    %sign3A_11 = arith.subi %sign3A_7, %sign3A_10 : i32
    %sign3A_12 = arith.constant 0 : i32
    %sign3A_13 = arith.cmpi sgt, %jit3A, %sign3A_12 : i32
    %sign3A_14 = arith.extui %sign3A_13 : i1 to i32
    %sign3A_15 = arith.constant 0 : i32
    %sign3A_16 = arith.cmpi slt, %jit3A, %sign3A_15 : i32
    %sign3A_17 = arith.extui %sign3A_16 : i1 to i32
    %sign3A_18 = arith.subi %sign3A_14, %sign3A_17 : i32
    %ne3A = arith.cmpi ne, %sign3A_11, %sign3A_18 : i32
    %rem3A = arith.remsi %add3A_5, %jit3A : i32
    %ne3A_19 = arith.constant 0 : i32
    %ne3A_20 = arith.cmpi ne, %rem3A, %ne3A_19 : i32
    %and3A = arith.andi %ne3A, %ne3A_20 : i1
    %sub3A = arith.constant 1 : i32
    %sub3A_21 = arith.subi %div3A, %sub3A : i32
    %select_n3A = arith.select %and3A, %sub3A_21, %div3A : i32
    %jit3A_22 = arith.constant 32 : i32
    %eq3A = arith.constant 0 : i32
    %eq3A_23 = arith.cmpi eq, %jit3A_22, %eq3A : i32
    %jit3A_24 = arith.constant 1 : i32
    %select_n3A_25 = arith.select %eq3A_23, %jit3A_24, %jit3A_22 : i32
    %rem3A_26 = arith.remsi %add3A_5, %select_n3A_25 : i32
    %ne3A_27 = arith.constant 0 : i32
    %ne3A_28 = arith.cmpi ne, %rem3A_26, %ne3A_27 : i32
    %lt3A = arith.constant 0 : i32
    %lt3A_29 = arith.cmpi slt, %rem3A_26, %lt3A : i32
    %lt3A_30 = arith.constant 0 : i32
    %lt3A_31 = arith.cmpi slt, %select_n3A_25, %lt3A_30 : i32
    %ne3A_32 = arith.xori %lt3A_29, %lt3A_31 : i1
    %and3A_33 = arith.andi %ne3A_32, %ne3A_28 : i1
    %add3A_34 = arith.addi %rem3A_26, %select_n3A_25 : i32
    %select_n3A_35 = arith.select %and3A_33, %add3A_34, %rem3A_26 : i32
    %mul3A_36 = arith.constant 128 : i32
    %mul3A_37 = arith.muli %select_n3A_35, %mul3A_36 : i32
    %dma_start3A = arith.constant 0 : i32
    %dma_start3A_38 = arith.constant 0 : i32
    %dma_start3A_39 = tpu.memref_slice %arg4[%dma_start3A, %dma_start3A_38] : memref<4x128xi32, #tpu.memory_space<vmem>> -> memref<1x128xi32, #tpu.memory_space<vmem>>
    %dma_start3A_40 = tpu.memref_squeeze %dma_start3A_39 : memref<1x128xi32, #tpu.memory_space<vmem>> -> memref<128xi32, #tpu.memory_space<vmem>>
    %dma_start3A_41 = tpu.memref_slice %arg2[%select_n3A, %mul3A_37] : memref<26x4096xi32, #tpu.memory_space<hbm>> -> memref<1x128xi32, #tpu.memory_space<hbm>>
    %dma_start3A_42 = tpu.memref_squeeze %dma_start3A_41 : memref<1x128xi32, #tpu.memory_space<hbm>> -> memref<128xi32, #tpu.memory_space<hbm>>
    %dma_start3A_43 = arith.constant 0 : i32
    %dma_start3A_44 = tpu.memref_slice %arg4[%dma_start3A, %dma_start3A_43] : memref<4x128xi32, #tpu.memory_space<vmem>> -> memref<1x128xi32, #tpu.memory_space<vmem>>
    %dma_start3A_45 = tpu.memref_squeeze %dma_start3A_44 : memref<1x128xi32, #tpu.memory_space<vmem>> -> memref<128xi32, #tpu.memory_space<vmem>>
    %dma_start3A_46 = tpu.memref_slice %arg2[%select_n3A, %mul3A_37] : memref<26x4096xi32, #tpu.memory_space<hbm>> -> memref<1x128xi32, #tpu.memory_space<hbm>>
    %dma_start3A_47 = tpu.memref_squeeze %dma_start3A_46 : memref<1x128xi32, #tpu.memory_space<hbm>> -> memref<128xi32, #tpu.memory_space<hbm>>
    tpu.enqueue_dma source(%dma_start3A_47 : memref<128xi32, #tpu.memory_space<hbm>>) target(%dma_start3A_45 : memref<128xi32, #tpu.memory_space<vmem>>) target_semaphore(%arg6 : memref<!tpu.dma_semaphore, #tpu.memory_space<semaphore_mem>>)
    %add3A_48 = arith.constant 32 : i32
    %add3A_49 = arith.addi %add3A_48, %add3A : i32
    %jit3A_50 = arith.constant 32 : i32
    %div3A_51 = arith.divsi %add3A_49, %jit3A_50 : i32
    %sign3A_52 = arith.constant 0 : i32
    %sign3A_53 = arith.cmpi sgt, %add3A_49, %sign3A_52 : i32
    %sign3A_54 = arith.extui %sign3A_53 : i1 to i32
    %sign3A_55 = arith.constant 0 : i32
    %sign3A_56 = arith.cmpi slt, %add3A_49, %sign3A_55 : i32
    %sign3A_57 = arith.extui %sign3A_56 : i1 to i32
    %sign3A_58 = arith.subi %sign3A_54, %sign3A_57 : i32
    %sign3A_59 = arith.constant 0 : i32
    %sign3A_60 = arith.cmpi sgt, %jit3A_50, %sign3A_59 : i32
    %sign3A_61 = arith.extui %sign3A_60 : i1 to i32
    %sign3A_62 = arith.constant 0 : i32
    %sign3A_63 = arith.cmpi slt, %jit3A_50, %sign3A_62 : i32
    %sign3A_64 = arith.extui %sign3A_63 : i1 to i32
    %sign3A_65 = arith.subi %sign3A_61, %sign3A_64 : i32
    %ne3A_66 = arith.cmpi ne, %sign3A_58, %sign3A_65 : i32
    %rem3A_67 = arith.remsi %add3A_49, %jit3A_50 : i32
    %ne3A_68 = arith.constant 0 : i32
    %ne3A_69 = arith.cmpi ne, %rem3A_67, %ne3A_68 : i32
    %and3A_70 = arith.andi %ne3A_66, %ne3A_69 : i1
    %sub3A_71 = arith.constant 1 : i32
    %sub3A_72 = arith.subi %div3A_51, %sub3A_71 : i32
    %select_n3A_73 = arith.select %and3A_70, %sub3A_72, %div3A_51 : i32
    %jit3A_74 = arith.constant 32 : i32
    %eq3A_75 = arith.constant 0 : i32
    %eq3A_76 = arith.cmpi eq, %jit3A_74, %eq3A_75 : i32
    %jit3A_77 = arith.constant 1 : i32
    %select_n3A_78 = arith.select %eq3A_76, %jit3A_77, %jit3A_74 : i32
    %rem3A_79 = arith.remsi %add3A_49, %select_n3A_78 : i32
    %ne3A_80 = arith.constant 0 : i32
    %ne3A_81 = arith.cmpi ne, %rem3A_79, %ne3A_80 : i32
    %lt3A_82 = arith.constant 0 : i32
    %lt3A_83 = arith.cmpi slt, %rem3A_79, %lt3A_82 : i32
    %lt3A_84 = arith.constant 0 : i32
    %lt3A_85 = arith.cmpi slt, %select_n3A_78, %lt3A_84 : i32
    %ne3A_86 = arith.xori %lt3A_83, %lt3A_85 : i1
    %and3A_87 = arith.andi %ne3A_86, %ne3A_81 : i1
    %add3A_88 = arith.addi %rem3A_79, %select_n3A_78 : i32
    %select_n3A_89 = arith.select %and3A_87, %add3A_88, %rem3A_79 : i32
    %mul3A_90 = arith.constant 128 : i32
    %mul3A_91 = arith.muli %select_n3A_89, %mul3A_90 : i32
    %dma_start3A_92 = arith.constant 1 : i32
    %dma_start3A_93 = arith.constant 0 : i32
    %dma_start3A_94 = tpu.memref_slice %arg4[%dma_start3A_92, %dma_start3A_93] : memref<4x128xi32, #tpu.memory_space<vmem>> -> memref<1x128xi32, #tpu.memory_space<vmem>>
    %dma_start3A_95 = tpu.memref_squeeze %dma_start3A_94 : memref<1x128xi32, #tpu.memory_space<vmem>> -> memref<128xi32, #tpu.memory_space<vmem>>
    %dma_start3A_96 = tpu.memref_slice %arg2[%select_n3A_73, %mul3A_91] : memref<26x4096xi32, #tpu.memory_space<hbm>> -> memref<1x128xi32, #tpu.memory_space<hbm>>
    %dma_start3A_97 = tpu.memref_squeeze %dma_start3A_96 : memref<1x128xi32, #tpu.memory_space<hbm>> -> memref<128xi32, #tpu.memory_space<hbm>>
    %dma_start3A_98 = arith.constant 0 : i32
    %dma_start3A_99 = tpu.memref_slice %arg4[%dma_start3A_92, %dma_start3A_98] : memref<4x128xi32, #tpu.memory_space<vmem>> -> memref<1x128xi32, #tpu.memory_space<vmem>>
    %dma_start3A_100 = tpu.memref_squeeze %dma_start3A_99 : memref<1x128xi32, #tpu.memory_space<vmem>> -> memref<128xi32, #tpu.memory_space<vmem>>
    %dma_start3A_101 = tpu.memref_slice %arg2[%select_n3A_73, %mul3A_91] : memref<26x4096xi32, #tpu.memory_space<hbm>> -> memref<1x128xi32, #tpu.memory_space<hbm>>
    %dma_start3A_102 = tpu.memref_squeeze %dma_start3A_101 : memref<1x128xi32, #tpu.memory_space<hbm>> -> memref<128xi32, #tpu.memory_space<hbm>>
    tpu.enqueue_dma source(%dma_start3A_102 : memref<128xi32, #tpu.memory_space<hbm>>) target(%dma_start3A_100 : memref<128xi32, #tpu.memory_space<vmem>>) target_semaphore(%arg7 : memref<!tpu.dma_semaphore, #tpu.memory_space<semaphore_mem>>)
    %add3A_103 = arith.constant 64 : i32
    %add3A_104 = arith.addi %add3A_103, %add3A : i32
    %jit3A_105 = arith.constant 32 : i32
    %div3A_106 = arith.divsi %add3A_104, %jit3A_105 : i32
    %sign3A_107 = arith.constant 0 : i32
    %sign3A_108 = arith.cmpi sgt, %add3A_104, %sign3A_107 : i32
    %sign3A_109 = arith.extui %sign3A_108 : i1 to i32
    %sign3A_110 = arith.constant 0 : i32
    %sign3A_111 = arith.cmpi slt, %add3A_104, %sign3A_110 : i32
    %sign3A_112 = arith.extui %sign3A_111 : i1 to i32
    %sign3A_113 = arith.subi %sign3A_109, %sign3A_112 : i32
    %sign3A_114 = arith.constant 0 : i32
    %sign3A_115 = arith.cmpi sgt, %jit3A_105, %sign3A_114 : i32
    %sign3A_116 = arith.extui %sign3A_115 : i1 to i32
    %sign3A_117 = arith.constant 0 : i32
    %sign3A_118 = arith.cmpi slt, %jit3A_105, %sign3A_117 : i32
    %sign3A_119 = arith.extui %sign3A_118 : i1 to i32
    %sign3A_120 = arith.subi %sign3A_116, %sign3A_119 : i32
    %ne3A_121 = arith.cmpi ne, %sign3A_113, %sign3A_120 : i32
    %rem3A_122 = arith.remsi %add3A_104, %jit3A_105 : i32
    %ne3A_123 = arith.constant 0 : i32
    %ne3A_124 = arith.cmpi ne, %rem3A_122, %ne3A_123 : i32
    %and3A_125 = arith.andi %ne3A_121, %ne3A_124 : i1
    %sub3A_126 = arith.constant 1 : i32
    %sub3A_127 = arith.subi %div3A_106, %sub3A_126 : i32
    %select_n3A_128 = arith.select %and3A_125, %sub3A_127, %div3A_106 : i32
    %jit3A_129 = arith.constant 32 : i32
    %eq3A_130 = arith.constant 0 : i32
    %eq3A_131 = arith.cmpi eq, %jit3A_129, %eq3A_130 : i32
    %jit3A_132 = arith.constant 1 : i32
    %select_n3A_133 = arith.select %eq3A_131, %jit3A_132, %jit3A_129 : i32
    %rem3A_134 = arith.remsi %add3A_104, %select_n3A_133 : i32
    %ne3A_135 = arith.constant 0 : i32
    %ne3A_136 = arith.cmpi ne, %rem3A_134, %ne3A_135 : i32
    %lt3A_137 = arith.constant 0 : i32
    %lt3A_138 = arith.cmpi slt, %rem3A_134, %lt3A_137 : i32
    %lt3A_139 = arith.constant 0 : i32
    %lt3A_140 = arith.cmpi slt, %select_n3A_133, %lt3A_139 : i32
    %ne3A_141 = arith.xori %lt3A_138, %lt3A_140 : i1
    %and3A_142 = arith.andi %ne3A_141, %ne3A_136 : i1
    %add3A_143 = arith.addi %rem3A_134, %select_n3A_133 : i32
    %select_n3A_144 = arith.select %and3A_142, %add3A_143, %rem3A_134 : i32
    %mul3A_145 = arith.constant 128 : i32
    %mul3A_146 = arith.muli %select_n3A_144, %mul3A_145 : i32
    %dma_start3A_147 = arith.constant 2 : i32
    %dma_start3A_148 = arith.constant 0 : i32
    %dma_start3A_149 = tpu.memref_slice %arg4[%dma_start3A_147, %dma_start3A_148] : memref<4x128xi32, #tpu.memory_space<vmem>> -> memref<1x128xi32, #tpu.memory_space<vmem>>
    %dma_start3A_150 = tpu.memref_squeeze %dma_start3A_149 : memref<1x128xi32, #tpu.memory_space<vmem>> -> memref<128xi32, #tpu.memory_space<vmem>>
    %dma_start3A_151 = tpu.memref_slice %arg2[%select_n3A_128, %mul3A_146] : memref<26x4096xi32, #tpu.memory_space<hbm>> -> memref<1x128xi32, #tpu.memory_space<hbm>>
    %dma_start3A_152 = tpu.memref_squeeze %dma_start3A_151 : memref<1x128xi32, #tpu.memory_space<hbm>> -> memref<128xi32, #tpu.memory_space<hbm>>
    %dma_start3A_153 = arith.constant 0 : i32
    %dma_start3A_154 = tpu.memref_slice %arg4[%dma_start3A_147, %dma_start3A_153] : memref<4x128xi32, #tpu.memory_space<vmem>> -> memref<1x128xi32, #tpu.memory_space<vmem>>
    %dma_start3A_155 = tpu.memref_squeeze %dma_start3A_154 : memref<1x128xi32, #tpu.memory_space<vmem>> -> memref<128xi32, #tpu.memory_space<vmem>>
    %dma_start3A_156 = tpu.memref_slice %arg2[%select_n3A_128, %mul3A_146] : memref<26x4096xi32, #tpu.memory_space<hbm>> -> memref<1x128xi32, #tpu.memory_space<hbm>>
    %dma_start3A_157 = tpu.memref_squeeze %dma_start3A_156 : memref<1x128xi32, #tpu.memory_space<hbm>> -> memref<128xi32, #tpu.memory_space<hbm>>
    tpu.enqueue_dma source(%dma_start3A_157 : memref<128xi32, #tpu.memory_space<hbm>>) target(%dma_start3A_155 : memref<128xi32, #tpu.memory_space<vmem>>) target_semaphore(%arg8 : memref<!tpu.dma_semaphore, #tpu.memory_space<semaphore_mem>>)
    %dma_wait3A = arith.constant 0 : i32
    %dma_wait3A_158 = arith.constant 0 : i32
    %dma_wait3A_159 = arith.constant 0 : i32
    %dma_wait3A_160 = tpu.memref_slice %arg4[%dma_wait3A_158, %dma_wait3A_159] : memref<4x128xi32, #tpu.memory_space<vmem>> -> memref<1x128xi32, #tpu.memory_space<vmem>>
    %dma_wait3A_161 = tpu.memref_squeeze %dma_wait3A_160 : memref<1x128xi32, #tpu.memory_space<vmem>> -> memref<128xi32, #tpu.memory_space<vmem>>
    %dma_wait3A_162 = arith.constant 0 : i32
    %dma_wait3A_163 = tpu.memref_slice %arg2[%dma_wait3A, %dma_wait3A_162] : memref<26x4096xi32, #tpu.memory_space<hbm>> -> memref<1x128xi32, #tpu.memory_space<hbm>>
    %dma_wait3A_164 = tpu.memref_squeeze %dma_wait3A_163 : memref<1x128xi32, #tpu.memory_space<hbm>> -> memref<128xi32, #tpu.memory_space<hbm>>
    %dma_wait3A_165 = arith.constant 0 : i32
    %dma_wait3A_166 = tpu.memref_slice %arg4[%dma_wait3A_158, %dma_wait3A_165] : memref<4x128xi32, #tpu.memory_space<vmem>> -> memref<1x128xi32, #tpu.memory_space<vmem>>
    %dma_wait3A_167 = tpu.memref_squeeze %dma_wait3A_166 : memref<1x128xi32, #tpu.memory_space<vmem>> -> memref<128xi32, #tpu.memory_space<vmem>>
    %dma_wait3A_168 = arith.constant 0 : i32
    %dma_wait3A_169 = tpu.memref_slice %arg2[%dma_wait3A, %dma_wait3A_168] : memref<26x4096xi32, #tpu.memory_space<hbm>> -> memref<1x128xi32, #tpu.memory_space<hbm>>
    %dma_wait3A_170 = tpu.memref_squeeze %dma_wait3A_169 : memref<1x128xi32, #tpu.memory_space<hbm>> -> memref<128xi32, #tpu.memory_space<hbm>>
    tpu.wait_dma2 semaphore(%arg6 : memref<!tpu.dma_semaphore, #tpu.memory_space<semaphore_mem>>) src(%dma_wait3A_170 : memref<128xi32, #tpu.memory_space<hbm>>) dst(%dma_wait3A_167 : memref<128xi32, #tpu.memory_space<vmem>>)
    %scan3A = arith.constant 0 : i32
    %scan3A_171 = arith.constant 0 : i32
    %scan3A_172 = arith.constant 32 : i32
    %scan3A_173 = arith.addi %scan3A_171, %scan3A_172 : i32
    %scan3A_174 = arith.constant 1 : i32
    scf.for %scan3A_985 = %scan3A_171 to %scan3A_173 step %scan3A_174  : i32 {
      %mul3A_986 = arith.constant 8 : i32
      %mul3A_987 = arith.muli %scan3A_985, %mul3A_986 : i32
      %add3A_988 = arith.constant 0 : i32
      %add3A_989 = arith.addi %mul3A_987, %add3A_988 : i32
      %swap3A = arith.index_cast %add3A_989 : i32 to index
      %swap3A_990 = arith.constant 0 : index
      %swap3A_991 = tpu.vector_load %arg5[%swap3A, %swap3A_990] {strides = array<i32>} : memref<1000x128xf32, #tpu.memory_space<vmem>>, vector<16xf32>,
      tpu.vector_store %arg5[%swap3A, %swap3A_990], %broadcast_in_dim3A_1 {strides = array<i32>} : memref<1000x128xf32, #tpu.memory_space<vmem>>, vector<16xf32>,
      %mul3A_992 = arith.constant 8 : i32
      %mul3A_993 = arith.muli %scan3A_985, %mul3A_992 : i32
      %add3A_994 = arith.constant 0 : i32
      %add3A_995 = arith.addi %mul3A_993, %add3A_994 : i32
      %swap3A_996 = arith.index_cast %add3A_995 : i32 to index
      %swap3A_997 = arith.constant 16 : index
      %swap3A_998 = tpu.vector_load %arg5[%swap3A_996, %swap3A_997] {strides = array<i32>} : memref<1000x128xf32, #tpu.memory_space<vmem>>, vector<16xf32>,
      tpu.vector_store %arg5[%swap3A_996, %swap3A_997], %broadcast_in_dim3A_1 {strides = array<i32>} : memref<1000x128xf32, #tpu.memory_space<vmem>>, vector<16xf32>,
      %mul3A_999 = arith.constant 8 : i32
      %mul3A_1000 = arith.muli %scan3A_985, %mul3A_999 : i32
      %add3A_1001 = arith.constant 0 : i32
      %add3A_1002 = arith.addi %mul3A_1000, %add3A_1001 : i32
      %swap3A_1003 = arith.index_cast %add3A_1002 : i32 to index
      %swap3A_1004 = arith.constant 32 : index
      %swap3A_1005 = tpu.vector_load %arg5[%swap3A_1003, %swap3A_1004] {strides = array<i32>} : memref<1000x128xf32, #tpu.memory_space<vmem>>, vector<16xf32>,
      tpu.vector_store %arg5[%swap3A_1003, %swap3A_1004], %broadcast_in_dim3A_1 {strides = array<i32>} : memref<1000x128xf32, #tpu.memory_space<vmem>>, vector<16xf32>,
      %mul3A_1006 = arith.constant 8 : i32
      %mul3A_1007 = arith.muli %scan3A_985, %mul3A_1006 : i32
      %add3A_1008 = arith.constant 0 : i32
      %add3A_1009 = arith.addi %mul3A_1007, %add3A_1008 : i32
      %swap3A_1010 = arith.index_cast %add3A_1009 : i32 to index
      %swap3A_1011 = arith.constant 48 : index
      %swap3A_1012 = tpu.vector_load %arg5[%swap3A_1010, %swap3A_1011] {strides = array<i32>} : memref<1000x128xf32, #tpu.memory_space<vmem>>, vector<16xf32>,
      tpu.vector_store %arg5[%swap3A_1010, %swap3A_1011], %broadcast_in_dim3A_1 {strides = array<i32>} : memref<1000x128xf32, #tpu.memory_space<vmem>>, vector<16xf32>,
      %mul3A_1013 = arith.constant 8 : i32
      %mul3A_1014 = arith.muli %scan3A_985, %mul3A_1013 : i32
      %add3A_1015 = arith.constant 0 : i32
      %add3A_1016 = arith.addi %mul3A_1014, %add3A_1015 : i32
      %swap3A_1017 = arith.index_cast %add3A_1016 : i32 to index
      %swap3A_1018 = arith.constant 64 : index
      %swap3A_1019 = tpu.vector_load %arg5[%swap3A_1017, %swap3A_1018] {strides = array<i32>} : memref<1000x128xf32, #tpu.memory_space<vmem>>, vector<16xf32>,
      tpu.vector_store %arg5[%swap3A_1017, %swap3A_1018], %broadcast_in_dim3A_1 {strides = array<i32>} : memref<1000x128xf32, #tpu.memory_space<vmem>>, vector<16xf32>,
      %mul3A_1020 = arith.constant 8 : i32
      %mul3A_1021 = arith.muli %scan3A_985, %mul3A_1020 : i32
      %add3A_1022 = arith.constant 0 : i32
      %add3A_1023 = arith.addi %mul3A_1021, %add3A_1022 : i32
      %swap3A_1024 = arith.index_cast %add3A_1023 : i32 to index
      %swap3A_1025 = arith.constant 80 : index
      %swap3A_1026 = tpu.vector_load %arg5[%swap3A_1024, %swap3A_1025] {strides = array<i32>} : memref<1000x128xf32, #tpu.memory_space<vmem>>, vector<16xf32>,
      tpu.vector_store %arg5[%swap3A_1024, %swap3A_1025], %broadcast_in_dim3A_1 {strides = array<i32>} : memref<1000x128xf32, #tpu.memory_space<vmem>>, vector<16xf32>,
      %mul3A_1027 = arith.constant 8 : i32
      %mul3A_1028 = arith.muli %scan3A_985, %mul3A_1027 : i32
      %add3A_1029 = arith.constant 0 : i32
      %add3A_1030 = arith.addi %mul3A_1028, %add3A_1029 : i32
      %swap3A_1031 = arith.index_cast %add3A_1030 : i32 to index
      %swap3A_1032 = arith.constant 96 : index
      %swap3A_1033 = tpu.vector_load %arg5[%swap3A_1031, %swap3A_1032] {strides = array<i32>} : memref<1000x128xf32, #tpu.memory_space<vmem>>, vector<16xf32>,
      tpu.vector_store %arg5[%swap3A_1031, %swap3A_1032], %broadcast_in_dim3A_1 {strides = array<i32>} : memref<1000x128xf32, #tpu.memory_space<vmem>>, vector<16xf32>,
      %mul3A_1034 = arith.constant 8 : i32
      %mul3A_1035 = arith.muli %scan3A_985, %mul3A_1034 : i32
      %add3A_1036 = arith.constant 0 : i32
      %add3A_1037 = arith.addi %mul3A_1035, %add3A_1036 : i32
      %swap3A_1038 = arith.index_cast %add3A_1037 : i32 to index
      %swap3A_1039 = arith.constant 112 : index
      %swap3A_1040 = tpu.vector_load %arg5[%swap3A_1038, %swap3A_1039] {strides = array<i32>} : memref<1000x128xf32, #tpu.memory_space<vmem>>, vector<16xf32>,
      tpu.vector_store %arg5[%swap3A_1038, %swap3A_1039], %broadcast_in_dim3A_1 {strides = array<i32>} : memref<1000x128xf32, #tpu.memory_space<vmem>>, vector<16xf32>,
      %mul3A_1041 = arith.constant 8 : i32
      %mul3A_1042 = arith.muli %scan3A_985, %mul3A_1041 : i32
      %add3A_1043 = arith.constant 1 : i32
      %add3A_1044 = arith.addi %mul3A_1042, %add3A_1043 : i32
      %swap3A_1045 = arith.index_cast %add3A_1044 : i32 to index
      %swap3A_1046 = arith.constant 0 : index
      %swap3A_1047 = tpu.vector_load %arg5[%swap3A_1045, %swap3A_1046] {strides = array<i32>} : memref<1000x128xf32, #tpu.memory_space<vmem>>, vector<16xf32>,
      tpu.vector_store %arg5[%swap3A_1045, %swap3A_1046], %broadcast_in_dim3A_1 {strides = array<i32>} : memref<1000x128xf32, #tpu.memory_space<vmem>>, vector<16xf32>,
      %mul3A_1048 = arith.constant 8 : i32
      %mul3A_1049 = arith.muli %scan3A_985, %mul3A_1048 : i32
      %add3A_1050 = arith.constant 1 : i32
      %add3A_1051 = arith.addi %mul3A_1049, %add3A_1050 : i32
      %swap3A_1052 = arith.index_cast %add3A_1051 : i32 to index
      %swap3A_1053 = arith.constant 16 : index
      %swap3A_1054 = tpu.vector_load %arg5[%swap3A_1052, %swap3A_1053] {strides = array<i32>} : memref<1000x128xf32, #tpu.memory_space<vmem>>, vector<16xf32>,
      tpu.vector_store %arg5[%swap3A_1052, %swap3A_1053], %broadcast_in_dim3A_1 {strides = array<i32>} : memref<1000x128xf32, #tpu.memory_space<vmem>>, vector<16xf32>,
      %mul3A_1055 = arith.constant 8 : i32
      %mul3A_1056 = arith.muli %scan3A_985, %mul3A_1055 : i32
      %add3A_1057 = arith.constant 1 : i32
      %add3A_1058 = arith.addi %mul3A_1056, %add3A_1057 : i32
      %swap3A_1059 = arith.index_cast %add3A_1058 : i32 to index
      %swap3A_1060 = arith.constant 32 : index
      %swap3A_1061 = tpu.vector_load %arg5[%swap3A_1059, %swap3A_1060] {strides = array<i32>} : memref<1000x128xf32, #tpu.memory_space<vmem>>, vector<16xf32>,
      tpu.vector_store %arg5[%swap3A_1059, %swap3A_1060], %broadcast_in_dim3A_1 {strides = array<i32>} : memref<1000x128xf32, #tpu.memory_space<vmem>>, vector<16xf32>,
      %mul3A_1062 = arith.constant 8 : i32
      %mul3A_1063 = arith.muli %scan3A_985, %mul3A_1062 : i32
      %add3A_1064 = arith.constant 1 : i32
      %add3A_1065 = arith.addi %mul3A_1063, %add3A_1064 : i32
      %swap3A_1066 = arith.index_cast %add3A_1065 : i32 to index
      %swap3A_1067 = arith.constant 48 : index
      %swap3A_1068 = tpu.vector_load %arg5[%swap3A_1066, %swap3A_1067] {strides = array<i32>} : memref<1000x128xf32, #tpu.memory_space<vmem>>, vector<16xf32>,
      tpu.vector_store %arg5[%swap3A_1066, %swap3A_1067], %broadcast_in_dim3A_1 {strides = array<i32>} : memref<1000x128xf32, #tpu.memory_space<vmem>>, vector<16xf32>,
      %mul3A_1069 = arith.constant 8 : i32
      %mul3A_1070 = arith.muli %scan3A_985, %mul3A_1069 : i32
      %add3A_1071 = arith.constant 1 : i32
      %add3A_1072 = arith.addi %mul3A_1070, %add3A_1071 : i32
      %swap3A_1073 = arith.index_cast %add3A_1072 : i32 to index
      %swap3A_1074 = arith.constant 64 : index
      %swap3A_1075 = tpu.vector_load %arg5[%swap3A_1073, %swap3A_1074] {strides = array<i32>} : memref<1000x128xf32, #tpu.memory_space<vmem>>, vector<16xf32>,
      tpu.vector_store %arg5[%swap3A_1073, %swap3A_1074], %broadcast_in_dim3A_1 {strides = array<i32>} : memref<1000x128xf32, #tpu.memory_space<vmem>>, vector<16xf32>,
      %mul3A_1076 = arith.constant 8 : i32
      %mul3A_1077 = arith.muli %scan3A_985, %mul3A_1076 : i32
      %add3A_1078 = arith.constant 1 : i32
      %add3A_1079 = arith.addi %mul3A_1077, %add3A_1078 : i32
      %swap3A_1080 = arith.index_cast %add3A_1079 : i32 to index
      %swap3A_1081 = arith.constant 80 : index
      %swap3A_1082 = tpu.vector_load %arg5[%swap3A_1080, %swap3A_1081] {strides = array<i32>} : memref<1000x128xf32, #tpu.memory_space<vmem>>, vector<16xf32>,
      tpu.vector_store %arg5[%swap3A_1080, %swap3A_1081], %broadcast_in_dim3A_1 {strides = array<i32>} : memref<1000x128xf32, #tpu.memory_space<vmem>>, vector<16xf32>,
      %mul3A_1083 = arith.constant 8 : i32
      %mul3A_1084 = arith.muli %scan3A_985, %mul3A_1083 : i32
      %add3A_1085 = arith.constant 1 : i32
      %add3A_1086 = arith.addi %mul3A_1084, %add3A_1085 : i32
      %swap3A_1087 = arith.index_cast %add3A_1086 : i32 to index
      %swap3A_1088 = arith.constant 96 : index
      %swap3A_1089 = tpu.vector_load %arg5[%swap3A_1087, %swap3A_1088] {strides = array<i32>} : memref<1000x128xf32, #tpu.memory_space<vmem>>, vector<16xf32>,
      tpu.vector_store %arg5[%swap3A_1087, %swap3A_1088], %broadcast_in_dim3A_1 {strides = array<i32>} : memref<1000x128xf32, #tpu.memory_space<vmem>>, vector<16xf32>,
      %mul3A_1090 = arith.constant 8 : i32
      %mul3A_1091 = arith.muli %scan3A_985, %mul3A_1090 : i32
      %add3A_1092 = arith.constant 1 : i32
      %add3A_1093 = arith.addi %mul3A_1091, %add3A_1092 : i32
      %swap3A_1094 = arith.index_cast %add3A_1093 : i32 to index
      %swap3A_1095 = arith.constant 112 : index
      %swap3A_1096 = tpu.vector_load %arg5[%swap3A_1094, %swap3A_1095] {strides = array<i32>} : memref<1000x128xf32, #tpu.memory_space<vmem>>, vector<16xf32>,
      tpu.vector_store %arg5[%swap3A_1094, %swap3A_1095], %broadcast_in_dim3A_1 {strides = array<i32>} : memref<1000x128xf32, #tpu.memory_space<vmem>>, vector<16xf32>,
      %mul3A_1097 = arith.constant 8 : i32
      %mul3A_1098 = arith.muli %scan3A_985, %mul3A_1097 : i32
      %add3A_1099 = arith.constant 2 : i32
      %add3A_1100 = arith.addi %mul3A_1098, %add3A_1099 : i32
      %swap3A_1101 = arith.index_cast %add3A_1100 : i32 to index
      %swap3A_1102 = arith.constant 0 : index
      %swap3A_1103 = tpu.vector_load %arg5[%swap3A_1101, %swap3A_1102] {strides = array<i32>} : memref<1000x128xf32, #tpu.memory_space<vmem>>, vector<16xf32>,
      tpu.vector_store %arg5[%swap3A_1101, %swap3A_1102], %broadcast_in_dim3A_1 {strides = array<i32>} : memref<1000x128xf32, #tpu.memory_space<vmem>>, vector<16xf32>,
      %mul3A_1104 = arith.constant 8 : i32
      %mul3A_1105 = arith.muli %scan3A_985, %mul3A_1104 : i32
      %add3A_1106 = arith.constant 2 : i32
      %add3A_1107 = arith.addi %mul3A_1105, %add3A_1106 : i32
      %swap3A_1108 = arith.index_cast %add3A_1107 : i32 to index
      %swap3A_1109 = arith.constant 16 : index
      %swap3A_1110 = tpu.vector_load %arg5[%swap3A_1108, %swap3A_1109] {strides = array<i32>} : memref<1000x128xf32, #tpu.memory_space<vmem>>, vector<16xf32>,
      tpu.vector_store %arg5[%swap3A_1108, %swap3A_1109], %broadcast_in_dim3A_1 {strides = array<i32>} : memref<1000x128xf32, #tpu.memory_space<vmem>>, vector<16xf32>,
      %mul3A_1111 = arith.constant 8 : i32
      %mul3A_1112 = arith.muli %scan3A_985, %mul3A_1111 : i32
      %add3A_1113 = arith.constant 2 : i32
      %add3A_1114 = arith.addi %mul3A_1112, %add3A_1113 : i32
      %swap3A_1115 = arith.index_cast %add3A_1114 : i32 to index
      %swap3A_1116 = arith.constant 32 : index
      %swap3A_1117 = tpu.vector_load %arg5[%swap3A_1115, %swap3A_1116] {strides = array<i32>} : memref<1000x128xf32, #tpu.memory_space<vmem>>, vector<16xf32>,
      tpu.vector_store %arg5[%swap3A_1115, %swap3A_1116], %broadcast_in_dim3A_1 {strides = array<i32>} : memref<1000x128xf32, #tpu.memory_space<vmem>>, vector<16xf32>,
      %mul3A_1118 = arith.constant 8 : i32
      %mul3A_1119 = arith.muli %scan3A_985, %mul3A_1118 : i32
      %add3A_1120 = arith.constant 2 : i32
      %add3A_1121 = arith.addi %mul3A_1119, %add3A_1120 : i32
      %swap3A_1122 = arith.index_cast %add3A_1121 : i32 to index
      %swap3A_1123 = arith.constant 48 : index
      %swap3A_1124 = tpu.vector_load %arg5[%swap3A_1122, %swap3A_1123] {strides = array<i32>} : memref<1000x128xf32, #tpu.memory_space<vmem>>, vector<16xf32>,
      tpu.vector_store %arg5[%swap3A_1122, %swap3A_1123], %broadcast_in_dim3A_1 {strides = array<i32>} : memref<1000x128xf32, #tpu.memory_space<vmem>>, vector<16xf32>,
      %mul3A_1125 = arith.constant 8 : i32
      %mul3A_1126 = arith.muli %scan3A_985, %mul3A_1125 : i32
      %add3A_1127 = arith.constant 2 : i32
      %add3A_1128 = arith.addi %mul3A_1126, %add3A_1127 : i32
      %swap3A_1129 = arith.index_cast %add3A_1128 : i32 to index
      %swap3A_1130 = arith.constant 64 : index
      %swap3A_1131 = tpu.vector_load %arg5[%swap3A_1129, %swap3A_1130] {strides = array<i32>} : memref<1000x128xf32, #tpu.memory_space<vmem>>, vector<16xf32>,
      tpu.vector_store %arg5[%swap3A_1129, %swap3A_1130], %broadcast_in_dim3A_1 {strides = array<i32>} : memref<1000x128xf32, #tpu.memory_space<vmem>>, vector<16xf32>,
      %mul3A_1132 = arith.constant 8 : i32
      %mul3A_1133 = arith.muli %scan3A_985, %mul3A_1132 : i32
      %add3A_1134 = arith.constant 2 : i32
      %add3A_1135 = arith.addi %mul3A_1133, %add3A_1134 : i32
      %swap3A_1136 = arith.index_cast %add3A_1135 : i32 to index
      %swap3A_1137 = arith.constant 80 : index
      %swap3A_1138 = tpu.vector_load %arg5[%swap3A_1136, %swap3A_1137] {strides = array<i32>} : memref<1000x128xf32, #tpu.memory_space<vmem>>, vector<16xf32>,
      tpu.vector_store %arg5[%swap3A_1136, %swap3A_1137], %broadcast_in_dim3A_1 {strides = array<i32>} : memref<1000x128xf32, #tpu.memory_space<vmem>>, vector<16xf32>,
      %mul3A_1139 = arith.constant 8 : i32
      %mul3A_1140 = arith.muli %scan3A_985, %mul3A_1139 : i32
      %add3A_1141 = arith.constant 2 : i32
      %add3A_1142 = arith.addi %mul3A_1140, %add3A_1141 : i32
      %swap3A_1143 = arith.index_cast %add3A_1142 : i32 to index
      %swap3A_1144 = arith.constant 96 : index
      %swap3A_1145 = tpu.vector_load %arg5[%swap3A_1143, %swap3A_1144] {strides = array<i32>} : memref<1000x128xf32, #tpu.memory_space<vmem>>, vector<16xf32>,
      tpu.vector_store %arg5[%swap3A_1143, %swap3A_1144], %broadcast_in_dim3A_1 {strides = array<i32>} : memref<1000x128xf32, #tpu.memory_space<vmem>>, vector<16xf32>,
      %mul3A_1146 = arith.constant 8 : i32
      %mul3A_1147 = arith.muli %scan3A_985, %mul3A_1146 : i32
      %add3A_1148 = arith.constant 2 : i32
      %add3A_1149 = arith.addi %mul3A_1147, %add3A_1148 : i32
      %swap3A_1150 = arith.index_cast %add3A_1149 : i32 to index
      %swap3A_1151 = arith.constant 112 : index
      %swap3A_1152 = tpu.vector_load %arg5[%swap3A_1150, %swap3A_1151] {strides = array<i32>} : memref<1000x128xf32, #tpu.memory_space<vmem>>, vector<16xf32>,
      tpu.vector_store %arg5[%swap3A_1150, %swap3A_1151], %broadcast_in_dim3A_1 {strides = array<i32>} : memref<1000x128xf32, #tpu.memory_space<vmem>>, vector<16xf32>,
      %mul3A_1153 = arith.constant 8 : i32
      %mul3A_1154 = arith.muli %scan3A_985, %mul3A_1153 : i32
      %add3A_1155 = arith.constant 3 : i32
      %add3A_1156 = arith.addi %mul3A_1154, %add3A_1155 : i32
      %swap3A_1157 = arith.index_cast %add3A_1156 : i32 to index
      %swap3A_1158 = arith.constant 0 : index
      %swap3A_1159 = tpu.vector_load %arg5[%swap3A_1157, %swap3A_1158] {strides = array<i32>} : memref<1000x128xf32, #tpu.memory_space<vmem>>, vector<16xf32>,
      tpu.vector_store %arg5[%swap3A_1157, %swap3A_1158], %broadcast_in_dim3A_1 {strides = array<i32>} : memref<1000x128xf32, #tpu.memory_space<vmem>>, vector<16xf32>,
      %mul3A_1160 = arith.constant 8 : i32
      %mul3A_1161 = arith.muli %scan3A_985, %mul3A_1160 : i32
      %add3A_1162 = arith.constant 3 : i32
      %add3A_1163 = arith.addi %mul3A_1161, %add3A_1162 : i32
      %swap3A_1164 = arith.index_cast %add3A_1163 : i32 to index
      %swap3A_1165 = arith.constant 16 : index
      %swap3A_1166 = tpu.vector_load %arg5[%swap3A_1164, %swap3A_1165] {strides = array<i32>} : memref<1000x128xf32, #tpu.memory_space<vmem>>, vector<16xf32>,
      tpu.vector_store %arg5[%swap3A_1164, %swap3A_1165], %broadcast_in_dim3A_1 {strides = array<i32>} : memref<1000x128xf32, #tpu.memory_space<vmem>>, vector<16xf32>,
      %mul3A_1167 = arith.constant 8 : i32
      %mul3A_1168 = arith.muli %scan3A_985, %mul3A_1167 : i32
      %add3A_1169 = arith.constant 3 : i32
      %add3A_1170 = arith.addi %mul3A_1168, %add3A_1169 : i32
      %swap3A_1171 = arith.index_cast %add3A_1170 : i32 to index
      %swap3A_1172 = arith.constant 32 : index
      %swap3A_1173 = tpu.vector_load %arg5[%swap3A_1171, %swap3A_1172] {strides = array<i32>} : memref<1000x128xf32, #tpu.memory_space<vmem>>, vector<16xf32>,
      tpu.vector_store %arg5[%swap3A_1171, %swap3A_1172], %broadcast_in_dim3A_1 {strides = array<i32>} : memref<1000x128xf32, #tpu.memory_space<vmem>>, vector<16xf32>,
      %mul3A_1174 = arith.constant 8 : i32
      %mul3A_1175 = arith.muli %scan3A_985, %mul3A_1174 : i32
      %add3A_1176 = arith.constant 3 : i32
      %add3A_1177 = arith.addi %mul3A_1175, %add3A_1176 : i32
      %swap3A_1178 = arith.index_cast %add3A_1177 : i32 to index
      %swap3A_1179 = arith.constant 48 : index
      %swap3A_1180 = tpu.vector_load %arg5[%swap3A_1178, %swap3A_1179] {strides = array<i32>} : memref<1000x128xf32, #tpu.memory_space<vmem>>, vector<16xf32>,
      tpu.vector_store %arg5[%swap3A_1178, %swap3A_1179], %broadcast_in_dim3A_1 {strides = array<i32>} : memref<1000x128xf32, #tpu.memory_space<vmem>>, vector<16xf32>,
      %mul3A_1181 = arith.constant 8 : i32
      %mul3A_1182 = arith.muli %scan3A_985, %mul3A_1181 : i32
      %add3A_1183 = arith.constant 3 : i32
      %add3A_1184 = arith.addi %mul3A_1182, %add3A_1183 : i32
      %swap3A_1185 = arith.index_cast %add3A_1184 : i32 to index
      %swap3A_1186 = arith.constant 64 : index
      %swap3A_1187 = tpu.vector_load %arg5[%swap3A_1185, %swap3A_1186] {strides = array<i32>} : memref<1000x128xf32, #tpu.memory_space<vmem>>, vector<16xf32>,
      tpu.vector_store %arg5[%swap3A_1185, %swap3A_1186], %broadcast_in_dim3A_1 {strides = array<i32>} : memref<1000x128xf32, #tpu.memory_space<vmem>>, vector<16xf32>,
      %mul3A_1188 = arith.constant 8 : i32
      %mul3A_1189 = arith.muli %scan3A_985, %mul3A_1188 : i32
      %add3A_1190 = arith.constant 3 : i32
      %add3A_1191 = arith.addi %mul3A_1189, %add3A_1190 : i32
      %swap3A_1192 = arith.index_cast %add3A_1191 : i32 to index
      %swap3A_1193 = arith.constant 80 : index
      %swap3A_1194 = tpu.vector_load %arg5[%swap3A_1192, %swap3A_1193] {strides = array<i32>} : memref<1000x128xf32, #tpu.memory_space<vmem>>, vector<16xf32>,
      tpu.vector_store %arg5[%swap3A_1192, %swap3A_1193], %broadcast_in_dim3A_1 {strides = array<i32>} : memref<1000x128xf32, #tpu.memory_space<vmem>>, vector<16xf32>,
      %mul3A_1195 = arith.constant 8 : i32
      %mul3A_1196 = arith.muli %scan3A_985, %mul3A_1195 : i32
      %add3A_1197 = arith.constant 3 : i32
      %add3A_1198 = arith.addi %mul3A_1196, %add3A_1197 : i32
      %swap3A_1199 = arith.index_cast %add3A_1198 : i32 to index
      %swap3A_1200 = arith.constant 96 : index
      %swap3A_1201 = tpu.vector_load %arg5[%swap3A_1199, %swap3A_1200] {strides = array<i32>} : memref<1000x128xf32, #tpu.memory_space<vmem>>, vector<16xf32>,
      tpu.vector_store %arg5[%swap3A_1199, %swap3A_1200], %broadcast_in_dim3A_1 {strides = array<i32>} : memref<1000x128xf32, #tpu.memory_space<vmem>>, vector<16xf32>,
      %mul3A_1202 = arith.constant 8 : i32
      %mul3A_1203 = arith.muli %scan3A_985, %mul3A_1202 : i32
      %add3A_1204 = arith.constant 3 : i32
      %add3A_1205 = arith.addi %mul3A_1203, %add3A_1204 : i32
      %swap3A_1206 = arith.index_cast %add3A_1205 : i32 to index
      %swap3A_1207 = arith.constant 112 : index
      %swap3A_1208 = tpu.vector_load %arg5[%swap3A_1206, %swap3A_1207] {strides = array<i32>} : memref<1000x128xf32, #tpu.memory_space<vmem>>, vector<16xf32>,
      tpu.vector_store %arg5[%swap3A_1206, %swap3A_1207], %broadcast_in_dim3A_1 {strides = array<i32>} : memref<1000x128xf32, #tpu.memory_space<vmem>>, vector<16xf32>,
      %mul3A_1209 = arith.constant 8 : i32
      %mul3A_1210 = arith.muli %scan3A_985, %mul3A_1209 : i32
      %add3A_1211 = arith.constant 4 : i32
      %add3A_1212 = arith.addi %mul3A_1210, %add3A_1211 : i32
      %swap3A_1213 = arith.index_cast %add3A_1212 : i32 to index
      %swap3A_1214 = arith.constant 0 : index
      %swap3A_1215 = tpu.vector_load %arg5[%swap3A_1213, %swap3A_1214] {strides = array<i32>} : memref<1000x128xf32, #tpu.memory_space<vmem>>, vector<16xf32>,
      tpu.vector_store %arg5[%swap3A_1213, %swap3A_1214], %broadcast_in_dim3A_1 {strides = array<i32>} : memref<1000x128xf32, #tpu.memory_space<vmem>>, vector<16xf32>,
      %mul3A_1216 = arith.constant 8 : i32
      %mul3A_1217 = arith.muli %scan3A_985, %mul3A_1216 : i32
      %add3A_1218 = arith.constant 4 : i32
      %add3A_1219 = arith.addi %mul3A_1217, %add3A_1218 : i32
      %swap3A_1220 = arith.index_cast %add3A_1219 : i32 to index
      %swap3A_1221 = arith.constant 16 : index
      %swap3A_1222 = tpu.vector_load %arg5[%swap3A_1220, %swap3A_1221] {strides = array<i32>} : memref<1000x128xf32, #tpu.memory_space<vmem>>, vector<16xf32>,
      tpu.vector_store %arg5[%swap3A_1220, %swap3A_1221], %broadcast_in_dim3A_1 {strides = array<i32>} : memref<1000x128xf32, #tpu.memory_space<vmem>>, vector<16xf32>,
      %mul3A_1223 = arith.constant 8 : i32
      %mul3A_1224 = arith.muli %scan3A_985, %mul3A_1223 : i32
      %add3A_1225 = arith.constant 4 : i32
      %add3A_1226 = arith.addi %mul3A_1224, %add3A_1225 : i32
      %swap3A_1227 = arith.index_cast %add3A_1226 : i32 to index
      %swap3A_1228 = arith.constant 32 : index
      %swap3A_1229 = tpu.vector_load %arg5[%swap3A_1227, %swap3A_1228] {strides = array<i32>} : memref<1000x128xf32, #tpu.memory_space<vmem>>, vector<16xf32>,
      tpu.vector_store %arg5[%swap3A_1227, %swap3A_1228], %broadcast_in_dim3A_1 {strides = array<i32>} : memref<1000x128xf32, #tpu.memory_space<vmem>>, vector<16xf32>,
      %mul3A_1230 = arith.constant 8 : i32
      %mul3A_1231 = arith.muli %scan3A_985, %mul3A_1230 : i32
      %add3A_1232 = arith.constant 4 : i32
      %add3A_1233 = arith.addi %mul3A_1231, %add3A_1232 : i32
      %swap3A_1234 = arith.index_cast %add3A_1233 : i32 to index
      %swap3A_1235 = arith.constant 48 : index
      %swap3A_1236 = tpu.vector_load %arg5[%swap3A_1234, %swap3A_1235] {strides = array<i32>} : memref<1000x128xf32, #tpu.memory_space<vmem>>, vector<16xf32>,
      tpu.vector_store %arg5[%swap3A_1234, %swap3A_1235], %broadcast_in_dim3A_1 {strides = array<i32>} : memref<1000x128xf32, #tpu.memory_space<vmem>>, vector<16xf32>,
      %mul3A_1237 = arith.constant 8 : i32
      %mul3A_1238 = arith.muli %scan3A_985, %mul3A_1237 : i32
      %add3A_1239 = arith.constant 4 : i32
      %add3A_1240 = arith.addi %mul3A_1238, %add3A_1239 : i32
      %swap3A_1241 = arith.index_cast %add3A_1240 : i32 to index
      %swap3A_1242 = arith.constant 64 : index
      %swap3A_1243 = tpu.vector_load %arg5[%swap3A_1241, %swap3A_1242] {strides = array<i32>} : memref<1000x128xf32, #tpu.memory_space<vmem>>, vector<16xf32>,
      tpu.vector_store %arg5[%swap3A_1241, %swap3A_1242], %broadcast_in_dim3A_1 {strides = array<i32>} : memref<1000x128xf32, #tpu.memory_space<vmem>>, vector<16xf32>,
      %mul3A_1244 = arith.constant 8 : i32
      %mul3A_1245 = arith.muli %scan3A_985, %mul3A_1244 : i32
      %add3A_1246 = arith.constant 4 : i32
      %add3A_1247 = arith.addi %mul3A_1245, %add3A_1246 : i32
      %swap3A_1248 = arith.index_cast %add3A_1247 : i32 to index
      %swap3A_1249 = arith.constant 80 : index
      %swap3A_1250 = tpu.vector_load %arg5[%swap3A_1248, %swap3A_1249] {strides = array<i32>} : memref<1000x128xf32, #tpu.memory_space<vmem>>, vector<16xf32>,
      tpu.vector_store %arg5[%swap3A_1248, %swap3A_1249], %broadcast_in_dim3A_1 {strides = array<i32>} : memref<1000x128xf32, #tpu.memory_space<vmem>>, vector<16xf32>,
      %mul3A_1251 = arith.constant 8 : i32
      %mul3A_1252 = arith.muli %scan3A_985, %mul3A_1251 : i32
      %add3A_1253 = arith.constant 4 : i32
      %add3A_1254 = arith.addi %mul3A_1252, %add3A_1253 : i32
      %swap3A_1255 = arith.index_cast %add3A_1254 : i32 to index
      %swap3A_1256 = arith.constant 96 : index
      %swap3A_1257 = tpu.vector_load %arg5[%swap3A_1255, %swap3A_1256] {strides = array<i32>} : memref<1000x128xf32, #tpu.memory_space<vmem>>, vector<16xf32>,
      tpu.vector_store %arg5[%swap3A_1255, %swap3A_1256], %broadcast_in_dim3A_1 {strides = array<i32>} : memref<1000x128xf32, #tpu.memory_space<vmem>>, vector<16xf32>,
      %mul3A_1258 = arith.constant 8 : i32
      %mul3A_1259 = arith.muli %scan3A_985, %mul3A_1258 : i32
      %add3A_1260 = arith.constant 4 : i32
      %add3A_1261 = arith.addi %mul3A_1259, %add3A_1260 : i32
      %swap3A_1262 = arith.index_cast %add3A_1261 : i32 to index
      %swap3A_1263 = arith.constant 112 : index
      %swap3A_1264 = tpu.vector_load %arg5[%swap3A_1262, %swap3A_1263] {strides = array<i32>} : memref<1000x128xf32, #tpu.memory_space<vmem>>, vector<16xf32>,
      tpu.vector_store %arg5[%swap3A_1262, %swap3A_1263], %broadcast_in_dim3A_1 {strides = array<i32>} : memref<1000x128xf32, #tpu.memory_space<vmem>>, vector<16xf32>,
      %mul3A_1265 = arith.constant 8 : i32
      %mul3A_1266 = arith.muli %scan3A_985, %mul3A_1265 : i32
      %add3A_1267 = arith.constant 5 : i32
      %add3A_1268 = arith.addi %mul3A_1266, %add3A_1267 : i32
      %swap3A_1269 = arith.index_cast %add3A_1268 : i32 to index
      %swap3A_1270 = arith.constant 0 : index
      %swap3A_1271 = tpu.vector_load %arg5[%swap3A_1269, %swap3A_1270] {strides = array<i32>} : memref<1000x128xf32, #tpu.memory_space<vmem>>, vector<16xf32>,
      tpu.vector_store %arg5[%swap3A_1269, %swap3A_1270], %broadcast_in_dim3A_1 {strides = array<i32>} : memref<1000x128xf32, #tpu.memory_space<vmem>>, vector<16xf32>,
      %mul3A_1272 = arith.constant 8 : i32
      %mul3A_1273 = arith.muli %scan3A_985, %mul3A_1272 : i32
      %add3A_1274 = arith.constant 5 : i32
      %add3A_1275 = arith.addi %mul3A_1273, %add3A_1274 : i32
      %swap3A_1276 = arith.index_cast %add3A_1275 : i32 to index
      %swap3A_1277 = arith.constant 16 : index
      %swap3A_1278 = tpu.vector_load %arg5[%swap3A_1276, %swap3A_1277] {strides = array<i32>} : memref<1000x128xf32, #tpu.memory_space<vmem>>, vector<16xf32>,
      tpu.vector_store %arg5[%swap3A_1276, %swap3A_1277], %broadcast_in_dim3A_1 {strides = array<i32>} : memref<1000x128xf32, #tpu.memory_space<vmem>>, vector<16xf32>,
      %mul3A_1279 = arith.constant 8 : i32
      %mul3A_1280 = arith.muli %scan3A_985, %mul3A_1279 : i32
      %add3A_1281 = arith.constant 5 : i32
      %add3A_1282 = arith.addi %mul3A_1280, %add3A_1281 : i32
      %swap3A_1283 = arith.index_cast %add3A_1282 : i32 to index
      %swap3A_1284 = arith.constant 32 : index
      %swap3A_1285 = tpu.vector_load %arg5[%swap3A_1283, %swap3A_1284] {strides = array<i32>} : memref<1000x128xf32, #tpu.memory_space<vmem>>, vector<16xf32>,
      tpu.vector_store %arg5[%swap3A_1283, %swap3A_1284], %broadcast_in_dim3A_1 {strides = array<i32>} : memref<1000x128xf32, #tpu.memory_space<vmem>>, vector<16xf32>,
      %mul3A_1286 = arith.constant 8 : i32
      %mul3A_1287 = arith.muli %scan3A_985, %mul3A_1286 : i32
      %add3A_1288 = arith.constant 5 : i32
      %add3A_1289 = arith.addi %mul3A_1287, %add3A_1288 : i32
      %swap3A_1290 = arith.index_cast %add3A_1289 : i32 to index
      %swap3A_1291 = arith.constant 48 : index
      %swap3A_1292 = tpu.vector_load %arg5[%swap3A_1290, %swap3A_1291] {strides = array<i32>} : memref<1000x128xf32, #tpu.memory_space<vmem>>, vector<16xf32>,
      tpu.vector_store %arg5[%swap3A_1290, %swap3A_1291], %broadcast_in_dim3A_1 {strides = array<i32>} : memref<1000x128xf32, #tpu.memory_space<vmem>>, vector<16xf32>,
      %mul3A_1293 = arith.constant 8 : i32
      %mul3A_1294 = arith.muli %scan3A_985, %mul3A_1293 : i32
      %add3A_1295 = arith.constant 5 : i32
      %add3A_1296 = arith.addi %mul3A_1294, %add3A_1295 : i32
      %swap3A_1297 = arith.index_cast %add3A_1296 : i32 to index
      %swap3A_1298 = arith.constant 64 : index
      %swap3A_1299 = tpu.vector_load %arg5[%swap3A_1297, %swap3A_1298] {strides = array<i32>} : memref<1000x128xf32, #tpu.memory_space<vmem>>, vector<16xf32>,
      tpu.vector_store %arg5[%swap3A_1297, %swap3A_1298], %broadcast_in_dim3A_1 {strides = array<i32>} : memref<1000x128xf32, #tpu.memory_space<vmem>>, vector<16xf32>,
      %mul3A_1300 = arith.constant 8 : i32
      %mul3A_1301 = arith.muli %scan3A_985, %mul3A_1300 : i32
      %add3A_1302 = arith.constant 5 : i32
      %add3A_1303 = arith.addi %mul3A_1301, %add3A_1302 : i32
      %swap3A_1304 = arith.index_cast %add3A_1303 : i32 to index
      %swap3A_1305 = arith.constant 80 : index
      %swap3A_1306 = tpu.vector_load %arg5[%swap3A_1304, %swap3A_1305] {strides = array<i32>} : memref<1000x128xf32, #tpu.memory_space<vmem>>, vector<16xf32>,
      tpu.vector_store %arg5[%swap3A_1304, %swap3A_1305], %broadcast_in_dim3A_1 {strides = array<i32>} : memref<1000x128xf32, #tpu.memory_space<vmem>>, vector<16xf32>,
      %mul3A_1307 = arith.constant 8 : i32
      %mul3A_1308 = arith.muli %scan3A_985, %mul3A_1307 : i32
      %add3A_1309 = arith.constant 5 : i32
      %add3A_1310 = arith.addi %mul3A_1308, %add3A_1309 : i32
      %swap3A_1311 = arith.index_cast %add3A_1310 : i32 to index
      %swap3A_1312 = arith.constant 96 : index
      %swap3A_1313 = tpu.vector_load %arg5[%swap3A_1311, %swap3A_1312] {strides = array<i32>} : memref<1000x128xf32, #tpu.memory_space<vmem>>, vector<16xf32>,
      tpu.vector_store %arg5[%swap3A_1311, %swap3A_1312], %broadcast_in_dim3A_1 {strides = array<i32>} : memref<1000x128xf32, #tpu.memory_space<vmem>>, vector<16xf32>,
      %mul3A_1314 = arith.constant 8 : i32
      %mul3A_1315 = arith.muli %scan3A_985, %mul3A_1314 : i32
      %add3A_1316 = arith.constant 5 : i32
      %add3A_1317 = arith.addi %mul3A_1315, %add3A_1316 : i32
      %swap3A_1318 = arith.index_cast %add3A_1317 : i32 to index
      %swap3A_1319 = arith.constant 112 : index
      %swap3A_1320 = tpu.vector_load %arg5[%swap3A_1318, %swap3A_1319] {strides = array<i32>} : memref<1000x128xf32, #tpu.memory_space<vmem>>, vector<16xf32>,
      tpu.vector_store %arg5[%swap3A_1318, %swap3A_1319], %broadcast_in_dim3A_1 {strides = array<i32>} : memref<1000x128xf32, #tpu.memory_space<vmem>>, vector<16xf32>,
      %mul3A_1321 = arith.constant 8 : i32
      %mul3A_1322 = arith.muli %scan3A_985, %mul3A_1321 : i32
      %add3A_1323 = arith.constant 6 : i32
      %add3A_1324 = arith.addi %mul3A_1322, %add3A_1323 : i32
      %swap3A_1325 = arith.index_cast %add3A_1324 : i32 to index
      %swap3A_1326 = arith.constant 0 : index
      %swap3A_1327 = tpu.vector_load %arg5[%swap3A_1325, %swap3A_1326] {strides = array<i32>} : memref<1000x128xf32, #tpu.memory_space<vmem>>, vector<16xf32>,
      tpu.vector_store %arg5[%swap3A_1325, %swap3A_1326], %broadcast_in_dim3A_1 {strides = array<i32>} : memref<1000x128xf32, #tpu.memory_space<vmem>>, vector<16xf32>,
      %mul3A_1328 = arith.constant 8 : i32
      %mul3A_1329 = arith.muli %scan3A_985, %mul3A_1328 : i32
      %add3A_1330 = arith.constant 6 : i32
      %add3A_1331 = arith.addi %mul3A_1329, %add3A_1330 : i32
      %swap3A_1332 = arith.index_cast %add3A_1331 : i32 to index
      %swap3A_1333 = arith.constant 16 : index
      %swap3A_1334 = tpu.vector_load %arg5[%swap3A_1332, %swap3A_1333] {strides = array<i32>} : memref<1000x128xf32, #tpu.memory_space<vmem>>, vector<16xf32>,
      tpu.vector_store %arg5[%swap3A_1332, %swap3A_1333], %broadcast_in_dim3A_1 {strides = array<i32>} : memref<1000x128xf32, #tpu.memory_space<vmem>>, vector<16xf32>,
      %mul3A_1335 = arith.constant 8 : i32
      %mul3A_1336 = arith.muli %scan3A_985, %mul3A_1335 : i32
      %add3A_1337 = arith.constant 6 : i32
      %add3A_1338 = arith.addi %mul3A_1336, %add3A_1337 : i32
      %swap3A_1339 = arith.index_cast %add3A_1338 : i32 to index
      %swap3A_1340 = arith.constant 32 : index
      %swap3A_1341 = tpu.vector_load %arg5[%swap3A_1339, %swap3A_1340] {strides = array<i32>} : memref<1000x128xf32, #tpu.memory_space<vmem>>, vector<16xf32>,
      tpu.vector_store %arg5[%swap3A_1339, %swap3A_1340], %broadcast_in_dim3A_1 {strides = array<i32>} : memref<1000x128xf32, #tpu.memory_space<vmem>>, vector<16xf32>,
      %mul3A_1342 = arith.constant 8 : i32
      %mul3A_1343 = arith.muli %scan3A_985, %mul3A_1342 : i32
      %add3A_1344 = arith.constant 6 : i32
      %add3A_1345 = arith.addi %mul3A_1343, %add3A_1344 : i32
      %swap3A_1346 = arith.index_cast %add3A_1345 : i32 to index
      %swap3A_1347 = arith.constant 48 : index
      %swap3A_1348 = tpu.vector_load %arg5[%swap3A_1346, %swap3A_1347] {strides = array<i32>} : memref<1000x128xf32, #tpu.memory_space<vmem>>, vector<16xf32>,
      tpu.vector_store %arg5[%swap3A_1346, %swap3A_1347], %broadcast_in_dim3A_1 {strides = array<i32>} : memref<1000x128xf32, #tpu.memory_space<vmem>>, vector<16xf32>,
      %mul3A_1349 = arith.constant 8 : i32
      %mul3A_1350 = arith.muli %scan3A_985, %mul3A_1349 : i32
      %add3A_1351 = arith.constant 6 : i32
      %add3A_1352 = arith.addi %mul3A_1350, %add3A_1351 : i32
      %swap3A_1353 = arith.index_cast %add3A_1352 : i32 to index
      %swap3A_1354 = arith.constant 64 : index
      %swap3A_1355 = tpu.vector_load %arg5[%swap3A_1353, %swap3A_1354] {strides = array<i32>} : memref<1000x128xf32, #tpu.memory_space<vmem>>, vector<16xf32>,
      tpu.vector_store %arg5[%swap3A_1353, %swap3A_1354], %broadcast_in_dim3A_1 {strides = array<i32>} : memref<1000x128xf32, #tpu.memory_space<vmem>>, vector<16xf32>,
      %mul3A_1356 = arith.constant 8 : i32
      %mul3A_1357 = arith.muli %scan3A_985, %mul3A_1356 : i32
      %add3A_1358 = arith.constant 6 : i32
      %add3A_1359 = arith.addi %mul3A_1357, %add3A_1358 : i32
      %swap3A_1360 = arith.index_cast %add3A_1359 : i32 to index
      %swap3A_1361 = arith.constant 80 : index
      %swap3A_1362 = tpu.vector_load %arg5[%swap3A_1360, %swap3A_1361] {strides = array<i32>} : memref<1000x128xf32, #tpu.memory_space<vmem>>, vector<16xf32>,
      tpu.vector_store %arg5[%swap3A_1360, %swap3A_1361], %broadcast_in_dim3A_1 {strides = array<i32>} : memref<1000x128xf32, #tpu.memory_space<vmem>>, vector<16xf32>,
      %mul3A_1363 = arith.constant 8 : i32
      %mul3A_1364 = arith.muli %scan3A_985, %mul3A_1363 : i32
      %add3A_1365 = arith.constant 6 : i32
      %add3A_1366 = arith.addi %mul3A_1364, %add3A_1365 : i32
      %swap3A_1367 = arith.index_cast %add3A_1366 : i32 to index
      %swap3A_1368 = arith.constant 96 : index
      %swap3A_1369 = tpu.vector_load %arg5[%swap3A_1367, %swap3A_1368] {strides = array<i32>} : memref<1000x128xf32, #tpu.memory_space<vmem>>, vector<16xf32>,
      tpu.vector_store %arg5[%swap3A_1367, %swap3A_1368], %broadcast_in_dim3A_1 {strides = array<i32>} : memref<1000x128xf32, #tpu.memory_space<vmem>>, vector<16xf32>,
      %mul3A_1370 = arith.constant 8 : i32
      %mul3A_1371 = arith.muli %scan3A_985, %mul3A_1370 : i32
      %add3A_1372 = arith.constant 6 : i32
      %add3A_1373 = arith.addi %mul3A_1371, %add3A_1372 : i32
      %swap3A_1374 = arith.index_cast %add3A_1373 : i32 to index
      %swap3A_1375 = arith.constant 112 : index
      %swap3A_1376 = tpu.vector_load %arg5[%swap3A_1374, %swap3A_1375] {strides = array<i32>} : memref<1000x128xf32, #tpu.memory_space<vmem>>, vector<16xf32>,
      tpu.vector_store %arg5[%swap3A_1374, %swap3A_1375], %broadcast_in_dim3A_1 {strides = array<i32>} : memref<1000x128xf32, #tpu.memory_space<vmem>>, vector<16xf32>,
      %mul3A_1377 = arith.constant 8 : i32
      %mul3A_1378 = arith.muli %scan3A_985, %mul3A_1377 : i32
      %add3A_1379 = arith.constant 7 : i32
      %add3A_1380 = arith.addi %mul3A_1378, %add3A_1379 : i32
      %swap3A_1381 = arith.index_cast %add3A_1380 : i32 to index
      %swap3A_1382 = arith.constant 0 : index
      %swap3A_1383 = tpu.vector_load %arg5[%swap3A_1381, %swap3A_1382] {strides = array<i32>} : memref<1000x128xf32, #tpu.memory_space<vmem>>, vector<16xf32>,
      tpu.vector_store %arg5[%swap3A_1381, %swap3A_1382], %broadcast_in_dim3A_1 {strides = array<i32>} : memref<1000x128xf32, #tpu.memory_space<vmem>>, vector<16xf32>,
      %mul3A_1384 = arith.constant 8 : i32
      %mul3A_1385 = arith.muli %scan3A_985, %mul3A_1384 : i32
      %add3A_1386 = arith.constant 7 : i32
      %add3A_1387 = arith.addi %mul3A_1385, %add3A_1386 : i32
      %swap3A_1388 = arith.index_cast %add3A_1387 : i32 to index
      %swap3A_1389 = arith.constant 16 : index
      %swap3A_1390 = tpu.vector_load %arg5[%swap3A_1388, %swap3A_1389] {strides = array<i32>} : memref<1000x128xf32, #tpu.memory_space<vmem>>, vector<16xf32>,
      tpu.vector_store %arg5[%swap3A_1388, %swap3A_1389], %broadcast_in_dim3A_1 {strides = array<i32>} : memref<1000x128xf32, #tpu.memory_space<vmem>>, vector<16xf32>,
      %mul3A_1391 = arith.constant 8 : i32
      %mul3A_1392 = arith.muli %scan3A_985, %mul3A_1391 : i32
      %add3A_1393 = arith.constant 7 : i32
      %add3A_1394 = arith.addi %mul3A_1392, %add3A_1393 : i32
      %swap3A_1395 = arith.index_cast %add3A_1394 : i32 to index
      %swap3A_1396 = arith.constant 32 : index
      %swap3A_1397 = tpu.vector_load %arg5[%swap3A_1395, %swap3A_1396] {strides = array<i32>} : memref<1000x128xf32, #tpu.memory_space<vmem>>, vector<16xf32>,
      tpu.vector_store %arg5[%swap3A_1395, %swap3A_1396], %broadcast_in_dim3A_1 {strides = array<i32>} : memref<1000x128xf32, #tpu.memory_space<vmem>>, vector<16xf32>,
      %mul3A_1398 = arith.constant 8 : i32
      %mul3A_1399 = arith.muli %scan3A_985, %mul3A_1398 : i32
      %add3A_1400 = arith.constant 7 : i32
      %add3A_1401 = arith.addi %mul3A_1399, %add3A_1400 : i32
      %swap3A_1402 = arith.index_cast %add3A_1401 : i32 to index
      %swap3A_1403 = arith.constant 48 : index
      %swap3A_1404 = tpu.vector_load %arg5[%swap3A_1402, %swap3A_1403] {strides = array<i32>} : memref<1000x128xf32, #tpu.memory_space<vmem>>, vector<16xf32>,
      tpu.vector_store %arg5[%swap3A_1402, %swap3A_1403], %broadcast_in_dim3A_1 {strides = array<i32>} : memref<1000x128xf32, #tpu.memory_space<vmem>>, vector<16xf32>,
      %mul3A_1405 = arith.constant 8 : i32
      %mul3A_1406 = arith.muli %scan3A_985, %mul3A_1405 : i32
      %add3A_1407 = arith.constant 7 : i32
      %add3A_1408 = arith.addi %mul3A_1406, %add3A_1407 : i32
      %swap3A_1409 = arith.index_cast %add3A_1408 : i32 to index
      %swap3A_1410 = arith.constant 64 : index
      %swap3A_1411 = tpu.vector_load %arg5[%swap3A_1409, %swap3A_1410] {strides = array<i32>} : memref<1000x128xf32, #tpu.memory_space<vmem>>, vector<16xf32>,
      tpu.vector_store %arg5[%swap3A_1409, %swap3A_1410], %broadcast_in_dim3A_1 {strides = array<i32>} : memref<1000x128xf32, #tpu.memory_space<vmem>>, vector<16xf32>,
      %mul3A_1412 = arith.constant 8 : i32
      %mul3A_1413 = arith.muli %scan3A_985, %mul3A_1412 : i32
      %add3A_1414 = arith.constant 7 : i32
      %add3A_1415 = arith.addi %mul3A_1413, %add3A_1414 : i32
      %swap3A_1416 = arith.index_cast %add3A_1415 : i32 to index
      %swap3A_1417 = arith.constant 80 : index
      %swap3A_1418 = tpu.vector_load %arg5[%swap3A_1416, %swap3A_1417] {strides = array<i32>} : memref<1000x128xf32, #tpu.memory_space<vmem>>, vector<16xf32>,
      tpu.vector_store %arg5[%swap3A_1416, %swap3A_1417], %broadcast_in_dim3A_1 {strides = array<i32>} : memref<1000x128xf32, #tpu.memory_space<vmem>>, vector<16xf32>,
      %mul3A_1419 = arith.constant 8 : i32
      %mul3A_1420 = arith.muli %scan3A_985, %mul3A_1419 : i32
      %add3A_1421 = arith.constant 7 : i32
      %add3A_1422 = arith.addi %mul3A_1420, %add3A_1421 : i32
      %swap3A_1423 = arith.index_cast %add3A_1422 : i32 to index
      %swap3A_1424 = arith.constant 96 : index
      %swap3A_1425 = tpu.vector_load %arg5[%swap3A_1423, %swap3A_1424] {strides = array<i32>} : memref<1000x128xf32, #tpu.memory_space<vmem>>, vector<16xf32>,
      tpu.vector_store %arg5[%swap3A_1423, %swap3A_1424], %broadcast_in_dim3A_1 {strides = array<i32>} : memref<1000x128xf32, #tpu.memory_space<vmem>>, vector<16xf32>,
      %mul3A_1426 = arith.constant 8 : i32
      %mul3A_1427 = arith.muli %scan3A_985, %mul3A_1426 : i32
      %add3A_1428 = arith.constant 7 : i32
      %add3A_1429 = arith.addi %mul3A_1427, %add3A_1428 : i32
      %swap3A_1430 = arith.index_cast %add3A_1429 : i32 to index
      %swap3A_1431 = arith.constant 112 : index
      %swap3A_1432 = tpu.vector_load %arg5[%swap3A_1430, %swap3A_1431] {strides = array<i32>} : memref<1000x128xf32, #tpu.memory_space<vmem>>, vector<16xf32>,
      tpu.vector_store %arg5[%swap3A_1430, %swap3A_1431], %broadcast_in_dim3A_1 {strides = array<i32>} : memref<1000x128xf32, #tpu.memory_space<vmem>>, vector<16xf32>,
    }
    %scan3A_175 = arith.constant 32 : i32
    %get3A = arith.constant 0 : i32
    %get3A_176 = arith.index_cast %get3A : i32 to index
    %get3A_177 = arith.constant 0 : index
    %get3A_178 = tpu.vector_load %arg4[%get3A_176, %get3A_177] {strides = array<i32>} : memref<4x128xi32, #tpu.memory_space<vmem>>, vector<16xi32>,
    %ge3A = arith.constant 0 : i32
    %ge3A_179 = vector.broadcast %ge3A : i32 to vector<16xi32>
    %ge3A_180 = arith.cmpi sge, %get3A_178, %ge3A_179 : vector<16xi32>
    %lt3A_181 = arith.constant 256 : i32
    %lt3A_182 = vector.broadcast %lt3A_181 : i32 to vector<16xi32>
    %lt3A_183 = arith.cmpi slt, %get3A_178, %lt3A_182 : vector<16xi32>
    %and3A_184 = arith.andi %ge3A_180, %lt3A_183 : vector<16xi1>
    %add3A_185 = arith.constant 0 : i32
    %add3A_186 = vector.broadcast %add3A_185 : i32 to vector<16xi32>
    %add3A_187 = arith.addi %iota3A, %add3A_186 : vector<16xi32>
    tpu.vector_store_idx %arg5[%get3A_178, %add3A_187], %broadcast_in_dim3A_3 masked %and3A_184 : memref<1000x128xf32, #tpu.memory_space<vmem>>[vector<16xi32>, vector<16xi32>], vector<16xf32>, vector<16xi1>
    %get3A_188 = arith.constant 0 : i32
    %get3A_189 = arith.index_cast %get3A_188 : i32 to index
    %get3A_190 = arith.constant 16 : index
    %get3A_191 = tpu.vector_load %arg4[%get3A_189, %get3A_190] {strides = array<i32>} : memref<4x128xi32, #tpu.memory_space<vmem>>, vector<16xi32>,
    %ge3A_192 = arith.constant 0 : i32
    %ge3A_193 = vector.broadcast %ge3A_192 : i32 to vector<16xi32>
    %ge3A_194 = arith.cmpi sge, %get3A_191, %ge3A_193 : vector<16xi32>
    %lt3A_195 = arith.constant 256 : i32
    %lt3A_196 = vector.broadcast %lt3A_195 : i32 to vector<16xi32>
    %lt3A_197 = arith.cmpi slt, %get3A_191, %lt3A_196 : vector<16xi32>
    %and3A_198 = arith.andi %ge3A_194, %lt3A_197 : vector<16xi1>
    %add3A_199 = arith.constant 16 : i32
    %add3A_200 = vector.broadcast %add3A_199 : i32 to vector<16xi32>
    %add3A_201 = arith.addi %iota3A, %add3A_200 : vector<16xi32>
    tpu.vector_store_idx %arg5[%get3A_191, %add3A_201], %broadcast_in_dim3A_3 masked %and3A_198 : memref<1000x128xf32, #tpu.memory_space<vmem>>[vector<16xi32>, vector<16xi32>], vector<16xf32>, vector<16xi1>
    %get3A_202 = arith.constant 0 : i32
    %get3A_203 = arith.index_cast %get3A_202 : i32 to index
    %get3A_204 = arith.constant 32 : index
    %get3A_205 = tpu.vector_load %arg4[%get3A_203, %get3A_204] {strides = array<i32>} : memref<4x128xi32, #tpu.memory_space<vmem>>, vector<16xi32>,
    %ge3A_206 = arith.constant 0 : i32
    %ge3A_207 = vector.broadcast %ge3A_206 : i32 to vector<16xi32>
    %ge3A_208 = arith.cmpi sge, %get3A_205, %ge3A_207 : vector<16xi32>
    %lt3A_209 = arith.constant 256 : i32
    %lt3A_210 = vector.broadcast %lt3A_209 : i32 to vector<16xi32>
    %lt3A_211 = arith.cmpi slt, %get3A_205, %lt3A_210 : vector<16xi32>
    %and3A_212 = arith.andi %ge3A_208, %lt3A_211 : vector<16xi1>
    %add3A_213 = arith.constant 32 : i32
    %add3A_214 = vector.broadcast %add3A_213 : i32 to vector<16xi32>
    %add3A_215 = arith.addi %iota3A, %add3A_214 : vector<16xi32>
    tpu.vector_store_idx %arg5[%get3A_205, %add3A_215], %broadcast_in_dim3A_3 masked %and3A_212 : memref<1000x128xf32, #tpu.memory_space<vmem>>[vector<16xi32>, vector<16xi32>], vector<16xf32>, vector<16xi1>
    %get3A_216 = arith.constant 0 : i32
    %get3A_217 = arith.index_cast %get3A_216 : i32 to index
    %get3A_218 = arith.constant 48 : index
    %get3A_219 = tpu.vector_load %arg4[%get3A_217, %get3A_218] {strides = array<i32>} : memref<4x128xi32, #tpu.memory_space<vmem>>, vector<16xi32>,
    %ge3A_220 = arith.constant 0 : i32
    %ge3A_221 = vector.broadcast %ge3A_220 : i32 to vector<16xi32>
    %ge3A_222 = arith.cmpi sge, %get3A_219, %ge3A_221 : vector<16xi32>
    %lt3A_223 = arith.constant 256 : i32
    %lt3A_224 = vector.broadcast %lt3A_223 : i32 to vector<16xi32>
    %lt3A_225 = arith.cmpi slt, %get3A_219, %lt3A_224 : vector<16xi32>
    %and3A_226 = arith.andi %ge3A_222, %lt3A_225 : vector<16xi1>
    %add3A_227 = arith.constant 48 : i32
    %add3A_228 = vector.broadcast %add3A_227 : i32 to vector<16xi32>
    %add3A_229 = arith.addi %iota3A, %add3A_228 : vector<16xi32>
    tpu.vector_store_idx %arg5[%get3A_219, %add3A_229], %broadcast_in_dim3A_3 masked %and3A_226 : memref<1000x128xf32, #tpu.memory_space<vmem>>[vector<16xi32>, vector<16xi32>], vector<16xf32>, vector<16xi1>
    %get3A_230 = arith.constant 0 : i32
    %get3A_231 = arith.index_cast %get3A_230 : i32 to index
    %get3A_232 = arith.constant 64 : index
    %get3A_233 = tpu.vector_load %arg4[%get3A_231, %get3A_232] {strides = array<i32>} : memref<4x128xi32, #tpu.memory_space<vmem>>, vector<16xi32>,
    %ge3A_234 = arith.constant 0 : i32
    %ge3A_235 = vector.broadcast %ge3A_234 : i32 to vector<16xi32>
    %ge3A_236 = arith.cmpi sge, %get3A_233, %ge3A_235 : vector<16xi32>
    %lt3A_237 = arith.constant 256 : i32
    %lt3A_238 = vector.broadcast %lt3A_237 : i32 to vector<16xi32>
    %lt3A_239 = arith.cmpi slt, %get3A_233, %lt3A_238 : vector<16xi32>
    %and3A_240 = arith.andi %ge3A_236, %lt3A_239 : vector<16xi1>
    %add3A_241 = arith.constant 64 : i32
    %add3A_242 = vector.broadcast %add3A_241 : i32 to vector<16xi32>
    %add3A_243 = arith.addi %iota3A, %add3A_242 : vector<16xi32>
    tpu.vector_store_idx %arg5[%get3A_233, %add3A_243], %broadcast_in_dim3A_3 masked %and3A_240 : memref<1000x128xf32, #tpu.memory_space<vmem>>[vector<16xi32>, vector<16xi32>], vector<16xf32>, vector<16xi1>
    %get3A_244 = arith.constant 0 : i32
    %get3A_245 = arith.index_cast %get3A_244 : i32 to index
    %get3A_246 = arith.constant 80 : index
    %get3A_247 = tpu.vector_load %arg4[%get3A_245, %get3A_246] {strides = array<i32>} : memref<4x128xi32, #tpu.memory_space<vmem>>, vector<16xi32>,
    %ge3A_248 = arith.constant 0 : i32
    %ge3A_249 = vector.broadcast %ge3A_248 : i32 to vector<16xi32>
    %ge3A_250 = arith.cmpi sge, %get3A_247, %ge3A_249 : vector<16xi32>
    %lt3A_251 = arith.constant 256 : i32
    %lt3A_252 = vector.broadcast %lt3A_251 : i32 to vector<16xi32>
    %lt3A_253 = arith.cmpi slt, %get3A_247, %lt3A_252 : vector<16xi32>
    %and3A_254 = arith.andi %ge3A_250, %lt3A_253 : vector<16xi1>
    %add3A_255 = arith.constant 80 : i32
    %add3A_256 = vector.broadcast %add3A_255 : i32 to vector<16xi32>
    %add3A_257 = arith.addi %iota3A, %add3A_256 : vector<16xi32>
    tpu.vector_store_idx %arg5[%get3A_247, %add3A_257], %broadcast_in_dim3A_3 masked %and3A_254 : memref<1000x128xf32, #tpu.memory_space<vmem>>[vector<16xi32>, vector<16xi32>], vector<16xf32>, vector<16xi1>
    %get3A_258 = arith.constant 0 : i32
    %get3A_259 = arith.index_cast %get3A_258 : i32 to index
    %get3A_260 = arith.constant 96 : index
    %get3A_261 = tpu.vector_load %arg4[%get3A_259, %get3A_260] {strides = array<i32>} : memref<4x128xi32, #tpu.memory_space<vmem>>, vector<16xi32>,
    %ge3A_262 = arith.constant 0 : i32
    %ge3A_263 = vector.broadcast %ge3A_262 : i32 to vector<16xi32>
    %ge3A_264 = arith.cmpi sge, %get3A_261, %ge3A_263 : vector<16xi32>
    %lt3A_265 = arith.constant 256 : i32
    %lt3A_266 = vector.broadcast %lt3A_265 : i32 to vector<16xi32>
    %lt3A_267 = arith.cmpi slt, %get3A_261, %lt3A_266 : vector<16xi32>
    %and3A_268 = arith.andi %ge3A_264, %lt3A_267 : vector<16xi1>
    %add3A_269 = arith.constant 96 : i32
    %add3A_270 = vector.broadcast %add3A_269 : i32 to vector<16xi32>
    %add3A_271 = arith.addi %iota3A, %add3A_270 : vector<16xi32>
    tpu.vector_store_idx %arg5[%get3A_261, %add3A_271], %broadcast_in_dim3A_3 masked %and3A_268 : memref<1000x128xf32, #tpu.memory_space<vmem>>[vector<16xi32>, vector<16xi32>], vector<16xf32>, vector<16xi1>
    %get3A_272 = arith.constant 0 : i32
    %get3A_273 = arith.index_cast %get3A_272 : i32 to index
    %get3A_274 = arith.constant 112 : index
    %get3A_275 = tpu.vector_load %arg4[%get3A_273, %get3A_274] {strides = array<i32>} : memref<4x128xi32, #tpu.memory_space<vmem>>, vector<16xi32>,
    %ge3A_276 = arith.constant 0 : i32
    %ge3A_277 = vector.broadcast %ge3A_276 : i32 to vector<16xi32>
    %ge3A_278 = arith.cmpi sge, %get3A_275, %ge3A_277 : vector<16xi32>
    %lt3A_279 = arith.constant 256 : i32
    %lt3A_280 = vector.broadcast %lt3A_279 : i32 to vector<16xi32>
    %lt3A_281 = arith.cmpi slt, %get3A_275, %lt3A_280 : vector<16xi32>
    %and3A_282 = arith.andi %ge3A_278, %lt3A_281 : vector<16xi1>
    %add3A_283 = arith.constant 112 : i32
    %add3A_284 = vector.broadcast %add3A_283 : i32 to vector<16xi32>
    %add3A_285 = arith.addi %iota3A, %add3A_284 : vector<16xi32>
    tpu.vector_store_idx %arg5[%get3A_275, %add3A_285], %broadcast_in_dim3A_3 masked %and3A_282 : memref<1000x128xf32, #tpu.memory_space<vmem>>[vector<16xi32>, vector<16xi32>], vector<16xf32>, vector<16xi1>
    %add3A_286 = arith.constant 0 : i32
    %add3A_287 = arith.addi %add3A_286, %add3A : i32
    %jit3A_288 = arith.constant 32 : i32
    %div3A_289 = arith.divsi %add3A_287, %jit3A_288 : i32
    %sign3A_290 = arith.constant 0 : i32
    %sign3A_291 = arith.cmpi sgt, %add3A_287, %sign3A_290 : i32
    %sign3A_292 = arith.extui %sign3A_291 : i1 to i32
    %sign3A_293 = arith.constant 0 : i32
    %sign3A_294 = arith.cmpi slt, %add3A_287, %sign3A_293 : i32
    %sign3A_295 = arith.extui %sign3A_294 : i1 to i32
    %sign3A_296 = arith.subi %sign3A_292, %sign3A_295 : i32
    %sign3A_297 = arith.constant 0 : i32
    %sign3A_298 = arith.cmpi sgt, %jit3A_288, %sign3A_297 : i32
    %sign3A_299 = arith.extui %sign3A_298 : i1 to i32
    %sign3A_300 = arith.constant 0 : i32
    %sign3A_301 = arith.cmpi slt, %jit3A_288, %sign3A_300 : i32
    %sign3A_302 = arith.extui %sign3A_301 : i1 to i32
    %sign3A_303 = arith.subi %sign3A_299, %sign3A_302 : i32
    %ne3A_304 = arith.cmpi ne, %sign3A_296, %sign3A_303 : i32
    %rem3A_305 = arith.remsi %add3A_287, %jit3A_288 : i32
    %ne3A_306 = arith.constant 0 : i32
    %ne3A_307 = arith.cmpi ne, %rem3A_305, %ne3A_306 : i32
    %and3A_308 = arith.andi %ne3A_304, %ne3A_307 : i1
    %sub3A_309 = arith.constant 1 : i32
    %sub3A_310 = arith.subi %div3A_289, %sub3A_309 : i32
    %select_n3A_311 = arith.select %and3A_308, %sub3A_310, %div3A_289 : i32
    %jit3A_312 = arith.constant 32 : i32
    %eq3A_313 = arith.constant 0 : i32
    %eq3A_314 = arith.cmpi eq, %jit3A_312, %eq3A_313 : i32
    %jit3A_315 = arith.constant 1 : i32
    %select_n3A_316 = arith.select %eq3A_314, %jit3A_315, %jit3A_312 : i32
    %rem3A_317 = arith.remsi %add3A_287, %select_n3A_316 : i32
    %ne3A_318 = arith.constant 0 : i32
    %ne3A_319 = arith.cmpi ne, %rem3A_317, %ne3A_318 : i32
    %lt3A_320 = arith.constant 0 : i32
    %lt3A_321 = arith.cmpi slt, %rem3A_317, %lt3A_320 : i32
    %lt3A_322 = arith.constant 0 : i32
    %lt3A_323 = arith.cmpi slt, %select_n3A_316, %lt3A_322 : i32
    %ne3A_324 = arith.xori %lt3A_321, %lt3A_323 : i1
    %and3A_325 = arith.andi %ne3A_324, %ne3A_319 : i1
    %add3A_326 = arith.addi %rem3A_317, %select_n3A_316 : i32
    %select_n3A_327 = arith.select %and3A_325, %add3A_326, %rem3A_317 : i32
    %mul3A_328 = arith.constant 128 : i32
    %mul3A_329 = arith.muli %select_n3A_327, %mul3A_328 : i32
    %dma_start3A_330 = arith.constant 0 : i32
    %dma_start3A_331 = arith.constant 0 : i32
    %dma_start3A_332 = tpu.memref_slice %arg5[%dma_start3A_330, %dma_start3A_331] : memref<1000x128xf32, #tpu.memory_space<vmem>> -> memref<256x128xf32, #tpu.memory_space<vmem>>
    %dma_start3A_333 = arith.constant 0 : i32
    %dma_start3A_334 = tpu.memref_slice %arg3[%select_n3A_311, %dma_start3A_333, %mul3A_329] : memref<26x1000x4096xf32, #tpu.memory_space<hbm>> -> memref<1x256x128xf32, #tpu.memory_space<hbm>>
    %dma_start3A_335 = tpu.memref_squeeze %dma_start3A_334 : memref<1x256x128xf32, #tpu.memory_space<hbm>> -> memref<256x128xf32, #tpu.memory_space<hbm>>
    %dma_start3A_336 = arith.constant 0 : i32
    %dma_start3A_337 = tpu.memref_slice %arg3[%select_n3A_311, %dma_start3A_336, %mul3A_329] : memref<26x1000x4096xf32, #tpu.memory_space<hbm>> -> memref<1x256x128xf32, #tpu.memory_space<hbm>>
    %dma_start3A_338 = tpu.memref_squeeze %dma_start3A_337 : memref<1x256x128xf32, #tpu.memory_space<hbm>> -> memref<256x128xf32, #tpu.memory_space<hbm>>
    %dma_start3A_339 = arith.constant 0 : i32
    %dma_start3A_340 = arith.constant 0 : i32
    %dma_start3A_341 = tpu.memref_slice %arg5[%dma_start3A_339, %dma_start3A_340] : memref<1000x128xf32, #tpu.memory_space<vmem>> -> memref<256x128xf32, #tpu.memory_space<vmem>>
    tpu.enqueue_dma source(%dma_start3A_341 : memref<256x128xf32, #tpu.memory_space<vmem>>) target(%dma_start3A_338 : memref<256x128xf32, #tpu.memory_space<hbm>>) target_semaphore(%arg10 : memref<!tpu.dma_semaphore, #tpu.memory_space<semaphore_mem>>)
    %scan3A_342 = arith.constant 0 : i32
    %scan3A_343 = arith.constant 32 : i32
    %scan3A_344 = arith.constant 32 : i32
    %scan3A_345 = arith.addi %scan3A_343, %scan3A_344 : i32
    %scan3A_346 = arith.constant 1 : i32
    scf.for %scan3A_985 = %scan3A_343 to %scan3A_345 step %scan3A_346  : i32 {
      %mul3A_986 = arith.constant 8 : i32
      %mul3A_987 = arith.muli %scan3A_985, %mul3A_986 : i32
      %add3A_988 = arith.constant 0 : i32
      %add3A_989 = arith.addi %mul3A_987, %add3A_988 : i32
      %swap3A = arith.index_cast %add3A_989 : i32 to index
      %swap3A_990 = arith.constant 0 : index
      %swap3A_991 = tpu.vector_load %arg5[%swap3A, %swap3A_990] {strides = array<i32>} : memref<1000x128xf32, #tpu.memory_space<vmem>>, vector<16xf32>,
      tpu.vector_store %arg5[%swap3A, %swap3A_990], %broadcast_in_dim3A_1 {strides = array<i32>} : memref<1000x128xf32, #tpu.memory_space<vmem>>, vector<16xf32>,
      %mul3A_992 = arith.constant 8 : i32
      %mul3A_993 = arith.muli %scan3A_985, %mul3A_992 : i32
      %add3A_994 = arith.constant 0 : i32
      %add3A_995 = arith.addi %mul3A_993, %add3A_994 : i32
      %swap3A_996 = arith.index_cast %add3A_995 : i32 to index
      %swap3A_997 = arith.constant 16 : index
      %swap3A_998 = tpu.vector_load %arg5[%swap3A_996, %swap3A_997] {strides = array<i32>} : memref<1000x128xf32, #tpu.memory_space<vmem>>, vector<16xf32>,
      tpu.vector_store %arg5[%swap3A_996, %swap3A_997], %broadcast_in_dim3A_1 {strides = array<i32>} : memref<1000x128xf32, #tpu.memory_space<vmem>>, vector<16xf32>,
      %mul3A_999 = arith.constant 8 : i32
      %mul3A_1000 = arith.muli %scan3A_985, %mul3A_999 : i32
      %add3A_1001 = arith.constant 0 : i32
      %add3A_1002 = arith.addi %mul3A_1000, %add3A_1001 : i32
      %swap3A_1003 = arith.index_cast %add3A_1002 : i32 to index
      %swap3A_1004 = arith.constant 32 : index
      %swap3A_1005 = tpu.vector_load %arg5[%swap3A_1003, %swap3A_1004] {strides = array<i32>} : memref<1000x128xf32, #tpu.memory_space<vmem>>, vector<16xf32>,
      tpu.vector_store %arg5[%swap3A_1003, %swap3A_1004], %broadcast_in_dim3A_1 {strides = array<i32>} : memref<1000x128xf32, #tpu.memory_space<vmem>>, vector<16xf32>,
      %mul3A_1006 = arith.constant 8 : i32
      %mul3A_1007 = arith.muli %scan3A_985, %mul3A_1006 : i32
      %add3A_1008 = arith.constant 0 : i32
      %add3A_1009 = arith.addi %mul3A_1007, %add3A_1008 : i32
      %swap3A_1010 = arith.index_cast %add3A_1009 : i32 to index
      %swap3A_1011 = arith.constant 48 : index
      %swap3A_1012 = tpu.vector_load %arg5[%swap3A_1010, %swap3A_1011] {strides = array<i32>} : memref<1000x128xf32, #tpu.memory_space<vmem>>, vector<16xf32>,
      tpu.vector_store %arg5[%swap3A_1010, %swap3A_1011], %broadcast_in_dim3A_1 {strides = array<i32>} : memref<1000x128xf32, #tpu.memory_space<vmem>>, vector<16xf32>,
      %mul3A_1013 = arith.constant 8 : i32
      %mul3A_1014 = arith.muli %scan3A_985, %mul3A_1013 : i32
      %add3A_1015 = arith.constant 0 : i32
      %add3A_1016 = arith.addi %mul3A_1014, %add3A_1015 : i32
      %swap3A_1017 = arith.index_cast %add3A_1016 : i32 to index
      %swap3A_1018 = arith.constant 64 : index
      %swap3A_1019 = tpu.vector_load %arg5[%swap3A_1017, %swap3A_1018] {strides = array<i32>} : memref<1000x128xf32, #tpu.memory_space<vmem>>, vector<16xf32>,
      tpu.vector_store %arg5[%swap3A_1017, %swap3A_1018], %broadcast_in_dim3A_1 {strides = array<i32>} : memref<1000x128xf32, #tpu.memory_space<vmem>>, vector<16xf32>,
      %mul3A_1020 = arith.constant 8 : i32
      %mul3A_1021 = arith.muli %scan3A_985, %mul3A_1020 : i32
      %add3A_1022 = arith.constant 0 : i32
      %add3A_1023 = arith.addi %mul3A_1021, %add3A_1022 : i32
      %swap3A_1024 = arith.index_cast %add3A_1023 : i32 to index
      %swap3A_1025 = arith.constant 80 : index
      %swap3A_1026 = tpu.vector_load %arg5[%swap3A_1024, %swap3A_1025] {strides = array<i32>} : memref<1000x128xf32, #tpu.memory_space<vmem>>, vector<16xf32>,
      tpu.vector_store %arg5[%swap3A_1024, %swap3A_1025], %broadcast_in_dim3A_1 {strides = array<i32>} : memref<1000x128xf32, #tpu.memory_space<vmem>>, vector<16xf32>,
      %mul3A_1027 = arith.constant 8 : i32
      %mul3A_1028 = arith.muli %scan3A_985, %mul3A_1027 : i32
      %add3A_1029 = arith.constant 0 : i32
      %add3A_1030 = arith.addi %mul3A_1028, %add3A_1029 : i32
      %swap3A_1031 = arith.index_cast %add3A_1030 : i32 to index
      %swap3A_1032 = arith.constant 96 : index
      %swap3A_1033 = tpu.vector_load %arg5[%swap3A_1031, %swap3A_1032] {strides = array<i32>} : memref<1000x128xf32, #tpu.memory_space<vmem>>, vector<16xf32>,
      tpu.vector_store %arg5[%swap3A_1031, %swap3A_1032], %broadcast_in_dim3A_1 {strides = array<i32>} : memref<1000x128xf32, #tpu.memory_space<vmem>>, vector<16xf32>,
      %mul3A_1034 = arith.constant 8 : i32
      %mul3A_1035 = arith.muli %scan3A_985, %mul3A_1034 : i32
      %add3A_1036 = arith.constant 0 : i32
      %add3A_1037 = arith.addi %mul3A_1035, %add3A_1036 : i32
      %swap3A_1038 = arith.index_cast %add3A_1037 : i32 to index
      %swap3A_1039 = arith.constant 112 : index
      %swap3A_1040 = tpu.vector_load %arg5[%swap3A_1038, %swap3A_1039] {strides = array<i32>} : memref<1000x128xf32, #tpu.memory_space<vmem>>, vector<16xf32>,
      tpu.vector_store %arg5[%swap3A_1038, %swap3A_1039], %broadcast_in_dim3A_1 {strides = array<i32>} : memref<1000x128xf32, #tpu.memory_space<vmem>>, vector<16xf32>,
      %mul3A_1041 = arith.constant 8 : i32
      %mul3A_1042 = arith.muli %scan3A_985, %mul3A_1041 : i32
      %add3A_1043 = arith.constant 1 : i32
      %add3A_1044 = arith.addi %mul3A_1042, %add3A_1043 : i32
      %swap3A_1045 = arith.index_cast %add3A_1044 : i32 to index
      %swap3A_1046 = arith.constant 0 : index
      %swap3A_1047 = tpu.vector_load %arg5[%swap3A_1045, %swap3A_1046] {strides = array<i32>} : memref<1000x128xf32, #tpu.memory_space<vmem>>, vector<16xf32>,
      tpu.vector_store %arg5[%swap3A_1045, %swap3A_1046], %broadcast_in_dim3A_1 {strides = array<i32>} : memref<1000x128xf32, #tpu.memory_space<vmem>>, vector<16xf32>,
      %mul3A_1048 = arith.constant 8 : i32
      %mul3A_1049 = arith.muli %scan3A_985, %mul3A_1048 : i32
      %add3A_1050 = arith.constant 1 : i32
      %add3A_1051 = arith.addi %mul3A_1049, %add3A_1050 : i32
      %swap3A_1052 = arith.index_cast %add3A_1051 : i32 to index
      %swap3A_1053 = arith.constant 16 : index
      %swap3A_1054 = tpu.vector_load %arg5[%swap3A_1052, %swap3A_1053] {strides = array<i32>} : memref<1000x128xf32, #tpu.memory_space<vmem>>, vector<16xf32>,
      tpu.vector_store %arg5[%swap3A_1052, %swap3A_1053], %broadcast_in_dim3A_1 {strides = array<i32>} : memref<1000x128xf32, #tpu.memory_space<vmem>>, vector<16xf32>,
      %mul3A_1055 = arith.constant 8 : i32
      %mul3A_1056 = arith.muli %scan3A_985, %mul3A_1055 : i32
      %add3A_1057 = arith.constant 1 : i32
      %add3A_1058 = arith.addi %mul3A_1056, %add3A_1057 : i32
      %swap3A_1059 = arith.index_cast %add3A_1058 : i32 to index
      %swap3A_1060 = arith.constant 32 : index
      %swap3A_1061 = tpu.vector_load %arg5[%swap3A_1059, %swap3A_1060] {strides = array<i32>} : memref<1000x128xf32, #tpu.memory_space<vmem>>, vector<16xf32>,
      tpu.vector_store %arg5[%swap3A_1059, %swap3A_1060], %broadcast_in_dim3A_1 {strides = array<i32>} : memref<1000x128xf32, #tpu.memory_space<vmem>>, vector<16xf32>,
      %mul3A_1062 = arith.constant 8 : i32
      %mul3A_1063 = arith.muli %scan3A_985, %mul3A_1062 : i32
      %add3A_1064 = arith.constant 1 : i32
      %add3A_1065 = arith.addi %mul3A_1063, %add3A_1064 : i32
      %swap3A_1066 = arith.index_cast %add3A_1065 : i32 to index
      %swap3A_1067 = arith.constant 48 : index
      %swap3A_1068 = tpu.vector_load %arg5[%swap3A_1066, %swap3A_1067] {strides = array<i32>} : memref<1000x128xf32, #tpu.memory_space<vmem>>, vector<16xf32>,
      tpu.vector_store %arg5[%swap3A_1066, %swap3A_1067], %broadcast_in_dim3A_1 {strides = array<i32>} : memref<1000x128xf32, #tpu.memory_space<vmem>>, vector<16xf32>,
      %mul3A_1069 = arith.constant 8 : i32
      %mul3A_1070 = arith.muli %scan3A_985, %mul3A_1069 : i32
      %add3A_1071 = arith.constant 1 : i32
      %add3A_1072 = arith.addi %mul3A_1070, %add3A_1071 : i32
      %swap3A_1073 = arith.index_cast %add3A_1072 : i32 to index
      %swap3A_1074 = arith.constant 64 : index
      %swap3A_1075 = tpu.vector_load %arg5[%swap3A_1073, %swap3A_1074] {strides = array<i32>} : memref<1000x128xf32, #tpu.memory_space<vmem>>, vector<16xf32>,
      tpu.vector_store %arg5[%swap3A_1073, %swap3A_1074], %broadcast_in_dim3A_1 {strides = array<i32>} : memref<1000x128xf32, #tpu.memory_space<vmem>>, vector<16xf32>,
      %mul3A_1076 = arith.constant 8 : i32
      %mul3A_1077 = arith.muli %scan3A_985, %mul3A_1076 : i32
      %add3A_1078 = arith.constant 1 : i32
      %add3A_1079 = arith.addi %mul3A_1077, %add3A_1078 : i32
      %swap3A_1080 = arith.index_cast %add3A_1079 : i32 to index
      %swap3A_1081 = arith.constant 80 : index
      %swap3A_1082 = tpu.vector_load %arg5[%swap3A_1080, %swap3A_1081] {strides = array<i32>} : memref<1000x128xf32, #tpu.memory_space<vmem>>, vector<16xf32>,
      tpu.vector_store %arg5[%swap3A_1080, %swap3A_1081], %broadcast_in_dim3A_1 {strides = array<i32>} : memref<1000x128xf32, #tpu.memory_space<vmem>>, vector<16xf32>,
      %mul3A_1083 = arith.constant 8 : i32
      %mul3A_1084 = arith.muli %scan3A_985, %mul3A_1083 : i32
      %add3A_1085 = arith.constant 1 : i32
      %add3A_1086 = arith.addi %mul3A_1084, %add3A_1085 : i32
      %swap3A_1087 = arith.index_cast %add3A_1086 : i32 to index
      %swap3A_1088 = arith.constant 96 : index
      %swap3A_1089 = tpu.vector_load %arg5[%swap3A_1087, %swap3A_1088] {strides = array<i32>} : memref<1000x128xf32, #tpu.memory_space<vmem>>, vector<16xf32>,
      tpu.vector_store %arg5[%swap3A_1087, %swap3A_1088], %broadcast_in_dim3A_1 {strides = array<i32>} : memref<1000x128xf32, #tpu.memory_space<vmem>>, vector<16xf32>,
      %mul3A_1090 = arith.constant 8 : i32
      %mul3A_1091 = arith.muli %scan3A_985, %mul3A_1090 : i32
      %add3A_1092 = arith.constant 1 : i32
      %add3A_1093 = arith.addi %mul3A_1091, %add3A_1092 : i32
      %swap3A_1094 = arith.index_cast %add3A_1093 : i32 to index
      %swap3A_1095 = arith.constant 112 : index
      %swap3A_1096 = tpu.vector_load %arg5[%swap3A_1094, %swap3A_1095] {strides = array<i32>} : memref<1000x128xf32, #tpu.memory_space<vmem>>, vector<16xf32>,
      tpu.vector_store %arg5[%swap3A_1094, %swap3A_1095], %broadcast_in_dim3A_1 {strides = array<i32>} : memref<1000x128xf32, #tpu.memory_space<vmem>>, vector<16xf32>,
      %mul3A_1097 = arith.constant 8 : i32
      %mul3A_1098 = arith.muli %scan3A_985, %mul3A_1097 : i32
      %add3A_1099 = arith.constant 2 : i32
      %add3A_1100 = arith.addi %mul3A_1098, %add3A_1099 : i32
      %swap3A_1101 = arith.index_cast %add3A_1100 : i32 to index
      %swap3A_1102 = arith.constant 0 : index
      %swap3A_1103 = tpu.vector_load %arg5[%swap3A_1101, %swap3A_1102] {strides = array<i32>} : memref<1000x128xf32, #tpu.memory_space<vmem>>, vector<16xf32>,
      tpu.vector_store %arg5[%swap3A_1101, %swap3A_1102], %broadcast_in_dim3A_1 {strides = array<i32>} : memref<1000x128xf32, #tpu.memory_space<vmem>>, vector<16xf32>,
      %mul3A_1104 = arith.constant 8 : i32
      %mul3A_1105 = arith.muli %scan3A_985, %mul3A_1104 : i32
      %add3A_1106 = arith.constant 2 : i32
      %add3A_1107 = arith.addi %mul3A_1105, %add3A_1106 : i32
      %swap3A_1108 = arith.index_cast %add3A_1107 : i32 to index
      %swap3A_1109 = arith.constant 16 : index
      %swap3A_1110 = tpu.vector_load %arg5[%swap3A_1108, %swap3A_1109] {strides = array<i32>} : memref<1000x128xf32, #tpu.memory_space<vmem>>, vector<16xf32>,
      tpu.vector_store %arg5[%swap3A_1108, %swap3A_1109], %broadcast_in_dim3A_1 {strides = array<i32>} : memref<1000x128xf32, #tpu.memory_space<vmem>>, vector<16xf32>,
      %mul3A_1111 = arith.constant 8 : i32
      %mul3A_1112 = arith.muli %scan3A_985, %mul3A_1111 : i32
      %add3A_1113 = arith.constant 2 : i32
      %add3A_1114 = arith.addi %mul3A_1112, %add3A_1113 : i32
      %swap3A_1115 = arith.index_cast %add3A_1114 : i32 to index
      %swap3A_1116 = arith.constant 32 : index
      %swap3A_1117 = tpu.vector_load %arg5[%swap3A_1115, %swap3A_1116] {strides = array<i32>} : memref<1000x128xf32, #tpu.memory_space<vmem>>, vector<16xf32>,
      tpu.vector_store %arg5[%swap3A_1115, %swap3A_1116], %broadcast_in_dim3A_1 {strides = array<i32>} : memref<1000x128xf32, #tpu.memory_space<vmem>>, vector<16xf32>,
      %mul3A_1118 = arith.constant 8 : i32
      %mul3A_1119 = arith.muli %scan3A_985, %mul3A_1118 : i32
      %add3A_1120 = arith.constant 2 : i32
      %add3A_1121 = arith.addi %mul3A_1119, %add3A_1120 : i32
      %swap3A_1122 = arith.index_cast %add3A_1121 : i32 to index
      %swap3A_1123 = arith.constant 48 : index
      %swap3A_1124 = tpu.vector_load %arg5[%swap3A_1122, %swap3A_1123] {strides = array<i32>} : memref<1000x128xf32, #tpu.memory_space<vmem>>, vector<16xf32>,
      tpu.vector_store %arg5[%swap3A_1122, %swap3A_1123], %broadcast_in_dim3A_1 {strides = array<i32>} : memref<1000x128xf32, #tpu.memory_space<vmem>>, vector<16xf32>,
      %mul3A_1125 = arith.constant 8 : i32
      %mul3A_1126 = arith.muli %scan3A_985, %mul3A_1125 : i32
      %add3A_1127 = arith.constant 2 : i32
      %add3A_1128 = arith.addi %mul3A_1126, %add3A_1127 : i32
      %swap3A_1129 = arith.index_cast %add3A_1128 : i32 to index
      %swap3A_1130 = arith.constant 64 : index
      %swap3A_1131 = tpu.vector_load %arg5[%swap3A_1129, %swap3A_1130] {strides = array<i32>} : memref<1000x128xf32, #tpu.memory_space<vmem>>, vector<16xf32>,
      tpu.vector_store %arg5[%swap3A_1129, %swap3A_1130], %broadcast_in_dim3A_1 {strides = array<i32>} : memref<1000x128xf32, #tpu.memory_space<vmem>>, vector<16xf32>,
      %mul3A_1132 = arith.constant 8 : i32
      %mul3A_1133 = arith.muli %scan3A_985, %mul3A_1132 : i32
      %add3A_1134 = arith.constant 2 : i32
      %add3A_1135 = arith.addi %mul3A_1133, %add3A_1134 : i32
      %swap3A_1136 = arith.index_cast %add3A_1135 : i32 to index
      %swap3A_1137 = arith.constant 80 : index
      %swap3A_1138 = tpu.vector_load %arg5[%swap3A_1136, %swap3A_1137] {strides = array<i32>} : memref<1000x128xf32, #tpu.memory_space<vmem>>, vector<16xf32>,
      tpu.vector_store %arg5[%swap3A_1136, %swap3A_1137], %broadcast_in_dim3A_1 {strides = array<i32>} : memref<1000x128xf32, #tpu.memory_space<vmem>>, vector<16xf32>,
      %mul3A_1139 = arith.constant 8 : i32
      %mul3A_1140 = arith.muli %scan3A_985, %mul3A_1139 : i32
      %add3A_1141 = arith.constant 2 : i32
      %add3A_1142 = arith.addi %mul3A_1140, %add3A_1141 : i32
      %swap3A_1143 = arith.index_cast %add3A_1142 : i32 to index
      %swap3A_1144 = arith.constant 96 : index
      %swap3A_1145 = tpu.vector_load %arg5[%swap3A_1143, %swap3A_1144] {strides = array<i32>} : memref<1000x128xf32, #tpu.memory_space<vmem>>, vector<16xf32>,
      tpu.vector_store %arg5[%swap3A_1143, %swap3A_1144], %broadcast_in_dim3A_1 {strides = array<i32>} : memref<1000x128xf32, #tpu.memory_space<vmem>>, vector<16xf32>,
      %mul3A_1146 = arith.constant 8 : i32
      %mul3A_1147 = arith.muli %scan3A_985, %mul3A_1146 : i32
      %add3A_1148 = arith.constant 2 : i32
      %add3A_1149 = arith.addi %mul3A_1147, %add3A_1148 : i32
      %swap3A_1150 = arith.index_cast %add3A_1149 : i32 to index
      %swap3A_1151 = arith.constant 112 : index
      %swap3A_1152 = tpu.vector_load %arg5[%swap3A_1150, %swap3A_1151] {strides = array<i32>} : memref<1000x128xf32, #tpu.memory_space<vmem>>, vector<16xf32>,
      tpu.vector_store %arg5[%swap3A_1150, %swap3A_1151], %broadcast_in_dim3A_1 {strides = array<i32>} : memref<1000x128xf32, #tpu.memory_space<vmem>>, vector<16xf32>,
      %mul3A_1153 = arith.constant 8 : i32
      %mul3A_1154 = arith.muli %scan3A_985, %mul3A_1153 : i32
      %add3A_1155 = arith.constant 3 : i32
      %add3A_1156 = arith.addi %mul3A_1154, %add3A_1155 : i32
      %swap3A_1157 = arith.index_cast %add3A_1156 : i32 to index
      %swap3A_1158 = arith.constant 0 : index
      %swap3A_1159 = tpu.vector_load %arg5[%swap3A_1157, %swap3A_1158] {strides = array<i32>} : memref<1000x128xf32, #tpu.memory_space<vmem>>, vector<16xf32>,
      tpu.vector_store %arg5[%swap3A_1157, %swap3A_1158], %broadcast_in_dim3A_1 {strides = array<i32>} : memref<1000x128xf32, #tpu.memory_space<vmem>>, vector<16xf32>,
      %mul3A_1160 = arith.constant 8 : i32
      %mul3A_1161 = arith.muli %scan3A_985, %mul3A_1160 : i32
      %add3A_1162 = arith.constant 3 : i32
      %add3A_1163 = arith.addi %mul3A_1161, %add3A_1162 : i32
      %swap3A_1164 = arith.index_cast %add3A_1163 : i32 to index
      %swap3A_1165 = arith.constant 16 : index
      %swap3A_1166 = tpu.vector_load %arg5[%swap3A_1164, %swap3A_1165] {strides = array<i32>} : memref<1000x128xf32, #tpu.memory_space<vmem>>, vector<16xf32>,
      tpu.vector_store %arg5[%swap3A_1164, %swap3A_1165], %broadcast_in_dim3A_1 {strides = array<i32>} : memref<1000x128xf32, #tpu.memory_space<vmem>>, vector<16xf32>,
      %mul3A_1167 = arith.constant 8 : i32
      %mul3A_1168 = arith.muli %scan3A_985, %mul3A_1167 : i32
      %add3A_1169 = arith.constant 3 : i32
      %add3A_1170 = arith.addi %mul3A_1168, %add3A_1169 : i32
      %swap3A_1171 = arith.index_cast %add3A_1170 : i32 to index
      %swap3A_1172 = arith.constant 32 : index
      %swap3A_1173 = tpu.vector_load %arg5[%swap3A_1171, %swap3A_1172] {strides = array<i32>} : memref<1000x128xf32, #tpu.memory_space<vmem>>, vector<16xf32>,
      tpu.vector_store %arg5[%swap3A_1171, %swap3A_1172], %broadcast_in_dim3A_1 {strides = array<i32>} : memref<1000x128xf32, #tpu.memory_space<vmem>>, vector<16xf32>,
      %mul3A_1174 = arith.constant 8 : i32
      %mul3A_1175 = arith.muli %scan3A_985, %mul3A_1174 : i32
      %add3A_1176 = arith.constant 3 : i32
      %add3A_1177 = arith.addi %mul3A_1175, %add3A_1176 : i32
      %swap3A_1178 = arith.index_cast %add3A_1177 : i32 to index
      %swap3A_1179 = arith.constant 48 : index
      %swap3A_1180 = tpu.vector_load %arg5[%swap3A_1178, %swap3A_1179] {strides = array<i32>} : memref<1000x128xf32, #tpu.memory_space<vmem>>, vector<16xf32>,
      tpu.vector_store %arg5[%swap3A_1178, %swap3A_1179], %broadcast_in_dim3A_1 {strides = array<i32>} : memref<1000x128xf32, #tpu.memory_space<vmem>>, vector<16xf32>,
      %mul3A_1181 = arith.constant 8 : i32
      %mul3A_1182 = arith.muli %scan3A_985, %mul3A_1181 : i32
      %add3A_1183 = arith.constant 3 : i32
      %add3A_1184 = arith.addi %mul3A_1182, %add3A_1183 : i32
      %swap3A_1185 = arith.index_cast %add3A_1184 : i32 to index
      %swap3A_1186 = arith.constant 64 : index
      %swap3A_1187 = tpu.vector_load %arg5[%swap3A_1185, %swap3A_1186] {strides = array<i32>} : memref<1000x128xf32, #tpu.memory_space<vmem>>, vector<16xf32>,
      tpu.vector_store %arg5[%swap3A_1185, %swap3A_1186], %broadcast_in_dim3A_1 {strides = array<i32>} : memref<1000x128xf32, #tpu.memory_space<vmem>>, vector<16xf32>,
      %mul3A_1188 = arith.constant 8 : i32
      %mul3A_1189 = arith.muli %scan3A_985, %mul3A_1188 : i32
      %add3A_1190 = arith.constant 3 : i32
      %add3A_1191 = arith.addi %mul3A_1189, %add3A_1190 : i32
      %swap3A_1192 = arith.index_cast %add3A_1191 : i32 to index
      %swap3A_1193 = arith.constant 80 : index
      %swap3A_1194 = tpu.vector_load %arg5[%swap3A_1192, %swap3A_1193] {strides = array<i32>} : memref<1000x128xf32, #tpu.memory_space<vmem>>, vector<16xf32>,
      tpu.vector_store %arg5[%swap3A_1192, %swap3A_1193], %broadcast_in_dim3A_1 {strides = array<i32>} : memref<1000x128xf32, #tpu.memory_space<vmem>>, vector<16xf32>,
      %mul3A_1195 = arith.constant 8 : i32
      %mul3A_1196 = arith.muli %scan3A_985, %mul3A_1195 : i32
      %add3A_1197 = arith.constant 3 : i32
      %add3A_1198 = arith.addi %mul3A_1196, %add3A_1197 : i32
      %swap3A_1199 = arith.index_cast %add3A_1198 : i32 to index
      %swap3A_1200 = arith.constant 96 : index
      %swap3A_1201 = tpu.vector_load %arg5[%swap3A_1199, %swap3A_1200] {strides = array<i32>} : memref<1000x128xf32, #tpu.memory_space<vmem>>, vector<16xf32>,
      tpu.vector_store %arg5[%swap3A_1199, %swap3A_1200], %broadcast_in_dim3A_1 {strides = array<i32>} : memref<1000x128xf32, #tpu.memory_space<vmem>>, vector<16xf32>,
      %mul3A_1202 = arith.constant 8 : i32
      %mul3A_1203 = arith.muli %scan3A_985, %mul3A_1202 : i32
      %add3A_1204 = arith.constant 3 : i32
      %add3A_1205 = arith.addi %mul3A_1203, %add3A_1204 : i32
      %swap3A_1206 = arith.index_cast %add3A_1205 : i32 to index
      %swap3A_1207 = arith.constant 112 : index
      %swap3A_1208 = tpu.vector_load %arg5[%swap3A_1206, %swap3A_1207] {strides = array<i32>} : memref<1000x128xf32, #tpu.memory_space<vmem>>, vector<16xf32>,
      tpu.vector_store %arg5[%swap3A_1206, %swap3A_1207], %broadcast_in_dim3A_1 {strides = array<i32>} : memref<1000x128xf32, #tpu.memory_space<vmem>>, vector<16xf32>,
      %mul3A_1209 = arith.constant 8 : i32
      %mul3A_1210 = arith.muli %scan3A_985, %mul3A_1209 : i32
      %add3A_1211 = arith.constant 4 : i32
      %add3A_1212 = arith.addi %mul3A_1210, %add3A_1211 : i32
      %swap3A_1213 = arith.index_cast %add3A_1212 : i32 to index
      %swap3A_1214 = arith.constant 0 : index
      %swap3A_1215 = tpu.vector_load %arg5[%swap3A_1213, %swap3A_1214] {strides = array<i32>} : memref<1000x128xf32, #tpu.memory_space<vmem>>, vector<16xf32>,
      tpu.vector_store %arg5[%swap3A_1213, %swap3A_1214], %broadcast_in_dim3A_1 {strides = array<i32>} : memref<1000x128xf32, #tpu.memory_space<vmem>>, vector<16xf32>,
      %mul3A_1216 = arith.constant 8 : i32
      %mul3A_1217 = arith.muli %scan3A_985, %mul3A_1216 : i32
      %add3A_1218 = arith.constant 4 : i32
      %add3A_1219 = arith.addi %mul3A_1217, %add3A_1218 : i32
      %swap3A_1220 = arith.index_cast %add3A_1219 : i32 to index
      %swap3A_1221 = arith.constant 16 : index
      %swap3A_1222 = tpu.vector_load %arg5[%swap3A_1220, %swap3A_1221] {strides = array<i32>} : memref<1000x128xf32, #tpu.memory_space<vmem>>, vector<16xf32>,
      tpu.vector_store %arg5[%swap3A_1220, %swap3A_1221], %broadcast_in_dim3A_1 {strides = array<i32>} : memref<1000x128xf32, #tpu.memory_space<vmem>>, vector<16xf32>,
      %mul3A_1223 = arith.constant 8 : i32
      %mul3A_1224 = arith.muli %scan3A_985, %mul3A_1223 : i32
      %add3A_1225 = arith.constant 4 : i32
      %add3A_1226 = arith.addi %mul3A_1224, %add3A_1225 : i32
      %swap3A_1227 = arith.index_cast %add3A_1226 : i32 to index
      %swap3A_1228 = arith.constant 32 : index
      %swap3A_1229 = tpu.vector_load %arg5[%swap3A_1227, %swap3A_1228] {strides = array<i32>} : memref<1000x128xf32, #tpu.memory_space<vmem>>, vector<16xf32>,
      tpu.vector_store %arg5[%swap3A_1227, %swap3A_1228], %broadcast_in_dim3A_1 {strides = array<i32>} : memref<1000x128xf32, #tpu.memory_space<vmem>>, vector<16xf32>,
      %mul3A_1230 = arith.constant 8 : i32
      %mul3A_1231 = arith.muli %scan3A_985, %mul3A_1230 : i32
      %add3A_1232 = arith.constant 4 : i32
      %add3A_1233 = arith.addi %mul3A_1231, %add3A_1232 : i32
      %swap3A_1234 = arith.index_cast %add3A_1233 : i32 to index
      %swap3A_1235 = arith.constant 48 : index
      %swap3A_1236 = tpu.vector_load %arg5[%swap3A_1234, %swap3A_1235] {strides = array<i32>} : memref<1000x128xf32, #tpu.memory_space<vmem>>, vector<16xf32>,
      tpu.vector_store %arg5[%swap3A_1234, %swap3A_1235], %broadcast_in_dim3A_1 {strides = array<i32>} : memref<1000x128xf32, #tpu.memory_space<vmem>>, vector<16xf32>,
      %mul3A_1237 = arith.constant 8 : i32
      %mul3A_1238 = arith.muli %scan3A_985, %mul3A_1237 : i32
      %add3A_1239 = arith.constant 4 : i32
      %add3A_1240 = arith.addi %mul3A_1238, %add3A_1239 : i32
      %swap3A_1241 = arith.index_cast %add3A_1240 : i32 to index
      %swap3A_1242 = arith.constant 64 : index
      %swap3A_1243 = tpu.vector_load %arg5[%swap3A_1241, %swap3A_1242] {strides = array<i32>} : memref<1000x128xf32, #tpu.memory_space<vmem>>, vector<16xf32>,
      tpu.vector_store %arg5[%swap3A_1241, %swap3A_1242], %broadcast_in_dim3A_1 {strides = array<i32>} : memref<1000x128xf32, #tpu.memory_space<vmem>>, vector<16xf32>,
      %mul3A_1244 = arith.constant 8 : i32
      %mul3A_1245 = arith.muli %scan3A_985, %mul3A_1244 : i32
      %add3A_1246 = arith.constant 4 : i32
      %add3A_1247 = arith.addi %mul3A_1245, %add3A_1246 : i32
      %swap3A_1248 = arith.index_cast %add3A_1247 : i32 to index
      %swap3A_1249 = arith.constant 80 : index
      %swap3A_1250 = tpu.vector_load %arg5[%swap3A_1248, %swap3A_1249] {strides = array<i32>} : memref<1000x128xf32, #tpu.memory_space<vmem>>, vector<16xf32>,
      tpu.vector_store %arg5[%swap3A_1248, %swap3A_1249], %broadcast_in_dim3A_1 {strides = array<i32>} : memref<1000x128xf32, #tpu.memory_space<vmem>>, vector<16xf32>,
      %mul3A_1251 = arith.constant 8 : i32
      %mul3A_1252 = arith.muli %scan3A_985, %mul3A_1251 : i32
      %add3A_1253 = arith.constant 4 : i32
      %add3A_1254 = arith.addi %mul3A_1252, %add3A_1253 : i32
      %swap3A_1255 = arith.index_cast %add3A_1254 : i32 to index
      %swap3A_1256 = arith.constant 96 : index
      %swap3A_1257 = tpu.vector_load %arg5[%swap3A_1255, %swap3A_1256] {strides = array<i32>} : memref<1000x128xf32, #tpu.memory_space<vmem>>, vector<16xf32>,
      tpu.vector_store %arg5[%swap3A_1255, %swap3A_1256], %broadcast_in_dim3A_1 {strides = array<i32>} : memref<1000x128xf32, #tpu.memory_space<vmem>>, vector<16xf32>,
      %mul3A_1258 = arith.constant 8 : i32
      %mul3A_1259 = arith.muli %scan3A_985, %mul3A_1258 : i32
      %add3A_1260 = arith.constant 4 : i32
      %add3A_1261 = arith.addi %mul3A_1259, %add3A_1260 : i32
      %swap3A_1262 = arith.index_cast %add3A_1261 : i32 to index
      %swap3A_1263 = arith.constant 112 : index
      %swap3A_1264 = tpu.vector_load %arg5[%swap3A_1262, %swap3A_1263] {strides = array<i32>} : memref<1000x128xf32, #tpu.memory_space<vmem>>, vector<16xf32>,
      tpu.vector_store %arg5[%swap3A_1262, %swap3A_1263], %broadcast_in_dim3A_1 {strides = array<i32>} : memref<1000x128xf32, #tpu.memory_space<vmem>>, vector<16xf32>,
      %mul3A_1265 = arith.constant 8 : i32
      %mul3A_1266 = arith.muli %scan3A_985, %mul3A_1265 : i32
      %add3A_1267 = arith.constant 5 : i32
      %add3A_1268 = arith.addi %mul3A_1266, %add3A_1267 : i32
      %swap3A_1269 = arith.index_cast %add3A_1268 : i32 to index
      %swap3A_1270 = arith.constant 0 : index
      %swap3A_1271 = tpu.vector_load %arg5[%swap3A_1269, %swap3A_1270] {strides = array<i32>} : memref<1000x128xf32, #tpu.memory_space<vmem>>, vector<16xf32>,
      tpu.vector_store %arg5[%swap3A_1269, %swap3A_1270], %broadcast_in_dim3A_1 {strides = array<i32>} : memref<1000x128xf32, #tpu.memory_space<vmem>>, vector<16xf32>,
      %mul3A_1272 = arith.constant 8 : i32
      %mul3A_1273 = arith.muli %scan3A_985, %mul3A_1272 : i32
      %add3A_1274 = arith.constant 5 : i32
      %add3A_1275 = arith.addi %mul3A_1273, %add3A_1274 : i32
      %swap3A_1276 = arith.index_cast %add3A_1275 : i32 to index
      %swap3A_1277 = arith.constant 16 : index
      %swap3A_1278 = tpu.vector_load %arg5[%swap3A_1276, %swap3A_1277] {strides = array<i32>} : memref<1000x128xf32, #tpu.memory_space<vmem>>, vector<16xf32>,
      tpu.vector_store %arg5[%swap3A_1276, %swap3A_1277], %broadcast_in_dim3A_1 {strides = array<i32>} : memref<1000x128xf32, #tpu.memory_space<vmem>>, vector<16xf32>,
      %mul3A_1279 = arith.constant 8 : i32
      %mul3A_1280 = arith.muli %scan3A_985, %mul3A_1279 : i32
      %add3A_1281 = arith.constant 5 : i32
      %add3A_1282 = arith.addi %mul3A_1280, %add3A_1281 : i32
      %swap3A_1283 = arith.index_cast %add3A_1282 : i32 to index
      %swap3A_1284 = arith.constant 32 : index
      %swap3A_1285 = tpu.vector_load %arg5[%swap3A_1283, %swap3A_1284] {strides = array<i32>} : memref<1000x128xf32, #tpu.memory_space<vmem>>, vector<16xf32>,
      tpu.vector_store %arg5[%swap3A_1283, %swap3A_1284], %broadcast_in_dim3A_1 {strides = array<i32>} : memref<1000x128xf32, #tpu.memory_space<vmem>>, vector<16xf32>,
      %mul3A_1286 = arith.constant 8 : i32
      %mul3A_1287 = arith.muli %scan3A_985, %mul3A_1286 : i32
      %add3A_1288 = arith.constant 5 : i32
      %add3A_1289 = arith.addi %mul3A_1287, %add3A_1288 : i32
      %swap3A_1290 = arith.index_cast %add3A_1289 : i32 to index
      %swap3A_1291 = arith.constant 48 : index
      %swap3A_1292 = tpu.vector_load %arg5[%swap3A_1290, %swap3A_1291] {strides = array<i32>} : memref<1000x128xf32, #tpu.memory_space<vmem>>, vector<16xf32>,
      tpu.vector_store %arg5[%swap3A_1290, %swap3A_1291], %broadcast_in_dim3A_1 {strides = array<i32>} : memref<1000x128xf32, #tpu.memory_space<vmem>>, vector<16xf32>,
      %mul3A_1293 = arith.constant 8 : i32
      %mul3A_1294 = arith.muli %scan3A_985, %mul3A_1293 : i32
      %add3A_1295 = arith.constant 5 : i32
      %add3A_1296 = arith.addi %mul3A_1294, %add3A_1295 : i32
      %swap3A_1297 = arith.index_cast %add3A_1296 : i32 to index
      %swap3A_1298 = arith.constant 64 : index
      %swap3A_1299 = tpu.vector_load %arg5[%swap3A_1297, %swap3A_1298] {strides = array<i32>} : memref<1000x128xf32, #tpu.memory_space<vmem>>, vector<16xf32>,
      tpu.vector_store %arg5[%swap3A_1297, %swap3A_1298], %broadcast_in_dim3A_1 {strides = array<i32>} : memref<1000x128xf32, #tpu.memory_space<vmem>>, vector<16xf32>,
      %mul3A_1300 = arith.constant 8 : i32
      %mul3A_1301 = arith.muli %scan3A_985, %mul3A_1300 : i32
      %add3A_1302 = arith.constant 5 : i32
      %add3A_1303 = arith.addi %mul3A_1301, %add3A_1302 : i32
      %swap3A_1304 = arith.index_cast %add3A_1303 : i32 to index
      %swap3A_1305 = arith.constant 80 : index
      %swap3A_1306 = tpu.vector_load %arg5[%swap3A_1304, %swap3A_1305] {strides = array<i32>} : memref<1000x128xf32, #tpu.memory_space<vmem>>, vector<16xf32>,
      tpu.vector_store %arg5[%swap3A_1304, %swap3A_1305], %broadcast_in_dim3A_1 {strides = array<i32>} : memref<1000x128xf32, #tpu.memory_space<vmem>>, vector<16xf32>,
      %mul3A_1307 = arith.constant 8 : i32
      %mul3A_1308 = arith.muli %scan3A_985, %mul3A_1307 : i32
      %add3A_1309 = arith.constant 5 : i32
      %add3A_1310 = arith.addi %mul3A_1308, %add3A_1309 : i32
      %swap3A_1311 = arith.index_cast %add3A_1310 : i32 to index
      %swap3A_1312 = arith.constant 96 : index
      %swap3A_1313 = tpu.vector_load %arg5[%swap3A_1311, %swap3A_1312] {strides = array<i32>} : memref<1000x128xf32, #tpu.memory_space<vmem>>, vector<16xf32>,
      tpu.vector_store %arg5[%swap3A_1311, %swap3A_1312], %broadcast_in_dim3A_1 {strides = array<i32>} : memref<1000x128xf32, #tpu.memory_space<vmem>>, vector<16xf32>,
      %mul3A_1314 = arith.constant 8 : i32
      %mul3A_1315 = arith.muli %scan3A_985, %mul3A_1314 : i32
      %add3A_1316 = arith.constant 5 : i32
      %add3A_1317 = arith.addi %mul3A_1315, %add3A_1316 : i32
      %swap3A_1318 = arith.index_cast %add3A_1317 : i32 to index
      %swap3A_1319 = arith.constant 112 : index
      %swap3A_1320 = tpu.vector_load %arg5[%swap3A_1318, %swap3A_1319] {strides = array<i32>} : memref<1000x128xf32, #tpu.memory_space<vmem>>, vector<16xf32>,
      tpu.vector_store %arg5[%swap3A_1318, %swap3A_1319], %broadcast_in_dim3A_1 {strides = array<i32>} : memref<1000x128xf32, #tpu.memory_space<vmem>>, vector<16xf32>,
      %mul3A_1321 = arith.constant 8 : i32
      %mul3A_1322 = arith.muli %scan3A_985, %mul3A_1321 : i32
      %add3A_1323 = arith.constant 6 : i32
      %add3A_1324 = arith.addi %mul3A_1322, %add3A_1323 : i32
      %swap3A_1325 = arith.index_cast %add3A_1324 : i32 to index
      %swap3A_1326 = arith.constant 0 : index
      %swap3A_1327 = tpu.vector_load %arg5[%swap3A_1325, %swap3A_1326] {strides = array<i32>} : memref<1000x128xf32, #tpu.memory_space<vmem>>, vector<16xf32>,
      tpu.vector_store %arg5[%swap3A_1325, %swap3A_1326], %broadcast_in_dim3A_1 {strides = array<i32>} : memref<1000x128xf32, #tpu.memory_space<vmem>>, vector<16xf32>,
      %mul3A_1328 = arith.constant 8 : i32
      %mul3A_1329 = arith.muli %scan3A_985, %mul3A_1328 : i32
      %add3A_1330 = arith.constant 6 : i32
      %add3A_1331 = arith.addi %mul3A_1329, %add3A_1330 : i32
      %swap3A_1332 = arith.index_cast %add3A_1331 : i32 to index
      %swap3A_1333 = arith.constant 16 : index
      %swap3A_1334 = tpu.vector_load %arg5[%swap3A_1332, %swap3A_1333] {strides = array<i32>} : memref<1000x128xf32, #tpu.memory_space<vmem>>, vector<16xf32>,
      tpu.vector_store %arg5[%swap3A_1332, %swap3A_1333], %broadcast_in_dim3A_1 {strides = array<i32>} : memref<1000x128xf32, #tpu.memory_space<vmem>>, vector<16xf32>,
      %mul3A_1335 = arith.constant 8 : i32
      %mul3A_1336 = arith.muli %scan3A_985, %mul3A_1335 : i32
      %add3A_1337 = arith.constant 6 : i32
      %add3A_1338 = arith.addi %mul3A_1336, %add3A_1337 : i32
      %swap3A_1339 = arith.index_cast %add3A_1338 : i32 to index
      %swap3A_1340 = arith.constant 32 : index
      %swap3A_1341 = tpu.vector_load %arg5[%swap3A_1339, %swap3A_1340] {strides = array<i32>} : memref<1000x128xf32, #tpu.memory_space<vmem>>, vector<16xf32>,
      tpu.vector_store %arg5[%swap3A_1339, %swap3A_1340], %broadcast_in_dim3A_1 {strides = array<i32>} : memref<1000x128xf32, #tpu.memory_space<vmem>>, vector<16xf32>,
      %mul3A_1342 = arith.constant 8 : i32
      %mul3A_1343 = arith.muli %scan3A_985, %mul3A_1342 : i32
      %add3A_1344 = arith.constant 6 : i32
      %add3A_1345 = arith.addi %mul3A_1343, %add3A_1344 : i32
      %swap3A_1346 = arith.index_cast %add3A_1345 : i32 to index
      %swap3A_1347 = arith.constant 48 : index
      %swap3A_1348 = tpu.vector_load %arg5[%swap3A_1346, %swap3A_1347] {strides = array<i32>} : memref<1000x128xf32, #tpu.memory_space<vmem>>, vector<16xf32>,
      tpu.vector_store %arg5[%swap3A_1346, %swap3A_1347], %broadcast_in_dim3A_1 {strides = array<i32>} : memref<1000x128xf32, #tpu.memory_space<vmem>>, vector<16xf32>,
      %mul3A_1349 = arith.constant 8 : i32
      %mul3A_1350 = arith.muli %scan3A_985, %mul3A_1349 : i32
      %add3A_1351 = arith.constant 6 : i32
      %add3A_1352 = arith.addi %mul3A_1350, %add3A_1351 : i32
      %swap3A_1353 = arith.index_cast %add3A_1352 : i32 to index
      %swap3A_1354 = arith.constant 64 : index
      %swap3A_1355 = tpu.vector_load %arg5[%swap3A_1353, %swap3A_1354] {strides = array<i32>} : memref<1000x128xf32, #tpu.memory_space<vmem>>, vector<16xf32>,
      tpu.vector_store %arg5[%swap3A_1353, %swap3A_1354], %broadcast_in_dim3A_1 {strides = array<i32>} : memref<1000x128xf32, #tpu.memory_space<vmem>>, vector<16xf32>,
      %mul3A_1356 = arith.constant 8 : i32
      %mul3A_1357 = arith.muli %scan3A_985, %mul3A_1356 : i32
      %add3A_1358 = arith.constant 6 : i32
      %add3A_1359 = arith.addi %mul3A_1357, %add3A_1358 : i32
      %swap3A_1360 = arith.index_cast %add3A_1359 : i32 to index
      %swap3A_1361 = arith.constant 80 : index
      %swap3A_1362 = tpu.vector_load %arg5[%swap3A_1360, %swap3A_1361] {strides = array<i32>} : memref<1000x128xf32, #tpu.memory_space<vmem>>, vector<16xf32>,
      tpu.vector_store %arg5[%swap3A_1360, %swap3A_1361], %broadcast_in_dim3A_1 {strides = array<i32>} : memref<1000x128xf32, #tpu.memory_space<vmem>>, vector<16xf32>,
      %mul3A_1363 = arith.constant 8 : i32
      %mul3A_1364 = arith.muli %scan3A_985, %mul3A_1363 : i32
      %add3A_1365 = arith.constant 6 : i32
      %add3A_1366 = arith.addi %mul3A_1364, %add3A_1365 : i32
      %swap3A_1367 = arith.index_cast %add3A_1366 : i32 to index
      %swap3A_1368 = arith.constant 96 : index
      %swap3A_1369 = tpu.vector_load %arg5[%swap3A_1367, %swap3A_1368] {strides = array<i32>} : memref<1000x128xf32, #tpu.memory_space<vmem>>, vector<16xf32>,
      tpu.vector_store %arg5[%swap3A_1367, %swap3A_1368], %broadcast_in_dim3A_1 {strides = array<i32>} : memref<1000x128xf32, #tpu.memory_space<vmem>>, vector<16xf32>,
      %mul3A_1370 = arith.constant 8 : i32
      %mul3A_1371 = arith.muli %scan3A_985, %mul3A_1370 : i32
      %add3A_1372 = arith.constant 6 : i32
      %add3A_1373 = arith.addi %mul3A_1371, %add3A_1372 : i32
      %swap3A_1374 = arith.index_cast %add3A_1373 : i32 to index
      %swap3A_1375 = arith.constant 112 : index
      %swap3A_1376 = tpu.vector_load %arg5[%swap3A_1374, %swap3A_1375] {strides = array<i32>} : memref<1000x128xf32, #tpu.memory_space<vmem>>, vector<16xf32>,
      tpu.vector_store %arg5[%swap3A_1374, %swap3A_1375], %broadcast_in_dim3A_1 {strides = array<i32>} : memref<1000x128xf32, #tpu.memory_space<vmem>>, vector<16xf32>,
      %mul3A_1377 = arith.constant 8 : i32
      %mul3A_1378 = arith.muli %scan3A_985, %mul3A_1377 : i32
      %add3A_1379 = arith.constant 7 : i32
      %add3A_1380 = arith.addi %mul3A_1378, %add3A_1379 : i32
      %swap3A_1381 = arith.index_cast %add3A_1380 : i32 to index
      %swap3A_1382 = arith.constant 0 : index
      %swap3A_1383 = tpu.vector_load %arg5[%swap3A_1381, %swap3A_1382] {strides = array<i32>} : memref<1000x128xf32, #tpu.memory_space<vmem>>, vector<16xf32>,
      tpu.vector_store %arg5[%swap3A_1381, %swap3A_1382], %broadcast_in_dim3A_1 {strides = array<i32>} : memref<1000x128xf32, #tpu.memory_space<vmem>>, vector<16xf32>,
      %mul3A_1384 = arith.constant 8 : i32
      %mul3A_1385 = arith.muli %scan3A_985, %mul3A_1384 : i32
      %add3A_1386 = arith.constant 7 : i32
      %add3A_1387 = arith.addi %mul3A_1385, %add3A_1386 : i32
      %swap3A_1388 = arith.index_cast %add3A_1387 : i32 to index
      %swap3A_1389 = arith.constant 16 : index
      %swap3A_1390 = tpu.vector_load %arg5[%swap3A_1388, %swap3A_1389] {strides = array<i32>} : memref<1000x128xf32, #tpu.memory_space<vmem>>, vector<16xf32>,
      tpu.vector_store %arg5[%swap3A_1388, %swap3A_1389], %broadcast_in_dim3A_1 {strides = array<i32>} : memref<1000x128xf32, #tpu.memory_space<vmem>>, vector<16xf32>,
      %mul3A_1391 = arith.constant 8 : i32
      %mul3A_1392 = arith.muli %scan3A_985, %mul3A_1391 : i32
      %add3A_1393 = arith.constant 7 : i32
      %add3A_1394 = arith.addi %mul3A_1392, %add3A_1393 : i32
      %swap3A_1395 = arith.index_cast %add3A_1394 : i32 to index
      %swap3A_1396 = arith.constant 32 : index
      %swap3A_1397 = tpu.vector_load %arg5[%swap3A_1395, %swap3A_1396] {strides = array<i32>} : memref<1000x128xf32, #tpu.memory_space<vmem>>, vector<16xf32>,
      tpu.vector_store %arg5[%swap3A_1395, %swap3A_1396], %broadcast_in_dim3A_1 {strides = array<i32>} : memref<1000x128xf32, #tpu.memory_space<vmem>>, vector<16xf32>,
      %mul3A_1398 = arith.constant 8 : i32
      %mul3A_1399 = arith.muli %scan3A_985, %mul3A_1398 : i32
      %add3A_1400 = arith.constant 7 : i32
      %add3A_1401 = arith.addi %mul3A_1399, %add3A_1400 : i32
      %swap3A_1402 = arith.index_cast %add3A_1401 : i32 to index
      %swap3A_1403 = arith.constant 48 : index
      %swap3A_1404 = tpu.vector_load %arg5[%swap3A_1402, %swap3A_1403] {strides = array<i32>} : memref<1000x128xf32, #tpu.memory_space<vmem>>, vector<16xf32>,
      tpu.vector_store %arg5[%swap3A_1402, %swap3A_1403], %broadcast_in_dim3A_1 {strides = array<i32>} : memref<1000x128xf32, #tpu.memory_space<vmem>>, vector<16xf32>,
      %mul3A_1405 = arith.constant 8 : i32
      %mul3A_1406 = arith.muli %scan3A_985, %mul3A_1405 : i32
      %add3A_1407 = arith.constant 7 : i32
      %add3A_1408 = arith.addi %mul3A_1406, %add3A_1407 : i32
      %swap3A_1409 = arith.index_cast %add3A_1408 : i32 to index
      %swap3A_1410 = arith.constant 64 : index
      %swap3A_1411 = tpu.vector_load %arg5[%swap3A_1409, %swap3A_1410] {strides = array<i32>} : memref<1000x128xf32, #tpu.memory_space<vmem>>, vector<16xf32>,
      tpu.vector_store %arg5[%swap3A_1409, %swap3A_1410], %broadcast_in_dim3A_1 {strides = array<i32>} : memref<1000x128xf32, #tpu.memory_space<vmem>>, vector<16xf32>,
      %mul3A_1412 = arith.constant 8 : i32
      %mul3A_1413 = arith.muli %scan3A_985, %mul3A_1412 : i32
      %add3A_1414 = arith.constant 7 : i32
      %add3A_1415 = arith.addi %mul3A_1413, %add3A_1414 : i32
      %swap3A_1416 = arith.index_cast %add3A_1415 : i32 to index
      %swap3A_1417 = arith.constant 80 : index
      %swap3A_1418 = tpu.vector_load %arg5[%swap3A_1416, %swap3A_1417] {strides = array<i32>} : memref<1000x128xf32, #tpu.memory_space<vmem>>, vector<16xf32>,
      tpu.vector_store %arg5[%swap3A_1416, %swap3A_1417], %broadcast_in_dim3A_1 {strides = array<i32>} : memref<1000x128xf32, #tpu.memory_space<vmem>>, vector<16xf32>,
      %mul3A_1419 = arith.constant 8 : i32
      %mul3A_1420 = arith.muli %scan3A_985, %mul3A_1419 : i32
      %add3A_1421 = arith.constant 7 : i32
      %add3A_1422 = arith.addi %mul3A_1420, %add3A_1421 : i32
      %swap3A_1423 = arith.index_cast %add3A_1422 : i32 to index
      %swap3A_1424 = arith.constant 96 : index
      %swap3A_1425 = tpu.vector_load %arg5[%swap3A_1423, %swap3A_1424] {strides = array<i32>} : memref<1000x128xf32, #tpu.memory_space<vmem>>, vector<16xf32>,
      tpu.vector_store %arg5[%swap3A_1423, %swap3A_1424], %broadcast_in_dim3A_1 {strides = array<i32>} : memref<1000x128xf32, #tpu.memory_space<vmem>>, vector<16xf32>,
      %mul3A_1426 = arith.constant 8 : i32
      %mul3A_1427 = arith.muli %scan3A_985, %mul3A_1426 : i32
      %add3A_1428 = arith.constant 7 : i32
      %add3A_1429 = arith.addi %mul3A_1427, %add3A_1428 : i32
      %swap3A_1430 = arith.index_cast %add3A_1429 : i32 to index
      %swap3A_1431 = arith.constant 112 : index
      %swap3A_1432 = tpu.vector_load %arg5[%swap3A_1430, %swap3A_1431] {strides = array<i32>} : memref<1000x128xf32, #tpu.memory_space<vmem>>, vector<16xf32>,
      tpu.vector_store %arg5[%swap3A_1430, %swap3A_1431], %broadcast_in_dim3A_1 {strides = array<i32>} : memref<1000x128xf32, #tpu.memory_space<vmem>>, vector<16xf32>,
    }
    %scan3A_347 = arith.constant 32 : i32
    %get3A_348 = arith.constant 0 : i32
    %get3A_349 = arith.index_cast %get3A_348 : i32 to index
    %get3A_350 = arith.constant 0 : index
    %get3A_351 = tpu.vector_load %arg4[%get3A_349, %get3A_350] {strides = array<i32>} : memref<4x128xi32, #tpu.memory_space<vmem>>, vector<16xi32>,
    %ge3A_352 = arith.constant 256 : i32
    %ge3A_353 = vector.broadcast %ge3A_352 : i32 to vector<16xi32>
    %ge3A_354 = arith.cmpi sge, %get3A_351, %ge3A_353 : vector<16xi32>
    %lt3A_355 = arith.constant 512 : i32
    %lt3A_356 = vector.broadcast %lt3A_355 : i32 to vector<16xi32>
    %lt3A_357 = arith.cmpi slt, %get3A_351, %lt3A_356 : vector<16xi32>
    %and3A_358 = arith.andi %ge3A_354, %lt3A_357 : vector<16xi1>
    %add3A_359 = arith.constant 0 : i32
    %add3A_360 = vector.broadcast %add3A_359 : i32 to vector<16xi32>
    %add3A_361 = arith.addi %iota3A, %add3A_360 : vector<16xi32>
    tpu.vector_store_idx %arg5[%get3A_351, %add3A_361], %broadcast_in_dim3A_3 masked %and3A_358 : memref<1000x128xf32, #tpu.memory_space<vmem>>[vector<16xi32>, vector<16xi32>], vector<16xf32>, vector<16xi1>
    %get3A_362 = arith.constant 0 : i32
    %get3A_363 = arith.index_cast %get3A_362 : i32 to index
    %get3A_364 = arith.constant 16 : index
    %get3A_365 = tpu.vector_load %arg4[%get3A_363, %get3A_364] {strides = array<i32>} : memref<4x128xi32, #tpu.memory_space<vmem>>, vector<16xi32>,
    %ge3A_366 = arith.constant 256 : i32
    %ge3A_367 = vector.broadcast %ge3A_366 : i32 to vector<16xi32>
    %ge3A_368 = arith.cmpi sge, %get3A_365, %ge3A_367 : vector<16xi32>
    %lt3A_369 = arith.constant 512 : i32
    %lt3A_370 = vector.broadcast %lt3A_369 : i32 to vector<16xi32>
    %lt3A_371 = arith.cmpi slt, %get3A_365, %lt3A_370 : vector<16xi32>
    %and3A_372 = arith.andi %ge3A_368, %lt3A_371 : vector<16xi1>
    %add3A_373 = arith.constant 16 : i32
    %add3A_374 = vector.broadcast %add3A_373 : i32 to vector<16xi32>
    %add3A_375 = arith.addi %iota3A, %add3A_374 : vector<16xi32>
    tpu.vector_store_idx %arg5[%get3A_365, %add3A_375], %broadcast_in_dim3A_3 masked %and3A_372 : memref<1000x128xf32, #tpu.memory_space<vmem>>[vector<16xi32>, vector<16xi32>], vector<16xf32>, vector<16xi1>
    %get3A_376 = arith.constant 0 : i32
    %get3A_377 = arith.index_cast %get3A_376 : i32 to index
    %get3A_378 = arith.constant 32 : index
    %get3A_379 = tpu.vector_load %arg4[%get3A_377, %get3A_378] {strides = array<i32>} : memref<4x128xi32, #tpu.memory_space<vmem>>, vector<16xi32>,
    %ge3A_380 = arith.constant 256 : i32
    %ge3A_381 = vector.broadcast %ge3A_380 : i32 to vector<16xi32>
    %ge3A_382 = arith.cmpi sge, %get3A_379, %ge3A_381 : vector<16xi32>
    %lt3A_383 = arith.constant 512 : i32
    %lt3A_384 = vector.broadcast %lt3A_383 : i32 to vector<16xi32>
    %lt3A_385 = arith.cmpi slt, %get3A_379, %lt3A_384 : vector<16xi32>
    %and3A_386 = arith.andi %ge3A_382, %lt3A_385 : vector<16xi1>
    %add3A_387 = arith.constant 32 : i32
    %add3A_388 = vector.broadcast %add3A_387 : i32 to vector<16xi32>
    %add3A_389 = arith.addi %iota3A, %add3A_388 : vector<16xi32>
    tpu.vector_store_idx %arg5[%get3A_379, %add3A_389], %broadcast_in_dim3A_3 masked %and3A_386 : memref<1000x128xf32, #tpu.memory_space<vmem>>[vector<16xi32>, vector<16xi32>], vector<16xf32>, vector<16xi1>
    %get3A_390 = arith.constant 0 : i32
    %get3A_391 = arith.index_cast %get3A_390 : i32 to index
    %get3A_392 = arith.constant 48 : index
    %get3A_393 = tpu.vector_load %arg4[%get3A_391, %get3A_392] {strides = array<i32>} : memref<4x128xi32, #tpu.memory_space<vmem>>, vector<16xi32>,
    %ge3A_394 = arith.constant 256 : i32
    %ge3A_395 = vector.broadcast %ge3A_394 : i32 to vector<16xi32>
    %ge3A_396 = arith.cmpi sge, %get3A_393, %ge3A_395 : vector<16xi32>
    %lt3A_397 = arith.constant 512 : i32
    %lt3A_398 = vector.broadcast %lt3A_397 : i32 to vector<16xi32>
    %lt3A_399 = arith.cmpi slt, %get3A_393, %lt3A_398 : vector<16xi32>
    %and3A_400 = arith.andi %ge3A_396, %lt3A_399 : vector<16xi1>
    %add3A_401 = arith.constant 48 : i32
    %add3A_402 = vector.broadcast %add3A_401 : i32 to vector<16xi32>
    %add3A_403 = arith.addi %iota3A, %add3A_402 : vector<16xi32>
    tpu.vector_store_idx %arg5[%get3A_393, %add3A_403], %broadcast_in_dim3A_3 masked %and3A_400 : memref<1000x128xf32, #tpu.memory_space<vmem>>[vector<16xi32>, vector<16xi32>], vector<16xf32>, vector<16xi1>
    %get3A_404 = arith.constant 0 : i32
    %get3A_405 = arith.index_cast %get3A_404 : i32 to index
    %get3A_406 = arith.constant 64 : index
    %get3A_407 = tpu.vector_load %arg4[%get3A_405, %get3A_406] {strides = array<i32>} : memref<4x128xi32, #tpu.memory_space<vmem>>, vector<16xi32>,
    %ge3A_408 = arith.constant 256 : i32
    %ge3A_409 = vector.broadcast %ge3A_408 : i32 to vector<16xi32>
    %ge3A_410 = arith.cmpi sge, %get3A_407, %ge3A_409 : vector<16xi32>
    %lt3A_411 = arith.constant 512 : i32
    %lt3A_412 = vector.broadcast %lt3A_411 : i32 to vector<16xi32>
    %lt3A_413 = arith.cmpi slt, %get3A_407, %lt3A_412 : vector<16xi32>
    %and3A_414 = arith.andi %ge3A_410, %lt3A_413 : vector<16xi1>
    %add3A_415 = arith.constant 64 : i32
    %add3A_416 = vector.broadcast %add3A_415 : i32 to vector<16xi32>
    %add3A_417 = arith.addi %iota3A, %add3A_416 : vector<16xi32>
    tpu.vector_store_idx %arg5[%get3A_407, %add3A_417], %broadcast_in_dim3A_3 masked %and3A_414 : memref<1000x128xf32, #tpu.memory_space<vmem>>[vector<16xi32>, vector<16xi32>], vector<16xf32>, vector<16xi1>
    %get3A_418 = arith.constant 0 : i32
    %get3A_419 = arith.index_cast %get3A_418 : i32 to index
    %get3A_420 = arith.constant 80 : index
    %get3A_421 = tpu.vector_load %arg4[%get3A_419, %get3A_420] {strides = array<i32>} : memref<4x128xi32, #tpu.memory_space<vmem>>, vector<16xi32>,
    %ge3A_422 = arith.constant 256 : i32
    %ge3A_423 = vector.broadcast %ge3A_422 : i32 to vector<16xi32>
    %ge3A_424 = arith.cmpi sge, %get3A_421, %ge3A_423 : vector<16xi32>
    %lt3A_425 = arith.constant 512 : i32
    %lt3A_426 = vector.broadcast %lt3A_425 : i32 to vector<16xi32>
    %lt3A_427 = arith.cmpi slt, %get3A_421, %lt3A_426 : vector<16xi32>
    %and3A_428 = arith.andi %ge3A_424, %lt3A_427 : vector<16xi1>
    %add3A_429 = arith.constant 80 : i32
    %add3A_430 = vector.broadcast %add3A_429 : i32 to vector<16xi32>
    %add3A_431 = arith.addi %iota3A, %add3A_430 : vector<16xi32>
    tpu.vector_store_idx %arg5[%get3A_421, %add3A_431], %broadcast_in_dim3A_3 masked %and3A_428 : memref<1000x128xf32, #tpu.memory_space<vmem>>[vector<16xi32>, vector<16xi32>], vector<16xf32>, vector<16xi1>
    %get3A_432 = arith.constant 0 : i32
    %get3A_433 = arith.index_cast %get3A_432 : i32 to index
    %get3A_434 = arith.constant 96 : index
    %get3A_435 = tpu.vector_load %arg4[%get3A_433, %get3A_434] {strides = array<i32>} : memref<4x128xi32, #tpu.memory_space<vmem>>, vector<16xi32>,
    %ge3A_436 = arith.constant 256 : i32
    %ge3A_437 = vector.broadcast %ge3A_436 : i32 to vector<16xi32>
    %ge3A_438 = arith.cmpi sge, %get3A_435, %ge3A_437 : vector<16xi32>
    %lt3A_439 = arith.constant 512 : i32
    %lt3A_440 = vector.broadcast %lt3A_439 : i32 to vector<16xi32>
    %lt3A_441 = arith.cmpi slt, %get3A_435, %lt3A_440 : vector<16xi32>
    %and3A_442 = arith.andi %ge3A_438, %lt3A_441 : vector<16xi1>
    %add3A_443 = arith.constant 96 : i32
    %add3A_444 = vector.broadcast %add3A_443 : i32 to vector<16xi32>
    %add3A_445 = arith.addi %iota3A, %add3A_444 : vector<16xi32>
    tpu.vector_store_idx %arg5[%get3A_435, %add3A_445], %broadcast_in_dim3A_3 masked %and3A_442 : memref<1000x128xf32, #tpu.memory_space<vmem>>[vector<16xi32>, vector<16xi32>], vector<16xf32>, vector<16xi1>
    %get3A_446 = arith.constant 0 : i32
    %get3A_447 = arith.index_cast %get3A_446 : i32 to index
    %get3A_448 = arith.constant 112 : index
    %get3A_449 = tpu.vector_load %arg4[%get3A_447, %get3A_448] {strides = array<i32>} : memref<4x128xi32, #tpu.memory_space<vmem>>, vector<16xi32>,
    %ge3A_450 = arith.constant 256 : i32
    %ge3A_451 = vector.broadcast %ge3A_450 : i32 to vector<16xi32>
    %ge3A_452 = arith.cmpi sge, %get3A_449, %ge3A_451 : vector<16xi32>
    %lt3A_453 = arith.constant 512 : i32
    %lt3A_454 = vector.broadcast %lt3A_453 : i32 to vector<16xi32>
    %lt3A_455 = arith.cmpi slt, %get3A_449, %lt3A_454 : vector<16xi32>
    %and3A_456 = arith.andi %ge3A_452, %lt3A_455 : vector<16xi1>
    %add3A_457 = arith.constant 112 : i32
    %add3A_458 = vector.broadcast %add3A_457 : i32 to vector<16xi32>
    %add3A_459 = arith.addi %iota3A, %add3A_458 : vector<16xi32>
    tpu.vector_store_idx %arg5[%get3A_449, %add3A_459], %broadcast_in_dim3A_3 masked %and3A_456 : memref<1000x128xf32, #tpu.memory_space<vmem>>[vector<16xi32>, vector<16xi32>], vector<16xf32>, vector<16xi1>
    %add3A_460 = arith.constant 0 : i32
    %add3A_461 = arith.addi %add3A_460, %add3A : i32
    %jit3A_462 = arith.constant 32 : i32
    %div3A_463 = arith.divsi %add3A_461, %jit3A_462 : i32
    %sign3A_464 = arith.constant 0 : i32
    %sign3A_465 = arith.cmpi sgt, %add3A_461, %sign3A_464 : i32
    %sign3A_466 = arith.extui %sign3A_465 : i1 to i32
    %sign3A_467 = arith.constant 0 : i32
    %sign3A_468 = arith.cmpi slt, %add3A_461, %sign3A_467 : i32
    %sign3A_469 = arith.extui %sign3A_468 : i1 to i32
    %sign3A_470 = arith.subi %sign3A_466, %sign3A_469 : i32
    %sign3A_471 = arith.constant 0 : i32
    %sign3A_472 = arith.cmpi sgt, %jit3A_462, %sign3A_471 : i32
    %sign3A_473 = arith.extui %sign3A_472 : i1 to i32
    %sign3A_474 = arith.constant 0 : i32
    %sign3A_475 = arith.cmpi slt, %jit3A_462, %sign3A_474 : i32
    %sign3A_476 = arith.extui %sign3A_475 : i1 to i32
    %sign3A_477 = arith.subi %sign3A_473, %sign3A_476 : i32
    %ne3A_478 = arith.cmpi ne, %sign3A_470, %sign3A_477 : i32
    %rem3A_479 = arith.remsi %add3A_461, %jit3A_462 : i32
    %ne3A_480 = arith.constant 0 : i32
    %ne3A_481 = arith.cmpi ne, %rem3A_479, %ne3A_480 : i32
    %and3A_482 = arith.andi %ne3A_478, %ne3A_481 : i1
    %sub3A_483 = arith.constant 1 : i32
    %sub3A_484 = arith.subi %div3A_463, %sub3A_483 : i32
    %select_n3A_485 = arith.select %and3A_482, %sub3A_484, %div3A_463 : i32
    %jit3A_486 = arith.constant 32 : i32
    %eq3A_487 = arith.constant 0 : i32
    %eq3A_488 = arith.cmpi eq, %jit3A_486, %eq3A_487 : i32
    %jit3A_489 = arith.constant 1 : i32
    %select_n3A_490 = arith.select %eq3A_488, %jit3A_489, %jit3A_486 : i32
    %rem3A_491 = arith.remsi %add3A_461, %select_n3A_490 : i32
    %ne3A_492 = arith.constant 0 : i32
    %ne3A_493 = arith.cmpi ne, %rem3A_491, %ne3A_492 : i32
    %lt3A_494 = arith.constant 0 : i32
    %lt3A_495 = arith.cmpi slt, %rem3A_491, %lt3A_494 : i32
    %lt3A_496 = arith.constant 0 : i32
    %lt3A_497 = arith.cmpi slt, %select_n3A_490, %lt3A_496 : i32
    %ne3A_498 = arith.xori %lt3A_495, %lt3A_497 : i1
    %and3A_499 = arith.andi %ne3A_498, %ne3A_493 : i1
    %add3A_500 = arith.addi %rem3A_491, %select_n3A_490 : i32
    %select_n3A_501 = arith.select %and3A_499, %add3A_500, %rem3A_491 : i32
    %mul3A_502 = arith.constant 128 : i32
    %mul3A_503 = arith.muli %select_n3A_501, %mul3A_502 : i32
    %dma_start3A_504 = arith.constant 256 : i32
    %dma_start3A_505 = arith.constant 0 : i32
    %dma_start3A_506 = tpu.memref_slice %arg5[%dma_start3A_504, %dma_start3A_505] : memref<1000x128xf32, #tpu.memory_space<vmem>> -> memref<256x128xf32, #tpu.memory_space<vmem>>
    %dma_start3A_507 = arith.constant 256 : i32
    %dma_start3A_508 = tpu.memref_slice %arg3[%select_n3A_485, %dma_start3A_507, %mul3A_503] : memref<26x1000x4096xf32, #tpu.memory_space<hbm>> -> memref<1x256x128xf32, #tpu.memory_space<hbm>>
    %dma_start3A_509 = tpu.memref_squeeze %dma_start3A_508 : memref<1x256x128xf32, #tpu.memory_space<hbm>> -> memref<256x128xf32, #tpu.memory_space<hbm>>
    %dma_start3A_510 = arith.constant 256 : i32
    %dma_start3A_511 = tpu.memref_slice %arg3[%select_n3A_485, %dma_start3A_510, %mul3A_503] : memref<26x1000x4096xf32, #tpu.memory_space<hbm>> -> memref<1x256x128xf32, #tpu.memory_space<hbm>>
    %dma_start3A_512 = tpu.memref_squeeze %dma_start3A_511 : memref<1x256x128xf32, #tpu.memory_space<hbm>> -> memref<256x128xf32, #tpu.memory_space<hbm>>
    %dma_start3A_513 = arith.constant 256 : i32
    %dma_start3A_514 = arith.constant 0 : i32
    %dma_start3A_515 = tpu.memref_slice %arg5[%dma_start3A_513, %dma_start3A_514] : memref<1000x128xf32, #tpu.memory_space<vmem>> -> memref<256x128xf32, #tpu.memory_space<vmem>>
    tpu.enqueue_dma source(%dma_start3A_515 : memref<256x128xf32, #tpu.memory_space<vmem>>) target(%dma_start3A_512 : memref<256x128xf32, #tpu.memory_space<hbm>>) target_semaphore(%arg11 : memref<!tpu.dma_semaphore, #tpu.memory_space<semaphore_mem>>)
    %scan3A_516 = arith.constant 0 : i32
    %scan3A_517 = arith.constant 64 : i32
    %scan3A_518 = arith.constant 32 : i32
    %scan3A_519 = arith.addi %scan3A_517, %scan3A_518 : i32
    %scan3A_520 = arith.constant 1 : i32
    scf.for %scan3A_985 = %scan3A_517 to %scan3A_519 step %scan3A_520  : i32 {
      %mul3A_986 = arith.constant 8 : i32
      %mul3A_987 = arith.muli %scan3A_985, %mul3A_986 : i32
      %add3A_988 = arith.constant 0 : i32
      %add3A_989 = arith.addi %mul3A_987, %add3A_988 : i32
      %swap3A = arith.index_cast %add3A_989 : i32 to index
      %swap3A_990 = arith.constant 0 : index
      %swap3A_991 = tpu.vector_load %arg5[%swap3A, %swap3A_990] {strides = array<i32>} : memref<1000x128xf32, #tpu.memory_space<vmem>>, vector<16xf32>,
      tpu.vector_store %arg5[%swap3A, %swap3A_990], %broadcast_in_dim3A_1 {strides = array<i32>} : memref<1000x128xf32, #tpu.memory_space<vmem>>, vector<16xf32>,
      %mul3A_992 = arith.constant 8 : i32
      %mul3A_993 = arith.muli %scan3A_985, %mul3A_992 : i32
      %add3A_994 = arith.constant 0 : i32
      %add3A_995 = arith.addi %mul3A_993, %add3A_994 : i32
      %swap3A_996 = arith.index_cast %add3A_995 : i32 to index
      %swap3A_997 = arith.constant 16 : index
      %swap3A_998 = tpu.vector_load %arg5[%swap3A_996, %swap3A_997] {strides = array<i32>} : memref<1000x128xf32, #tpu.memory_space<vmem>>, vector<16xf32>,
      tpu.vector_store %arg5[%swap3A_996, %swap3A_997], %broadcast_in_dim3A_1 {strides = array<i32>} : memref<1000x128xf32, #tpu.memory_space<vmem>>, vector<16xf32>,
      %mul3A_999 = arith.constant 8 : i32
      %mul3A_1000 = arith.muli %scan3A_985, %mul3A_999 : i32
      %add3A_1001 = arith.constant 0 : i32
      %add3A_1002 = arith.addi %mul3A_1000, %add3A_1001 : i32
      %swap3A_1003 = arith.index_cast %add3A_1002 : i32 to index
      %swap3A_1004 = arith.constant 32 : index
      %swap3A_1005 = tpu.vector_load %arg5[%swap3A_1003, %swap3A_1004] {strides = array<i32>} : memref<1000x128xf32, #tpu.memory_space<vmem>>, vector<16xf32>,
      tpu.vector_store %arg5[%swap3A_1003, %swap3A_1004], %broadcast_in_dim3A_1 {strides = array<i32>} : memref<1000x128xf32, #tpu.memory_space<vmem>>, vector<16xf32>,
      %mul3A_1006 = arith.constant 8 : i32
      %mul3A_1007 = arith.muli %scan3A_985, %mul3A_1006 : i32
      %add3A_1008 = arith.constant 0 : i32
      %add3A_1009 = arith.addi %mul3A_1007, %add3A_1008 : i32
      %swap3A_1010 = arith.index_cast %add3A_1009 : i32 to index
      %swap3A_1011 = arith.constant 48 : index
      %swap3A_1012 = tpu.vector_load %arg5[%swap3A_1010, %swap3A_1011] {strides = array<i32>} : memref<1000x128xf32, #tpu.memory_space<vmem>>, vector<16xf32>,
      tpu.vector_store %arg5[%swap3A_1010, %swap3A_1011], %broadcast_in_dim3A_1 {strides = array<i32>} : memref<1000x128xf32, #tpu.memory_space<vmem>>, vector<16xf32>,
      %mul3A_1013 = arith.constant 8 : i32
      %mul3A_1014 = arith.muli %scan3A_985, %mul3A_1013 : i32
      %add3A_1015 = arith.constant 0 : i32
      %add3A_1016 = arith.addi %mul3A_1014, %add3A_1015 : i32
      %swap3A_1017 = arith.index_cast %add3A_1016 : i32 to index
      %swap3A_1018 = arith.constant 64 : index
      %swap3A_1019 = tpu.vector_load %arg5[%swap3A_1017, %swap3A_1018] {strides = array<i32>} : memref<1000x128xf32, #tpu.memory_space<vmem>>, vector<16xf32>,
      tpu.vector_store %arg5[%swap3A_1017, %swap3A_1018], %broadcast_in_dim3A_1 {strides = array<i32>} : memref<1000x128xf32, #tpu.memory_space<vmem>>, vector<16xf32>,
      %mul3A_1020 = arith.constant 8 : i32
      %mul3A_1021 = arith.muli %scan3A_985, %mul3A_1020 : i32
      %add3A_1022 = arith.constant 0 : i32
      %add3A_1023 = arith.addi %mul3A_1021, %add3A_1022 : i32
      %swap3A_1024 = arith.index_cast %add3A_1023 : i32 to index
      %swap3A_1025 = arith.constant 80 : index
      %swap3A_1026 = tpu.vector_load %arg5[%swap3A_1024, %swap3A_1025] {strides = array<i32>} : memref<1000x128xf32, #tpu.memory_space<vmem>>, vector<16xf32>,
      tpu.vector_store %arg5[%swap3A_1024, %swap3A_1025], %broadcast_in_dim3A_1 {strides = array<i32>} : memref<1000x128xf32, #tpu.memory_space<vmem>>, vector<16xf32>,
      %mul3A_1027 = arith.constant 8 : i32
      %mul3A_1028 = arith.muli %scan3A_985, %mul3A_1027 : i32
      %add3A_1029 = arith.constant 0 : i32
      %add3A_1030 = arith.addi %mul3A_1028, %add3A_1029 : i32
      %swap3A_1031 = arith.index_cast %add3A_1030 : i32 to index
      %swap3A_1032 = arith.constant 96 : index
      %swap3A_1033 = tpu.vector_load %arg5[%swap3A_1031, %swap3A_1032] {strides = array<i32>} : memref<1000x128xf32, #tpu.memory_space<vmem>>, vector<16xf32>,
      tpu.vector_store %arg5[%swap3A_1031, %swap3A_1032], %broadcast_in_dim3A_1 {strides = array<i32>} : memref<1000x128xf32, #tpu.memory_space<vmem>>, vector<16xf32>,
      %mul3A_1034 = arith.constant 8 : i32
      %mul3A_1035 = arith.muli %scan3A_985, %mul3A_1034 : i32
      %add3A_1036 = arith.constant 0 : i32
      %add3A_1037 = arith.addi %mul3A_1035, %add3A_1036 : i32
      %swap3A_1038 = arith.index_cast %add3A_1037 : i32 to index
      %swap3A_1039 = arith.constant 112 : index
      %swap3A_1040 = tpu.vector_load %arg5[%swap3A_1038, %swap3A_1039] {strides = array<i32>} : memref<1000x128xf32, #tpu.memory_space<vmem>>, vector<16xf32>,
      tpu.vector_store %arg5[%swap3A_1038, %swap3A_1039], %broadcast_in_dim3A_1 {strides = array<i32>} : memref<1000x128xf32, #tpu.memory_space<vmem>>, vector<16xf32>,
      %mul3A_1041 = arith.constant 8 : i32
      %mul3A_1042 = arith.muli %scan3A_985, %mul3A_1041 : i32
      %add3A_1043 = arith.constant 1 : i32
      %add3A_1044 = arith.addi %mul3A_1042, %add3A_1043 : i32
      %swap3A_1045 = arith.index_cast %add3A_1044 : i32 to index
      %swap3A_1046 = arith.constant 0 : index
      %swap3A_1047 = tpu.vector_load %arg5[%swap3A_1045, %swap3A_1046] {strides = array<i32>} : memref<1000x128xf32, #tpu.memory_space<vmem>>, vector<16xf32>,
      tpu.vector_store %arg5[%swap3A_1045, %swap3A_1046], %broadcast_in_dim3A_1 {strides = array<i32>} : memref<1000x128xf32, #tpu.memory_space<vmem>>, vector<16xf32>,
      %mul3A_1048 = arith.constant 8 : i32
      %mul3A_1049 = arith.muli %scan3A_985, %mul3A_1048 : i32
      %add3A_1050 = arith.constant 1 : i32
      %add3A_1051 = arith.addi %mul3A_1049, %add3A_1050 : i32
      %swap3A_1052 = arith.index_cast %add3A_1051 : i32 to index
      %swap3A_1053 = arith.constant 16 : index
      %swap3A_1054 = tpu.vector_load %arg5[%swap3A_1052, %swap3A_1053] {strides = array<i32>} : memref<1000x128xf32, #tpu.memory_space<vmem>>, vector<16xf32>,
      tpu.vector_store %arg5[%swap3A_1052, %swap3A_1053], %broadcast_in_dim3A_1 {strides = array<i32>} : memref<1000x128xf32, #tpu.memory_space<vmem>>, vector<16xf32>,
      %mul3A_1055 = arith.constant 8 : i32
      %mul3A_1056 = arith.muli %scan3A_985, %mul3A_1055 : i32
      %add3A_1057 = arith.constant 1 : i32
      %add3A_1058 = arith.addi %mul3A_1056, %add3A_1057 : i32
      %swap3A_1059 = arith.index_cast %add3A_1058 : i32 to index
      %swap3A_1060 = arith.constant 32 : index
      %swap3A_1061 = tpu.vector_load %arg5[%swap3A_1059, %swap3A_1060] {strides = array<i32>} : memref<1000x128xf32, #tpu.memory_space<vmem>>, vector<16xf32>,
      tpu.vector_store %arg5[%swap3A_1059, %swap3A_1060], %broadcast_in_dim3A_1 {strides = array<i32>} : memref<1000x128xf32, #tpu.memory_space<vmem>>, vector<16xf32>,
      %mul3A_1062 = arith.constant 8 : i32
      %mul3A_1063 = arith.muli %scan3A_985, %mul3A_1062 : i32
      %add3A_1064 = arith.constant 1 : i32
      %add3A_1065 = arith.addi %mul3A_1063, %add3A_1064 : i32
      %swap3A_1066 = arith.index_cast %add3A_1065 : i32 to index
      %swap3A_1067 = arith.constant 48 : index
      %swap3A_1068 = tpu.vector_load %arg5[%swap3A_1066, %swap3A_1067] {strides = array<i32>} : memref<1000x128xf32, #tpu.memory_space<vmem>>, vector<16xf32>,
      tpu.vector_store %arg5[%swap3A_1066, %swap3A_1067], %broadcast_in_dim3A_1 {strides = array<i32>} : memref<1000x128xf32, #tpu.memory_space<vmem>>, vector<16xf32>,
      %mul3A_1069 = arith.constant 8 : i32
      %mul3A_1070 = arith.muli %scan3A_985, %mul3A_1069 : i32
      %add3A_1071 = arith.constant 1 : i32
      %add3A_1072 = arith.addi %mul3A_1070, %add3A_1071 : i32
      %swap3A_1073 = arith.index_cast %add3A_1072 : i32 to index
      %swap3A_1074 = arith.constant 64 : index
      %swap3A_1075 = tpu.vector_load %arg5[%swap3A_1073, %swap3A_1074] {strides = array<i32>} : memref<1000x128xf32, #tpu.memory_space<vmem>>, vector<16xf32>,
      tpu.vector_store %arg5[%swap3A_1073, %swap3A_1074], %broadcast_in_dim3A_1 {strides = array<i32>} : memref<1000x128xf32, #tpu.memory_space<vmem>>, vector<16xf32>,
      %mul3A_1076 = arith.constant 8 : i32
      %mul3A_1077 = arith.muli %scan3A_985, %mul3A_1076 : i32
      %add3A_1078 = arith.constant 1 : i32
      %add3A_1079 = arith.addi %mul3A_1077, %add3A_1078 : i32
      %swap3A_1080 = arith.index_cast %add3A_1079 : i32 to index
      %swap3A_1081 = arith.constant 80 : index
      %swap3A_1082 = tpu.vector_load %arg5[%swap3A_1080, %swap3A_1081] {strides = array<i32>} : memref<1000x128xf32, #tpu.memory_space<vmem>>, vector<16xf32>,
      tpu.vector_store %arg5[%swap3A_1080, %swap3A_1081], %broadcast_in_dim3A_1 {strides = array<i32>} : memref<1000x128xf32, #tpu.memory_space<vmem>>, vector<16xf32>,
      %mul3A_1083 = arith.constant 8 : i32
      %mul3A_1084 = arith.muli %scan3A_985, %mul3A_1083 : i32
      %add3A_1085 = arith.constant 1 : i32
      %add3A_1086 = arith.addi %mul3A_1084, %add3A_1085 : i32
      %swap3A_1087 = arith.index_cast %add3A_1086 : i32 to index
      %swap3A_1088 = arith.constant 96 : index
      %swap3A_1089 = tpu.vector_load %arg5[%swap3A_1087, %swap3A_1088] {strides = array<i32>} : memref<1000x128xf32, #tpu.memory_space<vmem>>, vector<16xf32>,
      tpu.vector_store %arg5[%swap3A_1087, %swap3A_1088], %broadcast_in_dim3A_1 {strides = array<i32>} : memref<1000x128xf32, #tpu.memory_space<vmem>>, vector<16xf32>,
      %mul3A_1090 = arith.constant 8 : i32
      %mul3A_1091 = arith.muli %scan3A_985, %mul3A_1090 : i32
      %add3A_1092 = arith.constant 1 : i32
      %add3A_1093 = arith.addi %mul3A_1091, %add3A_1092 : i32
      %swap3A_1094 = arith.index_cast %add3A_1093 : i32 to index
      %swap3A_1095 = arith.constant 112 : index
      %swap3A_1096 = tpu.vector_load %arg5[%swap3A_1094, %swap3A_1095] {strides = array<i32>} : memref<1000x128xf32, #tpu.memory_space<vmem>>, vector<16xf32>,
      tpu.vector_store %arg5[%swap3A_1094, %swap3A_1095], %broadcast_in_dim3A_1 {strides = array<i32>} : memref<1000x128xf32, #tpu.memory_space<vmem>>, vector<16xf32>,
      %mul3A_1097 = arith.constant 8 : i32
      %mul3A_1098 = arith.muli %scan3A_985, %mul3A_1097 : i32
      %add3A_1099 = arith.constant 2 : i32
      %add3A_1100 = arith.addi %mul3A_1098, %add3A_1099 : i32
      %swap3A_1101 = arith.index_cast %add3A_1100 : i32 to index
      %swap3A_1102 = arith.constant 0 : index
      %swap3A_1103 = tpu.vector_load %arg5[%swap3A_1101, %swap3A_1102] {strides = array<i32>} : memref<1000x128xf32, #tpu.memory_space<vmem>>, vector<16xf32>,
      tpu.vector_store %arg5[%swap3A_1101, %swap3A_1102], %broadcast_in_dim3A_1 {strides = array<i32>} : memref<1000x128xf32, #tpu.memory_space<vmem>>, vector<16xf32>,
      %mul3A_1104 = arith.constant 8 : i32
      %mul3A_1105 = arith.muli %scan3A_985, %mul3A_1104 : i32
      %add3A_1106 = arith.constant 2 : i32
      %add3A_1107 = arith.addi %mul3A_1105, %add3A_1106 : i32
      %swap3A_1108 = arith.index_cast %add3A_1107 : i32 to index
      %swap3A_1109 = arith.constant 16 : index
      %swap3A_1110 = tpu.vector_load %arg5[%swap3A_1108, %swap3A_1109] {strides = array<i32>} : memref<1000x128xf32, #tpu.memory_space<vmem>>, vector<16xf32>,
      tpu.vector_store %arg5[%swap3A_1108, %swap3A_1109], %broadcast_in_dim3A_1 {strides = array<i32>} : memref<1000x128xf32, #tpu.memory_space<vmem>>, vector<16xf32>,
      %mul3A_1111 = arith.constant 8 : i32
      %mul3A_1112 = arith.muli %scan3A_985, %mul3A_1111 : i32
      %add3A_1113 = arith.constant 2 : i32
      %add3A_1114 = arith.addi %mul3A_1112, %add3A_1113 : i32
      %swap3A_1115 = arith.index_cast %add3A_1114 : i32 to index
      %swap3A_1116 = arith.constant 32 : index
      %swap3A_1117 = tpu.vector_load %arg5[%swap3A_1115, %swap3A_1116] {strides = array<i32>} : memref<1000x128xf32, #tpu.memory_space<vmem>>, vector<16xf32>,
      tpu.vector_store %arg5[%swap3A_1115, %swap3A_1116], %broadcast_in_dim3A_1 {strides = array<i32>} : memref<1000x128xf32, #tpu.memory_space<vmem>>, vector<16xf32>,
      %mul3A_1118 = arith.constant 8 : i32
      %mul3A_1119 = arith.muli %scan3A_985, %mul3A_1118 : i32
      %add3A_1120 = arith.constant 2 : i32
      %add3A_1121 = arith.addi %mul3A_1119, %add3A_1120 : i32
      %swap3A_1122 = arith.index_cast %add3A_1121 : i32 to index
      %swap3A_1123 = arith.constant 48 : index
      %swap3A_1124 = tpu.vector_load %arg5[%swap3A_1122, %swap3A_1123] {strides = array<i32>} : memref<1000x128xf32, #tpu.memory_space<vmem>>, vector<16xf32>,
      tpu.vector_store %arg5[%swap3A_1122, %swap3A_1123], %broadcast_in_dim3A_1 {strides = array<i32>} : memref<1000x128xf32, #tpu.memory_space<vmem>>, vector<16xf32>,
      %mul3A_1125 = arith.constant 8 : i32
      %mul3A_1126 = arith.muli %scan3A_985, %mul3A_1125 : i32
      %add3A_1127 = arith.constant 2 : i32
      %add3A_1128 = arith.addi %mul3A_1126, %add3A_1127 : i32
      %swap3A_1129 = arith.index_cast %add3A_1128 : i32 to index
      %swap3A_1130 = arith.constant 64 : index
      %swap3A_1131 = tpu.vector_load %arg5[%swap3A_1129, %swap3A_1130] {strides = array<i32>} : memref<1000x128xf32, #tpu.memory_space<vmem>>, vector<16xf32>,
      tpu.vector_store %arg5[%swap3A_1129, %swap3A_1130], %broadcast_in_dim3A_1 {strides = array<i32>} : memref<1000x128xf32, #tpu.memory_space<vmem>>, vector<16xf32>,
      %mul3A_1132 = arith.constant 8 : i32
      %mul3A_1133 = arith.muli %scan3A_985, %mul3A_1132 : i32
      %add3A_1134 = arith.constant 2 : i32
      %add3A_1135 = arith.addi %mul3A_1133, %add3A_1134 : i32
      %swap3A_1136 = arith.index_cast %add3A_1135 : i32 to index
      %swap3A_1137 = arith.constant 80 : index
      %swap3A_1138 = tpu.vector_load %arg5[%swap3A_1136, %swap3A_1137] {strides = array<i32>} : memref<1000x128xf32, #tpu.memory_space<vmem>>, vector<16xf32>,
      tpu.vector_store %arg5[%swap3A_1136, %swap3A_1137], %broadcast_in_dim3A_1 {strides = array<i32>} : memref<1000x128xf32, #tpu.memory_space<vmem>>, vector<16xf32>,
      %mul3A_1139 = arith.constant 8 : i32
      %mul3A_1140 = arith.muli %scan3A_985, %mul3A_1139 : i32
      %add3A_1141 = arith.constant 2 : i32
      %add3A_1142 = arith.addi %mul3A_1140, %add3A_1141 : i32
      %swap3A_1143 = arith.index_cast %add3A_1142 : i32 to index
      %swap3A_1144 = arith.constant 96 : index
      %swap3A_1145 = tpu.vector_load %arg5[%swap3A_1143, %swap3A_1144] {strides = array<i32>} : memref<1000x128xf32, #tpu.memory_space<vmem>>, vector<16xf32>,
      tpu.vector_store %arg5[%swap3A_1143, %swap3A_1144], %broadcast_in_dim3A_1 {strides = array<i32>} : memref<1000x128xf32, #tpu.memory_space<vmem>>, vector<16xf32>,
      %mul3A_1146 = arith.constant 8 : i32
      %mul3A_1147 = arith.muli %scan3A_985, %mul3A_1146 : i32
      %add3A_1148 = arith.constant 2 : i32
      %add3A_1149 = arith.addi %mul3A_1147, %add3A_1148 : i32
      %swap3A_1150 = arith.index_cast %add3A_1149 : i32 to index
      %swap3A_1151 = arith.constant 112 : index
      %swap3A_1152 = tpu.vector_load %arg5[%swap3A_1150, %swap3A_1151] {strides = array<i32>} : memref<1000x128xf32, #tpu.memory_space<vmem>>, vector<16xf32>,
      tpu.vector_store %arg5[%swap3A_1150, %swap3A_1151], %broadcast_in_dim3A_1 {strides = array<i32>} : memref<1000x128xf32, #tpu.memory_space<vmem>>, vector<16xf32>,
      %mul3A_1153 = arith.constant 8 : i32
      %mul3A_1154 = arith.muli %scan3A_985, %mul3A_1153 : i32
      %add3A_1155 = arith.constant 3 : i32
      %add3A_1156 = arith.addi %mul3A_1154, %add3A_1155 : i32
      %swap3A_1157 = arith.index_cast %add3A_1156 : i32 to index
      %swap3A_1158 = arith.constant 0 : index
      %swap3A_1159 = tpu.vector_load %arg5[%swap3A_1157, %swap3A_1158] {strides = array<i32>} : memref<1000x128xf32, #tpu.memory_space<vmem>>, vector<16xf32>,
      tpu.vector_store %arg5[%swap3A_1157, %swap3A_1158], %broadcast_in_dim3A_1 {strides = array<i32>} : memref<1000x128xf32, #tpu.memory_space<vmem>>, vector<16xf32>,
      %mul3A_1160 = arith.constant 8 : i32
      %mul3A_1161 = arith.muli %scan3A_985, %mul3A_1160 : i32
      %add3A_1162 = arith.constant 3 : i32
      %add3A_1163 = arith.addi %mul3A_1161, %add3A_1162 : i32
      %swap3A_1164 = arith.index_cast %add3A_1163 : i32 to index
      %swap3A_1165 = arith.constant 16 : index
      %swap3A_1166 = tpu.vector_load %arg5[%swap3A_1164, %swap3A_1165] {strides = array<i32>} : memref<1000x128xf32, #tpu.memory_space<vmem>>, vector<16xf32>,
      tpu.vector_store %arg5[%swap3A_1164, %swap3A_1165], %broadcast_in_dim3A_1 {strides = array<i32>} : memref<1000x128xf32, #tpu.memory_space<vmem>>, vector<16xf32>,
      %mul3A_1167 = arith.constant 8 : i32
      %mul3A_1168 = arith.muli %scan3A_985, %mul3A_1167 : i32
      %add3A_1169 = arith.constant 3 : i32
      %add3A_1170 = arith.addi %mul3A_1168, %add3A_1169 : i32
      %swap3A_1171 = arith.index_cast %add3A_1170 : i32 to index
      %swap3A_1172 = arith.constant 32 : index
      %swap3A_1173 = tpu.vector_load %arg5[%swap3A_1171, %swap3A_1172] {strides = array<i32>} : memref<1000x128xf32, #tpu.memory_space<vmem>>, vector<16xf32>,
      tpu.vector_store %arg5[%swap3A_1171, %swap3A_1172], %broadcast_in_dim3A_1 {strides = array<i32>} : memref<1000x128xf32, #tpu.memory_space<vmem>>, vector<16xf32>,
      %mul3A_1174 = arith.constant 8 : i32
      %mul3A_1175 = arith.muli %scan3A_985, %mul3A_1174 : i32
      %add3A_1176 = arith.constant 3 : i32
      %add3A_1177 = arith.addi %mul3A_1175, %add3A_1176 : i32
      %swap3A_1178 = arith.index_cast %add3A_1177 : i32 to index
      %swap3A_1179 = arith.constant 48 : index
      %swap3A_1180 = tpu.vector_load %arg5[%swap3A_1178, %swap3A_1179] {strides = array<i32>} : memref<1000x128xf32, #tpu.memory_space<vmem>>, vector<16xf32>,
      tpu.vector_store %arg5[%swap3A_1178, %swap3A_1179], %broadcast_in_dim3A_1 {strides = array<i32>} : memref<1000x128xf32, #tpu.memory_space<vmem>>, vector<16xf32>,
      %mul3A_1181 = arith.constant 8 : i32
      %mul3A_1182 = arith.muli %scan3A_985, %mul3A_1181 : i32
      %add3A_1183 = arith.constant 3 : i32
      %add3A_1184 = arith.addi %mul3A_1182, %add3A_1183 : i32
      %swap3A_1185 = arith.index_cast %add3A_1184 : i32 to index
      %swap3A_1186 = arith.constant 64 : index
      %swap3A_1187 = tpu.vector_load %arg5[%swap3A_1185, %swap3A_1186] {strides = array<i32>} : memref<1000x128xf32, #tpu.memory_space<vmem>>, vector<16xf32>,
      tpu.vector_store %arg5[%swap3A_1185, %swap3A_1186], %broadcast_in_dim3A_1 {strides = array<i32>} : memref<1000x128xf32, #tpu.memory_space<vmem>>, vector<16xf32>,
      %mul3A_1188 = arith.constant 8 : i32
      %mul3A_1189 = arith.muli %scan3A_985, %mul3A_1188 : i32
      %add3A_1190 = arith.constant 3 : i32
      %add3A_1191 = arith.addi %mul3A_1189, %add3A_1190 : i32
      %swap3A_1192 = arith.index_cast %add3A_1191 : i32 to index
      %swap3A_1193 = arith.constant 80 : index
      %swap3A_1194 = tpu.vector_load %arg5[%swap3A_1192, %swap3A_1193] {strides = array<i32>} : memref<1000x128xf32, #tpu.memory_space<vmem>>, vector<16xf32>,
      tpu.vector_store %arg5[%swap3A_1192, %swap3A_1193], %broadcast_in_dim3A_1 {strides = array<i32>} : memref<1000x128xf32, #tpu.memory_space<vmem>>, vector<16xf32>,
      %mul3A_1195 = arith.constant 8 : i32
      %mul3A_1196 = arith.muli %scan3A_985, %mul3A_1195 : i32
      %add3A_1197 = arith.constant 3 : i32
      %add3A_1198 = arith.addi %mul3A_1196, %add3A_1197 : i32
      %swap3A_1199 = arith.index_cast %add3A_1198 : i32 to index
      %swap3A_1200 = arith.constant 96 : index
      %swap3A_1201 = tpu.vector_load %arg5[%swap3A_1199, %swap3A_1200] {strides = array<i32>} : memref<1000x128xf32, #tpu.memory_space<vmem>>, vector<16xf32>,
      tpu.vector_store %arg5[%swap3A_1199, %swap3A_1200], %broadcast_in_dim3A_1 {strides = array<i32>} : memref<1000x128xf32, #tpu.memory_space<vmem>>, vector<16xf32>,
      %mul3A_1202 = arith.constant 8 : i32
      %mul3A_1203 = arith.muli %scan3A_985, %mul3A_1202 : i32
      %add3A_1204 = arith.constant 3 : i32
      %add3A_1205 = arith.addi %mul3A_1203, %add3A_1204 : i32
      %swap3A_1206 = arith.index_cast %add3A_1205 : i32 to index
      %swap3A_1207 = arith.constant 112 : index
      %swap3A_1208 = tpu.vector_load %arg5[%swap3A_1206, %swap3A_1207] {strides = array<i32>} : memref<1000x128xf32, #tpu.memory_space<vmem>>, vector<16xf32>,
      tpu.vector_store %arg5[%swap3A_1206, %swap3A_1207], %broadcast_in_dim3A_1 {strides = array<i32>} : memref<1000x128xf32, #tpu.memory_space<vmem>>, vector<16xf32>,
      %mul3A_1209 = arith.constant 8 : i32
      %mul3A_1210 = arith.muli %scan3A_985, %mul3A_1209 : i32
      %add3A_1211 = arith.constant 4 : i32
      %add3A_1212 = arith.addi %mul3A_1210, %add3A_1211 : i32
      %swap3A_1213 = arith.index_cast %add3A_1212 : i32 to index
      %swap3A_1214 = arith.constant 0 : index
      %swap3A_1215 = tpu.vector_load %arg5[%swap3A_1213, %swap3A_1214] {strides = array<i32>} : memref<1000x128xf32, #tpu.memory_space<vmem>>, vector<16xf32>,
      tpu.vector_store %arg5[%swap3A_1213, %swap3A_1214], %broadcast_in_dim3A_1 {strides = array<i32>} : memref<1000x128xf32, #tpu.memory_space<vmem>>, vector<16xf32>,
      %mul3A_1216 = arith.constant 8 : i32
      %mul3A_1217 = arith.muli %scan3A_985, %mul3A_1216 : i32
      %add3A_1218 = arith.constant 4 : i32
      %add3A_1219 = arith.addi %mul3A_1217, %add3A_1218 : i32
      %swap3A_1220 = arith.index_cast %add3A_1219 : i32 to index
      %swap3A_1221 = arith.constant 16 : index
      %swap3A_1222 = tpu.vector_load %arg5[%swap3A_1220, %swap3A_1221] {strides = array<i32>} : memref<1000x128xf32, #tpu.memory_space<vmem>>, vector<16xf32>,
      tpu.vector_store %arg5[%swap3A_1220, %swap3A_1221], %broadcast_in_dim3A_1 {strides = array<i32>} : memref<1000x128xf32, #tpu.memory_space<vmem>>, vector<16xf32>,
      %mul3A_1223 = arith.constant 8 : i32
      %mul3A_1224 = arith.muli %scan3A_985, %mul3A_1223 : i32
      %add3A_1225 = arith.constant 4 : i32
      %add3A_1226 = arith.addi %mul3A_1224, %add3A_1225 : i32
      %swap3A_1227 = arith.index_cast %add3A_1226 : i32 to index
      %swap3A_1228 = arith.constant 32 : index
      %swap3A_1229 = tpu.vector_load %arg5[%swap3A_1227, %swap3A_1228] {strides = array<i32>} : memref<1000x128xf32, #tpu.memory_space<vmem>>, vector<16xf32>,
      tpu.vector_store %arg5[%swap3A_1227, %swap3A_1228], %broadcast_in_dim3A_1 {strides = array<i32>} : memref<1000x128xf32, #tpu.memory_space<vmem>>, vector<16xf32>,
      %mul3A_1230 = arith.constant 8 : i32
      %mul3A_1231 = arith.muli %scan3A_985, %mul3A_1230 : i32
      %add3A_1232 = arith.constant 4 : i32
      %add3A_1233 = arith.addi %mul3A_1231, %add3A_1232 : i32
      %swap3A_1234 = arith.index_cast %add3A_1233 : i32 to index
      %swap3A_1235 = arith.constant 48 : index
      %swap3A_1236 = tpu.vector_load %arg5[%swap3A_1234, %swap3A_1235] {strides = array<i32>} : memref<1000x128xf32, #tpu.memory_space<vmem>>, vector<16xf32>,
      tpu.vector_store %arg5[%swap3A_1234, %swap3A_1235], %broadcast_in_dim3A_1 {strides = array<i32>} : memref<1000x128xf32, #tpu.memory_space<vmem>>, vector<16xf32>,
      %mul3A_1237 = arith.constant 8 : i32
      %mul3A_1238 = arith.muli %scan3A_985, %mul3A_1237 : i32
      %add3A_1239 = arith.constant 4 : i32
      %add3A_1240 = arith.addi %mul3A_1238, %add3A_1239 : i32
      %swap3A_1241 = arith.index_cast %add3A_1240 : i32 to index
      %swap3A_1242 = arith.constant 64 : index
      %swap3A_1243 = tpu.vector_load %arg5[%swap3A_1241, %swap3A_1242] {strides = array<i32>} : memref<1000x128xf32, #tpu.memory_space<vmem>>, vector<16xf32>,
      tpu.vector_store %arg5[%swap3A_1241, %swap3A_1242], %broadcast_in_dim3A_1 {strides = array<i32>} : memref<1000x128xf32, #tpu.memory_space<vmem>>, vector<16xf32>,
      %mul3A_1244 = arith.constant 8 : i32
      %mul3A_1245 = arith.muli %scan3A_985, %mul3A_1244 : i32
      %add3A_1246 = arith.constant 4 : i32
      %add3A_1247 = arith.addi %mul3A_1245, %add3A_1246 : i32
      %swap3A_1248 = arith.index_cast %add3A_1247 : i32 to index
      %swap3A_1249 = arith.constant 80 : index
      %swap3A_1250 = tpu.vector_load %arg5[%swap3A_1248, %swap3A_1249] {strides = array<i32>} : memref<1000x128xf32, #tpu.memory_space<vmem>>, vector<16xf32>,
      tpu.vector_store %arg5[%swap3A_1248, %swap3A_1249], %broadcast_in_dim3A_1 {strides = array<i32>} : memref<1000x128xf32, #tpu.memory_space<vmem>>, vector<16xf32>,
      %mul3A_1251 = arith.constant 8 : i32
      %mul3A_1252 = arith.muli %scan3A_985, %mul3A_1251 : i32
      %add3A_1253 = arith.constant 4 : i32
      %add3A_1254 = arith.addi %mul3A_1252, %add3A_1253 : i32
      %swap3A_1255 = arith.index_cast %add3A_1254 : i32 to index
      %swap3A_1256 = arith.constant 96 : index
      %swap3A_1257 = tpu.vector_load %arg5[%swap3A_1255, %swap3A_1256] {strides = array<i32>} : memref<1000x128xf32, #tpu.memory_space<vmem>>, vector<16xf32>,
      tpu.vector_store %arg5[%swap3A_1255, %swap3A_1256], %broadcast_in_dim3A_1 {strides = array<i32>} : memref<1000x128xf32, #tpu.memory_space<vmem>>, vector<16xf32>,
      %mul3A_1258 = arith.constant 8 : i32
      %mul3A_1259 = arith.muli %scan3A_985, %mul3A_1258 : i32
      %add3A_1260 = arith.constant 4 : i32
      %add3A_1261 = arith.addi %mul3A_1259, %add3A_1260 : i32
      %swap3A_1262 = arith.index_cast %add3A_1261 : i32 to index
      %swap3A_1263 = arith.constant 112 : index
      %swap3A_1264 = tpu.vector_load %arg5[%swap3A_1262, %swap3A_1263] {strides = array<i32>} : memref<1000x128xf32, #tpu.memory_space<vmem>>, vector<16xf32>,
      tpu.vector_store %arg5[%swap3A_1262, %swap3A_1263], %broadcast_in_dim3A_1 {strides = array<i32>} : memref<1000x128xf32, #tpu.memory_space<vmem>>, vector<16xf32>,
      %mul3A_1265 = arith.constant 8 : i32
      %mul3A_1266 = arith.muli %scan3A_985, %mul3A_1265 : i32
      %add3A_1267 = arith.constant 5 : i32
      %add3A_1268 = arith.addi %mul3A_1266, %add3A_1267 : i32
      %swap3A_1269 = arith.index_cast %add3A_1268 : i32 to index
      %swap3A_1270 = arith.constant 0 : index
      %swap3A_1271 = tpu.vector_load %arg5[%swap3A_1269, %swap3A_1270] {strides = array<i32>} : memref<1000x128xf32, #tpu.memory_space<vmem>>, vector<16xf32>,
      tpu.vector_store %arg5[%swap3A_1269, %swap3A_1270], %broadcast_in_dim3A_1 {strides = array<i32>} : memref<1000x128xf32, #tpu.memory_space<vmem>>, vector<16xf32>,
      %mul3A_1272 = arith.constant 8 : i32
      %mul3A_1273 = arith.muli %scan3A_985, %mul3A_1272 : i32
      %add3A_1274 = arith.constant 5 : i32
      %add3A_1275 = arith.addi %mul3A_1273, %add3A_1274 : i32
      %swap3A_1276 = arith.index_cast %add3A_1275 : i32 to index
      %swap3A_1277 = arith.constant 16 : index
      %swap3A_1278 = tpu.vector_load %arg5[%swap3A_1276, %swap3A_1277] {strides = array<i32>} : memref<1000x128xf32, #tpu.memory_space<vmem>>, vector<16xf32>,
      tpu.vector_store %arg5[%swap3A_1276, %swap3A_1277], %broadcast_in_dim3A_1 {strides = array<i32>} : memref<1000x128xf32, #tpu.memory_space<vmem>>, vector<16xf32>,
      %mul3A_1279 = arith.constant 8 : i32
      %mul3A_1280 = arith.muli %scan3A_985, %mul3A_1279 : i32
      %add3A_1281 = arith.constant 5 : i32
      %add3A_1282 = arith.addi %mul3A_1280, %add3A_1281 : i32
      %swap3A_1283 = arith.index_cast %add3A_1282 : i32 to index
      %swap3A_1284 = arith.constant 32 : index
      %swap3A_1285 = tpu.vector_load %arg5[%swap3A_1283, %swap3A_1284] {strides = array<i32>} : memref<1000x128xf32, #tpu.memory_space<vmem>>, vector<16xf32>,
      tpu.vector_store %arg5[%swap3A_1283, %swap3A_1284], %broadcast_in_dim3A_1 {strides = array<i32>} : memref<1000x128xf32, #tpu.memory_space<vmem>>, vector<16xf32>,
      %mul3A_1286 = arith.constant 8 : i32
      %mul3A_1287 = arith.muli %scan3A_985, %mul3A_1286 : i32
      %add3A_1288 = arith.constant 5 : i32
      %add3A_1289 = arith.addi %mul3A_1287, %add3A_1288 : i32
      %swap3A_1290 = arith.index_cast %add3A_1289 : i32 to index
      %swap3A_1291 = arith.constant 48 : index
      %swap3A_1292 = tpu.vector_load %arg5[%swap3A_1290, %swap3A_1291] {strides = array<i32>} : memref<1000x128xf32, #tpu.memory_space<vmem>>, vector<16xf32>,
      tpu.vector_store %arg5[%swap3A_1290, %swap3A_1291], %broadcast_in_dim3A_1 {strides = array<i32>} : memref<1000x128xf32, #tpu.memory_space<vmem>>, vector<16xf32>,
      %mul3A_1293 = arith.constant 8 : i32
      %mul3A_1294 = arith.muli %scan3A_985, %mul3A_1293 : i32
      %add3A_1295 = arith.constant 5 : i32
      %add3A_1296 = arith.addi %mul3A_1294, %add3A_1295 : i32
      %swap3A_1297 = arith.index_cast %add3A_1296 : i32 to index
      %swap3A_1298 = arith.constant 64 : index
      %swap3A_1299 = tpu.vector_load %arg5[%swap3A_1297, %swap3A_1298] {strides = array<i32>} : memref<1000x128xf32, #tpu.memory_space<vmem>>, vector<16xf32>,
      tpu.vector_store %arg5[%swap3A_1297, %swap3A_1298], %broadcast_in_dim3A_1 {strides = array<i32>} : memref<1000x128xf32, #tpu.memory_space<vmem>>, vector<16xf32>,
      %mul3A_1300 = arith.constant 8 : i32
      %mul3A_1301 = arith.muli %scan3A_985, %mul3A_1300 : i32
      %add3A_1302 = arith.constant 5 : i32
      %add3A_1303 = arith.addi %mul3A_1301, %add3A_1302 : i32
      %swap3A_1304 = arith.index_cast %add3A_1303 : i32 to index
      %swap3A_1305 = arith.constant 80 : index
      %swap3A_1306 = tpu.vector_load %arg5[%swap3A_1304, %swap3A_1305] {strides = array<i32>} : memref<1000x128xf32, #tpu.memory_space<vmem>>, vector<16xf32>,
      tpu.vector_store %arg5[%swap3A_1304, %swap3A_1305], %broadcast_in_dim3A_1 {strides = array<i32>} : memref<1000x128xf32, #tpu.memory_space<vmem>>, vector<16xf32>,
      %mul3A_1307 = arith.constant 8 : i32
      %mul3A_1308 = arith.muli %scan3A_985, %mul3A_1307 : i32
      %add3A_1309 = arith.constant 5 : i32
      %add3A_1310 = arith.addi %mul3A_1308, %add3A_1309 : i32
      %swap3A_1311 = arith.index_cast %add3A_1310 : i32 to index
      %swap3A_1312 = arith.constant 96 : index
      %swap3A_1313 = tpu.vector_load %arg5[%swap3A_1311, %swap3A_1312] {strides = array<i32>} : memref<1000x128xf32, #tpu.memory_space<vmem>>, vector<16xf32>,
      tpu.vector_store %arg5[%swap3A_1311, %swap3A_1312], %broadcast_in_dim3A_1 {strides = array<i32>} : memref<1000x128xf32, #tpu.memory_space<vmem>>, vector<16xf32>,
      %mul3A_1314 = arith.constant 8 : i32
      %mul3A_1315 = arith.muli %scan3A_985, %mul3A_1314 : i32
      %add3A_1316 = arith.constant 5 : i32
      %add3A_1317 = arith.addi %mul3A_1315, %add3A_1316 : i32
      %swap3A_1318 = arith.index_cast %add3A_1317 : i32 to index
      %swap3A_1319 = arith.constant 112 : index
      %swap3A_1320 = tpu.vector_load %arg5[%swap3A_1318, %swap3A_1319] {strides = array<i32>} : memref<1000x128xf32, #tpu.memory_space<vmem>>, vector<16xf32>,
      tpu.vector_store %arg5[%swap3A_1318, %swap3A_1319], %broadcast_in_dim3A_1 {strides = array<i32>} : memref<1000x128xf32, #tpu.memory_space<vmem>>, vector<16xf32>,
      %mul3A_1321 = arith.constant 8 : i32
      %mul3A_1322 = arith.muli %scan3A_985, %mul3A_1321 : i32
      %add3A_1323 = arith.constant 6 : i32
      %add3A_1324 = arith.addi %mul3A_1322, %add3A_1323 : i32
      %swap3A_1325 = arith.index_cast %add3A_1324 : i32 to index
      %swap3A_1326 = arith.constant 0 : index
      %swap3A_1327 = tpu.vector_load %arg5[%swap3A_1325, %swap3A_1326] {strides = array<i32>} : memref<1000x128xf32, #tpu.memory_space<vmem>>, vector<16xf32>,
      tpu.vector_store %arg5[%swap3A_1325, %swap3A_1326], %broadcast_in_dim3A_1 {strides = array<i32>} : memref<1000x128xf32, #tpu.memory_space<vmem>>, vector<16xf32>,
      %mul3A_1328 = arith.constant 8 : i32
      %mul3A_1329 = arith.muli %scan3A_985, %mul3A_1328 : i32
      %add3A_1330 = arith.constant 6 : i32
      %add3A_1331 = arith.addi %mul3A_1329, %add3A_1330 : i32
      %swap3A_1332 = arith.index_cast %add3A_1331 : i32 to index
      %swap3A_1333 = arith.constant 16 : index
      %swap3A_1334 = tpu.vector_load %arg5[%swap3A_1332, %swap3A_1333] {strides = array<i32>} : memref<1000x128xf32, #tpu.memory_space<vmem>>, vector<16xf32>,
      tpu.vector_store %arg5[%swap3A_1332, %swap3A_1333], %broadcast_in_dim3A_1 {strides = array<i32>} : memref<1000x128xf32, #tpu.memory_space<vmem>>, vector<16xf32>,
      %mul3A_1335 = arith.constant 8 : i32
      %mul3A_1336 = arith.muli %scan3A_985, %mul3A_1335 : i32
      %add3A_1337 = arith.constant 6 : i32
      %add3A_1338 = arith.addi %mul3A_1336, %add3A_1337 : i32
      %swap3A_1339 = arith.index_cast %add3A_1338 : i32 to index
      %swap3A_1340 = arith.constant 32 : index
      %swap3A_1341 = tpu.vector_load %arg5[%swap3A_1339, %swap3A_1340] {strides = array<i32>} : memref<1000x128xf32, #tpu.memory_space<vmem>>, vector<16xf32>,
      tpu.vector_store %arg5[%swap3A_1339, %swap3A_1340], %broadcast_in_dim3A_1 {strides = array<i32>} : memref<1000x128xf32, #tpu.memory_space<vmem>>, vector<16xf32>,
      %mul3A_1342 = arith.constant 8 : i32
      %mul3A_1343 = arith.muli %scan3A_985, %mul3A_1342 : i32
      %add3A_1344 = arith.constant 6 : i32
      %add3A_1345 = arith.addi %mul3A_1343, %add3A_1344 : i32
      %swap3A_1346 = arith.index_cast %add3A_1345 : i32 to index
      %swap3A_1347 = arith.constant 48 : index
      %swap3A_1348 = tpu.vector_load %arg5[%swap3A_1346, %swap3A_1347] {strides = array<i32>} : memref<1000x128xf32, #tpu.memory_space<vmem>>, vector<16xf32>,
      tpu.vector_store %arg5[%swap3A_1346, %swap3A_1347], %broadcast_in_dim3A_1 {strides = array<i32>} : memref<1000x128xf32, #tpu.memory_space<vmem>>, vector<16xf32>,
      %mul3A_1349 = arith.constant 8 : i32
      %mul3A_1350 = arith.muli %scan3A_985, %mul3A_1349 : i32
      %add3A_1351 = arith.constant 6 : i32
      %add3A_1352 = arith.addi %mul3A_1350, %add3A_1351 : i32
      %swap3A_1353 = arith.index_cast %add3A_1352 : i32 to index
      %swap3A_1354 = arith.constant 64 : index
      %swap3A_1355 = tpu.vector_load %arg5[%swap3A_1353, %swap3A_1354] {strides = array<i32>} : memref<1000x128xf32, #tpu.memory_space<vmem>>, vector<16xf32>,
      tpu.vector_store %arg5[%swap3A_1353, %swap3A_1354], %broadcast_in_dim3A_1 {strides = array<i32>} : memref<1000x128xf32, #tpu.memory_space<vmem>>, vector<16xf32>,
      %mul3A_1356 = arith.constant 8 : i32
      %mul3A_1357 = arith.muli %scan3A_985, %mul3A_1356 : i32
      %add3A_1358 = arith.constant 6 : i32
      %add3A_1359 = arith.addi %mul3A_1357, %add3A_1358 : i32
      %swap3A_1360 = arith.index_cast %add3A_1359 : i32 to index
      %swap3A_1361 = arith.constant 80 : index
      %swap3A_1362 = tpu.vector_load %arg5[%swap3A_1360, %swap3A_1361] {strides = array<i32>} : memref<1000x128xf32, #tpu.memory_space<vmem>>, vector<16xf32>,
      tpu.vector_store %arg5[%swap3A_1360, %swap3A_1361], %broadcast_in_dim3A_1 {strides = array<i32>} : memref<1000x128xf32, #tpu.memory_space<vmem>>, vector<16xf32>,
      %mul3A_1363 = arith.constant 8 : i32
      %mul3A_1364 = arith.muli %scan3A_985, %mul3A_1363 : i32
      %add3A_1365 = arith.constant 6 : i32
      %add3A_1366 = arith.addi %mul3A_1364, %add3A_1365 : i32
      %swap3A_1367 = arith.index_cast %add3A_1366 : i32 to index
      %swap3A_1368 = arith.constant 96 : index
      %swap3A_1369 = tpu.vector_load %arg5[%swap3A_1367, %swap3A_1368] {strides = array<i32>} : memref<1000x128xf32, #tpu.memory_space<vmem>>, vector<16xf32>,
      tpu.vector_store %arg5[%swap3A_1367, %swap3A_1368], %broadcast_in_dim3A_1 {strides = array<i32>} : memref<1000x128xf32, #tpu.memory_space<vmem>>, vector<16xf32>,
      %mul3A_1370 = arith.constant 8 : i32
      %mul3A_1371 = arith.muli %scan3A_985, %mul3A_1370 : i32
      %add3A_1372 = arith.constant 6 : i32
      %add3A_1373 = arith.addi %mul3A_1371, %add3A_1372 : i32
      %swap3A_1374 = arith.index_cast %add3A_1373 : i32 to index
      %swap3A_1375 = arith.constant 112 : index
      %swap3A_1376 = tpu.vector_load %arg5[%swap3A_1374, %swap3A_1375] {strides = array<i32>} : memref<1000x128xf32, #tpu.memory_space<vmem>>, vector<16xf32>,
      tpu.vector_store %arg5[%swap3A_1374, %swap3A_1375], %broadcast_in_dim3A_1 {strides = array<i32>} : memref<1000x128xf32, #tpu.memory_space<vmem>>, vector<16xf32>,
      %mul3A_1377 = arith.constant 8 : i32
      %mul3A_1378 = arith.muli %scan3A_985, %mul3A_1377 : i32
      %add3A_1379 = arith.constant 7 : i32
      %add3A_1380 = arith.addi %mul3A_1378, %add3A_1379 : i32
      %swap3A_1381 = arith.index_cast %add3A_1380 : i32 to index
      %swap3A_1382 = arith.constant 0 : index
      %swap3A_1383 = tpu.vector_load %arg5[%swap3A_1381, %swap3A_1382] {strides = array<i32>} : memref<1000x128xf32, #tpu.memory_space<vmem>>, vector<16xf32>,
      tpu.vector_store %arg5[%swap3A_1381, %swap3A_1382], %broadcast_in_dim3A_1 {strides = array<i32>} : memref<1000x128xf32, #tpu.memory_space<vmem>>, vector<16xf32>,
      %mul3A_1384 = arith.constant 8 : i32
      %mul3A_1385 = arith.muli %scan3A_985, %mul3A_1384 : i32
      %add3A_1386 = arith.constant 7 : i32
      %add3A_1387 = arith.addi %mul3A_1385, %add3A_1386 : i32
      %swap3A_1388 = arith.index_cast %add3A_1387 : i32 to index
      %swap3A_1389 = arith.constant 16 : index
      %swap3A_1390 = tpu.vector_load %arg5[%swap3A_1388, %swap3A_1389] {strides = array<i32>} : memref<1000x128xf32, #tpu.memory_space<vmem>>, vector<16xf32>,
      tpu.vector_store %arg5[%swap3A_1388, %swap3A_1389], %broadcast_in_dim3A_1 {strides = array<i32>} : memref<1000x128xf32, #tpu.memory_space<vmem>>, vector<16xf32>,
      %mul3A_1391 = arith.constant 8 : i32
      %mul3A_1392 = arith.muli %scan3A_985, %mul3A_1391 : i32
      %add3A_1393 = arith.constant 7 : i32
      %add3A_1394 = arith.addi %mul3A_1392, %add3A_1393 : i32
      %swap3A_1395 = arith.index_cast %add3A_1394 : i32 to index
      %swap3A_1396 = arith.constant 32 : index
      %swap3A_1397 = tpu.vector_load %arg5[%swap3A_1395, %swap3A_1396] {strides = array<i32>} : memref<1000x128xf32, #tpu.memory_space<vmem>>, vector<16xf32>,
      tpu.vector_store %arg5[%swap3A_1395, %swap3A_1396], %broadcast_in_dim3A_1 {strides = array<i32>} : memref<1000x128xf32, #tpu.memory_space<vmem>>, vector<16xf32>,
      %mul3A_1398 = arith.constant 8 : i32
      %mul3A_1399 = arith.muli %scan3A_985, %mul3A_1398 : i32
      %add3A_1400 = arith.constant 7 : i32
      %add3A_1401 = arith.addi %mul3A_1399, %add3A_1400 : i32
      %swap3A_1402 = arith.index_cast %add3A_1401 : i32 to index
      %swap3A_1403 = arith.constant 48 : index
      %swap3A_1404 = tpu.vector_load %arg5[%swap3A_1402, %swap3A_1403] {strides = array<i32>} : memref<1000x128xf32, #tpu.memory_space<vmem>>, vector<16xf32>,
      tpu.vector_store %arg5[%swap3A_1402, %swap3A_1403], %broadcast_in_dim3A_1 {strides = array<i32>} : memref<1000x128xf32, #tpu.memory_space<vmem>>, vector<16xf32>,
      %mul3A_1405 = arith.constant 8 : i32
      %mul3A_1406 = arith.muli %scan3A_985, %mul3A_1405 : i32
      %add3A_1407 = arith.constant 7 : i32
      %add3A_1408 = arith.addi %mul3A_1406, %add3A_1407 : i32
      %swap3A_1409 = arith.index_cast %add3A_1408 : i32 to index
      %swap3A_1410 = arith.constant 64 : index
      %swap3A_1411 = tpu.vector_load %arg5[%swap3A_1409, %swap3A_1410] {strides = array<i32>} : memref<1000x128xf32, #tpu.memory_space<vmem>>, vector<16xf32>,
      tpu.vector_store %arg5[%swap3A_1409, %swap3A_1410], %broadcast_in_dim3A_1 {strides = array<i32>} : memref<1000x128xf32, #tpu.memory_space<vmem>>, vector<16xf32>,
      %mul3A_1412 = arith.constant 8 : i32
      %mul3A_1413 = arith.muli %scan3A_985, %mul3A_1412 : i32
      %add3A_1414 = arith.constant 7 : i32
      %add3A_1415 = arith.addi %mul3A_1413, %add3A_1414 : i32
      %swap3A_1416 = arith.index_cast %add3A_1415 : i32 to index
      %swap3A_1417 = arith.constant 80 : index
      %swap3A_1418 = tpu.vector_load %arg5[%swap3A_1416, %swap3A_1417] {strides = array<i32>} : memref<1000x128xf32, #tpu.memory_space<vmem>>, vector<16xf32>,
      tpu.vector_store %arg5[%swap3A_1416, %swap3A_1417], %broadcast_in_dim3A_1 {strides = array<i32>} : memref<1000x128xf32, #tpu.memory_space<vmem>>, vector<16xf32>,
      %mul3A_1419 = arith.constant 8 : i32
      %mul3A_1420 = arith.muli %scan3A_985, %mul3A_1419 : i32
      %add3A_1421 = arith.constant 7 : i32
      %add3A_1422 = arith.addi %mul3A_1420, %add3A_1421 : i32
      %swap3A_1423 = arith.index_cast %add3A_1422 : i32 to index
      %swap3A_1424 = arith.constant 96 : index
      %swap3A_1425 = tpu.vector_load %arg5[%swap3A_1423, %swap3A_1424] {strides = array<i32>} : memref<1000x128xf32, #tpu.memory_space<vmem>>, vector<16xf32>,
      tpu.vector_store %arg5[%swap3A_1423, %swap3A_1424], %broadcast_in_dim3A_1 {strides = array<i32>} : memref<1000x128xf32, #tpu.memory_space<vmem>>, vector<16xf32>,
      %mul3A_1426 = arith.constant 8 : i32
      %mul3A_1427 = arith.muli %scan3A_985, %mul3A_1426 : i32
      %add3A_1428 = arith.constant 7 : i32
      %add3A_1429 = arith.addi %mul3A_1427, %add3A_1428 : i32
      %swap3A_1430 = arith.index_cast %add3A_1429 : i32 to index
      %swap3A_1431 = arith.constant 112 : index
      %swap3A_1432 = tpu.vector_load %arg5[%swap3A_1430, %swap3A_1431] {strides = array<i32>} : memref<1000x128xf32, #tpu.memory_space<vmem>>, vector<16xf32>,
      tpu.vector_store %arg5[%swap3A_1430, %swap3A_1431], %broadcast_in_dim3A_1 {strides = array<i32>} : memref<1000x128xf32, #tpu.memory_space<vmem>>, vector<16xf32>,
    }
    %scan3A_521 = arith.constant 32 : i32
    %get3A_522 = arith.constant 0 : i32
    %get3A_523 = arith.index_cast %get3A_522 : i32 to index
    %get3A_524 = arith.constant 0 : index
    %get3A_525 = tpu.vector_load %arg4[%get3A_523, %get3A_524] {strides = array<i32>} : memref<4x128xi32, #tpu.memory_space<vmem>>, vector<16xi32>,
    %ge3A_526 = arith.constant 512 : i32
    %ge3A_527 = vector.broadcast %ge3A_526 : i32 to vector<16xi32>
    %ge3A_528 = arith.cmpi sge, %get3A_525, %ge3A_527 : vector<16xi32>
    %lt3A_529 = arith.constant 768 : i32
    %lt3A_530 = vector.broadcast %lt3A_529 : i32 to vector<16xi32>
    %lt3A_531 = arith.cmpi slt, %get3A_525, %lt3A_530 : vector<16xi32>
    %and3A_532 = arith.andi %ge3A_528, %lt3A_531 : vector<16xi1>
    %add3A_533 = arith.constant 0 : i32
    %add3A_534 = vector.broadcast %add3A_533 : i32 to vector<16xi32>
    %add3A_535 = arith.addi %iota3A, %add3A_534 : vector<16xi32>
    tpu.vector_store_idx %arg5[%get3A_525, %add3A_535], %broadcast_in_dim3A_3 masked %and3A_532 : memref<1000x128xf32, #tpu.memory_space<vmem>>[vector<16xi32>, vector<16xi32>], vector<16xf32>, vector<16xi1>
    %get3A_536 = arith.constant 0 : i32
    %get3A_537 = arith.index_cast %get3A_536 : i32 to index
    %get3A_538 = arith.constant 16 : index
    %get3A_539 = tpu.vector_load %arg4[%get3A_537, %get3A_538] {strides = array<i32>} : memref<4x128xi32, #tpu.memory_space<vmem>>, vector<16xi32>,
    %ge3A_540 = arith.constant 512 : i32
    %ge3A_541 = vector.broadcast %ge3A_540 : i32 to vector<16xi32>
    %ge3A_542 = arith.cmpi sge, %get3A_539, %ge3A_541 : vector<16xi32>
    %lt3A_543 = arith.constant 768 : i32
    %lt3A_544 = vector.broadcast %lt3A_543 : i32 to vector<16xi32>
    %lt3A_545 = arith.cmpi slt, %get3A_539, %lt3A_544 : vector<16xi32>
    %and3A_546 = arith.andi %ge3A_542, %lt3A_545 : vector<16xi1>
    %add3A_547 = arith.constant 16 : i32
    %add3A_548 = vector.broadcast %add3A_547 : i32 to vector<16xi32>
    %add3A_549 = arith.addi %iota3A, %add3A_548 : vector<16xi32>
    tpu.vector_store_idx %arg5[%get3A_539, %add3A_549], %broadcast_in_dim3A_3 masked %and3A_546 : memref<1000x128xf32, #tpu.memory_space<vmem>>[vector<16xi32>, vector<16xi32>], vector<16xf32>, vector<16xi1>
    %get3A_550 = arith.constant 0 : i32
    %get3A_551 = arith.index_cast %get3A_550 : i32 to index
    %get3A_552 = arith.constant 32 : index
    %get3A_553 = tpu.vector_load %arg4[%get3A_551, %get3A_552] {strides = array<i32>} : memref<4x128xi32, #tpu.memory_space<vmem>>, vector<16xi32>,
    %ge3A_554 = arith.constant 512 : i32
    %ge3A_555 = vector.broadcast %ge3A_554 : i32 to vector<16xi32>
    %ge3A_556 = arith.cmpi sge, %get3A_553, %ge3A_555 : vector<16xi32>
    %lt3A_557 = arith.constant 768 : i32
    %lt3A_558 = vector.broadcast %lt3A_557 : i32 to vector<16xi32>
    %lt3A_559 = arith.cmpi slt, %get3A_553, %lt3A_558 : vector<16xi32>
    %and3A_560 = arith.andi %ge3A_556, %lt3A_559 : vector<16xi1>
    %add3A_561 = arith.constant 32 : i32
    %add3A_562 = vector.broadcast %add3A_561 : i32 to vector<16xi32>
    %add3A_563 = arith.addi %iota3A, %add3A_562 : vector<16xi32>
    tpu.vector_store_idx %arg5[%get3A_553, %add3A_563], %broadcast_in_dim3A_3 masked %and3A_560 : memref<1000x128xf32, #tpu.memory_space<vmem>>[vector<16xi32>, vector<16xi32>], vector<16xf32>, vector<16xi1>
    %get3A_564 = arith.constant 0 : i32
    %get3A_565 = arith.index_cast %get3A_564 : i32 to index
    %get3A_566 = arith.constant 48 : index
    %get3A_567 = tpu.vector_load %arg4[%get3A_565, %get3A_566] {strides = array<i32>} : memref<4x128xi32, #tpu.memory_space<vmem>>, vector<16xi32>,
    %ge3A_568 = arith.constant 512 : i32
    %ge3A_569 = vector.broadcast %ge3A_568 : i32 to vector<16xi32>
    %ge3A_570 = arith.cmpi sge, %get3A_567, %ge3A_569 : vector<16xi32>
    %lt3A_571 = arith.constant 768 : i32
    %lt3A_572 = vector.broadcast %lt3A_571 : i32 to vector<16xi32>
    %lt3A_573 = arith.cmpi slt, %get3A_567, %lt3A_572 : vector<16xi32>
    %and3A_574 = arith.andi %ge3A_570, %lt3A_573 : vector<16xi1>
    %add3A_575 = arith.constant 48 : i32
    %add3A_576 = vector.broadcast %add3A_575 : i32 to vector<16xi32>
    %add3A_577 = arith.addi %iota3A, %add3A_576 : vector<16xi32>
    tpu.vector_store_idx %arg5[%get3A_567, %add3A_577], %broadcast_in_dim3A_3 masked %and3A_574 : memref<1000x128xf32, #tpu.memory_space<vmem>>[vector<16xi32>, vector<16xi32>], vector<16xf32>, vector<16xi1>
    %get3A_578 = arith.constant 0 : i32
    %get3A_579 = arith.index_cast %get3A_578 : i32 to index
    %get3A_580 = arith.constant 64 : index
    %get3A_581 = tpu.vector_load %arg4[%get3A_579, %get3A_580] {strides = array<i32>} : memref<4x128xi32, #tpu.memory_space<vmem>>, vector<16xi32>,
    %ge3A_582 = arith.constant 512 : i32
    %ge3A_583 = vector.broadcast %ge3A_582 : i32 to vector<16xi32>
    %ge3A_584 = arith.cmpi sge, %get3A_581, %ge3A_583 : vector<16xi32>
    %lt3A_585 = arith.constant 768 : i32
    %lt3A_586 = vector.broadcast %lt3A_585 : i32 to vector<16xi32>
    %lt3A_587 = arith.cmpi slt, %get3A_581, %lt3A_586 : vector<16xi32>
    %and3A_588 = arith.andi %ge3A_584, %lt3A_587 : vector<16xi1>
    %add3A_589 = arith.constant 64 : i32
    %add3A_590 = vector.broadcast %add3A_589 : i32 to vector<16xi32>
    %add3A_591 = arith.addi %iota3A, %add3A_590 : vector<16xi32>
    tpu.vector_store_idx %arg5[%get3A_581, %add3A_591], %broadcast_in_dim3A_3 masked %and3A_588 : memref<1000x128xf32, #tpu.memory_space<vmem>>[vector<16xi32>, vector<16xi32>], vector<16xf32>, vector<16xi1>
    %get3A_592 = arith.constant 0 : i32
    %get3A_593 = arith.index_cast %get3A_592 : i32 to index
    %get3A_594 = arith.constant 80 : index
    %get3A_595 = tpu.vector_load %arg4[%get3A_593, %get3A_594] {strides = array<i32>} : memref<4x128xi32, #tpu.memory_space<vmem>>, vector<16xi32>,
    %ge3A_596 = arith.constant 512 : i32
    %ge3A_597 = vector.broadcast %ge3A_596 : i32 to vector<16xi32>
    %ge3A_598 = arith.cmpi sge, %get3A_595, %ge3A_597 : vector<16xi32>
    %lt3A_599 = arith.constant 768 : i32
    %lt3A_600 = vector.broadcast %lt3A_599 : i32 to vector<16xi32>
    %lt3A_601 = arith.cmpi slt, %get3A_595, %lt3A_600 : vector<16xi32>
    %and3A_602 = arith.andi %ge3A_598, %lt3A_601 : vector<16xi1>
    %add3A_603 = arith.constant 80 : i32
    %add3A_604 = vector.broadcast %add3A_603 : i32 to vector<16xi32>
    %add3A_605 = arith.addi %iota3A, %add3A_604 : vector<16xi32>
    tpu.vector_store_idx %arg5[%get3A_595, %add3A_605], %broadcast_in_dim3A_3 masked %and3A_602 : memref<1000x128xf32, #tpu.memory_space<vmem>>[vector<16xi32>, vector<16xi32>], vector<16xf32>, vector<16xi1>
    %get3A_606 = arith.constant 0 : i32
    %get3A_607 = arith.index_cast %get3A_606 : i32 to index
    %get3A_608 = arith.constant 96 : index
    %get3A_609 = tpu.vector_load %arg4[%get3A_607, %get3A_608] {strides = array<i32>} : memref<4x128xi32, #tpu.memory_space<vmem>>, vector<16xi32>,
    %ge3A_610 = arith.constant 512 : i32
    %ge3A_611 = vector.broadcast %ge3A_610 : i32 to vector<16xi32>
    %ge3A_612 = arith.cmpi sge, %get3A_609, %ge3A_611 : vector<16xi32>
    %lt3A_613 = arith.constant 768 : i32
    %lt3A_614 = vector.broadcast %lt3A_613 : i32 to vector<16xi32>
    %lt3A_615 = arith.cmpi slt, %get3A_609, %lt3A_614 : vector<16xi32>
    %and3A_616 = arith.andi %ge3A_612, %lt3A_615 : vector<16xi1>
    %add3A_617 = arith.constant 96 : i32
    %add3A_618 = vector.broadcast %add3A_617 : i32 to vector<16xi32>
    %add3A_619 = arith.addi %iota3A, %add3A_618 : vector<16xi32>
    tpu.vector_store_idx %arg5[%get3A_609, %add3A_619], %broadcast_in_dim3A_3 masked %and3A_616 : memref<1000x128xf32, #tpu.memory_space<vmem>>[vector<16xi32>, vector<16xi32>], vector<16xf32>, vector<16xi1>
    %get3A_620 = arith.constant 0 : i32
    %get3A_621 = arith.index_cast %get3A_620 : i32 to index
    %get3A_622 = arith.constant 112 : index
    %get3A_623 = tpu.vector_load %arg4[%get3A_621, %get3A_622] {strides = array<i32>} : memref<4x128xi32, #tpu.memory_space<vmem>>, vector<16xi32>,
    %ge3A_624 = arith.constant 512 : i32
    %ge3A_625 = vector.broadcast %ge3A_624 : i32 to vector<16xi32>
    %ge3A_626 = arith.cmpi sge, %get3A_623, %ge3A_625 : vector<16xi32>
    %lt3A_627 = arith.constant 768 : i32
    %lt3A_628 = vector.broadcast %lt3A_627 : i32 to vector<16xi32>
    %lt3A_629 = arith.cmpi slt, %get3A_623, %lt3A_628 : vector<16xi32>
    %and3A_630 = arith.andi %ge3A_626, %lt3A_629 : vector<16xi1>
    %add3A_631 = arith.constant 112 : i32
    %add3A_632 = vector.broadcast %add3A_631 : i32 to vector<16xi32>
    %add3A_633 = arith.addi %iota3A, %add3A_632 : vector<16xi32>
    tpu.vector_store_idx %arg5[%get3A_623, %add3A_633], %broadcast_in_dim3A_3 masked %and3A_630 : memref<1000x128xf32, #tpu.memory_space<vmem>>[vector<16xi32>, vector<16xi32>], vector<16xf32>, vector<16xi1>
    %add3A_634 = arith.constant 0 : i32
    %add3A_635 = arith.addi %add3A_634, %add3A : i32
    %jit3A_636 = arith.constant 32 : i32
    %div3A_637 = arith.divsi %add3A_635, %jit3A_636 : i32
    %sign3A_638 = arith.constant 0 : i32
    %sign3A_639 = arith.cmpi sgt, %add3A_635, %sign3A_638 : i32
    %sign3A_640 = arith.extui %sign3A_639 : i1 to i32
    %sign3A_641 = arith.constant 0 : i32
    %sign3A_642 = arith.cmpi slt, %add3A_635, %sign3A_641 : i32
    %sign3A_643 = arith.extui %sign3A_642 : i1 to i32
    %sign3A_644 = arith.subi %sign3A_640, %sign3A_643 : i32
    %sign3A_645 = arith.constant 0 : i32
    %sign3A_646 = arith.cmpi sgt, %jit3A_636, %sign3A_645 : i32
    %sign3A_647 = arith.extui %sign3A_646 : i1 to i32
    %sign3A_648 = arith.constant 0 : i32
    %sign3A_649 = arith.cmpi slt, %jit3A_636, %sign3A_648 : i32
    %sign3A_650 = arith.extui %sign3A_649 : i1 to i32
    %sign3A_651 = arith.subi %sign3A_647, %sign3A_650 : i32
    %ne3A_652 = arith.cmpi ne, %sign3A_644, %sign3A_651 : i32
    %rem3A_653 = arith.remsi %add3A_635, %jit3A_636 : i32
    %ne3A_654 = arith.constant 0 : i32
    %ne3A_655 = arith.cmpi ne, %rem3A_653, %ne3A_654 : i32
    %and3A_656 = arith.andi %ne3A_652, %ne3A_655 : i1
    %sub3A_657 = arith.constant 1 : i32
    %sub3A_658 = arith.subi %div3A_637, %sub3A_657 : i32
    %select_n3A_659 = arith.select %and3A_656, %sub3A_658, %div3A_637 : i32
    %jit3A_660 = arith.constant 32 : i32
    %eq3A_661 = arith.constant 0 : i32
    %eq3A_662 = arith.cmpi eq, %jit3A_660, %eq3A_661 : i32
    %jit3A_663 = arith.constant 1 : i32
    %select_n3A_664 = arith.select %eq3A_662, %jit3A_663, %jit3A_660 : i32
    %rem3A_665 = arith.remsi %add3A_635, %select_n3A_664 : i32
    %ne3A_666 = arith.constant 0 : i32
    %ne3A_667 = arith.cmpi ne, %rem3A_665, %ne3A_666 : i32
    %lt3A_668 = arith.constant 0 : i32
    %lt3A_669 = arith.cmpi slt, %rem3A_665, %lt3A_668 : i32
    %lt3A_670 = arith.constant 0 : i32
    %lt3A_671 = arith.cmpi slt, %select_n3A_664, %lt3A_670 : i32
    %ne3A_672 = arith.xori %lt3A_669, %lt3A_671 : i1
    %and3A_673 = arith.andi %ne3A_672, %ne3A_667 : i1
    %add3A_674 = arith.addi %rem3A_665, %select_n3A_664 : i32
    %select_n3A_675 = arith.select %and3A_673, %add3A_674, %rem3A_665 : i32
    %mul3A_676 = arith.constant 128 : i32
    %mul3A_677 = arith.muli %select_n3A_675, %mul3A_676 : i32
    %dma_start3A_678 = arith.constant 512 : i32
    %dma_start3A_679 = arith.constant 0 : i32
    %dma_start3A_680 = tpu.memref_slice %arg5[%dma_start3A_678, %dma_start3A_679] : memref<1000x128xf32, #tpu.memory_space<vmem>> -> memref<256x128xf32, #tpu.memory_space<vmem>>
    %dma_start3A_681 = arith.constant 512 : i32
    %dma_start3A_682 = tpu.memref_slice %arg3[%select_n3A_659, %dma_start3A_681, %mul3A_677] : memref<26x1000x4096xf32, #tpu.memory_space<hbm>> -> memref<1x256x128xf32, #tpu.memory_space<hbm>>
    %dma_start3A_683 = tpu.memref_squeeze %dma_start3A_682 : memref<1x256x128xf32, #tpu.memory_space<hbm>> -> memref<256x128xf32, #tpu.memory_space<hbm>>
    %dma_start3A_684 = arith.constant 512 : i32
    %dma_start3A_685 = tpu.memref_slice %arg3[%select_n3A_659, %dma_start3A_684, %mul3A_677] : memref<26x1000x4096xf32, #tpu.memory_space<hbm>> -> memref<1x256x128xf32, #tpu.memory_space<hbm>>
    %dma_start3A_686 = tpu.memref_squeeze %dma_start3A_685 : memref<1x256x128xf32, #tpu.memory_space<hbm>> -> memref<256x128xf32, #tpu.memory_space<hbm>>
    %dma_start3A_687 = arith.constant 512 : i32
    %dma_start3A_688 = arith.constant 0 : i32
    %dma_start3A_689 = tpu.memref_slice %arg5[%dma_start3A_687, %dma_start3A_688] : memref<1000x128xf32, #tpu.memory_space<vmem>> -> memref<256x128xf32, #tpu.memory_space<vmem>>
    tpu.enqueue_dma source(%dma_start3A_689 : memref<256x128xf32, #tpu.memory_space<vmem>>) target(%dma_start3A_686 : memref<256x128xf32, #tpu.memory_space<hbm>>) target_semaphore(%arg12 : memref<!tpu.dma_semaphore, #tpu.memory_space<semaphore_mem>>)
    %scan3A_690 = arith.constant 0 : i32
    %scan3A_691 = arith.constant 96 : i32
    %scan3A_692 = arith.constant 29 : i32
    %scan3A_693 = arith.addi %scan3A_691, %scan3A_692 : i32
    %scan3A_694 = arith.constant 1 : i32
    scf.for %scan3A_985 = %scan3A_691 to %scan3A_693 step %scan3A_694  : i32 {
      %mul3A_986 = arith.constant 8 : i32
      %mul3A_987 = arith.muli %scan3A_985, %mul3A_986 : i32
      %add3A_988 = arith.constant 0 : i32
      %add3A_989 = arith.addi %mul3A_987, %add3A_988 : i32
      %swap3A = arith.index_cast %add3A_989 : i32 to index
      %swap3A_990 = arith.constant 0 : index
      %swap3A_991 = tpu.vector_load %arg5[%swap3A, %swap3A_990] {strides = array<i32>} : memref<1000x128xf32, #tpu.memory_space<vmem>>, vector<16xf32>,
      tpu.vector_store %arg5[%swap3A, %swap3A_990], %broadcast_in_dim3A_1 {strides = array<i32>} : memref<1000x128xf32, #tpu.memory_space<vmem>>, vector<16xf32>,
      %mul3A_992 = arith.constant 8 : i32
      %mul3A_993 = arith.muli %scan3A_985, %mul3A_992 : i32
      %add3A_994 = arith.constant 0 : i32
      %add3A_995 = arith.addi %mul3A_993, %add3A_994 : i32
      %swap3A_996 = arith.index_cast %add3A_995 : i32 to index
      %swap3A_997 = arith.constant 16 : index
      %swap3A_998 = tpu.vector_load %arg5[%swap3A_996, %swap3A_997] {strides = array<i32>} : memref<1000x128xf32, #tpu.memory_space<vmem>>, vector<16xf32>,
      tpu.vector_store %arg5[%swap3A_996, %swap3A_997], %broadcast_in_dim3A_1 {strides = array<i32>} : memref<1000x128xf32, #tpu.memory_space<vmem>>, vector<16xf32>,
      %mul3A_999 = arith.constant 8 : i32
      %mul3A_1000 = arith.muli %scan3A_985, %mul3A_999 : i32
      %add3A_1001 = arith.constant 0 : i32
      %add3A_1002 = arith.addi %mul3A_1000, %add3A_1001 : i32
      %swap3A_1003 = arith.index_cast %add3A_1002 : i32 to index
      %swap3A_1004 = arith.constant 32 : index
      %swap3A_1005 = tpu.vector_load %arg5[%swap3A_1003, %swap3A_1004] {strides = array<i32>} : memref<1000x128xf32, #tpu.memory_space<vmem>>, vector<16xf32>,
      tpu.vector_store %arg5[%swap3A_1003, %swap3A_1004], %broadcast_in_dim3A_1 {strides = array<i32>} : memref<1000x128xf32, #tpu.memory_space<vmem>>, vector<16xf32>,
      %mul3A_1006 = arith.constant 8 : i32
      %mul3A_1007 = arith.muli %scan3A_985, %mul3A_1006 : i32
      %add3A_1008 = arith.constant 0 : i32
      %add3A_1009 = arith.addi %mul3A_1007, %add3A_1008 : i32
      %swap3A_1010 = arith.index_cast %add3A_1009 : i32 to index
      %swap3A_1011 = arith.constant 48 : index
      %swap3A_1012 = tpu.vector_load %arg5[%swap3A_1010, %swap3A_1011] {strides = array<i32>} : memref<1000x128xf32, #tpu.memory_space<vmem>>, vector<16xf32>,
      tpu.vector_store %arg5[%swap3A_1010, %swap3A_1011], %broadcast_in_dim3A_1 {strides = array<i32>} : memref<1000x128xf32, #tpu.memory_space<vmem>>, vector<16xf32>,
      %mul3A_1013 = arith.constant 8 : i32
      %mul3A_1014 = arith.muli %scan3A_985, %mul3A_1013 : i32
      %add3A_1015 = arith.constant 0 : i32
      %add3A_1016 = arith.addi %mul3A_1014, %add3A_1015 : i32
      %swap3A_1017 = arith.index_cast %add3A_1016 : i32 to index
      %swap3A_1018 = arith.constant 64 : index
      %swap3A_1019 = tpu.vector_load %arg5[%swap3A_1017, %swap3A_1018] {strides = array<i32>} : memref<1000x128xf32, #tpu.memory_space<vmem>>, vector<16xf32>,
      tpu.vector_store %arg5[%swap3A_1017, %swap3A_1018], %broadcast_in_dim3A_1 {strides = array<i32>} : memref<1000x128xf32, #tpu.memory_space<vmem>>, vector<16xf32>,
      %mul3A_1020 = arith.constant 8 : i32
      %mul3A_1021 = arith.muli %scan3A_985, %mul3A_1020 : i32
      %add3A_1022 = arith.constant 0 : i32
      %add3A_1023 = arith.addi %mul3A_1021, %add3A_1022 : i32
      %swap3A_1024 = arith.index_cast %add3A_1023 : i32 to index
      %swap3A_1025 = arith.constant 80 : index
      %swap3A_1026 = tpu.vector_load %arg5[%swap3A_1024, %swap3A_1025] {strides = array<i32>} : memref<1000x128xf32, #tpu.memory_space<vmem>>, vector<16xf32>,
      tpu.vector_store %arg5[%swap3A_1024, %swap3A_1025], %broadcast_in_dim3A_1 {strides = array<i32>} : memref<1000x128xf32, #tpu.memory_space<vmem>>, vector<16xf32>,
      %mul3A_1027 = arith.constant 8 : i32
      %mul3A_1028 = arith.muli %scan3A_985, %mul3A_1027 : i32
      %add3A_1029 = arith.constant 0 : i32
      %add3A_1030 = arith.addi %mul3A_1028, %add3A_1029 : i32
      %swap3A_1031 = arith.index_cast %add3A_1030 : i32 to index
      %swap3A_1032 = arith.constant 96 : index
      %swap3A_1033 = tpu.vector_load %arg5[%swap3A_1031, %swap3A_1032] {strides = array<i32>} : memref<1000x128xf32, #tpu.memory_space<vmem>>, vector<16xf32>,
      tpu.vector_store %arg5[%swap3A_1031, %swap3A_1032], %broadcast_in_dim3A_1 {strides = array<i32>} : memref<1000x128xf32, #tpu.memory_space<vmem>>, vector<16xf32>,
      %mul3A_1034 = arith.constant 8 : i32
      %mul3A_1035 = arith.muli %scan3A_985, %mul3A_1034 : i32
      %add3A_1036 = arith.constant 0 : i32
      %add3A_1037 = arith.addi %mul3A_1035, %add3A_1036 : i32
      %swap3A_1038 = arith.index_cast %add3A_1037 : i32 to index
      %swap3A_1039 = arith.constant 112 : index
      %swap3A_1040 = tpu.vector_load %arg5[%swap3A_1038, %swap3A_1039] {strides = array<i32>} : memref<1000x128xf32, #tpu.memory_space<vmem>>, vector<16xf32>,
      tpu.vector_store %arg5[%swap3A_1038, %swap3A_1039], %broadcast_in_dim3A_1 {strides = array<i32>} : memref<1000x128xf32, #tpu.memory_space<vmem>>, vector<16xf32>,
      %mul3A_1041 = arith.constant 8 : i32
      %mul3A_1042 = arith.muli %scan3A_985, %mul3A_1041 : i32
      %add3A_1043 = arith.constant 1 : i32
      %add3A_1044 = arith.addi %mul3A_1042, %add3A_1043 : i32
      %swap3A_1045 = arith.index_cast %add3A_1044 : i32 to index
      %swap3A_1046 = arith.constant 0 : index
      %swap3A_1047 = tpu.vector_load %arg5[%swap3A_1045, %swap3A_1046] {strides = array<i32>} : memref<1000x128xf32, #tpu.memory_space<vmem>>, vector<16xf32>,
      tpu.vector_store %arg5[%swap3A_1045, %swap3A_1046], %broadcast_in_dim3A_1 {strides = array<i32>} : memref<1000x128xf32, #tpu.memory_space<vmem>>, vector<16xf32>,
      %mul3A_1048 = arith.constant 8 : i32
      %mul3A_1049 = arith.muli %scan3A_985, %mul3A_1048 : i32
      %add3A_1050 = arith.constant 1 : i32
      %add3A_1051 = arith.addi %mul3A_1049, %add3A_1050 : i32
      %swap3A_1052 = arith.index_cast %add3A_1051 : i32 to index
      %swap3A_1053 = arith.constant 16 : index
      %swap3A_1054 = tpu.vector_load %arg5[%swap3A_1052, %swap3A_1053] {strides = array<i32>} : memref<1000x128xf32, #tpu.memory_space<vmem>>, vector<16xf32>,
      tpu.vector_store %arg5[%swap3A_1052, %swap3A_1053], %broadcast_in_dim3A_1 {strides = array<i32>} : memref<1000x128xf32, #tpu.memory_space<vmem>>, vector<16xf32>,
      %mul3A_1055 = arith.constant 8 : i32
      %mul3A_1056 = arith.muli %scan3A_985, %mul3A_1055 : i32
      %add3A_1057 = arith.constant 1 : i32
      %add3A_1058 = arith.addi %mul3A_1056, %add3A_1057 : i32
      %swap3A_1059 = arith.index_cast %add3A_1058 : i32 to index
      %swap3A_1060 = arith.constant 32 : index
      %swap3A_1061 = tpu.vector_load %arg5[%swap3A_1059, %swap3A_1060] {strides = array<i32>} : memref<1000x128xf32, #tpu.memory_space<vmem>>, vector<16xf32>,
      tpu.vector_store %arg5[%swap3A_1059, %swap3A_1060], %broadcast_in_dim3A_1 {strides = array<i32>} : memref<1000x128xf32, #tpu.memory_space<vmem>>, vector<16xf32>,
      %mul3A_1062 = arith.constant 8 : i32
      %mul3A_1063 = arith.muli %scan3A_985, %mul3A_1062 : i32
      %add3A_1064 = arith.constant 1 : i32
      %add3A_1065 = arith.addi %mul3A_1063, %add3A_1064 : i32
      %swap3A_1066 = arith.index_cast %add3A_1065 : i32 to index
      %swap3A_1067 = arith.constant 48 : index
      %swap3A_1068 = tpu.vector_load %arg5[%swap3A_1066, %swap3A_1067] {strides = array<i32>} : memref<1000x128xf32, #tpu.memory_space<vmem>>, vector<16xf32>,
      tpu.vector_store %arg5[%swap3A_1066, %swap3A_1067], %broadcast_in_dim3A_1 {strides = array<i32>} : memref<1000x128xf32, #tpu.memory_space<vmem>>, vector<16xf32>,
      %mul3A_1069 = arith.constant 8 : i32
      %mul3A_1070 = arith.muli %scan3A_985, %mul3A_1069 : i32
      %add3A_1071 = arith.constant 1 : i32
      %add3A_1072 = arith.addi %mul3A_1070, %add3A_1071 : i32
      %swap3A_1073 = arith.index_cast %add3A_1072 : i32 to index
      %swap3A_1074 = arith.constant 64 : index
      %swap3A_1075 = tpu.vector_load %arg5[%swap3A_1073, %swap3A_1074] {strides = array<i32>} : memref<1000x128xf32, #tpu.memory_space<vmem>>, vector<16xf32>,
      tpu.vector_store %arg5[%swap3A_1073, %swap3A_1074], %broadcast_in_dim3A_1 {strides = array<i32>} : memref<1000x128xf32, #tpu.memory_space<vmem>>, vector<16xf32>,
      %mul3A_1076 = arith.constant 8 : i32
      %mul3A_1077 = arith.muli %scan3A_985, %mul3A_1076 : i32
      %add3A_1078 = arith.constant 1 : i32
      %add3A_1079 = arith.addi %mul3A_1077, %add3A_1078 : i32
      %swap3A_1080 = arith.index_cast %add3A_1079 : i32 to index
      %swap3A_1081 = arith.constant 80 : index
      %swap3A_1082 = tpu.vector_load %arg5[%swap3A_1080, %swap3A_1081] {strides = array<i32>} : memref<1000x128xf32, #tpu.memory_space<vmem>>, vector<16xf32>,
      tpu.vector_store %arg5[%swap3A_1080, %swap3A_1081], %broadcast_in_dim3A_1 {strides = array<i32>} : memref<1000x128xf32, #tpu.memory_space<vmem>>, vector<16xf32>,
      %mul3A_1083 = arith.constant 8 : i32
      %mul3A_1084 = arith.muli %scan3A_985, %mul3A_1083 : i32
      %add3A_1085 = arith.constant 1 : i32
      %add3A_1086 = arith.addi %mul3A_1084, %add3A_1085 : i32
      %swap3A_1087 = arith.index_cast %add3A_1086 : i32 to index
      %swap3A_1088 = arith.constant 96 : index
      %swap3A_1089 = tpu.vector_load %arg5[%swap3A_1087, %swap3A_1088] {strides = array<i32>} : memref<1000x128xf32, #tpu.memory_space<vmem>>, vector<16xf32>,
      tpu.vector_store %arg5[%swap3A_1087, %swap3A_1088], %broadcast_in_dim3A_1 {strides = array<i32>} : memref<1000x128xf32, #tpu.memory_space<vmem>>, vector<16xf32>,
      %mul3A_1090 = arith.constant 8 : i32
      %mul3A_1091 = arith.muli %scan3A_985, %mul3A_1090 : i32
      %add3A_1092 = arith.constant 1 : i32
      %add3A_1093 = arith.addi %mul3A_1091, %add3A_1092 : i32
      %swap3A_1094 = arith.index_cast %add3A_1093 : i32 to index
      %swap3A_1095 = arith.constant 112 : index
      %swap3A_1096 = tpu.vector_load %arg5[%swap3A_1094, %swap3A_1095] {strides = array<i32>} : memref<1000x128xf32, #tpu.memory_space<vmem>>, vector<16xf32>,
      tpu.vector_store %arg5[%swap3A_1094, %swap3A_1095], %broadcast_in_dim3A_1 {strides = array<i32>} : memref<1000x128xf32, #tpu.memory_space<vmem>>, vector<16xf32>,
      %mul3A_1097 = arith.constant 8 : i32
      %mul3A_1098 = arith.muli %scan3A_985, %mul3A_1097 : i32
      %add3A_1099 = arith.constant 2 : i32
      %add3A_1100 = arith.addi %mul3A_1098, %add3A_1099 : i32
      %swap3A_1101 = arith.index_cast %add3A_1100 : i32 to index
      %swap3A_1102 = arith.constant 0 : index
      %swap3A_1103 = tpu.vector_load %arg5[%swap3A_1101, %swap3A_1102] {strides = array<i32>} : memref<1000x128xf32, #tpu.memory_space<vmem>>, vector<16xf32>,
      tpu.vector_store %arg5[%swap3A_1101, %swap3A_1102], %broadcast_in_dim3A_1 {strides = array<i32>} : memref<1000x128xf32, #tpu.memory_space<vmem>>, vector<16xf32>,
      %mul3A_1104 = arith.constant 8 : i32
      %mul3A_1105 = arith.muli %scan3A_985, %mul3A_1104 : i32
      %add3A_1106 = arith.constant 2 : i32
      %add3A_1107 = arith.addi %mul3A_1105, %add3A_1106 : i32
      %swap3A_1108 = arith.index_cast %add3A_1107 : i32 to index
      %swap3A_1109 = arith.constant 16 : index
      %swap3A_1110 = tpu.vector_load %arg5[%swap3A_1108, %swap3A_1109] {strides = array<i32>} : memref<1000x128xf32, #tpu.memory_space<vmem>>, vector<16xf32>,
      tpu.vector_store %arg5[%swap3A_1108, %swap3A_1109], %broadcast_in_dim3A_1 {strides = array<i32>} : memref<1000x128xf32, #tpu.memory_space<vmem>>, vector<16xf32>,
      %mul3A_1111 = arith.constant 8 : i32
      %mul3A_1112 = arith.muli %scan3A_985, %mul3A_1111 : i32
      %add3A_1113 = arith.constant 2 : i32
      %add3A_1114 = arith.addi %mul3A_1112, %add3A_1113 : i32
      %swap3A_1115 = arith.index_cast %add3A_1114 : i32 to index
      %swap3A_1116 = arith.constant 32 : index
      %swap3A_1117 = tpu.vector_load %arg5[%swap3A_1115, %swap3A_1116] {strides = array<i32>} : memref<1000x128xf32, #tpu.memory_space<vmem>>, vector<16xf32>,
      tpu.vector_store %arg5[%swap3A_1115, %swap3A_1116], %broadcast_in_dim3A_1 {strides = array<i32>} : memref<1000x128xf32, #tpu.memory_space<vmem>>, vector<16xf32>,
      %mul3A_1118 = arith.constant 8 : i32
      %mul3A_1119 = arith.muli %scan3A_985, %mul3A_1118 : i32
      %add3A_1120 = arith.constant 2 : i32
      %add3A_1121 = arith.addi %mul3A_1119, %add3A_1120 : i32
      %swap3A_1122 = arith.index_cast %add3A_1121 : i32 to index
      %swap3A_1123 = arith.constant 48 : index
      %swap3A_1124 = tpu.vector_load %arg5[%swap3A_1122, %swap3A_1123] {strides = array<i32>} : memref<1000x128xf32, #tpu.memory_space<vmem>>, vector<16xf32>,
      tpu.vector_store %arg5[%swap3A_1122, %swap3A_1123], %broadcast_in_dim3A_1 {strides = array<i32>} : memref<1000x128xf32, #tpu.memory_space<vmem>>, vector<16xf32>,
      %mul3A_1125 = arith.constant 8 : i32
      %mul3A_1126 = arith.muli %scan3A_985, %mul3A_1125 : i32
      %add3A_1127 = arith.constant 2 : i32
      %add3A_1128 = arith.addi %mul3A_1126, %add3A_1127 : i32
      %swap3A_1129 = arith.index_cast %add3A_1128 : i32 to index
      %swap3A_1130 = arith.constant 64 : index
      %swap3A_1131 = tpu.vector_load %arg5[%swap3A_1129, %swap3A_1130] {strides = array<i32>} : memref<1000x128xf32, #tpu.memory_space<vmem>>, vector<16xf32>,
      tpu.vector_store %arg5[%swap3A_1129, %swap3A_1130], %broadcast_in_dim3A_1 {strides = array<i32>} : memref<1000x128xf32, #tpu.memory_space<vmem>>, vector<16xf32>,
      %mul3A_1132 = arith.constant 8 : i32
      %mul3A_1133 = arith.muli %scan3A_985, %mul3A_1132 : i32
      %add3A_1134 = arith.constant 2 : i32
      %add3A_1135 = arith.addi %mul3A_1133, %add3A_1134 : i32
      %swap3A_1136 = arith.index_cast %add3A_1135 : i32 to index
      %swap3A_1137 = arith.constant 80 : index
      %swap3A_1138 = tpu.vector_load %arg5[%swap3A_1136, %swap3A_1137] {strides = array<i32>} : memref<1000x128xf32, #tpu.memory_space<vmem>>, vector<16xf32>,
      tpu.vector_store %arg5[%swap3A_1136, %swap3A_1137], %broadcast_in_dim3A_1 {strides = array<i32>} : memref<1000x128xf32, #tpu.memory_space<vmem>>, vector<16xf32>,
      %mul3A_1139 = arith.constant 8 : i32
      %mul3A_1140 = arith.muli %scan3A_985, %mul3A_1139 : i32
      %add3A_1141 = arith.constant 2 : i32
      %add3A_1142 = arith.addi %mul3A_1140, %add3A_1141 : i32
      %swap3A_1143 = arith.index_cast %add3A_1142 : i32 to index
      %swap3A_1144 = arith.constant 96 : index
      %swap3A_1145 = tpu.vector_load %arg5[%swap3A_1143, %swap3A_1144] {strides = array<i32>} : memref<1000x128xf32, #tpu.memory_space<vmem>>, vector<16xf32>,
      tpu.vector_store %arg5[%swap3A_1143, %swap3A_1144], %broadcast_in_dim3A_1 {strides = array<i32>} : memref<1000x128xf32, #tpu.memory_space<vmem>>, vector<16xf32>,
      %mul3A_1146 = arith.constant 8 : i32
      %mul3A_1147 = arith.muli %scan3A_985, %mul3A_1146 : i32
      %add3A_1148 = arith.constant 2 : i32
      %add3A_1149 = arith.addi %mul3A_1147, %add3A_1148 : i32
      %swap3A_1150 = arith.index_cast %add3A_1149 : i32 to index
      %swap3A_1151 = arith.constant 112 : index
      %swap3A_1152 = tpu.vector_load %arg5[%swap3A_1150, %swap3A_1151] {strides = array<i32>} : memref<1000x128xf32, #tpu.memory_space<vmem>>, vector<16xf32>,
      tpu.vector_store %arg5[%swap3A_1150, %swap3A_1151], %broadcast_in_dim3A_1 {strides = array<i32>} : memref<1000x128xf32, #tpu.memory_space<vmem>>, vector<16xf32>,
      %mul3A_1153 = arith.constant 8 : i32
      %mul3A_1154 = arith.muli %scan3A_985, %mul3A_1153 : i32
      %add3A_1155 = arith.constant 3 : i32
      %add3A_1156 = arith.addi %mul3A_1154, %add3A_1155 : i32
      %swap3A_1157 = arith.index_cast %add3A_1156 : i32 to index
      %swap3A_1158 = arith.constant 0 : index
      %swap3A_1159 = tpu.vector_load %arg5[%swap3A_1157, %swap3A_1158] {strides = array<i32>} : memref<1000x128xf32, #tpu.memory_space<vmem>>, vector<16xf32>,
      tpu.vector_store %arg5[%swap3A_1157, %swap3A_1158], %broadcast_in_dim3A_1 {strides = array<i32>} : memref<1000x128xf32, #tpu.memory_space<vmem>>, vector<16xf32>,
      %mul3A_1160 = arith.constant 8 : i32
      %mul3A_1161 = arith.muli %scan3A_985, %mul3A_1160 : i32
      %add3A_1162 = arith.constant 3 : i32
      %add3A_1163 = arith.addi %mul3A_1161, %add3A_1162 : i32
      %swap3A_1164 = arith.index_cast %add3A_1163 : i32 to index
      %swap3A_1165 = arith.constant 16 : index
      %swap3A_1166 = tpu.vector_load %arg5[%swap3A_1164, %swap3A_1165] {strides = array<i32>} : memref<1000x128xf32, #tpu.memory_space<vmem>>, vector<16xf32>,
      tpu.vector_store %arg5[%swap3A_1164, %swap3A_1165], %broadcast_in_dim3A_1 {strides = array<i32>} : memref<1000x128xf32, #tpu.memory_space<vmem>>, vector<16xf32>,
      %mul3A_1167 = arith.constant 8 : i32
      %mul3A_1168 = arith.muli %scan3A_985, %mul3A_1167 : i32
      %add3A_1169 = arith.constant 3 : i32
      %add3A_1170 = arith.addi %mul3A_1168, %add3A_1169 : i32
      %swap3A_1171 = arith.index_cast %add3A_1170 : i32 to index
      %swap3A_1172 = arith.constant 32 : index
      %swap3A_1173 = tpu.vector_load %arg5[%swap3A_1171, %swap3A_1172] {strides = array<i32>} : memref<1000x128xf32, #tpu.memory_space<vmem>>, vector<16xf32>,
      tpu.vector_store %arg5[%swap3A_1171, %swap3A_1172], %broadcast_in_dim3A_1 {strides = array<i32>} : memref<1000x128xf32, #tpu.memory_space<vmem>>, vector<16xf32>,
      %mul3A_1174 = arith.constant 8 : i32
      %mul3A_1175 = arith.muli %scan3A_985, %mul3A_1174 : i32
      %add3A_1176 = arith.constant 3 : i32
      %add3A_1177 = arith.addi %mul3A_1175, %add3A_1176 : i32
      %swap3A_1178 = arith.index_cast %add3A_1177 : i32 to index
      %swap3A_1179 = arith.constant 48 : index
      %swap3A_1180 = tpu.vector_load %arg5[%swap3A_1178, %swap3A_1179] {strides = array<i32>} : memref<1000x128xf32, #tpu.memory_space<vmem>>, vector<16xf32>,
      tpu.vector_store %arg5[%swap3A_1178, %swap3A_1179], %broadcast_in_dim3A_1 {strides = array<i32>} : memref<1000x128xf32, #tpu.memory_space<vmem>>, vector<16xf32>,
      %mul3A_1181 = arith.constant 8 : i32
      %mul3A_1182 = arith.muli %scan3A_985, %mul3A_1181 : i32
      %add3A_1183 = arith.constant 3 : i32
      %add3A_1184 = arith.addi %mul3A_1182, %add3A_1183 : i32
      %swap3A_1185 = arith.index_cast %add3A_1184 : i32 to index
      %swap3A_1186 = arith.constant 64 : index
      %swap3A_1187 = tpu.vector_load %arg5[%swap3A_1185, %swap3A_1186] {strides = array<i32>} : memref<1000x128xf32, #tpu.memory_space<vmem>>, vector<16xf32>,
      tpu.vector_store %arg5[%swap3A_1185, %swap3A_1186], %broadcast_in_dim3A_1 {strides = array<i32>} : memref<1000x128xf32, #tpu.memory_space<vmem>>, vector<16xf32>,
      %mul3A_1188 = arith.constant 8 : i32
      %mul3A_1189 = arith.muli %scan3A_985, %mul3A_1188 : i32
      %add3A_1190 = arith.constant 3 : i32
      %add3A_1191 = arith.addi %mul3A_1189, %add3A_1190 : i32
      %swap3A_1192 = arith.index_cast %add3A_1191 : i32 to index
      %swap3A_1193 = arith.constant 80 : index
      %swap3A_1194 = tpu.vector_load %arg5[%swap3A_1192, %swap3A_1193] {strides = array<i32>} : memref<1000x128xf32, #tpu.memory_space<vmem>>, vector<16xf32>,
      tpu.vector_store %arg5[%swap3A_1192, %swap3A_1193], %broadcast_in_dim3A_1 {strides = array<i32>} : memref<1000x128xf32, #tpu.memory_space<vmem>>, vector<16xf32>,
      %mul3A_1195 = arith.constant 8 : i32
      %mul3A_1196 = arith.muli %scan3A_985, %mul3A_1195 : i32
      %add3A_1197 = arith.constant 3 : i32
      %add3A_1198 = arith.addi %mul3A_1196, %add3A_1197 : i32
      %swap3A_1199 = arith.index_cast %add3A_1198 : i32 to index
      %swap3A_1200 = arith.constant 96 : index
      %swap3A_1201 = tpu.vector_load %arg5[%swap3A_1199, %swap3A_1200] {strides = array<i32>} : memref<1000x128xf32, #tpu.memory_space<vmem>>, vector<16xf32>,
      tpu.vector_store %arg5[%swap3A_1199, %swap3A_1200], %broadcast_in_dim3A_1 {strides = array<i32>} : memref<1000x128xf32, #tpu.memory_space<vmem>>, vector<16xf32>,
      %mul3A_1202 = arith.constant 8 : i32
      %mul3A_1203 = arith.muli %scan3A_985, %mul3A_1202 : i32
      %add3A_1204 = arith.constant 3 : i32
      %add3A_1205 = arith.addi %mul3A_1203, %add3A_1204 : i32
      %swap3A_1206 = arith.index_cast %add3A_1205 : i32 to index
      %swap3A_1207 = arith.constant 112 : index
      %swap3A_1208 = tpu.vector_load %arg5[%swap3A_1206, %swap3A_1207] {strides = array<i32>} : memref<1000x128xf32, #tpu.memory_space<vmem>>, vector<16xf32>,
      tpu.vector_store %arg5[%swap3A_1206, %swap3A_1207], %broadcast_in_dim3A_1 {strides = array<i32>} : memref<1000x128xf32, #tpu.memory_space<vmem>>, vector<16xf32>,
      %mul3A_1209 = arith.constant 8 : i32
      %mul3A_1210 = arith.muli %scan3A_985, %mul3A_1209 : i32
      %add3A_1211 = arith.constant 4 : i32
      %add3A_1212 = arith.addi %mul3A_1210, %add3A_1211 : i32
      %swap3A_1213 = arith.index_cast %add3A_1212 : i32 to index
      %swap3A_1214 = arith.constant 0 : index
      %swap3A_1215 = tpu.vector_load %arg5[%swap3A_1213, %swap3A_1214] {strides = array<i32>} : memref<1000x128xf32, #tpu.memory_space<vmem>>, vector<16xf32>,
      tpu.vector_store %arg5[%swap3A_1213, %swap3A_1214], %broadcast_in_dim3A_1 {strides = array<i32>} : memref<1000x128xf32, #tpu.memory_space<vmem>>, vector<16xf32>,
      %mul3A_1216 = arith.constant 8 : i32
      %mul3A_1217 = arith.muli %scan3A_985, %mul3A_1216 : i32
      %add3A_1218 = arith.constant 4 : i32
      %add3A_1219 = arith.addi %mul3A_1217, %add3A_1218 : i32
      %swap3A_1220 = arith.index_cast %add3A_1219 : i32 to index
      %swap3A_1221 = arith.constant 16 : index
      %swap3A_1222 = tpu.vector_load %arg5[%swap3A_1220, %swap3A_1221] {strides = array<i32>} : memref<1000x128xf32, #tpu.memory_space<vmem>>, vector<16xf32>,
      tpu.vector_store %arg5[%swap3A_1220, %swap3A_1221], %broadcast_in_dim3A_1 {strides = array<i32>} : memref<1000x128xf32, #tpu.memory_space<vmem>>, vector<16xf32>,
      %mul3A_1223 = arith.constant 8 : i32
      %mul3A_1224 = arith.muli %scan3A_985, %mul3A_1223 : i32
      %add3A_1225 = arith.constant 4 : i32
      %add3A_1226 = arith.addi %mul3A_1224, %add3A_1225 : i32
      %swap3A_1227 = arith.index_cast %add3A_1226 : i32 to index
      %swap3A_1228 = arith.constant 32 : index
      %swap3A_1229 = tpu.vector_load %arg5[%swap3A_1227, %swap3A_1228] {strides = array<i32>} : memref<1000x128xf32, #tpu.memory_space<vmem>>, vector<16xf32>,
      tpu.vector_store %arg5[%swap3A_1227, %swap3A_1228], %broadcast_in_dim3A_1 {strides = array<i32>} : memref<1000x128xf32, #tpu.memory_space<vmem>>, vector<16xf32>,
      %mul3A_1230 = arith.constant 8 : i32
      %mul3A_1231 = arith.muli %scan3A_985, %mul3A_1230 : i32
      %add3A_1232 = arith.constant 4 : i32
      %add3A_1233 = arith.addi %mul3A_1231, %add3A_1232 : i32
      %swap3A_1234 = arith.index_cast %add3A_1233 : i32 to index
      %swap3A_1235 = arith.constant 48 : index
      %swap3A_1236 = tpu.vector_load %arg5[%swap3A_1234, %swap3A_1235] {strides = array<i32>} : memref<1000x128xf32, #tpu.memory_space<vmem>>, vector<16xf32>,
      tpu.vector_store %arg5[%swap3A_1234, %swap3A_1235], %broadcast_in_dim3A_1 {strides = array<i32>} : memref<1000x128xf32, #tpu.memory_space<vmem>>, vector<16xf32>,
      %mul3A_1237 = arith.constant 8 : i32
      %mul3A_1238 = arith.muli %scan3A_985, %mul3A_1237 : i32
      %add3A_1239 = arith.constant 4 : i32
      %add3A_1240 = arith.addi %mul3A_1238, %add3A_1239 : i32
      %swap3A_1241 = arith.index_cast %add3A_1240 : i32 to index
      %swap3A_1242 = arith.constant 64 : index
      %swap3A_1243 = tpu.vector_load %arg5[%swap3A_1241, %swap3A_1242] {strides = array<i32>} : memref<1000x128xf32, #tpu.memory_space<vmem>>, vector<16xf32>,
      tpu.vector_store %arg5[%swap3A_1241, %swap3A_1242], %broadcast_in_dim3A_1 {strides = array<i32>} : memref<1000x128xf32, #tpu.memory_space<vmem>>, vector<16xf32>,
      %mul3A_1244 = arith.constant 8 : i32
      %mul3A_1245 = arith.muli %scan3A_985, %mul3A_1244 : i32
      %add3A_1246 = arith.constant 4 : i32
      %add3A_1247 = arith.addi %mul3A_1245, %add3A_1246 : i32
      %swap3A_1248 = arith.index_cast %add3A_1247 : i32 to index
      %swap3A_1249 = arith.constant 80 : index
      %swap3A_1250 = tpu.vector_load %arg5[%swap3A_1248, %swap3A_1249] {strides = array<i32>} : memref<1000x128xf32, #tpu.memory_space<vmem>>, vector<16xf32>,
      tpu.vector_store %arg5[%swap3A_1248, %swap3A_1249], %broadcast_in_dim3A_1 {strides = array<i32>} : memref<1000x128xf32, #tpu.memory_space<vmem>>, vector<16xf32>,
      %mul3A_1251 = arith.constant 8 : i32
      %mul3A_1252 = arith.muli %scan3A_985, %mul3A_1251 : i32
      %add3A_1253 = arith.constant 4 : i32
      %add3A_1254 = arith.addi %mul3A_1252, %add3A_1253 : i32
      %swap3A_1255 = arith.index_cast %add3A_1254 : i32 to index
      %swap3A_1256 = arith.constant 96 : index
      %swap3A_1257 = tpu.vector_load %arg5[%swap3A_1255, %swap3A_1256] {strides = array<i32>} : memref<1000x128xf32, #tpu.memory_space<vmem>>, vector<16xf32>,
      tpu.vector_store %arg5[%swap3A_1255, %swap3A_1256], %broadcast_in_dim3A_1 {strides = array<i32>} : memref<1000x128xf32, #tpu.memory_space<vmem>>, vector<16xf32>,
      %mul3A_1258 = arith.constant 8 : i32
      %mul3A_1259 = arith.muli %scan3A_985, %mul3A_1258 : i32
      %add3A_1260 = arith.constant 4 : i32
      %add3A_1261 = arith.addi %mul3A_1259, %add3A_1260 : i32
      %swap3A_1262 = arith.index_cast %add3A_1261 : i32 to index
      %swap3A_1263 = arith.constant 112 : index
      %swap3A_1264 = tpu.vector_load %arg5[%swap3A_1262, %swap3A_1263] {strides = array<i32>} : memref<1000x128xf32, #tpu.memory_space<vmem>>, vector<16xf32>,
      tpu.vector_store %arg5[%swap3A_1262, %swap3A_1263], %broadcast_in_dim3A_1 {strides = array<i32>} : memref<1000x128xf32, #tpu.memory_space<vmem>>, vector<16xf32>,
      %mul3A_1265 = arith.constant 8 : i32
      %mul3A_1266 = arith.muli %scan3A_985, %mul3A_1265 : i32
      %add3A_1267 = arith.constant 5 : i32
      %add3A_1268 = arith.addi %mul3A_1266, %add3A_1267 : i32
      %swap3A_1269 = arith.index_cast %add3A_1268 : i32 to index
      %swap3A_1270 = arith.constant 0 : index
      %swap3A_1271 = tpu.vector_load %arg5[%swap3A_1269, %swap3A_1270] {strides = array<i32>} : memref<1000x128xf32, #tpu.memory_space<vmem>>, vector<16xf32>,
      tpu.vector_store %arg5[%swap3A_1269, %swap3A_1270], %broadcast_in_dim3A_1 {strides = array<i32>} : memref<1000x128xf32, #tpu.memory_space<vmem>>, vector<16xf32>,
      %mul3A_1272 = arith.constant 8 : i32
      %mul3A_1273 = arith.muli %scan3A_985, %mul3A_1272 : i32
      %add3A_1274 = arith.constant 5 : i32
      %add3A_1275 = arith.addi %mul3A_1273, %add3A_1274 : i32
      %swap3A_1276 = arith.index_cast %add3A_1275 : i32 to index
      %swap3A_1277 = arith.constant 16 : index
      %swap3A_1278 = tpu.vector_load %arg5[%swap3A_1276, %swap3A_1277] {strides = array<i32>} : memref<1000x128xf32, #tpu.memory_space<vmem>>, vector<16xf32>,
      tpu.vector_store %arg5[%swap3A_1276, %swap3A_1277], %broadcast_in_dim3A_1 {strides = array<i32>} : memref<1000x128xf32, #tpu.memory_space<vmem>>, vector<16xf32>,
      %mul3A_1279 = arith.constant 8 : i32
      %mul3A_1280 = arith.muli %scan3A_985, %mul3A_1279 : i32
      %add3A_1281 = arith.constant 5 : i32
      %add3A_1282 = arith.addi %mul3A_1280, %add3A_1281 : i32
      %swap3A_1283 = arith.index_cast %add3A_1282 : i32 to index
      %swap3A_1284 = arith.constant 32 : index
      %swap3A_1285 = tpu.vector_load %arg5[%swap3A_1283, %swap3A_1284] {strides = array<i32>} : memref<1000x128xf32, #tpu.memory_space<vmem>>, vector<16xf32>,
      tpu.vector_store %arg5[%swap3A_1283, %swap3A_1284], %broadcast_in_dim3A_1 {strides = array<i32>} : memref<1000x128xf32, #tpu.memory_space<vmem>>, vector<16xf32>,
      %mul3A_1286 = arith.constant 8 : i32
      %mul3A_1287 = arith.muli %scan3A_985, %mul3A_1286 : i32
      %add3A_1288 = arith.constant 5 : i32
      %add3A_1289 = arith.addi %mul3A_1287, %add3A_1288 : i32
      %swap3A_1290 = arith.index_cast %add3A_1289 : i32 to index
      %swap3A_1291 = arith.constant 48 : index
      %swap3A_1292 = tpu.vector_load %arg5[%swap3A_1290, %swap3A_1291] {strides = array<i32>} : memref<1000x128xf32, #tpu.memory_space<vmem>>, vector<16xf32>,
      tpu.vector_store %arg5[%swap3A_1290, %swap3A_1291], %broadcast_in_dim3A_1 {strides = array<i32>} : memref<1000x128xf32, #tpu.memory_space<vmem>>, vector<16xf32>,
      %mul3A_1293 = arith.constant 8 : i32
      %mul3A_1294 = arith.muli %scan3A_985, %mul3A_1293 : i32
      %add3A_1295 = arith.constant 5 : i32
      %add3A_1296 = arith.addi %mul3A_1294, %add3A_1295 : i32
      %swap3A_1297 = arith.index_cast %add3A_1296 : i32 to index
      %swap3A_1298 = arith.constant 64 : index
      %swap3A_1299 = tpu.vector_load %arg5[%swap3A_1297, %swap3A_1298] {strides = array<i32>} : memref<1000x128xf32, #tpu.memory_space<vmem>>, vector<16xf32>,
      tpu.vector_store %arg5[%swap3A_1297, %swap3A_1298], %broadcast_in_dim3A_1 {strides = array<i32>} : memref<1000x128xf32, #tpu.memory_space<vmem>>, vector<16xf32>,
      %mul3A_1300 = arith.constant 8 : i32
      %mul3A_1301 = arith.muli %scan3A_985, %mul3A_1300 : i32
      %add3A_1302 = arith.constant 5 : i32
      %add3A_1303 = arith.addi %mul3A_1301, %add3A_1302 : i32
      %swap3A_1304 = arith.index_cast %add3A_1303 : i32 to index
      %swap3A_1305 = arith.constant 80 : index
      %swap3A_1306 = tpu.vector_load %arg5[%swap3A_1304, %swap3A_1305] {strides = array<i32>} : memref<1000x128xf32, #tpu.memory_space<vmem>>, vector<16xf32>,
      tpu.vector_store %arg5[%swap3A_1304, %swap3A_1305], %broadcast_in_dim3A_1 {strides = array<i32>} : memref<1000x128xf32, #tpu.memory_space<vmem>>, vector<16xf32>,
      %mul3A_1307 = arith.constant 8 : i32
      %mul3A_1308 = arith.muli %scan3A_985, %mul3A_1307 : i32
      %add3A_1309 = arith.constant 5 : i32
      %add3A_1310 = arith.addi %mul3A_1308, %add3A_1309 : i32
      %swap3A_1311 = arith.index_cast %add3A_1310 : i32 to index
      %swap3A_1312 = arith.constant 96 : index
      %swap3A_1313 = tpu.vector_load %arg5[%swap3A_1311, %swap3A_1312] {strides = array<i32>} : memref<1000x128xf32, #tpu.memory_space<vmem>>, vector<16xf32>,
      tpu.vector_store %arg5[%swap3A_1311, %swap3A_1312], %broadcast_in_dim3A_1 {strides = array<i32>} : memref<1000x128xf32, #tpu.memory_space<vmem>>, vector<16xf32>,
      %mul3A_1314 = arith.constant 8 : i32
      %mul3A_1315 = arith.muli %scan3A_985, %mul3A_1314 : i32
      %add3A_1316 = arith.constant 5 : i32
      %add3A_1317 = arith.addi %mul3A_1315, %add3A_1316 : i32
      %swap3A_1318 = arith.index_cast %add3A_1317 : i32 to index
      %swap3A_1319 = arith.constant 112 : index
      %swap3A_1320 = tpu.vector_load %arg5[%swap3A_1318, %swap3A_1319] {strides = array<i32>} : memref<1000x128xf32, #tpu.memory_space<vmem>>, vector<16xf32>,
      tpu.vector_store %arg5[%swap3A_1318, %swap3A_1319], %broadcast_in_dim3A_1 {strides = array<i32>} : memref<1000x128xf32, #tpu.memory_space<vmem>>, vector<16xf32>,
      %mul3A_1321 = arith.constant 8 : i32
      %mul3A_1322 = arith.muli %scan3A_985, %mul3A_1321 : i32
      %add3A_1323 = arith.constant 6 : i32
      %add3A_1324 = arith.addi %mul3A_1322, %add3A_1323 : i32
      %swap3A_1325 = arith.index_cast %add3A_1324 : i32 to index
      %swap3A_1326 = arith.constant 0 : index
      %swap3A_1327 = tpu.vector_load %arg5[%swap3A_1325, %swap3A_1326] {strides = array<i32>} : memref<1000x128xf32, #tpu.memory_space<vmem>>, vector<16xf32>,
      tpu.vector_store %arg5[%swap3A_1325, %swap3A_1326], %broadcast_in_dim3A_1 {strides = array<i32>} : memref<1000x128xf32, #tpu.memory_space<vmem>>, vector<16xf32>,
      %mul3A_1328 = arith.constant 8 : i32
      %mul3A_1329 = arith.muli %scan3A_985, %mul3A_1328 : i32
      %add3A_1330 = arith.constant 6 : i32
      %add3A_1331 = arith.addi %mul3A_1329, %add3A_1330 : i32
      %swap3A_1332 = arith.index_cast %add3A_1331 : i32 to index
      %swap3A_1333 = arith.constant 16 : index
      %swap3A_1334 = tpu.vector_load %arg5[%swap3A_1332, %swap3A_1333] {strides = array<i32>} : memref<1000x128xf32, #tpu.memory_space<vmem>>, vector<16xf32>,
      tpu.vector_store %arg5[%swap3A_1332, %swap3A_1333], %broadcast_in_dim3A_1 {strides = array<i32>} : memref<1000x128xf32, #tpu.memory_space<vmem>>, vector<16xf32>,
      %mul3A_1335 = arith.constant 8 : i32
      %mul3A_1336 = arith.muli %scan3A_985, %mul3A_1335 : i32
      %add3A_1337 = arith.constant 6 : i32
      %add3A_1338 = arith.addi %mul3A_1336, %add3A_1337 : i32
      %swap3A_1339 = arith.index_cast %add3A_1338 : i32 to index
      %swap3A_1340 = arith.constant 32 : index
      %swap3A_1341 = tpu.vector_load %arg5[%swap3A_1339, %swap3A_1340] {strides = array<i32>} : memref<1000x128xf32, #tpu.memory_space<vmem>>, vector<16xf32>,
      tpu.vector_store %arg5[%swap3A_1339, %swap3A_1340], %broadcast_in_dim3A_1 {strides = array<i32>} : memref<1000x128xf32, #tpu.memory_space<vmem>>, vector<16xf32>,
      %mul3A_1342 = arith.constant 8 : i32
      %mul3A_1343 = arith.muli %scan3A_985, %mul3A_1342 : i32
      %add3A_1344 = arith.constant 6 : i32
      %add3A_1345 = arith.addi %mul3A_1343, %add3A_1344 : i32
      %swap3A_1346 = arith.index_cast %add3A_1345 : i32 to index
      %swap3A_1347 = arith.constant 48 : index
      %swap3A_1348 = tpu.vector_load %arg5[%swap3A_1346, %swap3A_1347] {strides = array<i32>} : memref<1000x128xf32, #tpu.memory_space<vmem>>, vector<16xf32>,
      tpu.vector_store %arg5[%swap3A_1346, %swap3A_1347], %broadcast_in_dim3A_1 {strides = array<i32>} : memref<1000x128xf32, #tpu.memory_space<vmem>>, vector<16xf32>,
      %mul3A_1349 = arith.constant 8 : i32
      %mul3A_1350 = arith.muli %scan3A_985, %mul3A_1349 : i32
      %add3A_1351 = arith.constant 6 : i32
      %add3A_1352 = arith.addi %mul3A_1350, %add3A_1351 : i32
      %swap3A_1353 = arith.index_cast %add3A_1352 : i32 to index
      %swap3A_1354 = arith.constant 64 : index
      %swap3A_1355 = tpu.vector_load %arg5[%swap3A_1353, %swap3A_1354] {strides = array<i32>} : memref<1000x128xf32, #tpu.memory_space<vmem>>, vector<16xf32>,
      tpu.vector_store %arg5[%swap3A_1353, %swap3A_1354], %broadcast_in_dim3A_1 {strides = array<i32>} : memref<1000x128xf32, #tpu.memory_space<vmem>>, vector<16xf32>,
      %mul3A_1356 = arith.constant 8 : i32
      %mul3A_1357 = arith.muli %scan3A_985, %mul3A_1356 : i32
      %add3A_1358 = arith.constant 6 : i32
      %add3A_1359 = arith.addi %mul3A_1357, %add3A_1358 : i32
      %swap3A_1360 = arith.index_cast %add3A_1359 : i32 to index
      %swap3A_1361 = arith.constant 80 : index
      %swap3A_1362 = tpu.vector_load %arg5[%swap3A_1360, %swap3A_1361] {strides = array<i32>} : memref<1000x128xf32, #tpu.memory_space<vmem>>, vector<16xf32>,
      tpu.vector_store %arg5[%swap3A_1360, %swap3A_1361], %broadcast_in_dim3A_1 {strides = array<i32>} : memref<1000x128xf32, #tpu.memory_space<vmem>>, vector<16xf32>,
      %mul3A_1363 = arith.constant 8 : i32
      %mul3A_1364 = arith.muli %scan3A_985, %mul3A_1363 : i32
      %add3A_1365 = arith.constant 6 : i32
      %add3A_1366 = arith.addi %mul3A_1364, %add3A_1365 : i32
      %swap3A_1367 = arith.index_cast %add3A_1366 : i32 to index
      %swap3A_1368 = arith.constant 96 : index
      %swap3A_1369 = tpu.vector_load %arg5[%swap3A_1367, %swap3A_1368] {strides = array<i32>} : memref<1000x128xf32, #tpu.memory_space<vmem>>, vector<16xf32>,
      tpu.vector_store %arg5[%swap3A_1367, %swap3A_1368], %broadcast_in_dim3A_1 {strides = array<i32>} : memref<1000x128xf32, #tpu.memory_space<vmem>>, vector<16xf32>,
      %mul3A_1370 = arith.constant 8 : i32
      %mul3A_1371 = arith.muli %scan3A_985, %mul3A_1370 : i32
      %add3A_1372 = arith.constant 6 : i32
      %add3A_1373 = arith.addi %mul3A_1371, %add3A_1372 : i32
      %swap3A_1374 = arith.index_cast %add3A_1373 : i32 to index
      %swap3A_1375 = arith.constant 112 : index
      %swap3A_1376 = tpu.vector_load %arg5[%swap3A_1374, %swap3A_1375] {strides = array<i32>} : memref<1000x128xf32, #tpu.memory_space<vmem>>, vector<16xf32>,
      tpu.vector_store %arg5[%swap3A_1374, %swap3A_1375], %broadcast_in_dim3A_1 {strides = array<i32>} : memref<1000x128xf32, #tpu.memory_space<vmem>>, vector<16xf32>,
      %mul3A_1377 = arith.constant 8 : i32
      %mul3A_1378 = arith.muli %scan3A_985, %mul3A_1377 : i32
      %add3A_1379 = arith.constant 7 : i32
      %add3A_1380 = arith.addi %mul3A_1378, %add3A_1379 : i32
      %swap3A_1381 = arith.index_cast %add3A_1380 : i32 to index
      %swap3A_1382 = arith.constant 0 : index
      %swap3A_1383 = tpu.vector_load %arg5[%swap3A_1381, %swap3A_1382] {strides = array<i32>} : memref<1000x128xf32, #tpu.memory_space<vmem>>, vector<16xf32>,
      tpu.vector_store %arg5[%swap3A_1381, %swap3A_1382], %broadcast_in_dim3A_1 {strides = array<i32>} : memref<1000x128xf32, #tpu.memory_space<vmem>>, vector<16xf32>,
      %mul3A_1384 = arith.constant 8 : i32
      %mul3A_1385 = arith.muli %scan3A_985, %mul3A_1384 : i32
      %add3A_1386 = arith.constant 7 : i32
      %add3A_1387 = arith.addi %mul3A_1385, %add3A_1386 : i32
      %swap3A_1388 = arith.index_cast %add3A_1387 : i32 to index
      %swap3A_1389 = arith.constant 16 : index
      %swap3A_1390 = tpu.vector_load %arg5[%swap3A_1388, %swap3A_1389] {strides = array<i32>} : memref<1000x128xf32, #tpu.memory_space<vmem>>, vector<16xf32>,
      tpu.vector_store %arg5[%swap3A_1388, %swap3A_1389], %broadcast_in_dim3A_1 {strides = array<i32>} : memref<1000x128xf32, #tpu.memory_space<vmem>>, vector<16xf32>,
      %mul3A_1391 = arith.constant 8 : i32
      %mul3A_1392 = arith.muli %scan3A_985, %mul3A_1391 : i32
      %add3A_1393 = arith.constant 7 : i32
      %add3A_1394 = arith.addi %mul3A_1392, %add3A_1393 : i32
      %swap3A_1395 = arith.index_cast %add3A_1394 : i32 to index
      %swap3A_1396 = arith.constant 32 : index
      %swap3A_1397 = tpu.vector_load %arg5[%swap3A_1395, %swap3A_1396] {strides = array<i32>} : memref<1000x128xf32, #tpu.memory_space<vmem>>, vector<16xf32>,
      tpu.vector_store %arg5[%swap3A_1395, %swap3A_1396], %broadcast_in_dim3A_1 {strides = array<i32>} : memref<1000x128xf32, #tpu.memory_space<vmem>>, vector<16xf32>,
      %mul3A_1398 = arith.constant 8 : i32
      %mul3A_1399 = arith.muli %scan3A_985, %mul3A_1398 : i32
      %add3A_1400 = arith.constant 7 : i32
      %add3A_1401 = arith.addi %mul3A_1399, %add3A_1400 : i32
      %swap3A_1402 = arith.index_cast %add3A_1401 : i32 to index
      %swap3A_1403 = arith.constant 48 : index
      %swap3A_1404 = tpu.vector_load %arg5[%swap3A_1402, %swap3A_1403] {strides = array<i32>} : memref<1000x128xf32, #tpu.memory_space<vmem>>, vector<16xf32>,
      tpu.vector_store %arg5[%swap3A_1402, %swap3A_1403], %broadcast_in_dim3A_1 {strides = array<i32>} : memref<1000x128xf32, #tpu.memory_space<vmem>>, vector<16xf32>,
      %mul3A_1405 = arith.constant 8 : i32
      %mul3A_1406 = arith.muli %scan3A_985, %mul3A_1405 : i32
      %add3A_1407 = arith.constant 7 : i32
      %add3A_1408 = arith.addi %mul3A_1406, %add3A_1407 : i32
      %swap3A_1409 = arith.index_cast %add3A_1408 : i32 to index
      %swap3A_1410 = arith.constant 64 : index
      %swap3A_1411 = tpu.vector_load %arg5[%swap3A_1409, %swap3A_1410] {strides = array<i32>} : memref<1000x128xf32, #tpu.memory_space<vmem>>, vector<16xf32>,
      tpu.vector_store %arg5[%swap3A_1409, %swap3A_1410], %broadcast_in_dim3A_1 {strides = array<i32>} : memref<1000x128xf32, #tpu.memory_space<vmem>>, vector<16xf32>,
      %mul3A_1412 = arith.constant 8 : i32
      %mul3A_1413 = arith.muli %scan3A_985, %mul3A_1412 : i32
      %add3A_1414 = arith.constant 7 : i32
      %add3A_1415 = arith.addi %mul3A_1413, %add3A_1414 : i32
      %swap3A_1416 = arith.index_cast %add3A_1415 : i32 to index
      %swap3A_1417 = arith.constant 80 : index
      %swap3A_1418 = tpu.vector_load %arg5[%swap3A_1416, %swap3A_1417] {strides = array<i32>} : memref<1000x128xf32, #tpu.memory_space<vmem>>, vector<16xf32>,
      tpu.vector_store %arg5[%swap3A_1416, %swap3A_1417], %broadcast_in_dim3A_1 {strides = array<i32>} : memref<1000x128xf32, #tpu.memory_space<vmem>>, vector<16xf32>,
      %mul3A_1419 = arith.constant 8 : i32
      %mul3A_1420 = arith.muli %scan3A_985, %mul3A_1419 : i32
      %add3A_1421 = arith.constant 7 : i32
      %add3A_1422 = arith.addi %mul3A_1420, %add3A_1421 : i32
      %swap3A_1423 = arith.index_cast %add3A_1422 : i32 to index
      %swap3A_1424 = arith.constant 96 : index
      %swap3A_1425 = tpu.vector_load %arg5[%swap3A_1423, %swap3A_1424] {strides = array<i32>} : memref<1000x128xf32, #tpu.memory_space<vmem>>, vector<16xf32>,
      tpu.vector_store %arg5[%swap3A_1423, %swap3A_1424], %broadcast_in_dim3A_1 {strides = array<i32>} : memref<1000x128xf32, #tpu.memory_space<vmem>>, vector<16xf32>,
      %mul3A_1426 = arith.constant 8 : i32
      %mul3A_1427 = arith.muli %scan3A_985, %mul3A_1426 : i32
      %add3A_1428 = arith.constant 7 : i32
      %add3A_1429 = arith.addi %mul3A_1427, %add3A_1428 : i32
      %swap3A_1430 = arith.index_cast %add3A_1429 : i32 to index
      %swap3A_1431 = arith.constant 112 : index
      %swap3A_1432 = tpu.vector_load %arg5[%swap3A_1430, %swap3A_1431] {strides = array<i32>} : memref<1000x128xf32, #tpu.memory_space<vmem>>, vector<16xf32>,
      tpu.vector_store %arg5[%swap3A_1430, %swap3A_1431], %broadcast_in_dim3A_1 {strides = array<i32>} : memref<1000x128xf32, #tpu.memory_space<vmem>>, vector<16xf32>,
    }
    %scan3A_695 = arith.constant 29 : i32
    %get3A_696 = arith.constant 0 : i32
    %get3A_697 = arith.index_cast %get3A_696 : i32 to index
    %get3A_698 = arith.constant 0 : index
    %get3A_699 = tpu.vector_load %arg4[%get3A_697, %get3A_698] {strides = array<i32>} : memref<4x128xi32, #tpu.memory_space<vmem>>, vector<16xi32>,
    %ge3A_700 = arith.constant 768 : i32
    %ge3A_701 = vector.broadcast %ge3A_700 : i32 to vector<16xi32>
    %ge3A_702 = arith.cmpi sge, %get3A_699, %ge3A_701 : vector<16xi32>
    %lt3A_703 = arith.constant 1000 : i32
    %lt3A_704 = vector.broadcast %lt3A_703 : i32 to vector<16xi32>
    %lt3A_705 = arith.cmpi slt, %get3A_699, %lt3A_704 : vector<16xi32>
    %and3A_706 = arith.andi %ge3A_702, %lt3A_705 : vector<16xi1>
    %add3A_707 = arith.constant 0 : i32
    %add3A_708 = vector.broadcast %add3A_707 : i32 to vector<16xi32>
    %add3A_709 = arith.addi %iota3A, %add3A_708 : vector<16xi32>
    tpu.vector_store_idx %arg5[%get3A_699, %add3A_709], %broadcast_in_dim3A_3 masked %and3A_706 : memref<1000x128xf32, #tpu.memory_space<vmem>>[vector<16xi32>, vector<16xi32>], vector<16xf32>, vector<16xi1>
    %get3A_710 = arith.constant 0 : i32
    %get3A_711 = arith.index_cast %get3A_710 : i32 to index
    %get3A_712 = arith.constant 16 : index
    %get3A_713 = tpu.vector_load %arg4[%get3A_711, %get3A_712] {strides = array<i32>} : memref<4x128xi32, #tpu.memory_space<vmem>>, vector<16xi32>,
    %ge3A_714 = arith.constant 768 : i32
    %ge3A_715 = vector.broadcast %ge3A_714 : i32 to vector<16xi32>
    %ge3A_716 = arith.cmpi sge, %get3A_713, %ge3A_715 : vector<16xi32>
    %lt3A_717 = arith.constant 1000 : i32
    %lt3A_718 = vector.broadcast %lt3A_717 : i32 to vector<16xi32>
    %lt3A_719 = arith.cmpi slt, %get3A_713, %lt3A_718 : vector<16xi32>
    %and3A_720 = arith.andi %ge3A_716, %lt3A_719 : vector<16xi1>
    %add3A_721 = arith.constant 16 : i32
    %add3A_722 = vector.broadcast %add3A_721 : i32 to vector<16xi32>
    %add3A_723 = arith.addi %iota3A, %add3A_722 : vector<16xi32>
    tpu.vector_store_idx %arg5[%get3A_713, %add3A_723], %broadcast_in_dim3A_3 masked %and3A_720 : memref<1000x128xf32, #tpu.memory_space<vmem>>[vector<16xi32>, vector<16xi32>], vector<16xf32>, vector<16xi1>
    %get3A_724 = arith.constant 0 : i32
    %get3A_725 = arith.index_cast %get3A_724 : i32 to index
    %get3A_726 = arith.constant 32 : index
    %get3A_727 = tpu.vector_load %arg4[%get3A_725, %get3A_726] {strides = array<i32>} : memref<4x128xi32, #tpu.memory_space<vmem>>, vector<16xi32>,
    %ge3A_728 = arith.constant 768 : i32
    %ge3A_729 = vector.broadcast %ge3A_728 : i32 to vector<16xi32>
    %ge3A_730 = arith.cmpi sge, %get3A_727, %ge3A_729 : vector<16xi32>
    %lt3A_731 = arith.constant 1000 : i32
    %lt3A_732 = vector.broadcast %lt3A_731 : i32 to vector<16xi32>
    %lt3A_733 = arith.cmpi slt, %get3A_727, %lt3A_732 : vector<16xi32>
    %and3A_734 = arith.andi %ge3A_730, %lt3A_733 : vector<16xi1>
    %add3A_735 = arith.constant 32 : i32
    %add3A_736 = vector.broadcast %add3A_735 : i32 to vector<16xi32>
    %add3A_737 = arith.addi %iota3A, %add3A_736 : vector<16xi32>
    tpu.vector_store_idx %arg5[%get3A_727, %add3A_737], %broadcast_in_dim3A_3 masked %and3A_734 : memref<1000x128xf32, #tpu.memory_space<vmem>>[vector<16xi32>, vector<16xi32>], vector<16xf32>, vector<16xi1>
    %get3A_738 = arith.constant 0 : i32
    %get3A_739 = arith.index_cast %get3A_738 : i32 to index
    %get3A_740 = arith.constant 48 : index
    %get3A_741 = tpu.vector_load %arg4[%get3A_739, %get3A_740] {strides = array<i32>} : memref<4x128xi32, #tpu.memory_space<vmem>>, vector<16xi32>,
    %ge3A_742 = arith.constant 768 : i32
    %ge3A_743 = vector.broadcast %ge3A_742 : i32 to vector<16xi32>
    %ge3A_744 = arith.cmpi sge, %get3A_741, %ge3A_743 : vector<16xi32>
    %lt3A_745 = arith.constant 1000 : i32
    %lt3A_746 = vector.broadcast %lt3A_745 : i32 to vector<16xi32>
    %lt3A_747 = arith.cmpi slt, %get3A_741, %lt3A_746 : vector<16xi32>
    %and3A_748 = arith.andi %ge3A_744, %lt3A_747 : vector<16xi1>
    %add3A_749 = arith.constant 48 : i32
    %add3A_750 = vector.broadcast %add3A_749 : i32 to vector<16xi32>
    %add3A_751 = arith.addi %iota3A, %add3A_750 : vector<16xi32>
    tpu.vector_store_idx %arg5[%get3A_741, %add3A_751], %broadcast_in_dim3A_3 masked %and3A_748 : memref<1000x128xf32, #tpu.memory_space<vmem>>[vector<16xi32>, vector<16xi32>], vector<16xf32>, vector<16xi1>
    %get3A_752 = arith.constant 0 : i32
    %get3A_753 = arith.index_cast %get3A_752 : i32 to index
    %get3A_754 = arith.constant 64 : index
    %get3A_755 = tpu.vector_load %arg4[%get3A_753, %get3A_754] {strides = array<i32>} : memref<4x128xi32, #tpu.memory_space<vmem>>, vector<16xi32>,
    %ge3A_756 = arith.constant 768 : i32
    %ge3A_757 = vector.broadcast %ge3A_756 : i32 to vector<16xi32>
    %ge3A_758 = arith.cmpi sge, %get3A_755, %ge3A_757 : vector<16xi32>
    %lt3A_759 = arith.constant 1000 : i32
    %lt3A_760 = vector.broadcast %lt3A_759 : i32 to vector<16xi32>
    %lt3A_761 = arith.cmpi slt, %get3A_755, %lt3A_760 : vector<16xi32>
    %and3A_762 = arith.andi %ge3A_758, %lt3A_761 : vector<16xi1>
    %add3A_763 = arith.constant 64 : i32
    %add3A_764 = vector.broadcast %add3A_763 : i32 to vector<16xi32>
    %add3A_765 = arith.addi %iota3A, %add3A_764 : vector<16xi32>
    tpu.vector_store_idx %arg5[%get3A_755, %add3A_765], %broadcast_in_dim3A_3 masked %and3A_762 : memref<1000x128xf32, #tpu.memory_space<vmem>>[vector<16xi32>, vector<16xi32>], vector<16xf32>, vector<16xi1>
    %get3A_766 = arith.constant 0 : i32
    %get3A_767 = arith.index_cast %get3A_766 : i32 to index
    %get3A_768 = arith.constant 80 : index
    %get3A_769 = tpu.vector_load %arg4[%get3A_767, %get3A_768] {strides = array<i32>} : memref<4x128xi32, #tpu.memory_space<vmem>>, vector<16xi32>,
    %ge3A_770 = arith.constant 768 : i32
    %ge3A_771 = vector.broadcast %ge3A_770 : i32 to vector<16xi32>
    %ge3A_772 = arith.cmpi sge, %get3A_769, %ge3A_771 : vector<16xi32>
    %lt3A_773 = arith.constant 1000 : i32
    %lt3A_774 = vector.broadcast %lt3A_773 : i32 to vector<16xi32>
    %lt3A_775 = arith.cmpi slt, %get3A_769, %lt3A_774 : vector<16xi32>
    %and3A_776 = arith.andi %ge3A_772, %lt3A_775 : vector<16xi1>
    %add3A_777 = arith.constant 80 : i32
    %add3A_778 = vector.broadcast %add3A_777 : i32 to vector<16xi32>
    %add3A_779 = arith.addi %iota3A, %add3A_778 : vector<16xi32>
    tpu.vector_store_idx %arg5[%get3A_769, %add3A_779], %broadcast_in_dim3A_3 masked %and3A_776 : memref<1000x128xf32, #tpu.memory_space<vmem>>[vector<16xi32>, vector<16xi32>], vector<16xf32>, vector<16xi1>
    %get3A_780 = arith.constant 0 : i32
    %get3A_781 = arith.index_cast %get3A_780 : i32 to index
    %get3A_782 = arith.constant 96 : index
    %get3A_783 = tpu.vector_load %arg4[%get3A_781, %get3A_782] {strides = array<i32>} : memref<4x128xi32, #tpu.memory_space<vmem>>, vector<16xi32>,
    %ge3A_784 = arith.constant 768 : i32
    %ge3A_785 = vector.broadcast %ge3A_784 : i32 to vector<16xi32>
    %ge3A_786 = arith.cmpi sge, %get3A_783, %ge3A_785 : vector<16xi32>
    %lt3A_787 = arith.constant 1000 : i32
    %lt3A_788 = vector.broadcast %lt3A_787 : i32 to vector<16xi32>
    %lt3A_789 = arith.cmpi slt, %get3A_783, %lt3A_788 : vector<16xi32>
    %and3A_790 = arith.andi %ge3A_786, %lt3A_789 : vector<16xi1>
    %add3A_791 = arith.constant 96 : i32
    %add3A_792 = vector.broadcast %add3A_791 : i32 to vector<16xi32>
    %add3A_793 = arith.addi %iota3A, %add3A_792 : vector<16xi32>
    tpu.vector_store_idx %arg5[%get3A_783, %add3A_793], %broadcast_in_dim3A_3 masked %and3A_790 : memref<1000x128xf32, #tpu.memory_space<vmem>>[vector<16xi32>, vector<16xi32>], vector<16xf32>, vector<16xi1>
    %get3A_794 = arith.constant 0 : i32
    %get3A_795 = arith.index_cast %get3A_794 : i32 to index
    %get3A_796 = arith.constant 112 : index
    %get3A_797 = tpu.vector_load %arg4[%get3A_795, %get3A_796] {strides = array<i32>} : memref<4x128xi32, #tpu.memory_space<vmem>>, vector<16xi32>,
    %ge3A_798 = arith.constant 768 : i32
    %ge3A_799 = vector.broadcast %ge3A_798 : i32 to vector<16xi32>
    %ge3A_800 = arith.cmpi sge, %get3A_797, %ge3A_799 : vector<16xi32>
    %lt3A_801 = arith.constant 1000 : i32
    %lt3A_802 = vector.broadcast %lt3A_801 : i32 to vector<16xi32>
    %lt3A_803 = arith.cmpi slt, %get3A_797, %lt3A_802 : vector<16xi32>
    %and3A_804 = arith.andi %ge3A_800, %lt3A_803 : vector<16xi1>
    %add3A_805 = arith.constant 112 : i32
    %add3A_806 = vector.broadcast %add3A_805 : i32 to vector<16xi32>
    %add3A_807 = arith.addi %iota3A, %add3A_806 : vector<16xi32>
    tpu.vector_store_idx %arg5[%get3A_797, %add3A_807], %broadcast_in_dim3A_3 masked %and3A_804 : memref<1000x128xf32, #tpu.memory_space<vmem>>[vector<16xi32>, vector<16xi32>], vector<16xf32>, vector<16xi1>
    %add3A_808 = arith.constant 0 : i32
    %add3A_809 = arith.addi %add3A_808, %add3A : i32
    %jit3A_810 = arith.constant 32 : i32
    %div3A_811 = arith.divsi %add3A_809, %jit3A_810 : i32
    %sign3A_812 = arith.constant 0 : i32
    %sign3A_813 = arith.cmpi sgt, %add3A_809, %sign3A_812 : i32
    %sign3A_814 = arith.extui %sign3A_813 : i1 to i32
    %sign3A_815 = arith.constant 0 : i32
    %sign3A_816 = arith.cmpi slt, %add3A_809, %sign3A_815 : i32
    %sign3A_817 = arith.extui %sign3A_816 : i1 to i32
    %sign3A_818 = arith.subi %sign3A_814, %sign3A_817 : i32
    %sign3A_819 = arith.constant 0 : i32
    %sign3A_820 = arith.cmpi sgt, %jit3A_810, %sign3A_819 : i32
    %sign3A_821 = arith.extui %sign3A_820 : i1 to i32
    %sign3A_822 = arith.constant 0 : i32
    %sign3A_823 = arith.cmpi slt, %jit3A_810, %sign3A_822 : i32
    %sign3A_824 = arith.extui %sign3A_823 : i1 to i32
    %sign3A_825 = arith.subi %sign3A_821, %sign3A_824 : i32
    %ne3A_826 = arith.cmpi ne, %sign3A_818, %sign3A_825 : i32
    %rem3A_827 = arith.remsi %add3A_809, %jit3A_810 : i32
    %ne3A_828 = arith.constant 0 : i32
    %ne3A_829 = arith.cmpi ne, %rem3A_827, %ne3A_828 : i32
    %and3A_830 = arith.andi %ne3A_826, %ne3A_829 : i1
    %sub3A_831 = arith.constant 1 : i32
    %sub3A_832 = arith.subi %div3A_811, %sub3A_831 : i32
    %select_n3A_833 = arith.select %and3A_830, %sub3A_832, %div3A_811 : i32
    %jit3A_834 = arith.constant 32 : i32
    %eq3A_835 = arith.constant 0 : i32
    %eq3A_836 = arith.cmpi eq, %jit3A_834, %eq3A_835 : i32
    %jit3A_837 = arith.constant 1 : i32
    %select_n3A_838 = arith.select %eq3A_836, %jit3A_837, %jit3A_834 : i32
    %rem3A_839 = arith.remsi %add3A_809, %select_n3A_838 : i32
    %ne3A_840 = arith.constant 0 : i32
    %ne3A_841 = arith.cmpi ne, %rem3A_839, %ne3A_840 : i32
    %lt3A_842 = arith.constant 0 : i32
    %lt3A_843 = arith.cmpi slt, %rem3A_839, %lt3A_842 : i32
    %lt3A_844 = arith.constant 0 : i32
    %lt3A_845 = arith.cmpi slt, %select_n3A_838, %lt3A_844 : i32
    %ne3A_846 = arith.xori %lt3A_843, %lt3A_845 : i1
    %and3A_847 = arith.andi %ne3A_846, %ne3A_841 : i1
    %add3A_848 = arith.addi %rem3A_839, %select_n3A_838 : i32
    %select_n3A_849 = arith.select %and3A_847, %add3A_848, %rem3A_839 : i32
    %mul3A_850 = arith.constant 128 : i32
    %mul3A_851 = arith.muli %select_n3A_849, %mul3A_850 : i32
    %dma_start3A_852 = arith.constant 768 : i32
    %dma_start3A_853 = arith.constant 0 : i32
    %dma_start3A_854 = tpu.memref_slice %arg5[%dma_start3A_852, %dma_start3A_853] : memref<1000x128xf32, #tpu.memory_space<vmem>> -> memref<232x128xf32, #tpu.memory_space<vmem>>
    %dma_start3A_855 = arith.constant 768 : i32
    %dma_start3A_856 = tpu.memref_slice %arg3[%select_n3A_833, %dma_start3A_855, %mul3A_851] : memref<26x1000x4096xf32, #tpu.memory_space<hbm>> -> memref<1x232x128xf32, #tpu.memory_space<hbm>>
    %dma_start3A_857 = tpu.memref_squeeze %dma_start3A_856 : memref<1x232x128xf32, #tpu.memory_space<hbm>> -> memref<232x128xf32, #tpu.memory_space<hbm>>
    %dma_start3A_858 = arith.constant 768 : i32
    %dma_start3A_859 = tpu.memref_slice %arg3[%select_n3A_833, %dma_start3A_858, %mul3A_851] : memref<26x1000x4096xf32, #tpu.memory_space<hbm>> -> memref<1x232x128xf32, #tpu.memory_space<hbm>>
    %dma_start3A_860 = tpu.memref_squeeze %dma_start3A_859 : memref<1x232x128xf32, #tpu.memory_space<hbm>> -> memref<232x128xf32, #tpu.memory_space<hbm>>
    %dma_start3A_861 = arith.constant 768 : i32
    %dma_start3A_862 = arith.constant 0 : i32
    %dma_start3A_863 = tpu.memref_slice %arg5[%dma_start3A_861, %dma_start3A_862] : memref<1000x128xf32, #tpu.memory_space<vmem>> -> memref<232x128xf32, #tpu.memory_space<vmem>>
    tpu.enqueue_dma source(%dma_start3A_863 : memref<232x128xf32, #tpu.memory_space<vmem>>) target(%dma_start3A_860 : memref<232x128xf32, #tpu.memory_space<hbm>>) target_semaphore(%arg13 : memref<!tpu.dma_semaphore, #tpu.memory_space<semaphore_mem>>)
    %add3A_864 = arith.constant 96 : i32
    %add3A_865 = arith.addi %add3A_864, %add3A : i32
    %jit3A_866 = arith.constant 32 : i32
    %div3A_867 = arith.divsi %add3A_865, %jit3A_866 : i32
    %sign3A_868 = arith.constant 0 : i32
    %sign3A_869 = arith.cmpi sgt, %add3A_865, %sign3A_868 : i32
    %sign3A_870 = arith.extui %sign3A_869 : i1 to i32
    %sign3A_871 = arith.constant 0 : i32
    %sign3A_872 = arith.cmpi slt, %add3A_865, %sign3A_871 : i32
    %sign3A_873 = arith.extui %sign3A_872 : i1 to i32
    %sign3A_874 = arith.subi %sign3A_870, %sign3A_873 : i32
    %sign3A_875 = arith.constant 0 : i32
    %sign3A_876 = arith.cmpi sgt, %jit3A_866, %sign3A_875 : i32
    %sign3A_877 = arith.extui %sign3A_876 : i1 to i32
    %sign3A_878 = arith.constant 0 : i32
    %sign3A_879 = arith.cmpi slt, %jit3A_866, %sign3A_878 : i32
    %sign3A_880 = arith.extui %sign3A_879 : i1 to i32
    %sign3A_881 = arith.subi %sign3A_877, %sign3A_880 : i32
    %ne3A_882 = arith.cmpi ne, %sign3A_874, %sign3A_881 : i32
    %rem3A_883 = arith.remsi %add3A_865, %jit3A_866 : i32
    %ne3A_884 = arith.constant 0 : i32
    %ne3A_885 = arith.cmpi ne, %rem3A_883, %ne3A_884 : i32
    %and3A_886 = arith.andi %ne3A_882, %ne3A_885 : i1
    %sub3A_887 = arith.constant 1 : i32
    %sub3A_888 = arith.subi %div3A_867, %sub3A_887 : i32
    %select_n3A_889 = arith.select %and3A_886, %sub3A_888, %div3A_867 : i32
    %jit3A_890 = arith.constant 32 : i32
    %eq3A_891 = arith.constant 0 : i32
    %eq3A_892 = arith.cmpi eq, %jit3A_890, %eq3A_891 : i32
    %jit3A_893 = arith.constant 1 : i32
    %select_n3A_894 = arith.select %eq3A_892, %jit3A_893, %jit3A_890 : i32
    %rem3A_895 = arith.remsi %add3A_865, %select_n3A_894 : i32
    %ne3A_896 = arith.constant 0 : i32
    %ne3A_897 = arith.cmpi ne, %rem3A_895, %ne3A_896 : i32
    %lt3A_898 = arith.constant 0 : i32
    %lt3A_899 = arith.cmpi slt, %rem3A_895, %lt3A_898 : i32
    %lt3A_900 = arith.constant 0 : i32
    %lt3A_901 = arith.cmpi slt, %select_n3A_894, %lt3A_900 : i32
    %ne3A_902 = arith.xori %lt3A_899, %lt3A_901 : i1
    %and3A_903 = arith.andi %ne3A_902, %ne3A_897 : i1
    %add3A_904 = arith.addi %rem3A_895, %select_n3A_894 : i32
    %select_n3A_905 = arith.select %and3A_903, %add3A_904, %rem3A_895 : i32
    %mul3A_906 = arith.constant 128 : i32
    %mul3A_907 = arith.muli %select_n3A_905, %mul3A_906 : i32
    %dma_start3A_908 = arith.constant 3 : i32
    %dma_start3A_909 = arith.constant 0 : i32
    %dma_start3A_910 = tpu.memref_slice %arg4[%dma_start3A_908, %dma_start3A_909] : memref<4x128xi32, #tpu.memory_space<vmem>> -> memref<1x128xi32, #tpu.memory_space<vmem>>
    %dma_start3A_911 = tpu.memref_squeeze %dma_start3A_910 : memref<1x128xi32, #tpu.memory_space<vmem>> -> memref<128xi32, #tpu.memory_space<vmem>>
    %dma_start3A_912 = tpu.memref_slice %arg2[%select_n3A_889, %mul3A_907] : memref<26x4096xi32, #tpu.memory_space<hbm>> -> memref<1x128xi32, #tpu.memory_space<hbm>>
    %dma_start3A_913 = tpu.memref_squeeze %dma_start3A_912 : memref<1x128xi32, #tpu.memory_space<hbm>> -> memref<128xi32, #tpu.memory_space<hbm>>
    %dma_start3A_914 = arith.constant 0 : i32
    %dma_start3A_915 = tpu.memref_slice %arg4[%dma_start3A_908, %dma_start3A_914] : memref<4x128xi32, #tpu.memory_space<vmem>> -> memref<1x128xi32, #tpu.memory_space<vmem>>
    %dma_start3A_916 = tpu.memref_squeeze %dma_start3A_915 : memref<1x128xi32, #tpu.memory_space<vmem>> -> memref<128xi32, #tpu.memory_space<vmem>>
    %dma_start3A_917 = tpu.memref_slice %arg2[%select_n3A_889, %mul3A_907] : memref<26x4096xi32, #tpu.memory_space<hbm>> -> memref<1x128xi32, #tpu.memory_space<hbm>>
    %dma_start3A_918 = tpu.memref_squeeze %dma_start3A_917 : memref<1x128xi32, #tpu.memory_space<hbm>> -> memref<128xi32, #tpu.memory_space<hbm>>
    tpu.enqueue_dma source(%dma_start3A_918 : memref<128xi32, #tpu.memory_space<hbm>>) target(%dma_start3A_916 : memref<128xi32, #tpu.memory_space<vmem>>) target_semaphore(%arg9 : memref<!tpu.dma_semaphore, #tpu.memory_space<semaphore_mem>>)
    %scan3A_919 = arith.constant 0 : i32
    %scan3A_920 = arith.constant 1 : i32
    %scan3A_921 = arith.constant 25 : i32
    %scan3A_922 = arith.addi %scan3A_920, %scan3A_921 : i32
    %scan3A_923 = arith.constant 1 : i32
    scf.for %scan3A_985 = %scan3A_920 to %scan3A_922 step %scan3A_923  : i32 {
      %jit3A_986 = arith.constant 4 : i32
      %eq3A_987 = arith.constant 0 : i32
      %eq3A_988 = arith.cmpi eq, %jit3A_986, %eq3A_987 : i32
      %jit3A_989 = arith.constant 1 : i32
      %select_n3A_990 = arith.select %eq3A_988, %jit3A_989, %jit3A_986 : i32
      %rem3A_991 = arith.remsi %scan3A_985, %select_n3A_990 : i32
      %ne3A_992 = arith.constant 0 : i32
      %ne3A_993 = arith.cmpi ne, %rem3A_991, %ne3A_992 : i32
      %lt3A_994 = arith.constant 0 : i32
      %lt3A_995 = arith.cmpi slt, %rem3A_991, %lt3A_994 : i32
      %lt3A_996 = arith.constant 0 : i32
      %lt3A_997 = arith.cmpi slt, %select_n3A_990, %lt3A_996 : i32
      %ne3A_998 = arith.xori %lt3A_995, %lt3A_997 : i1
      %and3A_999 = arith.andi %ne3A_998, %ne3A_993 : i1
      %add3A_1000 = arith.addi %rem3A_991, %select_n3A_990 : i32
      %select_n3A_1001 = arith.select %and3A_999, %add3A_1000, %rem3A_991 : i32
      %eq3A_1002 = arith.constant 0 : i32
      %eq3A_1003 = arith.cmpi eq, %select_n3A_1001, %eq3A_1002 : i32
      %convert_element_type3A = arith.extui %eq3A_1003 : i1 to i32
      %cond3A = arith.constant 0 : i32
      %cond3A_1004 = arith.cmpi ne, %convert_element_type3A, %cond3A : i32
      scf.if %cond3A_1004 {
        %dma_wait3A_3320 = arith.constant 0 : i32
        %dma_wait3A_3321 = arith.constant 0 : i32
        %dma_wait3A_3322 = arith.constant 0 : i32
        %dma_wait3A_3323 = tpu.memref_slice %arg4[%dma_wait3A_3321, %dma_wait3A_3322] : memref<4x128xi32, #tpu.memory_space<vmem>> -> memref<1x128xi32, #tpu.memory_space<vmem>>
        %dma_wait3A_3324 = tpu.memref_squeeze %dma_wait3A_3323 : memref<1x128xi32, #tpu.memory_space<vmem>> -> memref<128xi32, #tpu.memory_space<vmem>>
        %dma_wait3A_3325 = arith.constant 0 : i32
        %dma_wait3A_3326 = tpu.memref_slice %arg2[%dma_wait3A_3320, %dma_wait3A_3325] : memref<26x4096xi32, #tpu.memory_space<hbm>> -> memref<1x128xi32, #tpu.memory_space<hbm>>
        %dma_wait3A_3327 = tpu.memref_squeeze %dma_wait3A_3326 : memref<1x128xi32, #tpu.memory_space<hbm>> -> memref<128xi32, #tpu.memory_space<hbm>>
        %dma_wait3A_3328 = arith.constant 0 : i32
        %dma_wait3A_3329 = tpu.memref_slice %arg4[%dma_wait3A_3321, %dma_wait3A_3328] : memref<4x128xi32, #tpu.memory_space<vmem>> -> memref<1x128xi32, #tpu.memory_space<vmem>>
        %dma_wait3A_3330 = tpu.memref_squeeze %dma_wait3A_3329 : memref<1x128xi32, #tpu.memory_space<vmem>> -> memref<128xi32, #tpu.memory_space<vmem>>
        %dma_wait3A_3331 = arith.constant 0 : i32
        %dma_wait3A_3332 = tpu.memref_slice %arg2[%dma_wait3A_3320, %dma_wait3A_3331] : memref<26x4096xi32, #tpu.memory_space<hbm>> -> memref<1x128xi32, #tpu.memory_space<hbm>>
        %dma_wait3A_3333 = tpu.memref_squeeze %dma_wait3A_3332 : memref<1x128xi32, #tpu.memory_space<hbm>> -> memref<128xi32, #tpu.memory_space<hbm>>
        tpu.wait_dma2 semaphore(%arg6 : memref<!tpu.dma_semaphore, #tpu.memory_space<semaphore_mem>>) src(%dma_wait3A_3333 : memref<128xi32, #tpu.memory_space<hbm>>) dst(%dma_wait3A_3330 : memref<128xi32, #tpu.memory_space<vmem>>)
      } else {
      }
      %jit3A_1005 = arith.constant 4 : i32
      %eq3A_1006 = arith.constant 0 : i32
      %eq3A_1007 = arith.cmpi eq, %jit3A_1005, %eq3A_1006 : i32
      %jit3A_1008 = arith.constant 1 : i32
      %select_n3A_1009 = arith.select %eq3A_1007, %jit3A_1008, %jit3A_1005 : i32
      %rem3A_1010 = arith.remsi %scan3A_985, %select_n3A_1009 : i32
      %ne3A_1011 = arith.constant 0 : i32
      %ne3A_1012 = arith.cmpi ne, %rem3A_1010, %ne3A_1011 : i32
      %lt3A_1013 = arith.constant 0 : i32
      %lt3A_1014 = arith.cmpi slt, %rem3A_1010, %lt3A_1013 : i32
      %lt3A_1015 = arith.constant 0 : i32
      %lt3A_1016 = arith.cmpi slt, %select_n3A_1009, %lt3A_1015 : i32
      %ne3A_1017 = arith.xori %lt3A_1014, %lt3A_1016 : i1
      %and3A_1018 = arith.andi %ne3A_1017, %ne3A_1012 : i1
      %add3A_1019 = arith.addi %rem3A_1010, %select_n3A_1009 : i32
      %select_n3A_1020 = arith.select %and3A_1018, %add3A_1019, %rem3A_1010 : i32
      %eq3A_1021 = arith.constant 1 : i32
      %eq3A_1022 = arith.cmpi eq, %select_n3A_1020, %eq3A_1021 : i32
      %convert_element_type3A_1023 = arith.extui %eq3A_1022 : i1 to i32
      %cond3A_1024 = arith.constant 0 : i32
      %cond3A_1025 = arith.cmpi ne, %convert_element_type3A_1023, %cond3A_1024 : i32
      scf.if %cond3A_1025 {
        %dma_wait3A_3320 = arith.constant 0 : i32
        %dma_wait3A_3321 = arith.constant 0 : i32
        %dma_wait3A_3322 = arith.constant 0 : i32
        %dma_wait3A_3323 = tpu.memref_slice %arg4[%dma_wait3A_3321, %dma_wait3A_3322] : memref<4x128xi32, #tpu.memory_space<vmem>> -> memref<1x128xi32, #tpu.memory_space<vmem>>
        %dma_wait3A_3324 = tpu.memref_squeeze %dma_wait3A_3323 : memref<1x128xi32, #tpu.memory_space<vmem>> -> memref<128xi32, #tpu.memory_space<vmem>>
        %dma_wait3A_3325 = arith.constant 0 : i32
        %dma_wait3A_3326 = tpu.memref_slice %arg2[%dma_wait3A_3320, %dma_wait3A_3325] : memref<26x4096xi32, #tpu.memory_space<hbm>> -> memref<1x128xi32, #tpu.memory_space<hbm>>
        %dma_wait3A_3327 = tpu.memref_squeeze %dma_wait3A_3326 : memref<1x128xi32, #tpu.memory_space<hbm>> -> memref<128xi32, #tpu.memory_space<hbm>>
        %dma_wait3A_3328 = arith.constant 0 : i32
        %dma_wait3A_3329 = tpu.memref_slice %arg4[%dma_wait3A_3321, %dma_wait3A_3328] : memref<4x128xi32, #tpu.memory_space<vmem>> -> memref<1x128xi32, #tpu.memory_space<vmem>>
        %dma_wait3A_3330 = tpu.memref_squeeze %dma_wait3A_3329 : memref<1x128xi32, #tpu.memory_space<vmem>> -> memref<128xi32, #tpu.memory_space<vmem>>
        %dma_wait3A_3331 = arith.constant 0 : i32
        %dma_wait3A_3332 = tpu.memref_slice %arg2[%dma_wait3A_3320, %dma_wait3A_3331] : memref<26x4096xi32, #tpu.memory_space<hbm>> -> memref<1x128xi32, #tpu.memory_space<hbm>>
        %dma_wait3A_3333 = tpu.memref_squeeze %dma_wait3A_3332 : memref<1x128xi32, #tpu.memory_space<hbm>> -> memref<128xi32, #tpu.memory_space<hbm>>
        tpu.wait_dma2 semaphore(%arg7 : memref<!tpu.dma_semaphore, #tpu.memory_space<semaphore_mem>>) src(%dma_wait3A_3333 : memref<128xi32, #tpu.memory_space<hbm>>) dst(%dma_wait3A_3330 : memref<128xi32, #tpu.memory_space<vmem>>)
      } else {
      }
      %jit3A_1026 = arith.constant 4 : i32
      %eq3A_1027 = arith.constant 0 : i32
      %eq3A_1028 = arith.cmpi eq, %jit3A_1026, %eq3A_1027 : i32
      %jit3A_1029 = arith.constant 1 : i32
      %select_n3A_1030 = arith.select %eq3A_1028, %jit3A_1029, %jit3A_1026 : i32
      %rem3A_1031 = arith.remsi %scan3A_985, %select_n3A_1030 : i32
      %ne3A_1032 = arith.constant 0 : i32
      %ne3A_1033 = arith.cmpi ne, %rem3A_1031, %ne3A_1032 : i32
      %lt3A_1034 = arith.constant 0 : i32
      %lt3A_1035 = arith.cmpi slt, %rem3A_1031, %lt3A_1034 : i32
      %lt3A_1036 = arith.constant 0 : i32
      %lt3A_1037 = arith.cmpi slt, %select_n3A_1030, %lt3A_1036 : i32
      %ne3A_1038 = arith.xori %lt3A_1035, %lt3A_1037 : i1
      %and3A_1039 = arith.andi %ne3A_1038, %ne3A_1033 : i1
      %add3A_1040 = arith.addi %rem3A_1031, %select_n3A_1030 : i32
      %select_n3A_1041 = arith.select %and3A_1039, %add3A_1040, %rem3A_1031 : i32
      %eq3A_1042 = arith.constant 2 : i32
      %eq3A_1043 = arith.cmpi eq, %select_n3A_1041, %eq3A_1042 : i32
      %convert_element_type3A_1044 = arith.extui %eq3A_1043 : i1 to i32
      %cond3A_1045 = arith.constant 0 : i32
      %cond3A_1046 = arith.cmpi ne, %convert_element_type3A_1044, %cond3A_1045 : i32
      scf.if %cond3A_1046 {
        %dma_wait3A_3320 = arith.constant 0 : i32
        %dma_wait3A_3321 = arith.constant 0 : i32
        %dma_wait3A_3322 = arith.constant 0 : i32
        %dma_wait3A_3323 = tpu.memref_slice %arg4[%dma_wait3A_3321, %dma_wait3A_3322] : memref<4x128xi32, #tpu.memory_space<vmem>> -> memref<1x128xi32, #tpu.memory_space<vmem>>
        %dma_wait3A_3324 = tpu.memref_squeeze %dma_wait3A_3323 : memref<1x128xi32, #tpu.memory_space<vmem>> -> memref<128xi32, #tpu.memory_space<vmem>>
        %dma_wait3A_3325 = arith.constant 0 : i32
        %dma_wait3A_3326 = tpu.memref_slice %arg2[%dma_wait3A_3320, %dma_wait3A_3325] : memref<26x4096xi32, #tpu.memory_space<hbm>> -> memref<1x128xi32, #tpu.memory_space<hbm>>
        %dma_wait3A_3327 = tpu.memref_squeeze %dma_wait3A_3326 : memref<1x128xi32, #tpu.memory_space<hbm>> -> memref<128xi32, #tpu.memory_space<hbm>>
        %dma_wait3A_3328 = arith.constant 0 : i32
        %dma_wait3A_3329 = tpu.memref_slice %arg4[%dma_wait3A_3321, %dma_wait3A_3328] : memref<4x128xi32, #tpu.memory_space<vmem>> -> memref<1x128xi32, #tpu.memory_space<vmem>>
        %dma_wait3A_3330 = tpu.memref_squeeze %dma_wait3A_3329 : memref<1x128xi32, #tpu.memory_space<vmem>> -> memref<128xi32, #tpu.memory_space<vmem>>
        %dma_wait3A_3331 = arith.constant 0 : i32
        %dma_wait3A_3332 = tpu.memref_slice %arg2[%dma_wait3A_3320, %dma_wait3A_3331] : memref<26x4096xi32, #tpu.memory_space<hbm>> -> memref<1x128xi32, #tpu.memory_space<hbm>>
        %dma_wait3A_3333 = tpu.memref_squeeze %dma_wait3A_3332 : memref<1x128xi32, #tpu.memory_space<hbm>> -> memref<128xi32, #tpu.memory_space<hbm>>
        tpu.wait_dma2 semaphore(%arg8 : memref<!tpu.dma_semaphore, #tpu.memory_space<semaphore_mem>>) src(%dma_wait3A_3333 : memref<128xi32, #tpu.memory_space<hbm>>) dst(%dma_wait3A_3330 : memref<128xi32, #tpu.memory_space<vmem>>)
      } else {
      }
      %jit3A_1047 = arith.constant 4 : i32
      %eq3A_1048 = arith.constant 0 : i32
      %eq3A_1049 = arith.cmpi eq, %jit3A_1047, %eq3A_1048 : i32
      %jit3A_1050 = arith.constant 1 : i32
      %select_n3A_1051 = arith.select %eq3A_1049, %jit3A_1050, %jit3A_1047 : i32
      %rem3A_1052 = arith.remsi %scan3A_985, %select_n3A_1051 : i32
      %ne3A_1053 = arith.constant 0 : i32
      %ne3A_1054 = arith.cmpi ne, %rem3A_1052, %ne3A_1053 : i32
      %lt3A_1055 = arith.constant 0 : i32
      %lt3A_1056 = arith.cmpi slt, %rem3A_1052, %lt3A_1055 : i32
      %lt3A_1057 = arith.constant 0 : i32
      %lt3A_1058 = arith.cmpi slt, %select_n3A_1051, %lt3A_1057 : i32
      %ne3A_1059 = arith.xori %lt3A_1056, %lt3A_1058 : i1
      %and3A_1060 = arith.andi %ne3A_1059, %ne3A_1054 : i1
      %add3A_1061 = arith.addi %rem3A_1052, %select_n3A_1051 : i32
      %select_n3A_1062 = arith.select %and3A_1060, %add3A_1061, %rem3A_1052 : i32
      %eq3A_1063 = arith.constant 3 : i32
      %eq3A_1064 = arith.cmpi eq, %select_n3A_1062, %eq3A_1063 : i32
      %convert_element_type3A_1065 = arith.extui %eq3A_1064 : i1 to i32
      %cond3A_1066 = arith.constant 0 : i32
      %cond3A_1067 = arith.cmpi ne, %convert_element_type3A_1065, %cond3A_1066 : i32
      scf.if %cond3A_1067 {
        %dma_wait3A_3320 = arith.constant 0 : i32
        %dma_wait3A_3321 = arith.constant 0 : i32
        %dma_wait3A_3322 = arith.constant 0 : i32
        %dma_wait3A_3323 = tpu.memref_slice %arg4[%dma_wait3A_3321, %dma_wait3A_3322] : memref<4x128xi32, #tpu.memory_space<vmem>> -> memref<1x128xi32, #tpu.memory_space<vmem>>
        %dma_wait3A_3324 = tpu.memref_squeeze %dma_wait3A_3323 : memref<1x128xi32, #tpu.memory_space<vmem>> -> memref<128xi32, #tpu.memory_space<vmem>>
        %dma_wait3A_3325 = arith.constant 0 : i32
        %dma_wait3A_3326 = tpu.memref_slice %arg2[%dma_wait3A_3320, %dma_wait3A_3325] : memref<26x4096xi32, #tpu.memory_space<hbm>> -> memref<1x128xi32, #tpu.memory_space<hbm>>
        %dma_wait3A_3327 = tpu.memref_squeeze %dma_wait3A_3326 : memref<1x128xi32, #tpu.memory_space<hbm>> -> memref<128xi32, #tpu.memory_space<hbm>>
        %dma_wait3A_3328 = arith.constant 0 : i32
        %dma_wait3A_3329 = tpu.memref_slice %arg4[%dma_wait3A_3321, %dma_wait3A_3328] : memref<4x128xi32, #tpu.memory_space<vmem>> -> memref<1x128xi32, #tpu.memory_space<vmem>>
        %dma_wait3A_3330 = tpu.memref_squeeze %dma_wait3A_3329 : memref<1x128xi32, #tpu.memory_space<vmem>> -> memref<128xi32, #tpu.memory_space<vmem>>
        %dma_wait3A_3331 = arith.constant 0 : i32
        %dma_wait3A_3332 = tpu.memref_slice %arg2[%dma_wait3A_3320, %dma_wait3A_3331] : memref<26x4096xi32, #tpu.memory_space<hbm>> -> memref<1x128xi32, #tpu.memory_space<hbm>>
        %dma_wait3A_3333 = tpu.memref_squeeze %dma_wait3A_3332 : memref<1x128xi32, #tpu.memory_space<hbm>> -> memref<128xi32, #tpu.memory_space<hbm>>
        tpu.wait_dma2 semaphore(%arg9 : memref<!tpu.dma_semaphore, #tpu.memory_space<semaphore_mem>>) src(%dma_wait3A_3333 : memref<128xi32, #tpu.memory_space<hbm>>) dst(%dma_wait3A_3330 : memref<128xi32, #tpu.memory_space<vmem>>)
      } else {
      }
      %dma_wait3A_1068 = arith.constant 0 : i32
      %dma_wait3A_1069 = arith.constant 0 : i32
      %dma_wait3A_1070 = arith.constant 0 : i32
      %dma_wait3A_1071 = tpu.memref_slice %arg5[%dma_wait3A_1069, %dma_wait3A_1070] : memref<1000x128xf32, #tpu.memory_space<vmem>> -> memref<256x128xf32, #tpu.memory_space<vmem>>
      %dma_wait3A_1072 = arith.constant 0 : i32
      %dma_wait3A_1073 = arith.constant 0 : i32
      %dma_wait3A_1074 = tpu.memref_slice %arg3[%dma_wait3A_1068, %dma_wait3A_1072, %dma_wait3A_1073] : memref<26x1000x4096xf32, #tpu.memory_space<hbm>> -> memref<1x256x128xf32, #tpu.memory_space<hbm>>
      %dma_wait3A_1075 = tpu.memref_squeeze %dma_wait3A_1074 : memref<1x256x128xf32, #tpu.memory_space<hbm>> -> memref<256x128xf32, #tpu.memory_space<hbm>>
      %dma_wait3A_1076 = arith.constant 0 : i32
      %dma_wait3A_1077 = arith.constant 0 : i32
      %dma_wait3A_1078 = tpu.memref_slice %arg3[%dma_wait3A_1068, %dma_wait3A_1076, %dma_wait3A_1077] : memref<26x1000x4096xf32, #tpu.memory_space<hbm>> -> memref<1x256x128xf32, #tpu.memory_space<hbm>>
      %dma_wait3A_1079 = tpu.memref_squeeze %dma_wait3A_1078 : memref<1x256x128xf32, #tpu.memory_space<hbm>> -> memref<256x128xf32, #tpu.memory_space<hbm>>
      %dma_wait3A_1080 = arith.constant 0 : i32
      %dma_wait3A_1081 = arith.constant 0 : i32
      %dma_wait3A_1082 = tpu.memref_slice %arg5[%dma_wait3A_1080, %dma_wait3A_1081] : memref<1000x128xf32, #tpu.memory_space<vmem>> -> memref<256x128xf32, #tpu.memory_space<vmem>>
      tpu.wait_dma2 semaphore(%arg10 : memref<!tpu.dma_semaphore, #tpu.memory_space<semaphore_mem>>) src(%dma_wait3A_1082 : memref<256x128xf32, #tpu.memory_space<vmem>>) dst(%dma_wait3A_1079 : memref<256x128xf32, #tpu.memory_space<hbm>>)
      %sub3A_1083 = arith.constant 1 : i32
      %sub3A_1084 = arith.subi %scan3A_985, %sub3A_1083 : i32
      %jit3A_1085 = arith.constant 4 : i32
      %eq3A_1086 = arith.constant 0 : i32
      %eq3A_1087 = arith.cmpi eq, %jit3A_1085, %eq3A_1086 : i32
      %jit3A_1088 = arith.constant 1 : i32
      %select_n3A_1089 = arith.select %eq3A_1087, %jit3A_1088, %jit3A_1085 : i32
      %rem3A_1090 = arith.remsi %sub3A_1084, %select_n3A_1089 : i32
      %ne3A_1091 = arith.constant 0 : i32
      %ne3A_1092 = arith.cmpi ne, %rem3A_1090, %ne3A_1091 : i32
      %lt3A_1093 = arith.constant 0 : i32
      %lt3A_1094 = arith.cmpi slt, %rem3A_1090, %lt3A_1093 : i32
      %lt3A_1095 = arith.constant 0 : i32
      %lt3A_1096 = arith.cmpi slt, %select_n3A_1089, %lt3A_1095 : i32
      %ne3A_1097 = arith.xori %lt3A_1094, %lt3A_1096 : i1
      %and3A_1098 = arith.andi %ne3A_1097, %ne3A_1092 : i1
      %add3A_1099 = arith.addi %rem3A_1090, %select_n3A_1089 : i32
      %select_n3A_1100 = arith.select %and3A_1098, %add3A_1099, %rem3A_1090 : i32
      %get3A_1101 = arith.index_cast %select_n3A_1100 : i32 to index
      %get3A_1102 = arith.constant 0 : index
      %get3A_1103 = tpu.vector_load %arg4[%get3A_1101, %get3A_1102] {strides = array<i32>} : memref<4x128xi32, #tpu.memory_space<vmem>>, vector<16xi32>,
      %ge3A_1104 = arith.constant 0 : i32
      %ge3A_1105 = vector.broadcast %ge3A_1104 : i32 to vector<16xi32>
      %ge3A_1106 = arith.cmpi sge, %get3A_1103, %ge3A_1105 : vector<16xi32>
      %lt3A_1107 = arith.constant 256 : i32
      %lt3A_1108 = vector.broadcast %lt3A_1107 : i32 to vector<16xi32>
      %lt3A_1109 = arith.cmpi slt, %get3A_1103, %lt3A_1108 : vector<16xi32>
      %and3A_1110 = arith.andi %ge3A_1106, %lt3A_1109 : vector<16xi1>
      %add3A_1111 = arith.constant 0 : i32
      %add3A_1112 = vector.broadcast %add3A_1111 : i32 to vector<16xi32>
      %add3A_1113 = arith.addi %iota3A, %add3A_1112 : vector<16xi32>
      tpu.vector_store_idx %arg5[%get3A_1103, %add3A_1113], %broadcast_in_dim3A_1 masked %and3A_1110 : memref<1000x128xf32, #tpu.memory_space<vmem>>[vector<16xi32>, vector<16xi32>], vector<16xf32>, vector<16xi1>
      %jit3A_1114 = arith.constant 4 : i32
      %eq3A_1115 = arith.constant 0 : i32
      %eq3A_1116 = arith.cmpi eq, %jit3A_1114, %eq3A_1115 : i32
      %jit3A_1117 = arith.constant 1 : i32
      %select_n3A_1118 = arith.select %eq3A_1116, %jit3A_1117, %jit3A_1114 : i32
      %rem3A_1119 = arith.remsi %sub3A_1084, %select_n3A_1118 : i32
      %ne3A_1120 = arith.constant 0 : i32
      %ne3A_1121 = arith.cmpi ne, %rem3A_1119, %ne3A_1120 : i32
      %lt3A_1122 = arith.constant 0 : i32
      %lt3A_1123 = arith.cmpi slt, %rem3A_1119, %lt3A_1122 : i32
      %lt3A_1124 = arith.constant 0 : i32
      %lt3A_1125 = arith.cmpi slt, %select_n3A_1118, %lt3A_1124 : i32
      %ne3A_1126 = arith.xori %lt3A_1123, %lt3A_1125 : i1
      %and3A_1127 = arith.andi %ne3A_1126, %ne3A_1121 : i1
      %add3A_1128 = arith.addi %rem3A_1119, %select_n3A_1118 : i32
      %select_n3A_1129 = arith.select %and3A_1127, %add3A_1128, %rem3A_1119 : i32
      %get3A_1130 = arith.index_cast %select_n3A_1129 : i32 to index
      %get3A_1131 = arith.constant 16 : index
      %get3A_1132 = tpu.vector_load %arg4[%get3A_1130, %get3A_1131] {strides = array<i32>} : memref<4x128xi32, #tpu.memory_space<vmem>>, vector<16xi32>,
      %ge3A_1133 = arith.constant 0 : i32
      %ge3A_1134 = vector.broadcast %ge3A_1133 : i32 to vector<16xi32>
      %ge3A_1135 = arith.cmpi sge, %get3A_1132, %ge3A_1134 : vector<16xi32>
      %lt3A_1136 = arith.constant 256 : i32
      %lt3A_1137 = vector.broadcast %lt3A_1136 : i32 to vector<16xi32>
      %lt3A_1138 = arith.cmpi slt, %get3A_1132, %lt3A_1137 : vector<16xi32>
      %and3A_1139 = arith.andi %ge3A_1135, %lt3A_1138 : vector<16xi1>
      %add3A_1140 = arith.constant 16 : i32
      %add3A_1141 = vector.broadcast %add3A_1140 : i32 to vector<16xi32>
      %add3A_1142 = arith.addi %iota3A, %add3A_1141 : vector<16xi32>
      tpu.vector_store_idx %arg5[%get3A_1132, %add3A_1142], %broadcast_in_dim3A_1 masked %and3A_1139 : memref<1000x128xf32, #tpu.memory_space<vmem>>[vector<16xi32>, vector<16xi32>], vector<16xf32>, vector<16xi1>
      %jit3A_1143 = arith.constant 4 : i32
      %eq3A_1144 = arith.constant 0 : i32
      %eq3A_1145 = arith.cmpi eq, %jit3A_1143, %eq3A_1144 : i32
      %jit3A_1146 = arith.constant 1 : i32
      %select_n3A_1147 = arith.select %eq3A_1145, %jit3A_1146, %jit3A_1143 : i32
      %rem3A_1148 = arith.remsi %sub3A_1084, %select_n3A_1147 : i32
      %ne3A_1149 = arith.constant 0 : i32
      %ne3A_1150 = arith.cmpi ne, %rem3A_1148, %ne3A_1149 : i32
      %lt3A_1151 = arith.constant 0 : i32
      %lt3A_1152 = arith.cmpi slt, %rem3A_1148, %lt3A_1151 : i32
      %lt3A_1153 = arith.constant 0 : i32
      %lt3A_1154 = arith.cmpi slt, %select_n3A_1147, %lt3A_1153 : i32
      %ne3A_1155 = arith.xori %lt3A_1152, %lt3A_1154 : i1
      %and3A_1156 = arith.andi %ne3A_1155, %ne3A_1150 : i1
      %add3A_1157 = arith.addi %rem3A_1148, %select_n3A_1147 : i32
      %select_n3A_1158 = arith.select %and3A_1156, %add3A_1157, %rem3A_1148 : i32
      %get3A_1159 = arith.index_cast %select_n3A_1158 : i32 to index
      %get3A_1160 = arith.constant 32 : index
      %get3A_1161 = tpu.vector_load %arg4[%get3A_1159, %get3A_1160] {strides = array<i32>} : memref<4x128xi32, #tpu.memory_space<vmem>>, vector<16xi32>,
      %ge3A_1162 = arith.constant 0 : i32
      %ge3A_1163 = vector.broadcast %ge3A_1162 : i32 to vector<16xi32>
      %ge3A_1164 = arith.cmpi sge, %get3A_1161, %ge3A_1163 : vector<16xi32>
      %lt3A_1165 = arith.constant 256 : i32
      %lt3A_1166 = vector.broadcast %lt3A_1165 : i32 to vector<16xi32>
      %lt3A_1167 = arith.cmpi slt, %get3A_1161, %lt3A_1166 : vector<16xi32>
      %and3A_1168 = arith.andi %ge3A_1164, %lt3A_1167 : vector<16xi1>
      %add3A_1169 = arith.constant 32 : i32
      %add3A_1170 = vector.broadcast %add3A_1169 : i32 to vector<16xi32>
      %add3A_1171 = arith.addi %iota3A, %add3A_1170 : vector<16xi32>
      tpu.vector_store_idx %arg5[%get3A_1161, %add3A_1171], %broadcast_in_dim3A_1 masked %and3A_1168 : memref<1000x128xf32, #tpu.memory_space<vmem>>[vector<16xi32>, vector<16xi32>], vector<16xf32>, vector<16xi1>
      %jit3A_1172 = arith.constant 4 : i32
      %eq3A_1173 = arith.constant 0 : i32
      %eq3A_1174 = arith.cmpi eq, %jit3A_1172, %eq3A_1173 : i32
      %jit3A_1175 = arith.constant 1 : i32
      %select_n3A_1176 = arith.select %eq3A_1174, %jit3A_1175, %jit3A_1172 : i32
      %rem3A_1177 = arith.remsi %sub3A_1084, %select_n3A_1176 : i32
      %ne3A_1178 = arith.constant 0 : i32
      %ne3A_1179 = arith.cmpi ne, %rem3A_1177, %ne3A_1178 : i32
      %lt3A_1180 = arith.constant 0 : i32
      %lt3A_1181 = arith.cmpi slt, %rem3A_1177, %lt3A_1180 : i32
      %lt3A_1182 = arith.constant 0 : i32
      %lt3A_1183 = arith.cmpi slt, %select_n3A_1176, %lt3A_1182 : i32
      %ne3A_1184 = arith.xori %lt3A_1181, %lt3A_1183 : i1
      %and3A_1185 = arith.andi %ne3A_1184, %ne3A_1179 : i1
      %add3A_1186 = arith.addi %rem3A_1177, %select_n3A_1176 : i32
      %select_n3A_1187 = arith.select %and3A_1185, %add3A_1186, %rem3A_1177 : i32
      %get3A_1188 = arith.index_cast %select_n3A_1187 : i32 to index
      %get3A_1189 = arith.constant 48 : index
      %get3A_1190 = tpu.vector_load %arg4[%get3A_1188, %get3A_1189] {strides = array<i32>} : memref<4x128xi32, #tpu.memory_space<vmem>>, vector<16xi32>,
      %ge3A_1191 = arith.constant 0 : i32
      %ge3A_1192 = vector.broadcast %ge3A_1191 : i32 to vector<16xi32>
      %ge3A_1193 = arith.cmpi sge, %get3A_1190, %ge3A_1192 : vector<16xi32>
      %lt3A_1194 = arith.constant 256 : i32
      %lt3A_1195 = vector.broadcast %lt3A_1194 : i32 to vector<16xi32>
      %lt3A_1196 = arith.cmpi slt, %get3A_1190, %lt3A_1195 : vector<16xi32>
      %and3A_1197 = arith.andi %ge3A_1193, %lt3A_1196 : vector<16xi1>
      %add3A_1198 = arith.constant 48 : i32
      %add3A_1199 = vector.broadcast %add3A_1198 : i32 to vector<16xi32>
      %add3A_1200 = arith.addi %iota3A, %add3A_1199 : vector<16xi32>
      tpu.vector_store_idx %arg5[%get3A_1190, %add3A_1200], %broadcast_in_dim3A_1 masked %and3A_1197 : memref<1000x128xf32, #tpu.memory_space<vmem>>[vector<16xi32>, vector<16xi32>], vector<16xf32>, vector<16xi1>
      %jit3A_1201 = arith.constant 4 : i32
      %eq3A_1202 = arith.constant 0 : i32
      %eq3A_1203 = arith.cmpi eq, %jit3A_1201, %eq3A_1202 : i32
      %jit3A_1204 = arith.constant 1 : i32
      %select_n3A_1205 = arith.select %eq3A_1203, %jit3A_1204, %jit3A_1201 : i32
      %rem3A_1206 = arith.remsi %sub3A_1084, %select_n3A_1205 : i32
      %ne3A_1207 = arith.constant 0 : i32
      %ne3A_1208 = arith.cmpi ne, %rem3A_1206, %ne3A_1207 : i32
      %lt3A_1209 = arith.constant 0 : i32
      %lt3A_1210 = arith.cmpi slt, %rem3A_1206, %lt3A_1209 : i32
      %lt3A_1211 = arith.constant 0 : i32
      %lt3A_1212 = arith.cmpi slt, %select_n3A_1205, %lt3A_1211 : i32
      %ne3A_1213 = arith.xori %lt3A_1210, %lt3A_1212 : i1
      %and3A_1214 = arith.andi %ne3A_1213, %ne3A_1208 : i1
      %add3A_1215 = arith.addi %rem3A_1206, %select_n3A_1205 : i32
      %select_n3A_1216 = arith.select %and3A_1214, %add3A_1215, %rem3A_1206 : i32
      %get3A_1217 = arith.index_cast %select_n3A_1216 : i32 to index
      %get3A_1218 = arith.constant 64 : index
      %get3A_1219 = tpu.vector_load %arg4[%get3A_1217, %get3A_1218] {strides = array<i32>} : memref<4x128xi32, #tpu.memory_space<vmem>>, vector<16xi32>,
      %ge3A_1220 = arith.constant 0 : i32
      %ge3A_1221 = vector.broadcast %ge3A_1220 : i32 to vector<16xi32>
      %ge3A_1222 = arith.cmpi sge, %get3A_1219, %ge3A_1221 : vector<16xi32>
      %lt3A_1223 = arith.constant 256 : i32
      %lt3A_1224 = vector.broadcast %lt3A_1223 : i32 to vector<16xi32>
      %lt3A_1225 = arith.cmpi slt, %get3A_1219, %lt3A_1224 : vector<16xi32>
      %and3A_1226 = arith.andi %ge3A_1222, %lt3A_1225 : vector<16xi1>
      %add3A_1227 = arith.constant 64 : i32
      %add3A_1228 = vector.broadcast %add3A_1227 : i32 to vector<16xi32>
      %add3A_1229 = arith.addi %iota3A, %add3A_1228 : vector<16xi32>
      tpu.vector_store_idx %arg5[%get3A_1219, %add3A_1229], %broadcast_in_dim3A_1 masked %and3A_1226 : memref<1000x128xf32, #tpu.memory_space<vmem>>[vector<16xi32>, vector<16xi32>], vector<16xf32>, vector<16xi1>
      %jit3A_1230 = arith.constant 4 : i32
      %eq3A_1231 = arith.constant 0 : i32
      %eq3A_1232 = arith.cmpi eq, %jit3A_1230, %eq3A_1231 : i32
      %jit3A_1233 = arith.constant 1 : i32
      %select_n3A_1234 = arith.select %eq3A_1232, %jit3A_1233, %jit3A_1230 : i32
      %rem3A_1235 = arith.remsi %sub3A_1084, %select_n3A_1234 : i32
      %ne3A_1236 = arith.constant 0 : i32
      %ne3A_1237 = arith.cmpi ne, %rem3A_1235, %ne3A_1236 : i32
      %lt3A_1238 = arith.constant 0 : i32
      %lt3A_1239 = arith.cmpi slt, %rem3A_1235, %lt3A_1238 : i32
      %lt3A_1240 = arith.constant 0 : i32
      %lt3A_1241 = arith.cmpi slt, %select_n3A_1234, %lt3A_1240 : i32
      %ne3A_1242 = arith.xori %lt3A_1239, %lt3A_1241 : i1
      %and3A_1243 = arith.andi %ne3A_1242, %ne3A_1237 : i1
      %add3A_1244 = arith.addi %rem3A_1235, %select_n3A_1234 : i32
      %select_n3A_1245 = arith.select %and3A_1243, %add3A_1244, %rem3A_1235 : i32
      %get3A_1246 = arith.index_cast %select_n3A_1245 : i32 to index
      %get3A_1247 = arith.constant 80 : index
      %get3A_1248 = tpu.vector_load %arg4[%get3A_1246, %get3A_1247] {strides = array<i32>} : memref<4x128xi32, #tpu.memory_space<vmem>>, vector<16xi32>,
      %ge3A_1249 = arith.constant 0 : i32
      %ge3A_1250 = vector.broadcast %ge3A_1249 : i32 to vector<16xi32>
      %ge3A_1251 = arith.cmpi sge, %get3A_1248, %ge3A_1250 : vector<16xi32>
      %lt3A_1252 = arith.constant 256 : i32
      %lt3A_1253 = vector.broadcast %lt3A_1252 : i32 to vector<16xi32>
      %lt3A_1254 = arith.cmpi slt, %get3A_1248, %lt3A_1253 : vector<16xi32>
      %and3A_1255 = arith.andi %ge3A_1251, %lt3A_1254 : vector<16xi1>
      %add3A_1256 = arith.constant 80 : i32
      %add3A_1257 = vector.broadcast %add3A_1256 : i32 to vector<16xi32>
      %add3A_1258 = arith.addi %iota3A, %add3A_1257 : vector<16xi32>
      tpu.vector_store_idx %arg5[%get3A_1248, %add3A_1258], %broadcast_in_dim3A_1 masked %and3A_1255 : memref<1000x128xf32, #tpu.memory_space<vmem>>[vector<16xi32>, vector<16xi32>], vector<16xf32>, vector<16xi1>
      %jit3A_1259 = arith.constant 4 : i32
      %eq3A_1260 = arith.constant 0 : i32
      %eq3A_1261 = arith.cmpi eq, %jit3A_1259, %eq3A_1260 : i32
      %jit3A_1262 = arith.constant 1 : i32
      %select_n3A_1263 = arith.select %eq3A_1261, %jit3A_1262, %jit3A_1259 : i32
      %rem3A_1264 = arith.remsi %sub3A_1084, %select_n3A_1263 : i32
      %ne3A_1265 = arith.constant 0 : i32
      %ne3A_1266 = arith.cmpi ne, %rem3A_1264, %ne3A_1265 : i32
      %lt3A_1267 = arith.constant 0 : i32
      %lt3A_1268 = arith.cmpi slt, %rem3A_1264, %lt3A_1267 : i32
      %lt3A_1269 = arith.constant 0 : i32
      %lt3A_1270 = arith.cmpi slt, %select_n3A_1263, %lt3A_1269 : i32
      %ne3A_1271 = arith.xori %lt3A_1268, %lt3A_1270 : i1
      %and3A_1272 = arith.andi %ne3A_1271, %ne3A_1266 : i1
      %add3A_1273 = arith.addi %rem3A_1264, %select_n3A_1263 : i32
      %select_n3A_1274 = arith.select %and3A_1272, %add3A_1273, %rem3A_1264 : i32
      %get3A_1275 = arith.index_cast %select_n3A_1274 : i32 to index
      %get3A_1276 = arith.constant 96 : index
      %get3A_1277 = tpu.vector_load %arg4[%get3A_1275, %get3A_1276] {strides = array<i32>} : memref<4x128xi32, #tpu.memory_space<vmem>>, vector<16xi32>,
      %ge3A_1278 = arith.constant 0 : i32
      %ge3A_1279 = vector.broadcast %ge3A_1278 : i32 to vector<16xi32>
      %ge3A_1280 = arith.cmpi sge, %get3A_1277, %ge3A_1279 : vector<16xi32>
      %lt3A_1281 = arith.constant 256 : i32
      %lt3A_1282 = vector.broadcast %lt3A_1281 : i32 to vector<16xi32>
      %lt3A_1283 = arith.cmpi slt, %get3A_1277, %lt3A_1282 : vector<16xi32>
      %and3A_1284 = arith.andi %ge3A_1280, %lt3A_1283 : vector<16xi1>
      %add3A_1285 = arith.constant 96 : i32
      %add3A_1286 = vector.broadcast %add3A_1285 : i32 to vector<16xi32>
      %add3A_1287 = arith.addi %iota3A, %add3A_1286 : vector<16xi32>
      tpu.vector_store_idx %arg5[%get3A_1277, %add3A_1287], %broadcast_in_dim3A_1 masked %and3A_1284 : memref<1000x128xf32, #tpu.memory_space<vmem>>[vector<16xi32>, vector<16xi32>], vector<16xf32>, vector<16xi1>
      %jit3A_1288 = arith.constant 4 : i32
      %eq3A_1289 = arith.constant 0 : i32
      %eq3A_1290 = arith.cmpi eq, %jit3A_1288, %eq3A_1289 : i32
      %jit3A_1291 = arith.constant 1 : i32
      %select_n3A_1292 = arith.select %eq3A_1290, %jit3A_1291, %jit3A_1288 : i32
      %rem3A_1293 = arith.remsi %sub3A_1084, %select_n3A_1292 : i32
      %ne3A_1294 = arith.constant 0 : i32
      %ne3A_1295 = arith.cmpi ne, %rem3A_1293, %ne3A_1294 : i32
      %lt3A_1296 = arith.constant 0 : i32
      %lt3A_1297 = arith.cmpi slt, %rem3A_1293, %lt3A_1296 : i32
      %lt3A_1298 = arith.constant 0 : i32
      %lt3A_1299 = arith.cmpi slt, %select_n3A_1292, %lt3A_1298 : i32
      %ne3A_1300 = arith.xori %lt3A_1297, %lt3A_1299 : i1
      %and3A_1301 = arith.andi %ne3A_1300, %ne3A_1295 : i1
      %add3A_1302 = arith.addi %rem3A_1293, %select_n3A_1292 : i32
      %select_n3A_1303 = arith.select %and3A_1301, %add3A_1302, %rem3A_1293 : i32
      %get3A_1304 = arith.index_cast %select_n3A_1303 : i32 to index
      %get3A_1305 = arith.constant 112 : index
      %get3A_1306 = tpu.vector_load %arg4[%get3A_1304, %get3A_1305] {strides = array<i32>} : memref<4x128xi32, #tpu.memory_space<vmem>>, vector<16xi32>,
      %ge3A_1307 = arith.constant 0 : i32
      %ge3A_1308 = vector.broadcast %ge3A_1307 : i32 to vector<16xi32>
      %ge3A_1309 = arith.cmpi sge, %get3A_1306, %ge3A_1308 : vector<16xi32>
      %lt3A_1310 = arith.constant 256 : i32
      %lt3A_1311 = vector.broadcast %lt3A_1310 : i32 to vector<16xi32>
      %lt3A_1312 = arith.cmpi slt, %get3A_1306, %lt3A_1311 : vector<16xi32>
      %and3A_1313 = arith.andi %ge3A_1309, %lt3A_1312 : vector<16xi1>
      %add3A_1314 = arith.constant 112 : i32
      %add3A_1315 = vector.broadcast %add3A_1314 : i32 to vector<16xi32>
      %add3A_1316 = arith.addi %iota3A, %add3A_1315 : vector<16xi32>
      tpu.vector_store_idx %arg5[%get3A_1306, %add3A_1316], %broadcast_in_dim3A_1 masked %and3A_1313 : memref<1000x128xf32, #tpu.memory_space<vmem>>[vector<16xi32>, vector<16xi32>], vector<16xf32>, vector<16xi1>
      %jit3A_1317 = arith.constant 4 : i32
      %eq3A_1318 = arith.constant 0 : i32
      %eq3A_1319 = arith.cmpi eq, %jit3A_1317, %eq3A_1318 : i32
      %jit3A_1320 = arith.constant 1 : i32
      %select_n3A_1321 = arith.select %eq3A_1319, %jit3A_1320, %jit3A_1317 : i32
      %rem3A_1322 = arith.remsi %scan3A_985, %select_n3A_1321 : i32
      %ne3A_1323 = arith.constant 0 : i32
      %ne3A_1324 = arith.cmpi ne, %rem3A_1322, %ne3A_1323 : i32
      %lt3A_1325 = arith.constant 0 : i32
      %lt3A_1326 = arith.cmpi slt, %rem3A_1322, %lt3A_1325 : i32
      %lt3A_1327 = arith.constant 0 : i32
      %lt3A_1328 = arith.cmpi slt, %select_n3A_1321, %lt3A_1327 : i32
      %ne3A_1329 = arith.xori %lt3A_1326, %lt3A_1328 : i1
      %and3A_1330 = arith.andi %ne3A_1329, %ne3A_1324 : i1
      %add3A_1331 = arith.addi %rem3A_1322, %select_n3A_1321 : i32
      %select_n3A_1332 = arith.select %and3A_1330, %add3A_1331, %rem3A_1322 : i32
      %get3A_1333 = arith.index_cast %select_n3A_1332 : i32 to index
      %get3A_1334 = arith.constant 0 : index
      %get3A_1335 = tpu.vector_load %arg4[%get3A_1333, %get3A_1334] {strides = array<i32>} : memref<4x128xi32, #tpu.memory_space<vmem>>, vector<16xi32>,
      %ge3A_1336 = arith.constant 0 : i32
      %ge3A_1337 = vector.broadcast %ge3A_1336 : i32 to vector<16xi32>
      %ge3A_1338 = arith.cmpi sge, %get3A_1335, %ge3A_1337 : vector<16xi32>
      %lt3A_1339 = arith.constant 256 : i32
      %lt3A_1340 = vector.broadcast %lt3A_1339 : i32 to vector<16xi32>
      %lt3A_1341 = arith.cmpi slt, %get3A_1335, %lt3A_1340 : vector<16xi32>
      %and3A_1342 = arith.andi %ge3A_1338, %lt3A_1341 : vector<16xi1>
      %add3A_1343 = arith.constant 0 : i32
      %add3A_1344 = vector.broadcast %add3A_1343 : i32 to vector<16xi32>
      %add3A_1345 = arith.addi %iota3A, %add3A_1344 : vector<16xi32>
      tpu.vector_store_idx %arg5[%get3A_1335, %add3A_1345], %broadcast_in_dim3A_3 masked %and3A_1342 : memref<1000x128xf32, #tpu.memory_space<vmem>>[vector<16xi32>, vector<16xi32>], vector<16xf32>, vector<16xi1>
      %jit3A_1346 = arith.constant 4 : i32
      %eq3A_1347 = arith.constant 0 : i32
      %eq3A_1348 = arith.cmpi eq, %jit3A_1346, %eq3A_1347 : i32
      %jit3A_1349 = arith.constant 1 : i32
      %select_n3A_1350 = arith.select %eq3A_1348, %jit3A_1349, %jit3A_1346 : i32
      %rem3A_1351 = arith.remsi %scan3A_985, %select_n3A_1350 : i32
      %ne3A_1352 = arith.constant 0 : i32
      %ne3A_1353 = arith.cmpi ne, %rem3A_1351, %ne3A_1352 : i32
      %lt3A_1354 = arith.constant 0 : i32
      %lt3A_1355 = arith.cmpi slt, %rem3A_1351, %lt3A_1354 : i32
      %lt3A_1356 = arith.constant 0 : i32
      %lt3A_1357 = arith.cmpi slt, %select_n3A_1350, %lt3A_1356 : i32
      %ne3A_1358 = arith.xori %lt3A_1355, %lt3A_1357 : i1
      %and3A_1359 = arith.andi %ne3A_1358, %ne3A_1353 : i1
      %add3A_1360 = arith.addi %rem3A_1351, %select_n3A_1350 : i32
      %select_n3A_1361 = arith.select %and3A_1359, %add3A_1360, %rem3A_1351 : i32
      %get3A_1362 = arith.index_cast %select_n3A_1361 : i32 to index
      %get3A_1363 = arith.constant 16 : index
      %get3A_1364 = tpu.vector_load %arg4[%get3A_1362, %get3A_1363] {strides = array<i32>} : memref<4x128xi32, #tpu.memory_space<vmem>>, vector<16xi32>,
      %ge3A_1365 = arith.constant 0 : i32
      %ge3A_1366 = vector.broadcast %ge3A_1365 : i32 to vector<16xi32>
      %ge3A_1367 = arith.cmpi sge, %get3A_1364, %ge3A_1366 : vector<16xi32>
      %lt3A_1368 = arith.constant 256 : i32
      %lt3A_1369 = vector.broadcast %lt3A_1368 : i32 to vector<16xi32>
      %lt3A_1370 = arith.cmpi slt, %get3A_1364, %lt3A_1369 : vector<16xi32>
      %and3A_1371 = arith.andi %ge3A_1367, %lt3A_1370 : vector<16xi1>
      %add3A_1372 = arith.constant 16 : i32
      %add3A_1373 = vector.broadcast %add3A_1372 : i32 to vector<16xi32>
      %add3A_1374 = arith.addi %iota3A, %add3A_1373 : vector<16xi32>
      tpu.vector_store_idx %arg5[%get3A_1364, %add3A_1374], %broadcast_in_dim3A_3 masked %and3A_1371 : memref<1000x128xf32, #tpu.memory_space<vmem>>[vector<16xi32>, vector<16xi32>], vector<16xf32>, vector<16xi1>
      %jit3A_1375 = arith.constant 4 : i32
      %eq3A_1376 = arith.constant 0 : i32
      %eq3A_1377 = arith.cmpi eq, %jit3A_1375, %eq3A_1376 : i32
      %jit3A_1378 = arith.constant 1 : i32
      %select_n3A_1379 = arith.select %eq3A_1377, %jit3A_1378, %jit3A_1375 : i32
      %rem3A_1380 = arith.remsi %scan3A_985, %select_n3A_1379 : i32
      %ne3A_1381 = arith.constant 0 : i32
      %ne3A_1382 = arith.cmpi ne, %rem3A_1380, %ne3A_1381 : i32
      %lt3A_1383 = arith.constant 0 : i32
      %lt3A_1384 = arith.cmpi slt, %rem3A_1380, %lt3A_1383 : i32
      %lt3A_1385 = arith.constant 0 : i32
      %lt3A_1386 = arith.cmpi slt, %select_n3A_1379, %lt3A_1385 : i32
      %ne3A_1387 = arith.xori %lt3A_1384, %lt3A_1386 : i1
      %and3A_1388 = arith.andi %ne3A_1387, %ne3A_1382 : i1
      %add3A_1389 = arith.addi %rem3A_1380, %select_n3A_1379 : i32
      %select_n3A_1390 = arith.select %and3A_1388, %add3A_1389, %rem3A_1380 : i32
      %get3A_1391 = arith.index_cast %select_n3A_1390 : i32 to index
      %get3A_1392 = arith.constant 32 : index
      %get3A_1393 = tpu.vector_load %arg4[%get3A_1391, %get3A_1392] {strides = array<i32>} : memref<4x128xi32, #tpu.memory_space<vmem>>, vector<16xi32>,
      %ge3A_1394 = arith.constant 0 : i32
      %ge3A_1395 = vector.broadcast %ge3A_1394 : i32 to vector<16xi32>
      %ge3A_1396 = arith.cmpi sge, %get3A_1393, %ge3A_1395 : vector<16xi32>
      %lt3A_1397 = arith.constant 256 : i32
      %lt3A_1398 = vector.broadcast %lt3A_1397 : i32 to vector<16xi32>
      %lt3A_1399 = arith.cmpi slt, %get3A_1393, %lt3A_1398 : vector<16xi32>
      %and3A_1400 = arith.andi %ge3A_1396, %lt3A_1399 : vector<16xi1>
      %add3A_1401 = arith.constant 32 : i32
      %add3A_1402 = vector.broadcast %add3A_1401 : i32 to vector<16xi32>
      %add3A_1403 = arith.addi %iota3A, %add3A_1402 : vector<16xi32>
      tpu.vector_store_idx %arg5[%get3A_1393, %add3A_1403], %broadcast_in_dim3A_3 masked %and3A_1400 : memref<1000x128xf32, #tpu.memory_space<vmem>>[vector<16xi32>, vector<16xi32>], vector<16xf32>, vector<16xi1>
      %jit3A_1404 = arith.constant 4 : i32
      %eq3A_1405 = arith.constant 0 : i32
      %eq3A_1406 = arith.cmpi eq, %jit3A_1404, %eq3A_1405 : i32
      %jit3A_1407 = arith.constant 1 : i32
      %select_n3A_1408 = arith.select %eq3A_1406, %jit3A_1407, %jit3A_1404 : i32
      %rem3A_1409 = arith.remsi %scan3A_985, %select_n3A_1408 : i32
      %ne3A_1410 = arith.constant 0 : i32
      %ne3A_1411 = arith.cmpi ne, %rem3A_1409, %ne3A_1410 : i32
      %lt3A_1412 = arith.constant 0 : i32
      %lt3A_1413 = arith.cmpi slt, %rem3A_1409, %lt3A_1412 : i32
      %lt3A_1414 = arith.constant 0 : i32
      %lt3A_1415 = arith.cmpi slt, %select_n3A_1408, %lt3A_1414 : i32
      %ne3A_1416 = arith.xori %lt3A_1413, %lt3A_1415 : i1
      %and3A_1417 = arith.andi %ne3A_1416, %ne3A_1411 : i1
      %add3A_1418 = arith.addi %rem3A_1409, %select_n3A_1408 : i32
      %select_n3A_1419 = arith.select %and3A_1417, %add3A_1418, %rem3A_1409 : i32
      %get3A_1420 = arith.index_cast %select_n3A_1419 : i32 to index
      %get3A_1421 = arith.constant 48 : index
      %get3A_1422 = tpu.vector_load %arg4[%get3A_1420, %get3A_1421] {strides = array<i32>} : memref<4x128xi32, #tpu.memory_space<vmem>>, vector<16xi32>,
      %ge3A_1423 = arith.constant 0 : i32
      %ge3A_1424 = vector.broadcast %ge3A_1423 : i32 to vector<16xi32>
      %ge3A_1425 = arith.cmpi sge, %get3A_1422, %ge3A_1424 : vector<16xi32>
      %lt3A_1426 = arith.constant 256 : i32
      %lt3A_1427 = vector.broadcast %lt3A_1426 : i32 to vector<16xi32>
      %lt3A_1428 = arith.cmpi slt, %get3A_1422, %lt3A_1427 : vector<16xi32>
      %and3A_1429 = arith.andi %ge3A_1425, %lt3A_1428 : vector<16xi1>
      %add3A_1430 = arith.constant 48 : i32
      %add3A_1431 = vector.broadcast %add3A_1430 : i32 to vector<16xi32>
      %add3A_1432 = arith.addi %iota3A, %add3A_1431 : vector<16xi32>
      tpu.vector_store_idx %arg5[%get3A_1422, %add3A_1432], %broadcast_in_dim3A_3 masked %and3A_1429 : memref<1000x128xf32, #tpu.memory_space<vmem>>[vector<16xi32>, vector<16xi32>], vector<16xf32>, vector<16xi1>
      %jit3A_1433 = arith.constant 4 : i32
      %eq3A_1434 = arith.constant 0 : i32
      %eq3A_1435 = arith.cmpi eq, %jit3A_1433, %eq3A_1434 : i32
      %jit3A_1436 = arith.constant 1 : i32
      %select_n3A_1437 = arith.select %eq3A_1435, %jit3A_1436, %jit3A_1433 : i32
      %rem3A_1438 = arith.remsi %scan3A_985, %select_n3A_1437 : i32
      %ne3A_1439 = arith.constant 0 : i32
      %ne3A_1440 = arith.cmpi ne, %rem3A_1438, %ne3A_1439 : i32
      %lt3A_1441 = arith.constant 0 : i32
      %lt3A_1442 = arith.cmpi slt, %rem3A_1438, %lt3A_1441 : i32
      %lt3A_1443 = arith.constant 0 : i32
      %lt3A_1444 = arith.cmpi slt, %select_n3A_1437, %lt3A_1443 : i32
      %ne3A_1445 = arith.xori %lt3A_1442, %lt3A_1444 : i1
      %and3A_1446 = arith.andi %ne3A_1445, %ne3A_1440 : i1
      %add3A_1447 = arith.addi %rem3A_1438, %select_n3A_1437 : i32
      %select_n3A_1448 = arith.select %and3A_1446, %add3A_1447, %rem3A_1438 : i32
      %get3A_1449 = arith.index_cast %select_n3A_1448 : i32 to index
      %get3A_1450 = arith.constant 64 : index
      %get3A_1451 = tpu.vector_load %arg4[%get3A_1449, %get3A_1450] {strides = array<i32>} : memref<4x128xi32, #tpu.memory_space<vmem>>, vector<16xi32>,
      %ge3A_1452 = arith.constant 0 : i32
      %ge3A_1453 = vector.broadcast %ge3A_1452 : i32 to vector<16xi32>
      %ge3A_1454 = arith.cmpi sge, %get3A_1451, %ge3A_1453 : vector<16xi32>
      %lt3A_1455 = arith.constant 256 : i32
      %lt3A_1456 = vector.broadcast %lt3A_1455 : i32 to vector<16xi32>
      %lt3A_1457 = arith.cmpi slt, %get3A_1451, %lt3A_1456 : vector<16xi32>
      %and3A_1458 = arith.andi %ge3A_1454, %lt3A_1457 : vector<16xi1>
      %add3A_1459 = arith.constant 64 : i32
      %add3A_1460 = vector.broadcast %add3A_1459 : i32 to vector<16xi32>
      %add3A_1461 = arith.addi %iota3A, %add3A_1460 : vector<16xi32>
      tpu.vector_store_idx %arg5[%get3A_1451, %add3A_1461], %broadcast_in_dim3A_3 masked %and3A_1458 : memref<1000x128xf32, #tpu.memory_space<vmem>>[vector<16xi32>, vector<16xi32>], vector<16xf32>, vector<16xi1>
      %jit3A_1462 = arith.constant 4 : i32
      %eq3A_1463 = arith.constant 0 : i32
      %eq3A_1464 = arith.cmpi eq, %jit3A_1462, %eq3A_1463 : i32
      %jit3A_1465 = arith.constant 1 : i32
      %select_n3A_1466 = arith.select %eq3A_1464, %jit3A_1465, %jit3A_1462 : i32
      %rem3A_1467 = arith.remsi %scan3A_985, %select_n3A_1466 : i32
      %ne3A_1468 = arith.constant 0 : i32
      %ne3A_1469 = arith.cmpi ne, %rem3A_1467, %ne3A_1468 : i32
      %lt3A_1470 = arith.constant 0 : i32
      %lt3A_1471 = arith.cmpi slt, %rem3A_1467, %lt3A_1470 : i32
      %lt3A_1472 = arith.constant 0 : i32
      %lt3A_1473 = arith.cmpi slt, %select_n3A_1466, %lt3A_1472 : i32
      %ne3A_1474 = arith.xori %lt3A_1471, %lt3A_1473 : i1
      %and3A_1475 = arith.andi %ne3A_1474, %ne3A_1469 : i1
      %add3A_1476 = arith.addi %rem3A_1467, %select_n3A_1466 : i32
      %select_n3A_1477 = arith.select %and3A_1475, %add3A_1476, %rem3A_1467 : i32
      %get3A_1478 = arith.index_cast %select_n3A_1477 : i32 to index
      %get3A_1479 = arith.constant 80 : index
      %get3A_1480 = tpu.vector_load %arg4[%get3A_1478, %get3A_1479] {strides = array<i32>} : memref<4x128xi32, #tpu.memory_space<vmem>>, vector<16xi32>,
      %ge3A_1481 = arith.constant 0 : i32
      %ge3A_1482 = vector.broadcast %ge3A_1481 : i32 to vector<16xi32>
      %ge3A_1483 = arith.cmpi sge, %get3A_1480, %ge3A_1482 : vector<16xi32>
      %lt3A_1484 = arith.constant 256 : i32
      %lt3A_1485 = vector.broadcast %lt3A_1484 : i32 to vector<16xi32>
      %lt3A_1486 = arith.cmpi slt, %get3A_1480, %lt3A_1485 : vector<16xi32>
      %and3A_1487 = arith.andi %ge3A_1483, %lt3A_1486 : vector<16xi1>
      %add3A_1488 = arith.constant 80 : i32
      %add3A_1489 = vector.broadcast %add3A_1488 : i32 to vector<16xi32>
      %add3A_1490 = arith.addi %iota3A, %add3A_1489 : vector<16xi32>
      tpu.vector_store_idx %arg5[%get3A_1480, %add3A_1490], %broadcast_in_dim3A_3 masked %and3A_1487 : memref<1000x128xf32, #tpu.memory_space<vmem>>[vector<16xi32>, vector<16xi32>], vector<16xf32>, vector<16xi1>
      %jit3A_1491 = arith.constant 4 : i32
      %eq3A_1492 = arith.constant 0 : i32
      %eq3A_1493 = arith.cmpi eq, %jit3A_1491, %eq3A_1492 : i32
      %jit3A_1494 = arith.constant 1 : i32
      %select_n3A_1495 = arith.select %eq3A_1493, %jit3A_1494, %jit3A_1491 : i32
      %rem3A_1496 = arith.remsi %scan3A_985, %select_n3A_1495 : i32
      %ne3A_1497 = arith.constant 0 : i32
      %ne3A_1498 = arith.cmpi ne, %rem3A_1496, %ne3A_1497 : i32
      %lt3A_1499 = arith.constant 0 : i32
      %lt3A_1500 = arith.cmpi slt, %rem3A_1496, %lt3A_1499 : i32
      %lt3A_1501 = arith.constant 0 : i32
      %lt3A_1502 = arith.cmpi slt, %select_n3A_1495, %lt3A_1501 : i32
      %ne3A_1503 = arith.xori %lt3A_1500, %lt3A_1502 : i1
      %and3A_1504 = arith.andi %ne3A_1503, %ne3A_1498 : i1
      %add3A_1505 = arith.addi %rem3A_1496, %select_n3A_1495 : i32
      %select_n3A_1506 = arith.select %and3A_1504, %add3A_1505, %rem3A_1496 : i32
      %get3A_1507 = arith.index_cast %select_n3A_1506 : i32 to index
      %get3A_1508 = arith.constant 96 : index
      %get3A_1509 = tpu.vector_load %arg4[%get3A_1507, %get3A_1508] {strides = array<i32>} : memref<4x128xi32, #tpu.memory_space<vmem>>, vector<16xi32>,
      %ge3A_1510 = arith.constant 0 : i32
      %ge3A_1511 = vector.broadcast %ge3A_1510 : i32 to vector<16xi32>
      %ge3A_1512 = arith.cmpi sge, %get3A_1509, %ge3A_1511 : vector<16xi32>
      %lt3A_1513 = arith.constant 256 : i32
      %lt3A_1514 = vector.broadcast %lt3A_1513 : i32 to vector<16xi32>
      %lt3A_1515 = arith.cmpi slt, %get3A_1509, %lt3A_1514 : vector<16xi32>
      %and3A_1516 = arith.andi %ge3A_1512, %lt3A_1515 : vector<16xi1>
      %add3A_1517 = arith.constant 96 : i32
      %add3A_1518 = vector.broadcast %add3A_1517 : i32 to vector<16xi32>
      %add3A_1519 = arith.addi %iota3A, %add3A_1518 : vector<16xi32>
      tpu.vector_store_idx %arg5[%get3A_1509, %add3A_1519], %broadcast_in_dim3A_3 masked %and3A_1516 : memref<1000x128xf32, #tpu.memory_space<vmem>>[vector<16xi32>, vector<16xi32>], vector<16xf32>, vector<16xi1>
      %jit3A_1520 = arith.constant 4 : i32
      %eq3A_1521 = arith.constant 0 : i32
      %eq3A_1522 = arith.cmpi eq, %jit3A_1520, %eq3A_1521 : i32
      %jit3A_1523 = arith.constant 1 : i32
      %select_n3A_1524 = arith.select %eq3A_1522, %jit3A_1523, %jit3A_1520 : i32
      %rem3A_1525 = arith.remsi %scan3A_985, %select_n3A_1524 : i32
      %ne3A_1526 = arith.constant 0 : i32
      %ne3A_1527 = arith.cmpi ne, %rem3A_1525, %ne3A_1526 : i32
      %lt3A_1528 = arith.constant 0 : i32
      %lt3A_1529 = arith.cmpi slt, %rem3A_1525, %lt3A_1528 : i32
      %lt3A_1530 = arith.constant 0 : i32
      %lt3A_1531 = arith.cmpi slt, %select_n3A_1524, %lt3A_1530 : i32
      %ne3A_1532 = arith.xori %lt3A_1529, %lt3A_1531 : i1
      %and3A_1533 = arith.andi %ne3A_1532, %ne3A_1527 : i1
      %add3A_1534 = arith.addi %rem3A_1525, %select_n3A_1524 : i32
      %select_n3A_1535 = arith.select %and3A_1533, %add3A_1534, %rem3A_1525 : i32
      %get3A_1536 = arith.index_cast %select_n3A_1535 : i32 to index
      %get3A_1537 = arith.constant 112 : index
      %get3A_1538 = tpu.vector_load %arg4[%get3A_1536, %get3A_1537] {strides = array<i32>} : memref<4x128xi32, #tpu.memory_space<vmem>>, vector<16xi32>,
      %ge3A_1539 = arith.constant 0 : i32
      %ge3A_1540 = vector.broadcast %ge3A_1539 : i32 to vector<16xi32>
      %ge3A_1541 = arith.cmpi sge, %get3A_1538, %ge3A_1540 : vector<16xi32>
      %lt3A_1542 = arith.constant 256 : i32
      %lt3A_1543 = vector.broadcast %lt3A_1542 : i32 to vector<16xi32>
      %lt3A_1544 = arith.cmpi slt, %get3A_1538, %lt3A_1543 : vector<16xi32>
      %and3A_1545 = arith.andi %ge3A_1541, %lt3A_1544 : vector<16xi1>
      %add3A_1546 = arith.constant 112 : i32
      %add3A_1547 = vector.broadcast %add3A_1546 : i32 to vector<16xi32>
      %add3A_1548 = arith.addi %iota3A, %add3A_1547 : vector<16xi32>
      tpu.vector_store_idx %arg5[%get3A_1538, %add3A_1548], %broadcast_in_dim3A_3 masked %and3A_1545 : memref<1000x128xf32, #tpu.memory_space<vmem>>[vector<16xi32>, vector<16xi32>], vector<16xf32>, vector<16xi1>
      %mul3A_1549 = arith.constant 32 : i32
      %mul3A_1550 = arith.muli %scan3A_985, %mul3A_1549 : i32
      %add3A_1551 = arith.addi %mul3A_1550, %add3A : i32
      %jit3A_1552 = arith.constant 32 : i32
      %div3A_1553 = arith.divsi %add3A_1551, %jit3A_1552 : i32
      %sign3A_1554 = arith.constant 0 : i32
      %sign3A_1555 = arith.cmpi sgt, %add3A_1551, %sign3A_1554 : i32
      %sign3A_1556 = arith.extui %sign3A_1555 : i1 to i32
      %sign3A_1557 = arith.constant 0 : i32
      %sign3A_1558 = arith.cmpi slt, %add3A_1551, %sign3A_1557 : i32
      %sign3A_1559 = arith.extui %sign3A_1558 : i1 to i32
      %sign3A_1560 = arith.subi %sign3A_1556, %sign3A_1559 : i32
      %sign3A_1561 = arith.constant 0 : i32
      %sign3A_1562 = arith.cmpi sgt, %jit3A_1552, %sign3A_1561 : i32
      %sign3A_1563 = arith.extui %sign3A_1562 : i1 to i32
      %sign3A_1564 = arith.constant 0 : i32
      %sign3A_1565 = arith.cmpi slt, %jit3A_1552, %sign3A_1564 : i32
      %sign3A_1566 = arith.extui %sign3A_1565 : i1 to i32
      %sign3A_1567 = arith.subi %sign3A_1563, %sign3A_1566 : i32
      %ne3A_1568 = arith.cmpi ne, %sign3A_1560, %sign3A_1567 : i32
      %rem3A_1569 = arith.remsi %add3A_1551, %jit3A_1552 : i32
      %ne3A_1570 = arith.constant 0 : i32
      %ne3A_1571 = arith.cmpi ne, %rem3A_1569, %ne3A_1570 : i32
      %and3A_1572 = arith.andi %ne3A_1568, %ne3A_1571 : i1
      %sub3A_1573 = arith.constant 1 : i32
      %sub3A_1574 = arith.subi %div3A_1553, %sub3A_1573 : i32
      %select_n3A_1575 = arith.select %and3A_1572, %sub3A_1574, %div3A_1553 : i32
      %jit3A_1576 = arith.constant 32 : i32
      %eq3A_1577 = arith.constant 0 : i32
      %eq3A_1578 = arith.cmpi eq, %jit3A_1576, %eq3A_1577 : i32
      %jit3A_1579 = arith.constant 1 : i32
      %select_n3A_1580 = arith.select %eq3A_1578, %jit3A_1579, %jit3A_1576 : i32
      %rem3A_1581 = arith.remsi %add3A_1551, %select_n3A_1580 : i32
      %ne3A_1582 = arith.constant 0 : i32
      %ne3A_1583 = arith.cmpi ne, %rem3A_1581, %ne3A_1582 : i32
      %lt3A_1584 = arith.constant 0 : i32
      %lt3A_1585 = arith.cmpi slt, %rem3A_1581, %lt3A_1584 : i32
      %lt3A_1586 = arith.constant 0 : i32
      %lt3A_1587 = arith.cmpi slt, %select_n3A_1580, %lt3A_1586 : i32
      %ne3A_1588 = arith.xori %lt3A_1585, %lt3A_1587 : i1
      %and3A_1589 = arith.andi %ne3A_1588, %ne3A_1583 : i1
      %add3A_1590 = arith.addi %rem3A_1581, %select_n3A_1580 : i32
      %select_n3A_1591 = arith.select %and3A_1589, %add3A_1590, %rem3A_1581 : i32
      %mul3A_1592 = arith.constant 128 : i32
      %mul3A_1593 = arith.muli %select_n3A_1591, %mul3A_1592 : i32
      %dma_start3A_1594 = arith.constant 0 : i32
      %dma_start3A_1595 = arith.constant 0 : i32
      %dma_start3A_1596 = tpu.memref_slice %arg5[%dma_start3A_1594, %dma_start3A_1595] : memref<1000x128xf32, #tpu.memory_space<vmem>> -> memref<256x128xf32, #tpu.memory_space<vmem>>
      %dma_start3A_1597 = arith.constant 0 : i32
      %dma_start3A_1598 = tpu.memref_slice %arg3[%select_n3A_1575, %dma_start3A_1597, %mul3A_1593] : memref<26x1000x4096xf32, #tpu.memory_space<hbm>> -> memref<1x256x128xf32, #tpu.memory_space<hbm>>
      %dma_start3A_1599 = tpu.memref_squeeze %dma_start3A_1598 : memref<1x256x128xf32, #tpu.memory_space<hbm>> -> memref<256x128xf32, #tpu.memory_space<hbm>>
      %dma_start3A_1600 = arith.constant 0 : i32
      %dma_start3A_1601 = tpu.memref_slice %arg3[%select_n3A_1575, %dma_start3A_1600, %mul3A_1593] : memref<26x1000x4096xf32, #tpu.memory_space<hbm>> -> memref<1x256x128xf32, #tpu.memory_space<hbm>>
      %dma_start3A_1602 = tpu.memref_squeeze %dma_start3A_1601 : memref<1x256x128xf32, #tpu.memory_space<hbm>> -> memref<256x128xf32, #tpu.memory_space<hbm>>
      %dma_start3A_1603 = arith.constant 0 : i32
      %dma_start3A_1604 = arith.constant 0 : i32
      %dma_start3A_1605 = tpu.memref_slice %arg5[%dma_start3A_1603, %dma_start3A_1604] : memref<1000x128xf32, #tpu.memory_space<vmem>> -> memref<256x128xf32, #tpu.memory_space<vmem>>
      tpu.enqueue_dma source(%dma_start3A_1605 : memref<256x128xf32, #tpu.memory_space<vmem>>) target(%dma_start3A_1602 : memref<256x128xf32, #tpu.memory_space<hbm>>) target_semaphore(%arg10 : memref<!tpu.dma_semaphore, #tpu.memory_space<semaphore_mem>>)
      %dma_wait3A_1606 = arith.constant 0 : i32
      %dma_wait3A_1607 = arith.constant 256 : i32
      %dma_wait3A_1608 = arith.constant 0 : i32
      %dma_wait3A_1609 = tpu.memref_slice %arg5[%dma_wait3A_1607, %dma_wait3A_1608] : memref<1000x128xf32, #tpu.memory_space<vmem>> -> memref<256x128xf32, #tpu.memory_space<vmem>>
      %dma_wait3A_1610 = arith.constant 256 : i32
      %dma_wait3A_1611 = arith.constant 0 : i32
      %dma_wait3A_1612 = tpu.memref_slice %arg3[%dma_wait3A_1606, %dma_wait3A_1610, %dma_wait3A_1611] : memref<26x1000x4096xf32, #tpu.memory_space<hbm>> -> memref<1x256x128xf32, #tpu.memory_space<hbm>>
      %dma_wait3A_1613 = tpu.memref_squeeze %dma_wait3A_1612 : memref<1x256x128xf32, #tpu.memory_space<hbm>> -> memref<256x128xf32, #tpu.memory_space<hbm>>
      %dma_wait3A_1614 = arith.constant 256 : i32
      %dma_wait3A_1615 = arith.constant 0 : i32
      %dma_wait3A_1616 = tpu.memref_slice %arg3[%dma_wait3A_1606, %dma_wait3A_1614, %dma_wait3A_1615] : memref<26x1000x4096xf32, #tpu.memory_space<hbm>> -> memref<1x256x128xf32, #tpu.memory_space<hbm>>
      %dma_wait3A_1617 = tpu.memref_squeeze %dma_wait3A_1616 : memref<1x256x128xf32, #tpu.memory_space<hbm>> -> memref<256x128xf32, #tpu.memory_space<hbm>>
      %dma_wait3A_1618 = arith.constant 256 : i32
      %dma_wait3A_1619 = arith.constant 0 : i32
      %dma_wait3A_1620 = tpu.memref_slice %arg5[%dma_wait3A_1618, %dma_wait3A_1619] : memref<1000x128xf32, #tpu.memory_space<vmem>> -> memref<256x128xf32, #tpu.memory_space<vmem>>
      tpu.wait_dma2 semaphore(%arg11 : memref<!tpu.dma_semaphore, #tpu.memory_space<semaphore_mem>>) src(%dma_wait3A_1620 : memref<256x128xf32, #tpu.memory_space<vmem>>) dst(%dma_wait3A_1617 : memref<256x128xf32, #tpu.memory_space<hbm>>)
      %sub3A_1621 = arith.constant 1 : i32
      %sub3A_1622 = arith.subi %scan3A_985, %sub3A_1621 : i32
      %jit3A_1623 = arith.constant 4 : i32
      %eq3A_1624 = arith.constant 0 : i32
      %eq3A_1625 = arith.cmpi eq, %jit3A_1623, %eq3A_1624 : i32
      %jit3A_1626 = arith.constant 1 : i32
      %select_n3A_1627 = arith.select %eq3A_1625, %jit3A_1626, %jit3A_1623 : i32
      %rem3A_1628 = arith.remsi %sub3A_1622, %select_n3A_1627 : i32
      %ne3A_1629 = arith.constant 0 : i32
      %ne3A_1630 = arith.cmpi ne, %rem3A_1628, %ne3A_1629 : i32
      %lt3A_1631 = arith.constant 0 : i32
      %lt3A_1632 = arith.cmpi slt, %rem3A_1628, %lt3A_1631 : i32
      %lt3A_1633 = arith.constant 0 : i32
      %lt3A_1634 = arith.cmpi slt, %select_n3A_1627, %lt3A_1633 : i32
      %ne3A_1635 = arith.xori %lt3A_1632, %lt3A_1634 : i1
      %and3A_1636 = arith.andi %ne3A_1635, %ne3A_1630 : i1
      %add3A_1637 = arith.addi %rem3A_1628, %select_n3A_1627 : i32
      %select_n3A_1638 = arith.select %and3A_1636, %add3A_1637, %rem3A_1628 : i32
      %get3A_1639 = arith.index_cast %select_n3A_1638 : i32 to index
      %get3A_1640 = arith.constant 0 : index
      %get3A_1641 = tpu.vector_load %arg4[%get3A_1639, %get3A_1640] {strides = array<i32>} : memref<4x128xi32, #tpu.memory_space<vmem>>, vector<16xi32>,
      %ge3A_1642 = arith.constant 256 : i32
      %ge3A_1643 = vector.broadcast %ge3A_1642 : i32 to vector<16xi32>
      %ge3A_1644 = arith.cmpi sge, %get3A_1641, %ge3A_1643 : vector<16xi32>
      %lt3A_1645 = arith.constant 512 : i32
      %lt3A_1646 = vector.broadcast %lt3A_1645 : i32 to vector<16xi32>
      %lt3A_1647 = arith.cmpi slt, %get3A_1641, %lt3A_1646 : vector<16xi32>
      %and3A_1648 = arith.andi %ge3A_1644, %lt3A_1647 : vector<16xi1>
      %add3A_1649 = arith.constant 0 : i32
      %add3A_1650 = vector.broadcast %add3A_1649 : i32 to vector<16xi32>
      %add3A_1651 = arith.addi %iota3A, %add3A_1650 : vector<16xi32>
      tpu.vector_store_idx %arg5[%get3A_1641, %add3A_1651], %broadcast_in_dim3A_1 masked %and3A_1648 : memref<1000x128xf32, #tpu.memory_space<vmem>>[vector<16xi32>, vector<16xi32>], vector<16xf32>, vector<16xi1>
      %jit3A_1652 = arith.constant 4 : i32
      %eq3A_1653 = arith.constant 0 : i32
      %eq3A_1654 = arith.cmpi eq, %jit3A_1652, %eq3A_1653 : i32
      %jit3A_1655 = arith.constant 1 : i32
      %select_n3A_1656 = arith.select %eq3A_1654, %jit3A_1655, %jit3A_1652 : i32
      %rem3A_1657 = arith.remsi %sub3A_1622, %select_n3A_1656 : i32
      %ne3A_1658 = arith.constant 0 : i32
      %ne3A_1659 = arith.cmpi ne, %rem3A_1657, %ne3A_1658 : i32
      %lt3A_1660 = arith.constant 0 : i32
      %lt3A_1661 = arith.cmpi slt, %rem3A_1657, %lt3A_1660 : i32
      %lt3A_1662 = arith.constant 0 : i32
      %lt3A_1663 = arith.cmpi slt, %select_n3A_1656, %lt3A_1662 : i32
      %ne3A_1664 = arith.xori %lt3A_1661, %lt3A_1663 : i1
      %and3A_1665 = arith.andi %ne3A_1664, %ne3A_1659 : i1
      %add3A_1666 = arith.addi %rem3A_1657, %select_n3A_1656 : i32
      %select_n3A_1667 = arith.select %and3A_1665, %add3A_1666, %rem3A_1657 : i32
      %get3A_1668 = arith.index_cast %select_n3A_1667 : i32 to index
      %get3A_1669 = arith.constant 16 : index
      %get3A_1670 = tpu.vector_load %arg4[%get3A_1668, %get3A_1669] {strides = array<i32>} : memref<4x128xi32, #tpu.memory_space<vmem>>, vector<16xi32>,
      %ge3A_1671 = arith.constant 256 : i32
      %ge3A_1672 = vector.broadcast %ge3A_1671 : i32 to vector<16xi32>
      %ge3A_1673 = arith.cmpi sge, %get3A_1670, %ge3A_1672 : vector<16xi32>
      %lt3A_1674 = arith.constant 512 : i32
      %lt3A_1675 = vector.broadcast %lt3A_1674 : i32 to vector<16xi32>
      %lt3A_1676 = arith.cmpi slt, %get3A_1670, %lt3A_1675 : vector<16xi32>
      %and3A_1677 = arith.andi %ge3A_1673, %lt3A_1676 : vector<16xi1>
      %add3A_1678 = arith.constant 16 : i32
      %add3A_1679 = vector.broadcast %add3A_1678 : i32 to vector<16xi32>
      %add3A_1680 = arith.addi %iota3A, %add3A_1679 : vector<16xi32>
      tpu.vector_store_idx %arg5[%get3A_1670, %add3A_1680], %broadcast_in_dim3A_1 masked %and3A_1677 : memref<1000x128xf32, #tpu.memory_space<vmem>>[vector<16xi32>, vector<16xi32>], vector<16xf32>, vector<16xi1>
      %jit3A_1681 = arith.constant 4 : i32
      %eq3A_1682 = arith.constant 0 : i32
      %eq3A_1683 = arith.cmpi eq, %jit3A_1681, %eq3A_1682 : i32
      %jit3A_1684 = arith.constant 1 : i32
      %select_n3A_1685 = arith.select %eq3A_1683, %jit3A_1684, %jit3A_1681 : i32
      %rem3A_1686 = arith.remsi %sub3A_1622, %select_n3A_1685 : i32
      %ne3A_1687 = arith.constant 0 : i32
      %ne3A_1688 = arith.cmpi ne, %rem3A_1686, %ne3A_1687 : i32
      %lt3A_1689 = arith.constant 0 : i32
      %lt3A_1690 = arith.cmpi slt, %rem3A_1686, %lt3A_1689 : i32
      %lt3A_1691 = arith.constant 0 : i32
      %lt3A_1692 = arith.cmpi slt, %select_n3A_1685, %lt3A_1691 : i32
      %ne3A_1693 = arith.xori %lt3A_1690, %lt3A_1692 : i1
      %and3A_1694 = arith.andi %ne3A_1693, %ne3A_1688 : i1
      %add3A_1695 = arith.addi %rem3A_1686, %select_n3A_1685 : i32
      %select_n3A_1696 = arith.select %and3A_1694, %add3A_1695, %rem3A_1686 : i32
      %get3A_1697 = arith.index_cast %select_n3A_1696 : i32 to index
      %get3A_1698 = arith.constant 32 : index
      %get3A_1699 = tpu.vector_load %arg4[%get3A_1697, %get3A_1698] {strides = array<i32>} : memref<4x128xi32, #tpu.memory_space<vmem>>, vector<16xi32>,
      %ge3A_1700 = arith.constant 256 : i32
      %ge3A_1701 = vector.broadcast %ge3A_1700 : i32 to vector<16xi32>
      %ge3A_1702 = arith.cmpi sge, %get3A_1699, %ge3A_1701 : vector<16xi32>
      %lt3A_1703 = arith.constant 512 : i32
      %lt3A_1704 = vector.broadcast %lt3A_1703 : i32 to vector<16xi32>
      %lt3A_1705 = arith.cmpi slt, %get3A_1699, %lt3A_1704 : vector<16xi32>
      %and3A_1706 = arith.andi %ge3A_1702, %lt3A_1705 : vector<16xi1>
      %add3A_1707 = arith.constant 32 : i32
      %add3A_1708 = vector.broadcast %add3A_1707 : i32 to vector<16xi32>
      %add3A_1709 = arith.addi %iota3A, %add3A_1708 : vector<16xi32>
      tpu.vector_store_idx %arg5[%get3A_1699, %add3A_1709], %broadcast_in_dim3A_1 masked %and3A_1706 : memref<1000x128xf32, #tpu.memory_space<vmem>>[vector<16xi32>, vector<16xi32>], vector<16xf32>, vector<16xi1>
      %jit3A_1710 = arith.constant 4 : i32
      %eq3A_1711 = arith.constant 0 : i32
      %eq3A_1712 = arith.cmpi eq, %jit3A_1710, %eq3A_1711 : i32
      %jit3A_1713 = arith.constant 1 : i32
      %select_n3A_1714 = arith.select %eq3A_1712, %jit3A_1713, %jit3A_1710 : i32
      %rem3A_1715 = arith.remsi %sub3A_1622, %select_n3A_1714 : i32
      %ne3A_1716 = arith.constant 0 : i32
      %ne3A_1717 = arith.cmpi ne, %rem3A_1715, %ne3A_1716 : i32
      %lt3A_1718 = arith.constant 0 : i32
      %lt3A_1719 = arith.cmpi slt, %rem3A_1715, %lt3A_1718 : i32
      %lt3A_1720 = arith.constant 0 : i32
      %lt3A_1721 = arith.cmpi slt, %select_n3A_1714, %lt3A_1720 : i32
      %ne3A_1722 = arith.xori %lt3A_1719, %lt3A_1721 : i1
      %and3A_1723 = arith.andi %ne3A_1722, %ne3A_1717 : i1
      %add3A_1724 = arith.addi %rem3A_1715, %select_n3A_1714 : i32
      %select_n3A_1725 = arith.select %and3A_1723, %add3A_1724, %rem3A_1715 : i32
      %get3A_1726 = arith.index_cast %select_n3A_1725 : i32 to index
      %get3A_1727 = arith.constant 48 : index
      %get3A_1728 = tpu.vector_load %arg4[%get3A_1726, %get3A_1727] {strides = array<i32>} : memref<4x128xi32, #tpu.memory_space<vmem>>, vector<16xi32>,
      %ge3A_1729 = arith.constant 256 : i32
      %ge3A_1730 = vector.broadcast %ge3A_1729 : i32 to vector<16xi32>
      %ge3A_1731 = arith.cmpi sge, %get3A_1728, %ge3A_1730 : vector<16xi32>
      %lt3A_1732 = arith.constant 512 : i32
      %lt3A_1733 = vector.broadcast %lt3A_1732 : i32 to vector<16xi32>
      %lt3A_1734 = arith.cmpi slt, %get3A_1728, %lt3A_1733 : vector<16xi32>
      %and3A_1735 = arith.andi %ge3A_1731, %lt3A_1734 : vector<16xi1>
      %add3A_1736 = arith.constant 48 : i32
      %add3A_1737 = vector.broadcast %add3A_1736 : i32 to vector<16xi32>
      %add3A_1738 = arith.addi %iota3A, %add3A_1737 : vector<16xi32>
      tpu.vector_store_idx %arg5[%get3A_1728, %add3A_1738], %broadcast_in_dim3A_1 masked %and3A_1735 : memref<1000x128xf32, #tpu.memory_space<vmem>>[vector<16xi32>, vector<16xi32>], vector<16xf32>, vector<16xi1>
      %jit3A_1739 = arith.constant 4 : i32
      %eq3A_1740 = arith.constant 0 : i32
      %eq3A_1741 = arith.cmpi eq, %jit3A_1739, %eq3A_1740 : i32
      %jit3A_1742 = arith.constant 1 : i32
      %select_n3A_1743 = arith.select %eq3A_1741, %jit3A_1742, %jit3A_1739 : i32
      %rem3A_1744 = arith.remsi %sub3A_1622, %select_n3A_1743 : i32
      %ne3A_1745 = arith.constant 0 : i32
      %ne3A_1746 = arith.cmpi ne, %rem3A_1744, %ne3A_1745 : i32
      %lt3A_1747 = arith.constant 0 : i32
      %lt3A_1748 = arith.cmpi slt, %rem3A_1744, %lt3A_1747 : i32
      %lt3A_1749 = arith.constant 0 : i32
      %lt3A_1750 = arith.cmpi slt, %select_n3A_1743, %lt3A_1749 : i32
      %ne3A_1751 = arith.xori %lt3A_1748, %lt3A_1750 : i1
      %and3A_1752 = arith.andi %ne3A_1751, %ne3A_1746 : i1
      %add3A_1753 = arith.addi %rem3A_1744, %select_n3A_1743 : i32
      %select_n3A_1754 = arith.select %and3A_1752, %add3A_1753, %rem3A_1744 : i32
      %get3A_1755 = arith.index_cast %select_n3A_1754 : i32 to index
      %get3A_1756 = arith.constant 64 : index
      %get3A_1757 = tpu.vector_load %arg4[%get3A_1755, %get3A_1756] {strides = array<i32>} : memref<4x128xi32, #tpu.memory_space<vmem>>, vector<16xi32>,
      %ge3A_1758 = arith.constant 256 : i32
      %ge3A_1759 = vector.broadcast %ge3A_1758 : i32 to vector<16xi32>
      %ge3A_1760 = arith.cmpi sge, %get3A_1757, %ge3A_1759 : vector<16xi32>
      %lt3A_1761 = arith.constant 512 : i32
      %lt3A_1762 = vector.broadcast %lt3A_1761 : i32 to vector<16xi32>
      %lt3A_1763 = arith.cmpi slt, %get3A_1757, %lt3A_1762 : vector<16xi32>
      %and3A_1764 = arith.andi %ge3A_1760, %lt3A_1763 : vector<16xi1>
      %add3A_1765 = arith.constant 64 : i32
      %add3A_1766 = vector.broadcast %add3A_1765 : i32 to vector<16xi32>
      %add3A_1767 = arith.addi %iota3A, %add3A_1766 : vector<16xi32>
      tpu.vector_store_idx %arg5[%get3A_1757, %add3A_1767], %broadcast_in_dim3A_1 masked %and3A_1764 : memref<1000x128xf32, #tpu.memory_space<vmem>>[vector<16xi32>, vector<16xi32>], vector<16xf32>, vector<16xi1>
      %jit3A_1768 = arith.constant 4 : i32
      %eq3A_1769 = arith.constant 0 : i32
      %eq3A_1770 = arith.cmpi eq, %jit3A_1768, %eq3A_1769 : i32
      %jit3A_1771 = arith.constant 1 : i32
      %select_n3A_1772 = arith.select %eq3A_1770, %jit3A_1771, %jit3A_1768 : i32
      %rem3A_1773 = arith.remsi %sub3A_1622, %select_n3A_1772 : i32
      %ne3A_1774 = arith.constant 0 : i32
      %ne3A_1775 = arith.cmpi ne, %rem3A_1773, %ne3A_1774 : i32
      %lt3A_1776 = arith.constant 0 : i32
      %lt3A_1777 = arith.cmpi slt, %rem3A_1773, %lt3A_1776 : i32
      %lt3A_1778 = arith.constant 0 : i32
      %lt3A_1779 = arith.cmpi slt, %select_n3A_1772, %lt3A_1778 : i32
      %ne3A_1780 = arith.xori %lt3A_1777, %lt3A_1779 : i1
      %and3A_1781 = arith.andi %ne3A_1780, %ne3A_1775 : i1
      %add3A_1782 = arith.addi %rem3A_1773, %select_n3A_1772 : i32
      %select_n3A_1783 = arith.select %and3A_1781, %add3A_1782, %rem3A_1773 : i32
      %get3A_1784 = arith.index_cast %select_n3A_1783 : i32 to index
      %get3A_1785 = arith.constant 80 : index
      %get3A_1786 = tpu.vector_load %arg4[%get3A_1784, %get3A_1785] {strides = array<i32>} : memref<4x128xi32, #tpu.memory_space<vmem>>, vector<16xi32>,
      %ge3A_1787 = arith.constant 256 : i32
      %ge3A_1788 = vector.broadcast %ge3A_1787 : i32 to vector<16xi32>
      %ge3A_1789 = arith.cmpi sge, %get3A_1786, %ge3A_1788 : vector<16xi32>
      %lt3A_1790 = arith.constant 512 : i32
      %lt3A_1791 = vector.broadcast %lt3A_1790 : i32 to vector<16xi32>
      %lt3A_1792 = arith.cmpi slt, %get3A_1786, %lt3A_1791 : vector<16xi32>
      %and3A_1793 = arith.andi %ge3A_1789, %lt3A_1792 : vector<16xi1>
      %add3A_1794 = arith.constant 80 : i32
      %add3A_1795 = vector.broadcast %add3A_1794 : i32 to vector<16xi32>
      %add3A_1796 = arith.addi %iota3A, %add3A_1795 : vector<16xi32>
      tpu.vector_store_idx %arg5[%get3A_1786, %add3A_1796], %broadcast_in_dim3A_1 masked %and3A_1793 : memref<1000x128xf32, #tpu.memory_space<vmem>>[vector<16xi32>, vector<16xi32>], vector<16xf32>, vector<16xi1>
      %jit3A_1797 = arith.constant 4 : i32
      %eq3A_1798 = arith.constant 0 : i32
      %eq3A_1799 = arith.cmpi eq, %jit3A_1797, %eq3A_1798 : i32
      %jit3A_1800 = arith.constant 1 : i32
      %select_n3A_1801 = arith.select %eq3A_1799, %jit3A_1800, %jit3A_1797 : i32
      %rem3A_1802 = arith.remsi %sub3A_1622, %select_n3A_1801 : i32
      %ne3A_1803 = arith.constant 0 : i32
      %ne3A_1804 = arith.cmpi ne, %rem3A_1802, %ne3A_1803 : i32
      %lt3A_1805 = arith.constant 0 : i32
      %lt3A_1806 = arith.cmpi slt, %rem3A_1802, %lt3A_1805 : i32
      %lt3A_1807 = arith.constant 0 : i32
      %lt3A_1808 = arith.cmpi slt, %select_n3A_1801, %lt3A_1807 : i32
      %ne3A_1809 = arith.xori %lt3A_1806, %lt3A_1808 : i1
      %and3A_1810 = arith.andi %ne3A_1809, %ne3A_1804 : i1
      %add3A_1811 = arith.addi %rem3A_1802, %select_n3A_1801 : i32
      %select_n3A_1812 = arith.select %and3A_1810, %add3A_1811, %rem3A_1802 : i32
      %get3A_1813 = arith.index_cast %select_n3A_1812 : i32 to index
      %get3A_1814 = arith.constant 96 : index
      %get3A_1815 = tpu.vector_load %arg4[%get3A_1813, %get3A_1814] {strides = array<i32>} : memref<4x128xi32, #tpu.memory_space<vmem>>, vector<16xi32>,
      %ge3A_1816 = arith.constant 256 : i32
      %ge3A_1817 = vector.broadcast %ge3A_1816 : i32 to vector<16xi32>
      %ge3A_1818 = arith.cmpi sge, %get3A_1815, %ge3A_1817 : vector<16xi32>
      %lt3A_1819 = arith.constant 512 : i32
      %lt3A_1820 = vector.broadcast %lt3A_1819 : i32 to vector<16xi32>
      %lt3A_1821 = arith.cmpi slt, %get3A_1815, %lt3A_1820 : vector<16xi32>
      %and3A_1822 = arith.andi %ge3A_1818, %lt3A_1821 : vector<16xi1>
      %add3A_1823 = arith.constant 96 : i32
      %add3A_1824 = vector.broadcast %add3A_1823 : i32 to vector<16xi32>
      %add3A_1825 = arith.addi %iota3A, %add3A_1824 : vector<16xi32>
      tpu.vector_store_idx %arg5[%get3A_1815, %add3A_1825], %broadcast_in_dim3A_1 masked %and3A_1822 : memref<1000x128xf32, #tpu.memory_space<vmem>>[vector<16xi32>, vector<16xi32>], vector<16xf32>, vector<16xi1>
      %jit3A_1826 = arith.constant 4 : i32
      %eq3A_1827 = arith.constant 0 : i32
      %eq3A_1828 = arith.cmpi eq, %jit3A_1826, %eq3A_1827 : i32
      %jit3A_1829 = arith.constant 1 : i32
      %select_n3A_1830 = arith.select %eq3A_1828, %jit3A_1829, %jit3A_1826 : i32
      %rem3A_1831 = arith.remsi %sub3A_1622, %select_n3A_1830 : i32
      %ne3A_1832 = arith.constant 0 : i32
      %ne3A_1833 = arith.cmpi ne, %rem3A_1831, %ne3A_1832 : i32
      %lt3A_1834 = arith.constant 0 : i32
      %lt3A_1835 = arith.cmpi slt, %rem3A_1831, %lt3A_1834 : i32
      %lt3A_1836 = arith.constant 0 : i32
      %lt3A_1837 = arith.cmpi slt, %select_n3A_1830, %lt3A_1836 : i32
      %ne3A_1838 = arith.xori %lt3A_1835, %lt3A_1837 : i1
      %and3A_1839 = arith.andi %ne3A_1838, %ne3A_1833 : i1
      %add3A_1840 = arith.addi %rem3A_1831, %select_n3A_1830 : i32
      %select_n3A_1841 = arith.select %and3A_1839, %add3A_1840, %rem3A_1831 : i32
      %get3A_1842 = arith.index_cast %select_n3A_1841 : i32 to index
      %get3A_1843 = arith.constant 112 : index
      %get3A_1844 = tpu.vector_load %arg4[%get3A_1842, %get3A_1843] {strides = array<i32>} : memref<4x128xi32, #tpu.memory_space<vmem>>, vector<16xi32>,
      %ge3A_1845 = arith.constant 256 : i32
      %ge3A_1846 = vector.broadcast %ge3A_1845 : i32 to vector<16xi32>
      %ge3A_1847 = arith.cmpi sge, %get3A_1844, %ge3A_1846 : vector<16xi32>
      %lt3A_1848 = arith.constant 512 : i32
      %lt3A_1849 = vector.broadcast %lt3A_1848 : i32 to vector<16xi32>
      %lt3A_1850 = arith.cmpi slt, %get3A_1844, %lt3A_1849 : vector<16xi32>
      %and3A_1851 = arith.andi %ge3A_1847, %lt3A_1850 : vector<16xi1>
      %add3A_1852 = arith.constant 112 : i32
      %add3A_1853 = vector.broadcast %add3A_1852 : i32 to vector<16xi32>
      %add3A_1854 = arith.addi %iota3A, %add3A_1853 : vector<16xi32>
      tpu.vector_store_idx %arg5[%get3A_1844, %add3A_1854], %broadcast_in_dim3A_1 masked %and3A_1851 : memref<1000x128xf32, #tpu.memory_space<vmem>>[vector<16xi32>, vector<16xi32>], vector<16xf32>, vector<16xi1>
      %jit3A_1855 = arith.constant 4 : i32
      %eq3A_1856 = arith.constant 0 : i32
      %eq3A_1857 = arith.cmpi eq, %jit3A_1855, %eq3A_1856 : i32
      %jit3A_1858 = arith.constant 1 : i32
      %select_n3A_1859 = arith.select %eq3A_1857, %jit3A_1858, %jit3A_1855 : i32
      %rem3A_1860 = arith.remsi %scan3A_985, %select_n3A_1859 : i32
      %ne3A_1861 = arith.constant 0 : i32
      %ne3A_1862 = arith.cmpi ne, %rem3A_1860, %ne3A_1861 : i32
      %lt3A_1863 = arith.constant 0 : i32
      %lt3A_1864 = arith.cmpi slt, %rem3A_1860, %lt3A_1863 : i32
      %lt3A_1865 = arith.constant 0 : i32
      %lt3A_1866 = arith.cmpi slt, %select_n3A_1859, %lt3A_1865 : i32
      %ne3A_1867 = arith.xori %lt3A_1864, %lt3A_1866 : i1
      %and3A_1868 = arith.andi %ne3A_1867, %ne3A_1862 : i1
      %add3A_1869 = arith.addi %rem3A_1860, %select_n3A_1859 : i32
      %select_n3A_1870 = arith.select %and3A_1868, %add3A_1869, %rem3A_1860 : i32
      %get3A_1871 = arith.index_cast %select_n3A_1870 : i32 to index
      %get3A_1872 = arith.constant 0 : index
      %get3A_1873 = tpu.vector_load %arg4[%get3A_1871, %get3A_1872] {strides = array<i32>} : memref<4x128xi32, #tpu.memory_space<vmem>>, vector<16xi32>,
      %ge3A_1874 = arith.constant 256 : i32
      %ge3A_1875 = vector.broadcast %ge3A_1874 : i32 to vector<16xi32>
      %ge3A_1876 = arith.cmpi sge, %get3A_1873, %ge3A_1875 : vector<16xi32>
      %lt3A_1877 = arith.constant 512 : i32
      %lt3A_1878 = vector.broadcast %lt3A_1877 : i32 to vector<16xi32>
      %lt3A_1879 = arith.cmpi slt, %get3A_1873, %lt3A_1878 : vector<16xi32>
      %and3A_1880 = arith.andi %ge3A_1876, %lt3A_1879 : vector<16xi1>
      %add3A_1881 = arith.constant 0 : i32
      %add3A_1882 = vector.broadcast %add3A_1881 : i32 to vector<16xi32>
      %add3A_1883 = arith.addi %iota3A, %add3A_1882 : vector<16xi32>
      tpu.vector_store_idx %arg5[%get3A_1873, %add3A_1883], %broadcast_in_dim3A_3 masked %and3A_1880 : memref<1000x128xf32, #tpu.memory_space<vmem>>[vector<16xi32>, vector<16xi32>], vector<16xf32>, vector<16xi1>
      %jit3A_1884 = arith.constant 4 : i32
      %eq3A_1885 = arith.constant 0 : i32
      %eq3A_1886 = arith.cmpi eq, %jit3A_1884, %eq3A_1885 : i32
      %jit3A_1887 = arith.constant 1 : i32
      %select_n3A_1888 = arith.select %eq3A_1886, %jit3A_1887, %jit3A_1884 : i32
      %rem3A_1889 = arith.remsi %scan3A_985, %select_n3A_1888 : i32
      %ne3A_1890 = arith.constant 0 : i32
      %ne3A_1891 = arith.cmpi ne, %rem3A_1889, %ne3A_1890 : i32
      %lt3A_1892 = arith.constant 0 : i32
      %lt3A_1893 = arith.cmpi slt, %rem3A_1889, %lt3A_1892 : i32
      %lt3A_1894 = arith.constant 0 : i32
      %lt3A_1895 = arith.cmpi slt, %select_n3A_1888, %lt3A_1894 : i32
      %ne3A_1896 = arith.xori %lt3A_1893, %lt3A_1895 : i1
      %and3A_1897 = arith.andi %ne3A_1896, %ne3A_1891 : i1
      %add3A_1898 = arith.addi %rem3A_1889, %select_n3A_1888 : i32
      %select_n3A_1899 = arith.select %and3A_1897, %add3A_1898, %rem3A_1889 : i32
      %get3A_1900 = arith.index_cast %select_n3A_1899 : i32 to index
      %get3A_1901 = arith.constant 16 : index
      %get3A_1902 = tpu.vector_load %arg4[%get3A_1900, %get3A_1901] {strides = array<i32>} : memref<4x128xi32, #tpu.memory_space<vmem>>, vector<16xi32>,
      %ge3A_1903 = arith.constant 256 : i32
      %ge3A_1904 = vector.broadcast %ge3A_1903 : i32 to vector<16xi32>
      %ge3A_1905 = arith.cmpi sge, %get3A_1902, %ge3A_1904 : vector<16xi32>
      %lt3A_1906 = arith.constant 512 : i32
      %lt3A_1907 = vector.broadcast %lt3A_1906 : i32 to vector<16xi32>
      %lt3A_1908 = arith.cmpi slt, %get3A_1902, %lt3A_1907 : vector<16xi32>
      %and3A_1909 = arith.andi %ge3A_1905, %lt3A_1908 : vector<16xi1>
      %add3A_1910 = arith.constant 16 : i32
      %add3A_1911 = vector.broadcast %add3A_1910 : i32 to vector<16xi32>
      %add3A_1912 = arith.addi %iota3A, %add3A_1911 : vector<16xi32>
      tpu.vector_store_idx %arg5[%get3A_1902, %add3A_1912], %broadcast_in_dim3A_3 masked %and3A_1909 : memref<1000x128xf32, #tpu.memory_space<vmem>>[vector<16xi32>, vector<16xi32>], vector<16xf32>, vector<16xi1>
      %jit3A_1913 = arith.constant 4 : i32
      %eq3A_1914 = arith.constant 0 : i32
      %eq3A_1915 = arith.cmpi eq, %jit3A_1913, %eq3A_1914 : i32
      %jit3A_1916 = arith.constant 1 : i32
      %select_n3A_1917 = arith.select %eq3A_1915, %jit3A_1916, %jit3A_1913 : i32
      %rem3A_1918 = arith.remsi %scan3A_985, %select_n3A_1917 : i32
      %ne3A_1919 = arith.constant 0 : i32
      %ne3A_1920 = arith.cmpi ne, %rem3A_1918, %ne3A_1919 : i32
      %lt3A_1921 = arith.constant 0 : i32
      %lt3A_1922 = arith.cmpi slt, %rem3A_1918, %lt3A_1921 : i32
      %lt3A_1923 = arith.constant 0 : i32
      %lt3A_1924 = arith.cmpi slt, %select_n3A_1917, %lt3A_1923 : i32
      %ne3A_1925 = arith.xori %lt3A_1922, %lt3A_1924 : i1
      %and3A_1926 = arith.andi %ne3A_1925, %ne3A_1920 : i1
      %add3A_1927 = arith.addi %rem3A_1918, %select_n3A_1917 : i32
      %select_n3A_1928 = arith.select %and3A_1926, %add3A_1927, %rem3A_1918 : i32
      %get3A_1929 = arith.index_cast %select_n3A_1928 : i32 to index
      %get3A_1930 = arith.constant 32 : index
      %get3A_1931 = tpu.vector_load %arg4[%get3A_1929, %get3A_1930] {strides = array<i32>} : memref<4x128xi32, #tpu.memory_space<vmem>>, vector<16xi32>,
      %ge3A_1932 = arith.constant 256 : i32
      %ge3A_1933 = vector.broadcast %ge3A_1932 : i32 to vector<16xi32>
      %ge3A_1934 = arith.cmpi sge, %get3A_1931, %ge3A_1933 : vector<16xi32>
      %lt3A_1935 = arith.constant 512 : i32
      %lt3A_1936 = vector.broadcast %lt3A_1935 : i32 to vector<16xi32>
      %lt3A_1937 = arith.cmpi slt, %get3A_1931, %lt3A_1936 : vector<16xi32>
      %and3A_1938 = arith.andi %ge3A_1934, %lt3A_1937 : vector<16xi1>
      %add3A_1939 = arith.constant 32 : i32
      %add3A_1940 = vector.broadcast %add3A_1939 : i32 to vector<16xi32>
      %add3A_1941 = arith.addi %iota3A, %add3A_1940 : vector<16xi32>
      tpu.vector_store_idx %arg5[%get3A_1931, %add3A_1941], %broadcast_in_dim3A_3 masked %and3A_1938 : memref<1000x128xf32, #tpu.memory_space<vmem>>[vector<16xi32>, vector<16xi32>], vector<16xf32>, vector<16xi1>
      %jit3A_1942 = arith.constant 4 : i32
      %eq3A_1943 = arith.constant 0 : i32
      %eq3A_1944 = arith.cmpi eq, %jit3A_1942, %eq3A_1943 : i32
      %jit3A_1945 = arith.constant 1 : i32
      %select_n3A_1946 = arith.select %eq3A_1944, %jit3A_1945, %jit3A_1942 : i32
      %rem3A_1947 = arith.remsi %scan3A_985, %select_n3A_1946 : i32
      %ne3A_1948 = arith.constant 0 : i32
      %ne3A_1949 = arith.cmpi ne, %rem3A_1947, %ne3A_1948 : i32
      %lt3A_1950 = arith.constant 0 : i32
      %lt3A_1951 = arith.cmpi slt, %rem3A_1947, %lt3A_1950 : i32
      %lt3A_1952 = arith.constant 0 : i32
      %lt3A_1953 = arith.cmpi slt, %select_n3A_1946, %lt3A_1952 : i32
      %ne3A_1954 = arith.xori %lt3A_1951, %lt3A_1953 : i1
      %and3A_1955 = arith.andi %ne3A_1954, %ne3A_1949 : i1
      %add3A_1956 = arith.addi %rem3A_1947, %select_n3A_1946 : i32
      %select_n3A_1957 = arith.select %and3A_1955, %add3A_1956, %rem3A_1947 : i32
      %get3A_1958 = arith.index_cast %select_n3A_1957 : i32 to index
      %get3A_1959 = arith.constant 48 : index
      %get3A_1960 = tpu.vector_load %arg4[%get3A_1958, %get3A_1959] {strides = array<i32>} : memref<4x128xi32, #tpu.memory_space<vmem>>, vector<16xi32>,
      %ge3A_1961 = arith.constant 256 : i32
      %ge3A_1962 = vector.broadcast %ge3A_1961 : i32 to vector<16xi32>
      %ge3A_1963 = arith.cmpi sge, %get3A_1960, %ge3A_1962 : vector<16xi32>
      %lt3A_1964 = arith.constant 512 : i32
      %lt3A_1965 = vector.broadcast %lt3A_1964 : i32 to vector<16xi32>
      %lt3A_1966 = arith.cmpi slt, %get3A_1960, %lt3A_1965 : vector<16xi32>
      %and3A_1967 = arith.andi %ge3A_1963, %lt3A_1966 : vector<16xi1>
      %add3A_1968 = arith.constant 48 : i32
      %add3A_1969 = vector.broadcast %add3A_1968 : i32 to vector<16xi32>
      %add3A_1970 = arith.addi %iota3A, %add3A_1969 : vector<16xi32>
      tpu.vector_store_idx %arg5[%get3A_1960, %add3A_1970], %broadcast_in_dim3A_3 masked %and3A_1967 : memref<1000x128xf32, #tpu.memory_space<vmem>>[vector<16xi32>, vector<16xi32>], vector<16xf32>, vector<16xi1>
      %jit3A_1971 = arith.constant 4 : i32
      %eq3A_1972 = arith.constant 0 : i32
      %eq3A_1973 = arith.cmpi eq, %jit3A_1971, %eq3A_1972 : i32
      %jit3A_1974 = arith.constant 1 : i32
      %select_n3A_1975 = arith.select %eq3A_1973, %jit3A_1974, %jit3A_1971 : i32
      %rem3A_1976 = arith.remsi %scan3A_985, %select_n3A_1975 : i32
      %ne3A_1977 = arith.constant 0 : i32
      %ne3A_1978 = arith.cmpi ne, %rem3A_1976, %ne3A_1977 : i32
      %lt3A_1979 = arith.constant 0 : i32
      %lt3A_1980 = arith.cmpi slt, %rem3A_1976, %lt3A_1979 : i32
      %lt3A_1981 = arith.constant 0 : i32
      %lt3A_1982 = arith.cmpi slt, %select_n3A_1975, %lt3A_1981 : i32
      %ne3A_1983 = arith.xori %lt3A_1980, %lt3A_1982 : i1
      %and3A_1984 = arith.andi %ne3A_1983, %ne3A_1978 : i1
      %add3A_1985 = arith.addi %rem3A_1976, %select_n3A_1975 : i32
      %select_n3A_1986 = arith.select %and3A_1984, %add3A_1985, %rem3A_1976 : i32
      %get3A_1987 = arith.index_cast %select_n3A_1986 : i32 to index
      %get3A_1988 = arith.constant 64 : index
      %get3A_1989 = tpu.vector_load %arg4[%get3A_1987, %get3A_1988] {strides = array<i32>} : memref<4x128xi32, #tpu.memory_space<vmem>>, vector<16xi32>,
      %ge3A_1990 = arith.constant 256 : i32
      %ge3A_1991 = vector.broadcast %ge3A_1990 : i32 to vector<16xi32>
      %ge3A_1992 = arith.cmpi sge, %get3A_1989, %ge3A_1991 : vector<16xi32>
      %lt3A_1993 = arith.constant 512 : i32
      %lt3A_1994 = vector.broadcast %lt3A_1993 : i32 to vector<16xi32>
      %lt3A_1995 = arith.cmpi slt, %get3A_1989, %lt3A_1994 : vector<16xi32>
      %and3A_1996 = arith.andi %ge3A_1992, %lt3A_1995 : vector<16xi1>
      %add3A_1997 = arith.constant 64 : i32
      %add3A_1998 = vector.broadcast %add3A_1997 : i32 to vector<16xi32>
      %add3A_1999 = arith.addi %iota3A, %add3A_1998 : vector<16xi32>
      tpu.vector_store_idx %arg5[%get3A_1989, %add3A_1999], %broadcast_in_dim3A_3 masked %and3A_1996 : memref<1000x128xf32, #tpu.memory_space<vmem>>[vector<16xi32>, vector<16xi32>], vector<16xf32>, vector<16xi1>
      %jit3A_2000 = arith.constant 4 : i32
      %eq3A_2001 = arith.constant 0 : i32
      %eq3A_2002 = arith.cmpi eq, %jit3A_2000, %eq3A_2001 : i32
      %jit3A_2003 = arith.constant 1 : i32
      %select_n3A_2004 = arith.select %eq3A_2002, %jit3A_2003, %jit3A_2000 : i32
      %rem3A_2005 = arith.remsi %scan3A_985, %select_n3A_2004 : i32
      %ne3A_2006 = arith.constant 0 : i32
      %ne3A_2007 = arith.cmpi ne, %rem3A_2005, %ne3A_2006 : i32
      %lt3A_2008 = arith.constant 0 : i32
      %lt3A_2009 = arith.cmpi slt, %rem3A_2005, %lt3A_2008 : i32
      %lt3A_2010 = arith.constant 0 : i32
      %lt3A_2011 = arith.cmpi slt, %select_n3A_2004, %lt3A_2010 : i32
      %ne3A_2012 = arith.xori %lt3A_2009, %lt3A_2011 : i1
      %and3A_2013 = arith.andi %ne3A_2012, %ne3A_2007 : i1
      %add3A_2014 = arith.addi %rem3A_2005, %select_n3A_2004 : i32
      %select_n3A_2015 = arith.select %and3A_2013, %add3A_2014, %rem3A_2005 : i32
      %get3A_2016 = arith.index_cast %select_n3A_2015 : i32 to index
      %get3A_2017 = arith.constant 80 : index
      %get3A_2018 = tpu.vector_load %arg4[%get3A_2016, %get3A_2017] {strides = array<i32>} : memref<4x128xi32, #tpu.memory_space<vmem>>, vector<16xi32>,
      %ge3A_2019 = arith.constant 256 : i32
      %ge3A_2020 = vector.broadcast %ge3A_2019 : i32 to vector<16xi32>
      %ge3A_2021 = arith.cmpi sge, %get3A_2018, %ge3A_2020 : vector<16xi32>
      %lt3A_2022 = arith.constant 512 : i32
      %lt3A_2023 = vector.broadcast %lt3A_2022 : i32 to vector<16xi32>
      %lt3A_2024 = arith.cmpi slt, %get3A_2018, %lt3A_2023 : vector<16xi32>
      %and3A_2025 = arith.andi %ge3A_2021, %lt3A_2024 : vector<16xi1>
      %add3A_2026 = arith.constant 80 : i32
      %add3A_2027 = vector.broadcast %add3A_2026 : i32 to vector<16xi32>
      %add3A_2028 = arith.addi %iota3A, %add3A_2027 : vector<16xi32>
      tpu.vector_store_idx %arg5[%get3A_2018, %add3A_2028], %broadcast_in_dim3A_3 masked %and3A_2025 : memref<1000x128xf32, #tpu.memory_space<vmem>>[vector<16xi32>, vector<16xi32>], vector<16xf32>, vector<16xi1>
      %jit3A_2029 = arith.constant 4 : i32
      %eq3A_2030 = arith.constant 0 : i32
      %eq3A_2031 = arith.cmpi eq, %jit3A_2029, %eq3A_2030 : i32
      %jit3A_2032 = arith.constant 1 : i32
      %select_n3A_2033 = arith.select %eq3A_2031, %jit3A_2032, %jit3A_2029 : i32
      %rem3A_2034 = arith.remsi %scan3A_985, %select_n3A_2033 : i32
      %ne3A_2035 = arith.constant 0 : i32
      %ne3A_2036 = arith.cmpi ne, %rem3A_2034, %ne3A_2035 : i32
      %lt3A_2037 = arith.constant 0 : i32
      %lt3A_2038 = arith.cmpi slt, %rem3A_2034, %lt3A_2037 : i32
      %lt3A_2039 = arith.constant 0 : i32
      %lt3A_2040 = arith.cmpi slt, %select_n3A_2033, %lt3A_2039 : i32
      %ne3A_2041 = arith.xori %lt3A_2038, %lt3A_2040 : i1
      %and3A_2042 = arith.andi %ne3A_2041, %ne3A_2036 : i1
      %add3A_2043 = arith.addi %rem3A_2034, %select_n3A_2033 : i32
      %select_n3A_2044 = arith.select %and3A_2042, %add3A_2043, %rem3A_2034 : i32
      %get3A_2045 = arith.index_cast %select_n3A_2044 : i32 to index
      %get3A_2046 = arith.constant 96 : index
      %get3A_2047 = tpu.vector_load %arg4[%get3A_2045, %get3A_2046] {strides = array<i32>} : memref<4x128xi32, #tpu.memory_space<vmem>>, vector<16xi32>,
      %ge3A_2048 = arith.constant 256 : i32
      %ge3A_2049 = vector.broadcast %ge3A_2048 : i32 to vector<16xi32>
      %ge3A_2050 = arith.cmpi sge, %get3A_2047, %ge3A_2049 : vector<16xi32>
      %lt3A_2051 = arith.constant 512 : i32
      %lt3A_2052 = vector.broadcast %lt3A_2051 : i32 to vector<16xi32>
      %lt3A_2053 = arith.cmpi slt, %get3A_2047, %lt3A_2052 : vector<16xi32>
      %and3A_2054 = arith.andi %ge3A_2050, %lt3A_2053 : vector<16xi1>
      %add3A_2055 = arith.constant 96 : i32
      %add3A_2056 = vector.broadcast %add3A_2055 : i32 to vector<16xi32>
      %add3A_2057 = arith.addi %iota3A, %add3A_2056 : vector<16xi32>
      tpu.vector_store_idx %arg5[%get3A_2047, %add3A_2057], %broadcast_in_dim3A_3 masked %and3A_2054 : memref<1000x128xf32, #tpu.memory_space<vmem>>[vector<16xi32>, vector<16xi32>], vector<16xf32>, vector<16xi1>
      %jit3A_2058 = arith.constant 4 : i32
      %eq3A_2059 = arith.constant 0 : i32
      %eq3A_2060 = arith.cmpi eq, %jit3A_2058, %eq3A_2059 : i32
      %jit3A_2061 = arith.constant 1 : i32
      %select_n3A_2062 = arith.select %eq3A_2060, %jit3A_2061, %jit3A_2058 : i32
      %rem3A_2063 = arith.remsi %scan3A_985, %select_n3A_2062 : i32
      %ne3A_2064 = arith.constant 0 : i32
      %ne3A_2065 = arith.cmpi ne, %rem3A_2063, %ne3A_2064 : i32
      %lt3A_2066 = arith.constant 0 : i32
      %lt3A_2067 = arith.cmpi slt, %rem3A_2063, %lt3A_2066 : i32
      %lt3A_2068 = arith.constant 0 : i32
      %lt3A_2069 = arith.cmpi slt, %select_n3A_2062, %lt3A_2068 : i32
      %ne3A_2070 = arith.xori %lt3A_2067, %lt3A_2069 : i1
      %and3A_2071 = arith.andi %ne3A_2070, %ne3A_2065 : i1
      %add3A_2072 = arith.addi %rem3A_2063, %select_n3A_2062 : i32
      %select_n3A_2073 = arith.select %and3A_2071, %add3A_2072, %rem3A_2063 : i32
      %get3A_2074 = arith.index_cast %select_n3A_2073 : i32 to index
      %get3A_2075 = arith.constant 112 : index
      %get3A_2076 = tpu.vector_load %arg4[%get3A_2074, %get3A_2075] {strides = array<i32>} : memref<4x128xi32, #tpu.memory_space<vmem>>, vector<16xi32>,
      %ge3A_2077 = arith.constant 256 : i32
      %ge3A_2078 = vector.broadcast %ge3A_2077 : i32 to vector<16xi32>
      %ge3A_2079 = arith.cmpi sge, %get3A_2076, %ge3A_2078 : vector<16xi32>
      %lt3A_2080 = arith.constant 512 : i32
      %lt3A_2081 = vector.broadcast %lt3A_2080 : i32 to vector<16xi32>
      %lt3A_2082 = arith.cmpi slt, %get3A_2076, %lt3A_2081 : vector<16xi32>
      %and3A_2083 = arith.andi %ge3A_2079, %lt3A_2082 : vector<16xi1>
      %add3A_2084 = arith.constant 112 : i32
      %add3A_2085 = vector.broadcast %add3A_2084 : i32 to vector<16xi32>
      %add3A_2086 = arith.addi %iota3A, %add3A_2085 : vector<16xi32>
      tpu.vector_store_idx %arg5[%get3A_2076, %add3A_2086], %broadcast_in_dim3A_3 masked %and3A_2083 : memref<1000x128xf32, #tpu.memory_space<vmem>>[vector<16xi32>, vector<16xi32>], vector<16xf32>, vector<16xi1>
      %mul3A_2087 = arith.constant 32 : i32
      %mul3A_2088 = arith.muli %scan3A_985, %mul3A_2087 : i32
      %add3A_2089 = arith.addi %mul3A_2088, %add3A : i32
      %jit3A_2090 = arith.constant 32 : i32
      %div3A_2091 = arith.divsi %add3A_2089, %jit3A_2090 : i32
      %sign3A_2092 = arith.constant 0 : i32
      %sign3A_2093 = arith.cmpi sgt, %add3A_2089, %sign3A_2092 : i32
      %sign3A_2094 = arith.extui %sign3A_2093 : i1 to i32
      %sign3A_2095 = arith.constant 0 : i32
      %sign3A_2096 = arith.cmpi slt, %add3A_2089, %sign3A_2095 : i32
      %sign3A_2097 = arith.extui %sign3A_2096 : i1 to i32
      %sign3A_2098 = arith.subi %sign3A_2094, %sign3A_2097 : i32
      %sign3A_2099 = arith.constant 0 : i32
      %sign3A_2100 = arith.cmpi sgt, %jit3A_2090, %sign3A_2099 : i32
      %sign3A_2101 = arith.extui %sign3A_2100 : i1 to i32
      %sign3A_2102 = arith.constant 0 : i32
      %sign3A_2103 = arith.cmpi slt, %jit3A_2090, %sign3A_2102 : i32
      %sign3A_2104 = arith.extui %sign3A_2103 : i1 to i32
      %sign3A_2105 = arith.subi %sign3A_2101, %sign3A_2104 : i32
      %ne3A_2106 = arith.cmpi ne, %sign3A_2098, %sign3A_2105 : i32
      %rem3A_2107 = arith.remsi %add3A_2089, %jit3A_2090 : i32
      %ne3A_2108 = arith.constant 0 : i32
      %ne3A_2109 = arith.cmpi ne, %rem3A_2107, %ne3A_2108 : i32
      %and3A_2110 = arith.andi %ne3A_2106, %ne3A_2109 : i1
      %sub3A_2111 = arith.constant 1 : i32
      %sub3A_2112 = arith.subi %div3A_2091, %sub3A_2111 : i32
      %select_n3A_2113 = arith.select %and3A_2110, %sub3A_2112, %div3A_2091 : i32
      %jit3A_2114 = arith.constant 32 : i32
      %eq3A_2115 = arith.constant 0 : i32
      %eq3A_2116 = arith.cmpi eq, %jit3A_2114, %eq3A_2115 : i32
      %jit3A_2117 = arith.constant 1 : i32
      %select_n3A_2118 = arith.select %eq3A_2116, %jit3A_2117, %jit3A_2114 : i32
      %rem3A_2119 = arith.remsi %add3A_2089, %select_n3A_2118 : i32
      %ne3A_2120 = arith.constant 0 : i32
      %ne3A_2121 = arith.cmpi ne, %rem3A_2119, %ne3A_2120 : i32
      %lt3A_2122 = arith.constant 0 : i32
      %lt3A_2123 = arith.cmpi slt, %rem3A_2119, %lt3A_2122 : i32
      %lt3A_2124 = arith.constant 0 : i32
      %lt3A_2125 = arith.cmpi slt, %select_n3A_2118, %lt3A_2124 : i32
      %ne3A_2126 = arith.xori %lt3A_2123, %lt3A_2125 : i1
      %and3A_2127 = arith.andi %ne3A_2126, %ne3A_2121 : i1
      %add3A_2128 = arith.addi %rem3A_2119, %select_n3A_2118 : i32
      %select_n3A_2129 = arith.select %and3A_2127, %add3A_2128, %rem3A_2119 : i32
      %mul3A_2130 = arith.constant 128 : i32
      %mul3A_2131 = arith.muli %select_n3A_2129, %mul3A_2130 : i32
      %dma_start3A_2132 = arith.constant 256 : i32
      %dma_start3A_2133 = arith.constant 0 : i32
      %dma_start3A_2134 = tpu.memref_slice %arg5[%dma_start3A_2132, %dma_start3A_2133] : memref<1000x128xf32, #tpu.memory_space<vmem>> -> memref<256x128xf32, #tpu.memory_space<vmem>>
      %dma_start3A_2135 = arith.constant 256 : i32
      %dma_start3A_2136 = tpu.memref_slice %arg3[%select_n3A_2113, %dma_start3A_2135, %mul3A_2131] : memref<26x1000x4096xf32, #tpu.memory_space<hbm>> -> memref<1x256x128xf32, #tpu.memory_space<hbm>>
      %dma_start3A_2137 = tpu.memref_squeeze %dma_start3A_2136 : memref<1x256x128xf32, #tpu.memory_space<hbm>> -> memref<256x128xf32, #tpu.memory_space<hbm>>
      %dma_start3A_2138 = arith.constant 256 : i32
      %dma_start3A_2139 = tpu.memref_slice %arg3[%select_n3A_2113, %dma_start3A_2138, %mul3A_2131] : memref<26x1000x4096xf32, #tpu.memory_space<hbm>> -> memref<1x256x128xf32, #tpu.memory_space<hbm>>
      %dma_start3A_2140 = tpu.memref_squeeze %dma_start3A_2139 : memref<1x256x128xf32, #tpu.memory_space<hbm>> -> memref<256x128xf32, #tpu.memory_space<hbm>>
      %dma_start3A_2141 = arith.constant 256 : i32
      %dma_start3A_2142 = arith.constant 0 : i32
      %dma_start3A_2143 = tpu.memref_slice %arg5[%dma_start3A_2141, %dma_start3A_2142] : memref<1000x128xf32, #tpu.memory_space<vmem>> -> memref<256x128xf32, #tpu.memory_space<vmem>>
      tpu.enqueue_dma source(%dma_start3A_2143 : memref<256x128xf32, #tpu.memory_space<vmem>>) target(%dma_start3A_2140 : memref<256x128xf32, #tpu.memory_space<hbm>>) target_semaphore(%arg11 : memref<!tpu.dma_semaphore, #tpu.memory_space<semaphore_mem>>)
      %dma_wait3A_2144 = arith.constant 0 : i32
      %dma_wait3A_2145 = arith.constant 512 : i32
      %dma_wait3A_2146 = arith.constant 0 : i32
      %dma_wait3A_2147 = tpu.memref_slice %arg5[%dma_wait3A_2145, %dma_wait3A_2146] : memref<1000x128xf32, #tpu.memory_space<vmem>> -> memref<256x128xf32, #tpu.memory_space<vmem>>
      %dma_wait3A_2148 = arith.constant 512 : i32
      %dma_wait3A_2149 = arith.constant 0 : i32
      %dma_wait3A_2150 = tpu.memref_slice %arg3[%dma_wait3A_2144, %dma_wait3A_2148, %dma_wait3A_2149] : memref<26x1000x4096xf32, #tpu.memory_space<hbm>> -> memref<1x256x128xf32, #tpu.memory_space<hbm>>
      %dma_wait3A_2151 = tpu.memref_squeeze %dma_wait3A_2150 : memref<1x256x128xf32, #tpu.memory_space<hbm>> -> memref<256x128xf32, #tpu.memory_space<hbm>>
      %dma_wait3A_2152 = arith.constant 512 : i32
      %dma_wait3A_2153 = arith.constant 0 : i32
      %dma_wait3A_2154 = tpu.memref_slice %arg3[%dma_wait3A_2144, %dma_wait3A_2152, %dma_wait3A_2153] : memref<26x1000x4096xf32, #tpu.memory_space<hbm>> -> memref<1x256x128xf32, #tpu.memory_space<hbm>>
      %dma_wait3A_2155 = tpu.memref_squeeze %dma_wait3A_2154 : memref<1x256x128xf32, #tpu.memory_space<hbm>> -> memref<256x128xf32, #tpu.memory_space<hbm>>
      %dma_wait3A_2156 = arith.constant 512 : i32
      %dma_wait3A_2157 = arith.constant 0 : i32
      %dma_wait3A_2158 = tpu.memref_slice %arg5[%dma_wait3A_2156, %dma_wait3A_2157] : memref<1000x128xf32, #tpu.memory_space<vmem>> -> memref<256x128xf32, #tpu.memory_space<vmem>>
      tpu.wait_dma2 semaphore(%arg12 : memref<!tpu.dma_semaphore, #tpu.memory_space<semaphore_mem>>) src(%dma_wait3A_2158 : memref<256x128xf32, #tpu.memory_space<vmem>>) dst(%dma_wait3A_2155 : memref<256x128xf32, #tpu.memory_space<hbm>>)
      %sub3A_2159 = arith.constant 1 : i32
      %sub3A_2160 = arith.subi %scan3A_985, %sub3A_2159 : i32
      %jit3A_2161 = arith.constant 4 : i32
      %eq3A_2162 = arith.constant 0 : i32
      %eq3A_2163 = arith.cmpi eq, %jit3A_2161, %eq3A_2162 : i32
      %jit3A_2164 = arith.constant 1 : i32
      %select_n3A_2165 = arith.select %eq3A_2163, %jit3A_2164, %jit3A_2161 : i32
      %rem3A_2166 = arith.remsi %sub3A_2160, %select_n3A_2165 : i32
      %ne3A_2167 = arith.constant 0 : i32
      %ne3A_2168 = arith.cmpi ne, %rem3A_2166, %ne3A_2167 : i32
      %lt3A_2169 = arith.constant 0 : i32
      %lt3A_2170 = arith.cmpi slt, %rem3A_2166, %lt3A_2169 : i32
      %lt3A_2171 = arith.constant 0 : i32
      %lt3A_2172 = arith.cmpi slt, %select_n3A_2165, %lt3A_2171 : i32
      %ne3A_2173 = arith.xori %lt3A_2170, %lt3A_2172 : i1
      %and3A_2174 = arith.andi %ne3A_2173, %ne3A_2168 : i1
      %add3A_2175 = arith.addi %rem3A_2166, %select_n3A_2165 : i32
      %select_n3A_2176 = arith.select %and3A_2174, %add3A_2175, %rem3A_2166 : i32
      %get3A_2177 = arith.index_cast %select_n3A_2176 : i32 to index
      %get3A_2178 = arith.constant 0 : index
      %get3A_2179 = tpu.vector_load %arg4[%get3A_2177, %get3A_2178] {strides = array<i32>} : memref<4x128xi32, #tpu.memory_space<vmem>>, vector<16xi32>,
      %ge3A_2180 = arith.constant 512 : i32
      %ge3A_2181 = vector.broadcast %ge3A_2180 : i32 to vector<16xi32>
      %ge3A_2182 = arith.cmpi sge, %get3A_2179, %ge3A_2181 : vector<16xi32>
      %lt3A_2183 = arith.constant 768 : i32
      %lt3A_2184 = vector.broadcast %lt3A_2183 : i32 to vector<16xi32>
      %lt3A_2185 = arith.cmpi slt, %get3A_2179, %lt3A_2184 : vector<16xi32>
      %and3A_2186 = arith.andi %ge3A_2182, %lt3A_2185 : vector<16xi1>
      %add3A_2187 = arith.constant 0 : i32
      %add3A_2188 = vector.broadcast %add3A_2187 : i32 to vector<16xi32>
      %add3A_2189 = arith.addi %iota3A, %add3A_2188 : vector<16xi32>
      tpu.vector_store_idx %arg5[%get3A_2179, %add3A_2189], %broadcast_in_dim3A_1 masked %and3A_2186 : memref<1000x128xf32, #tpu.memory_space<vmem>>[vector<16xi32>, vector<16xi32>], vector<16xf32>, vector<16xi1>
      %jit3A_2190 = arith.constant 4 : i32
      %eq3A_2191 = arith.constant 0 : i32
      %eq3A_2192 = arith.cmpi eq, %jit3A_2190, %eq3A_2191 : i32
      %jit3A_2193 = arith.constant 1 : i32
      %select_n3A_2194 = arith.select %eq3A_2192, %jit3A_2193, %jit3A_2190 : i32
      %rem3A_2195 = arith.remsi %sub3A_2160, %select_n3A_2194 : i32
      %ne3A_2196 = arith.constant 0 : i32
      %ne3A_2197 = arith.cmpi ne, %rem3A_2195, %ne3A_2196 : i32
      %lt3A_2198 = arith.constant 0 : i32
      %lt3A_2199 = arith.cmpi slt, %rem3A_2195, %lt3A_2198 : i32
      %lt3A_2200 = arith.constant 0 : i32
      %lt3A_2201 = arith.cmpi slt, %select_n3A_2194, %lt3A_2200 : i32
      %ne3A_2202 = arith.xori %lt3A_2199, %lt3A_2201 : i1
      %and3A_2203 = arith.andi %ne3A_2202, %ne3A_2197 : i1
      %add3A_2204 = arith.addi %rem3A_2195, %select_n3A_2194 : i32
      %select_n3A_2205 = arith.select %and3A_2203, %add3A_2204, %rem3A_2195 : i32
      %get3A_2206 = arith.index_cast %select_n3A_2205 : i32 to index
      %get3A_2207 = arith.constant 16 : index
      %get3A_2208 = tpu.vector_load %arg4[%get3A_2206, %get3A_2207] {strides = array<i32>} : memref<4x128xi32, #tpu.memory_space<vmem>>, vector<16xi32>,
      %ge3A_2209 = arith.constant 512 : i32
      %ge3A_2210 = vector.broadcast %ge3A_2209 : i32 to vector<16xi32>
      %ge3A_2211 = arith.cmpi sge, %get3A_2208, %ge3A_2210 : vector<16xi32>
      %lt3A_2212 = arith.constant 768 : i32
      %lt3A_2213 = vector.broadcast %lt3A_2212 : i32 to vector<16xi32>
      %lt3A_2214 = arith.cmpi slt, %get3A_2208, %lt3A_2213 : vector<16xi32>
      %and3A_2215 = arith.andi %ge3A_2211, %lt3A_2214 : vector<16xi1>
      %add3A_2216 = arith.constant 16 : i32
      %add3A_2217 = vector.broadcast %add3A_2216 : i32 to vector<16xi32>
      %add3A_2218 = arith.addi %iota3A, %add3A_2217 : vector<16xi32>
      tpu.vector_store_idx %arg5[%get3A_2208, %add3A_2218], %broadcast_in_dim3A_1 masked %and3A_2215 : memref<1000x128xf32, #tpu.memory_space<vmem>>[vector<16xi32>, vector<16xi32>], vector<16xf32>, vector<16xi1>
      %jit3A_2219 = arith.constant 4 : i32
      %eq3A_2220 = arith.constant 0 : i32
      %eq3A_2221 = arith.cmpi eq, %jit3A_2219, %eq3A_2220 : i32
      %jit3A_2222 = arith.constant 1 : i32
      %select_n3A_2223 = arith.select %eq3A_2221, %jit3A_2222, %jit3A_2219 : i32
      %rem3A_2224 = arith.remsi %sub3A_2160, %select_n3A_2223 : i32
      %ne3A_2225 = arith.constant 0 : i32
      %ne3A_2226 = arith.cmpi ne, %rem3A_2224, %ne3A_2225 : i32
      %lt3A_2227 = arith.constant 0 : i32
      %lt3A_2228 = arith.cmpi slt, %rem3A_2224, %lt3A_2227 : i32
      %lt3A_2229 = arith.constant 0 : i32
      %lt3A_2230 = arith.cmpi slt, %select_n3A_2223, %lt3A_2229 : i32
      %ne3A_2231 = arith.xori %lt3A_2228, %lt3A_2230 : i1
      %and3A_2232 = arith.andi %ne3A_2231, %ne3A_2226 : i1
      %add3A_2233 = arith.addi %rem3A_2224, %select_n3A_2223 : i32
      %select_n3A_2234 = arith.select %and3A_2232, %add3A_2233, %rem3A_2224 : i32
      %get3A_2235 = arith.index_cast %select_n3A_2234 : i32 to index
      %get3A_2236 = arith.constant 32 : index
      %get3A_2237 = tpu.vector_load %arg4[%get3A_2235, %get3A_2236] {strides = array<i32>} : memref<4x128xi32, #tpu.memory_space<vmem>>, vector<16xi32>,
      %ge3A_2238 = arith.constant 512 : i32
      %ge3A_2239 = vector.broadcast %ge3A_2238 : i32 to vector<16xi32>
      %ge3A_2240 = arith.cmpi sge, %get3A_2237, %ge3A_2239 : vector<16xi32>
      %lt3A_2241 = arith.constant 768 : i32
      %lt3A_2242 = vector.broadcast %lt3A_2241 : i32 to vector<16xi32>
      %lt3A_2243 = arith.cmpi slt, %get3A_2237, %lt3A_2242 : vector<16xi32>
      %and3A_2244 = arith.andi %ge3A_2240, %lt3A_2243 : vector<16xi1>
      %add3A_2245 = arith.constant 32 : i32
      %add3A_2246 = vector.broadcast %add3A_2245 : i32 to vector<16xi32>
      %add3A_2247 = arith.addi %iota3A, %add3A_2246 : vector<16xi32>
      tpu.vector_store_idx %arg5[%get3A_2237, %add3A_2247], %broadcast_in_dim3A_1 masked %and3A_2244 : memref<1000x128xf32, #tpu.memory_space<vmem>>[vector<16xi32>, vector<16xi32>], vector<16xf32>, vector<16xi1>
      %jit3A_2248 = arith.constant 4 : i32
      %eq3A_2249 = arith.constant 0 : i32
      %eq3A_2250 = arith.cmpi eq, %jit3A_2248, %eq3A_2249 : i32
      %jit3A_2251 = arith.constant 1 : i32
      %select_n3A_2252 = arith.select %eq3A_2250, %jit3A_2251, %jit3A_2248 : i32
      %rem3A_2253 = arith.remsi %sub3A_2160, %select_n3A_2252 : i32
      %ne3A_2254 = arith.constant 0 : i32
      %ne3A_2255 = arith.cmpi ne, %rem3A_2253, %ne3A_2254 : i32
      %lt3A_2256 = arith.constant 0 : i32
      %lt3A_2257 = arith.cmpi slt, %rem3A_2253, %lt3A_2256 : i32
      %lt3A_2258 = arith.constant 0 : i32
      %lt3A_2259 = arith.cmpi slt, %select_n3A_2252, %lt3A_2258 : i32
      %ne3A_2260 = arith.xori %lt3A_2257, %lt3A_2259 : i1
      %and3A_2261 = arith.andi %ne3A_2260, %ne3A_2255 : i1
      %add3A_2262 = arith.addi %rem3A_2253, %select_n3A_2252 : i32
      %select_n3A_2263 = arith.select %and3A_2261, %add3A_2262, %rem3A_2253 : i32
      %get3A_2264 = arith.index_cast %select_n3A_2263 : i32 to index
      %get3A_2265 = arith.constant 48 : index
      %get3A_2266 = tpu.vector_load %arg4[%get3A_2264, %get3A_2265] {strides = array<i32>} : memref<4x128xi32, #tpu.memory_space<vmem>>, vector<16xi32>,
      %ge3A_2267 = arith.constant 512 : i32
      %ge3A_2268 = vector.broadcast %ge3A_2267 : i32 to vector<16xi32>
      %ge3A_2269 = arith.cmpi sge, %get3A_2266, %ge3A_2268 : vector<16xi32>
      %lt3A_2270 = arith.constant 768 : i32
      %lt3A_2271 = vector.broadcast %lt3A_2270 : i32 to vector<16xi32>
      %lt3A_2272 = arith.cmpi slt, %get3A_2266, %lt3A_2271 : vector<16xi32>
      %and3A_2273 = arith.andi %ge3A_2269, %lt3A_2272 : vector<16xi1>
      %add3A_2274 = arith.constant 48 : i32
      %add3A_2275 = vector.broadcast %add3A_2274 : i32 to vector<16xi32>
      %add3A_2276 = arith.addi %iota3A, %add3A_2275 : vector<16xi32>
      tpu.vector_store_idx %arg5[%get3A_2266, %add3A_2276], %broadcast_in_dim3A_1 masked %and3A_2273 : memref<1000x128xf32, #tpu.memory_space<vmem>>[vector<16xi32>, vector<16xi32>], vector<16xf32>, vector<16xi1>
      %jit3A_2277 = arith.constant 4 : i32
      %eq3A_2278 = arith.constant 0 : i32
      %eq3A_2279 = arith.cmpi eq, %jit3A_2277, %eq3A_2278 : i32
      %jit3A_2280 = arith.constant 1 : i32
      %select_n3A_2281 = arith.select %eq3A_2279, %jit3A_2280, %jit3A_2277 : i32
      %rem3A_2282 = arith.remsi %sub3A_2160, %select_n3A_2281 : i32
      %ne3A_2283 = arith.constant 0 : i32
      %ne3A_2284 = arith.cmpi ne, %rem3A_2282, %ne3A_2283 : i32
      %lt3A_2285 = arith.constant 0 : i32
      %lt3A_2286 = arith.cmpi slt, %rem3A_2282, %lt3A_2285 : i32
      %lt3A_2287 = arith.constant 0 : i32
      %lt3A_2288 = arith.cmpi slt, %select_n3A_2281, %lt3A_2287 : i32
      %ne3A_2289 = arith.xori %lt3A_2286, %lt3A_2288 : i1
      %and3A_2290 = arith.andi %ne3A_2289, %ne3A_2284 : i1
      %add3A_2291 = arith.addi %rem3A_2282, %select_n3A_2281 : i32
      %select_n3A_2292 = arith.select %and3A_2290, %add3A_2291, %rem3A_2282 : i32
      %get3A_2293 = arith.index_cast %select_n3A_2292 : i32 to index
      %get3A_2294 = arith.constant 64 : index
      %get3A_2295 = tpu.vector_load %arg4[%get3A_2293, %get3A_2294] {strides = array<i32>} : memref<4x128xi32, #tpu.memory_space<vmem>>, vector<16xi32>,
      %ge3A_2296 = arith.constant 512 : i32
      %ge3A_2297 = vector.broadcast %ge3A_2296 : i32 to vector<16xi32>
      %ge3A_2298 = arith.cmpi sge, %get3A_2295, %ge3A_2297 : vector<16xi32>
      %lt3A_2299 = arith.constant 768 : i32
      %lt3A_2300 = vector.broadcast %lt3A_2299 : i32 to vector<16xi32>
      %lt3A_2301 = arith.cmpi slt, %get3A_2295, %lt3A_2300 : vector<16xi32>
      %and3A_2302 = arith.andi %ge3A_2298, %lt3A_2301 : vector<16xi1>
      %add3A_2303 = arith.constant 64 : i32
      %add3A_2304 = vector.broadcast %add3A_2303 : i32 to vector<16xi32>
      %add3A_2305 = arith.addi %iota3A, %add3A_2304 : vector<16xi32>
      tpu.vector_store_idx %arg5[%get3A_2295, %add3A_2305], %broadcast_in_dim3A_1 masked %and3A_2302 : memref<1000x128xf32, #tpu.memory_space<vmem>>[vector<16xi32>, vector<16xi32>], vector<16xf32>, vector<16xi1>
      %jit3A_2306 = arith.constant 4 : i32
      %eq3A_2307 = arith.constant 0 : i32
      %eq3A_2308 = arith.cmpi eq, %jit3A_2306, %eq3A_2307 : i32
      %jit3A_2309 = arith.constant 1 : i32
      %select_n3A_2310 = arith.select %eq3A_2308, %jit3A_2309, %jit3A_2306 : i32
      %rem3A_2311 = arith.remsi %sub3A_2160, %select_n3A_2310 : i32
      %ne3A_2312 = arith.constant 0 : i32
      %ne3A_2313 = arith.cmpi ne, %rem3A_2311, %ne3A_2312 : i32
      %lt3A_2314 = arith.constant 0 : i32
      %lt3A_2315 = arith.cmpi slt, %rem3A_2311, %lt3A_2314 : i32
      %lt3A_2316 = arith.constant 0 : i32
      %lt3A_2317 = arith.cmpi slt, %select_n3A_2310, %lt3A_2316 : i32
      %ne3A_2318 = arith.xori %lt3A_2315, %lt3A_2317 : i1
      %and3A_2319 = arith.andi %ne3A_2318, %ne3A_2313 : i1
      %add3A_2320 = arith.addi %rem3A_2311, %select_n3A_2310 : i32
      %select_n3A_2321 = arith.select %and3A_2319, %add3A_2320, %rem3A_2311 : i32
      %get3A_2322 = arith.index_cast %select_n3A_2321 : i32 to index
      %get3A_2323 = arith.constant 80 : index
      %get3A_2324 = tpu.vector_load %arg4[%get3A_2322, %get3A_2323] {strides = array<i32>} : memref<4x128xi32, #tpu.memory_space<vmem>>, vector<16xi32>,
      %ge3A_2325 = arith.constant 512 : i32
      %ge3A_2326 = vector.broadcast %ge3A_2325 : i32 to vector<16xi32>
      %ge3A_2327 = arith.cmpi sge, %get3A_2324, %ge3A_2326 : vector<16xi32>
      %lt3A_2328 = arith.constant 768 : i32
      %lt3A_2329 = vector.broadcast %lt3A_2328 : i32 to vector<16xi32>
      %lt3A_2330 = arith.cmpi slt, %get3A_2324, %lt3A_2329 : vector<16xi32>
      %and3A_2331 = arith.andi %ge3A_2327, %lt3A_2330 : vector<16xi1>
      %add3A_2332 = arith.constant 80 : i32
      %add3A_2333 = vector.broadcast %add3A_2332 : i32 to vector<16xi32>
      %add3A_2334 = arith.addi %iota3A, %add3A_2333 : vector<16xi32>
      tpu.vector_store_idx %arg5[%get3A_2324, %add3A_2334], %broadcast_in_dim3A_1 masked %and3A_2331 : memref<1000x128xf32, #tpu.memory_space<vmem>>[vector<16xi32>, vector<16xi32>], vector<16xf32>, vector<16xi1>
      %jit3A_2335 = arith.constant 4 : i32
      %eq3A_2336 = arith.constant 0 : i32
      %eq3A_2337 = arith.cmpi eq, %jit3A_2335, %eq3A_2336 : i32
      %jit3A_2338 = arith.constant 1 : i32
      %select_n3A_2339 = arith.select %eq3A_2337, %jit3A_2338, %jit3A_2335 : i32
      %rem3A_2340 = arith.remsi %sub3A_2160, %select_n3A_2339 : i32
      %ne3A_2341 = arith.constant 0 : i32
      %ne3A_2342 = arith.cmpi ne, %rem3A_2340, %ne3A_2341 : i32
      %lt3A_2343 = arith.constant 0 : i32
      %lt3A_2344 = arith.cmpi slt, %rem3A_2340, %lt3A_2343 : i32
      %lt3A_2345 = arith.constant 0 : i32
      %lt3A_2346 = arith.cmpi slt, %select_n3A_2339, %lt3A_2345 : i32
      %ne3A_2347 = arith.xori %lt3A_2344, %lt3A_2346 : i1
      %and3A_2348 = arith.andi %ne3A_2347, %ne3A_2342 : i1
      %add3A_2349 = arith.addi %rem3A_2340, %select_n3A_2339 : i32
      %select_n3A_2350 = arith.select %and3A_2348, %add3A_2349, %rem3A_2340 : i32
      %get3A_2351 = arith.index_cast %select_n3A_2350 : i32 to index
      %get3A_2352 = arith.constant 96 : index
      %get3A_2353 = tpu.vector_load %arg4[%get3A_2351, %get3A_2352] {strides = array<i32>} : memref<4x128xi32, #tpu.memory_space<vmem>>, vector<16xi32>,
      %ge3A_2354 = arith.constant 512 : i32
      %ge3A_2355 = vector.broadcast %ge3A_2354 : i32 to vector<16xi32>
      %ge3A_2356 = arith.cmpi sge, %get3A_2353, %ge3A_2355 : vector<16xi32>
      %lt3A_2357 = arith.constant 768 : i32
      %lt3A_2358 = vector.broadcast %lt3A_2357 : i32 to vector<16xi32>
      %lt3A_2359 = arith.cmpi slt, %get3A_2353, %lt3A_2358 : vector<16xi32>
      %and3A_2360 = arith.andi %ge3A_2356, %lt3A_2359 : vector<16xi1>
      %add3A_2361 = arith.constant 96 : i32
      %add3A_2362 = vector.broadcast %add3A_2361 : i32 to vector<16xi32>
      %add3A_2363 = arith.addi %iota3A, %add3A_2362 : vector<16xi32>
      tpu.vector_store_idx %arg5[%get3A_2353, %add3A_2363], %broadcast_in_dim3A_1 masked %and3A_2360 : memref<1000x128xf32, #tpu.memory_space<vmem>>[vector<16xi32>, vector<16xi32>], vector<16xf32>, vector<16xi1>
      %jit3A_2364 = arith.constant 4 : i32
      %eq3A_2365 = arith.constant 0 : i32
      %eq3A_2366 = arith.cmpi eq, %jit3A_2364, %eq3A_2365 : i32
      %jit3A_2367 = arith.constant 1 : i32
      %select_n3A_2368 = arith.select %eq3A_2366, %jit3A_2367, %jit3A_2364 : i32
      %rem3A_2369 = arith.remsi %sub3A_2160, %select_n3A_2368 : i32
      %ne3A_2370 = arith.constant 0 : i32
      %ne3A_2371 = arith.cmpi ne, %rem3A_2369, %ne3A_2370 : i32
      %lt3A_2372 = arith.constant 0 : i32
      %lt3A_2373 = arith.cmpi slt, %rem3A_2369, %lt3A_2372 : i32
      %lt3A_2374 = arith.constant 0 : i32
      %lt3A_2375 = arith.cmpi slt, %select_n3A_2368, %lt3A_2374 : i32
      %ne3A_2376 = arith.xori %lt3A_2373, %lt3A_2375 : i1
      %and3A_2377 = arith.andi %ne3A_2376, %ne3A_2371 : i1
      %add3A_2378 = arith.addi %rem3A_2369, %select_n3A_2368 : i32
      %select_n3A_2379 = arith.select %and3A_2377, %add3A_2378, %rem3A_2369 : i32
      %get3A_2380 = arith.index_cast %select_n3A_2379 : i32 to index
      %get3A_2381 = arith.constant 112 : index
      %get3A_2382 = tpu.vector_load %arg4[%get3A_2380, %get3A_2381] {strides = array<i32>} : memref<4x128xi32, #tpu.memory_space<vmem>>, vector<16xi32>,
      %ge3A_2383 = arith.constant 512 : i32
      %ge3A_2384 = vector.broadcast %ge3A_2383 : i32 to vector<16xi32>
      %ge3A_2385 = arith.cmpi sge, %get3A_2382, %ge3A_2384 : vector<16xi32>
      %lt3A_2386 = arith.constant 768 : i32
      %lt3A_2387 = vector.broadcast %lt3A_2386 : i32 to vector<16xi32>
      %lt3A_2388 = arith.cmpi slt, %get3A_2382, %lt3A_2387 : vector<16xi32>
      %and3A_2389 = arith.andi %ge3A_2385, %lt3A_2388 : vector<16xi1>
      %add3A_2390 = arith.constant 112 : i32
      %add3A_2391 = vector.broadcast %add3A_2390 : i32 to vector<16xi32>
      %add3A_2392 = arith.addi %iota3A, %add3A_2391 : vector<16xi32>
      tpu.vector_store_idx %arg5[%get3A_2382, %add3A_2392], %broadcast_in_dim3A_1 masked %and3A_2389 : memref<1000x128xf32, #tpu.memory_space<vmem>>[vector<16xi32>, vector<16xi32>], vector<16xf32>, vector<16xi1>
      %jit3A_2393 = arith.constant 4 : i32
      %eq3A_2394 = arith.constant 0 : i32
      %eq3A_2395 = arith.cmpi eq, %jit3A_2393, %eq3A_2394 : i32
      %jit3A_2396 = arith.constant 1 : i32
      %select_n3A_2397 = arith.select %eq3A_2395, %jit3A_2396, %jit3A_2393 : i32
      %rem3A_2398 = arith.remsi %scan3A_985, %select_n3A_2397 : i32
      %ne3A_2399 = arith.constant 0 : i32
      %ne3A_2400 = arith.cmpi ne, %rem3A_2398, %ne3A_2399 : i32
      %lt3A_2401 = arith.constant 0 : i32
      %lt3A_2402 = arith.cmpi slt, %rem3A_2398, %lt3A_2401 : i32
      %lt3A_2403 = arith.constant 0 : i32
      %lt3A_2404 = arith.cmpi slt, %select_n3A_2397, %lt3A_2403 : i32
      %ne3A_2405 = arith.xori %lt3A_2402, %lt3A_2404 : i1
      %and3A_2406 = arith.andi %ne3A_2405, %ne3A_2400 : i1
      %add3A_2407 = arith.addi %rem3A_2398, %select_n3A_2397 : i32
      %select_n3A_2408 = arith.select %and3A_2406, %add3A_2407, %rem3A_2398 : i32
      %get3A_2409 = arith.index_cast %select_n3A_2408 : i32 to index
      %get3A_2410 = arith.constant 0 : index
      %get3A_2411 = tpu.vector_load %arg4[%get3A_2409, %get3A_2410] {strides = array<i32>} : memref<4x128xi32, #tpu.memory_space<vmem>>, vector<16xi32>,
      %ge3A_2412 = arith.constant 512 : i32
      %ge3A_2413 = vector.broadcast %ge3A_2412 : i32 to vector<16xi32>
      %ge3A_2414 = arith.cmpi sge, %get3A_2411, %ge3A_2413 : vector<16xi32>
      %lt3A_2415 = arith.constant 768 : i32
      %lt3A_2416 = vector.broadcast %lt3A_2415 : i32 to vector<16xi32>
      %lt3A_2417 = arith.cmpi slt, %get3A_2411, %lt3A_2416 : vector<16xi32>
      %and3A_2418 = arith.andi %ge3A_2414, %lt3A_2417 : vector<16xi1>
      %add3A_2419 = arith.constant 0 : i32
      %add3A_2420 = vector.broadcast %add3A_2419 : i32 to vector<16xi32>
      %add3A_2421 = arith.addi %iota3A, %add3A_2420 : vector<16xi32>
      tpu.vector_store_idx %arg5[%get3A_2411, %add3A_2421], %broadcast_in_dim3A_3 masked %and3A_2418 : memref<1000x128xf32, #tpu.memory_space<vmem>>[vector<16xi32>, vector<16xi32>], vector<16xf32>, vector<16xi1>
      %jit3A_2422 = arith.constant 4 : i32
      %eq3A_2423 = arith.constant 0 : i32
      %eq3A_2424 = arith.cmpi eq, %jit3A_2422, %eq3A_2423 : i32
      %jit3A_2425 = arith.constant 1 : i32
      %select_n3A_2426 = arith.select %eq3A_2424, %jit3A_2425, %jit3A_2422 : i32
      %rem3A_2427 = arith.remsi %scan3A_985, %select_n3A_2426 : i32
      %ne3A_2428 = arith.constant 0 : i32
      %ne3A_2429 = arith.cmpi ne, %rem3A_2427, %ne3A_2428 : i32
      %lt3A_2430 = arith.constant 0 : i32
      %lt3A_2431 = arith.cmpi slt, %rem3A_2427, %lt3A_2430 : i32
      %lt3A_2432 = arith.constant 0 : i32
      %lt3A_2433 = arith.cmpi slt, %select_n3A_2426, %lt3A_2432 : i32
      %ne3A_2434 = arith.xori %lt3A_2431, %lt3A_2433 : i1
      %and3A_2435 = arith.andi %ne3A_2434, %ne3A_2429 : i1
      %add3A_2436 = arith.addi %rem3A_2427, %select_n3A_2426 : i32
      %select_n3A_2437 = arith.select %and3A_2435, %add3A_2436, %rem3A_2427 : i32
      %get3A_2438 = arith.index_cast %select_n3A_2437 : i32 to index
      %get3A_2439 = arith.constant 16 : index
      %get3A_2440 = tpu.vector_load %arg4[%get3A_2438, %get3A_2439] {strides = array<i32>} : memref<4x128xi32, #tpu.memory_space<vmem>>, vector<16xi32>,
      %ge3A_2441 = arith.constant 512 : i32
      %ge3A_2442 = vector.broadcast %ge3A_2441 : i32 to vector<16xi32>
      %ge3A_2443 = arith.cmpi sge, %get3A_2440, %ge3A_2442 : vector<16xi32>
      %lt3A_2444 = arith.constant 768 : i32
      %lt3A_2445 = vector.broadcast %lt3A_2444 : i32 to vector<16xi32>
      %lt3A_2446 = arith.cmpi slt, %get3A_2440, %lt3A_2445 : vector<16xi32>
      %and3A_2447 = arith.andi %ge3A_2443, %lt3A_2446 : vector<16xi1>
      %add3A_2448 = arith.constant 16 : i32
      %add3A_2449 = vector.broadcast %add3A_2448 : i32 to vector<16xi32>
      %add3A_2450 = arith.addi %iota3A, %add3A_2449 : vector<16xi32>
      tpu.vector_store_idx %arg5[%get3A_2440, %add3A_2450], %broadcast_in_dim3A_3 masked %and3A_2447 : memref<1000x128xf32, #tpu.memory_space<vmem>>[vector<16xi32>, vector<16xi32>], vector<16xf32>, vector<16xi1>
      %jit3A_2451 = arith.constant 4 : i32
      %eq3A_2452 = arith.constant 0 : i32
      %eq3A_2453 = arith.cmpi eq, %jit3A_2451, %eq3A_2452 : i32
      %jit3A_2454 = arith.constant 1 : i32
      %select_n3A_2455 = arith.select %eq3A_2453, %jit3A_2454, %jit3A_2451 : i32
      %rem3A_2456 = arith.remsi %scan3A_985, %select_n3A_2455 : i32
      %ne3A_2457 = arith.constant 0 : i32
      %ne3A_2458 = arith.cmpi ne, %rem3A_2456, %ne3A_2457 : i32
      %lt3A_2459 = arith.constant 0 : i32
      %lt3A_2460 = arith.cmpi slt, %rem3A_2456, %lt3A_2459 : i32
      %lt3A_2461 = arith.constant 0 : i32
      %lt3A_2462 = arith.cmpi slt, %select_n3A_2455, %lt3A_2461 : i32
      %ne3A_2463 = arith.xori %lt3A_2460, %lt3A_2462 : i1
      %and3A_2464 = arith.andi %ne3A_2463, %ne3A_2458 : i1
      %add3A_2465 = arith.addi %rem3A_2456, %select_n3A_2455 : i32
      %select_n3A_2466 = arith.select %and3A_2464, %add3A_2465, %rem3A_2456 : i32
      %get3A_2467 = arith.index_cast %select_n3A_2466 : i32 to index
      %get3A_2468 = arith.constant 32 : index
      %get3A_2469 = tpu.vector_load %arg4[%get3A_2467, %get3A_2468] {strides = array<i32>} : memref<4x128xi32, #tpu.memory_space<vmem>>, vector<16xi32>,
      %ge3A_2470 = arith.constant 512 : i32
      %ge3A_2471 = vector.broadcast %ge3A_2470 : i32 to vector<16xi32>
      %ge3A_2472 = arith.cmpi sge, %get3A_2469, %ge3A_2471 : vector<16xi32>
      %lt3A_2473 = arith.constant 768 : i32
      %lt3A_2474 = vector.broadcast %lt3A_2473 : i32 to vector<16xi32>
      %lt3A_2475 = arith.cmpi slt, %get3A_2469, %lt3A_2474 : vector<16xi32>
      %and3A_2476 = arith.andi %ge3A_2472, %lt3A_2475 : vector<16xi1>
      %add3A_2477 = arith.constant 32 : i32
      %add3A_2478 = vector.broadcast %add3A_2477 : i32 to vector<16xi32>
      %add3A_2479 = arith.addi %iota3A, %add3A_2478 : vector<16xi32>
      tpu.vector_store_idx %arg5[%get3A_2469, %add3A_2479], %broadcast_in_dim3A_3 masked %and3A_2476 : memref<1000x128xf32, #tpu.memory_space<vmem>>[vector<16xi32>, vector<16xi32>], vector<16xf32>, vector<16xi1>
      %jit3A_2480 = arith.constant 4 : i32
      %eq3A_2481 = arith.constant 0 : i32
      %eq3A_2482 = arith.cmpi eq, %jit3A_2480, %eq3A_2481 : i32
      %jit3A_2483 = arith.constant 1 : i32
      %select_n3A_2484 = arith.select %eq3A_2482, %jit3A_2483, %jit3A_2480 : i32
      %rem3A_2485 = arith.remsi %scan3A_985, %select_n3A_2484 : i32
      %ne3A_2486 = arith.constant 0 : i32
      %ne3A_2487 = arith.cmpi ne, %rem3A_2485, %ne3A_2486 : i32
      %lt3A_2488 = arith.constant 0 : i32
      %lt3A_2489 = arith.cmpi slt, %rem3A_2485, %lt3A_2488 : i32
      %lt3A_2490 = arith.constant 0 : i32
      %lt3A_2491 = arith.cmpi slt, %select_n3A_2484, %lt3A_2490 : i32
      %ne3A_2492 = arith.xori %lt3A_2489, %lt3A_2491 : i1
      %and3A_2493 = arith.andi %ne3A_2492, %ne3A_2487 : i1
      %add3A_2494 = arith.addi %rem3A_2485, %select_n3A_2484 : i32
      %select_n3A_2495 = arith.select %and3A_2493, %add3A_2494, %rem3A_2485 : i32
      %get3A_2496 = arith.index_cast %select_n3A_2495 : i32 to index
      %get3A_2497 = arith.constant 48 : index
      %get3A_2498 = tpu.vector_load %arg4[%get3A_2496, %get3A_2497] {strides = array<i32>} : memref<4x128xi32, #tpu.memory_space<vmem>>, vector<16xi32>,
      %ge3A_2499 = arith.constant 512 : i32
      %ge3A_2500 = vector.broadcast %ge3A_2499 : i32 to vector<16xi32>
      %ge3A_2501 = arith.cmpi sge, %get3A_2498, %ge3A_2500 : vector<16xi32>
      %lt3A_2502 = arith.constant 768 : i32
      %lt3A_2503 = vector.broadcast %lt3A_2502 : i32 to vector<16xi32>
      %lt3A_2504 = arith.cmpi slt, %get3A_2498, %lt3A_2503 : vector<16xi32>
      %and3A_2505 = arith.andi %ge3A_2501, %lt3A_2504 : vector<16xi1>
      %add3A_2506 = arith.constant 48 : i32
      %add3A_2507 = vector.broadcast %add3A_2506 : i32 to vector<16xi32>
      %add3A_2508 = arith.addi %iota3A, %add3A_2507 : vector<16xi32>
      tpu.vector_store_idx %arg5[%get3A_2498, %add3A_2508], %broadcast_in_dim3A_3 masked %and3A_2505 : memref<1000x128xf32, #tpu.memory_space<vmem>>[vector<16xi32>, vector<16xi32>], vector<16xf32>, vector<16xi1>
      %jit3A_2509 = arith.constant 4 : i32
      %eq3A_2510 = arith.constant 0 : i32
      %eq3A_2511 = arith.cmpi eq, %jit3A_2509, %eq3A_2510 : i32
      %jit3A_2512 = arith.constant 1 : i32
      %select_n3A_2513 = arith.select %eq3A_2511, %jit3A_2512, %jit3A_2509 : i32
      %rem3A_2514 = arith.remsi %scan3A_985, %select_n3A_2513 : i32
      %ne3A_2515 = arith.constant 0 : i32
      %ne3A_2516 = arith.cmpi ne, %rem3A_2514, %ne3A_2515 : i32
      %lt3A_2517 = arith.constant 0 : i32
      %lt3A_2518 = arith.cmpi slt, %rem3A_2514, %lt3A_2517 : i32
      %lt3A_2519 = arith.constant 0 : i32
      %lt3A_2520 = arith.cmpi slt, %select_n3A_2513, %lt3A_2519 : i32
      %ne3A_2521 = arith.xori %lt3A_2518, %lt3A_2520 : i1
      %and3A_2522 = arith.andi %ne3A_2521, %ne3A_2516 : i1
      %add3A_2523 = arith.addi %rem3A_2514, %select_n3A_2513 : i32
      %select_n3A_2524 = arith.select %and3A_2522, %add3A_2523, %rem3A_2514 : i32
      %get3A_2525 = arith.index_cast %select_n3A_2524 : i32 to index
      %get3A_2526 = arith.constant 64 : index
      %get3A_2527 = tpu.vector_load %arg4[%get3A_2525, %get3A_2526] {strides = array<i32>} : memref<4x128xi32, #tpu.memory_space<vmem>>, vector<16xi32>,
      %ge3A_2528 = arith.constant 512 : i32
      %ge3A_2529 = vector.broadcast %ge3A_2528 : i32 to vector<16xi32>
      %ge3A_2530 = arith.cmpi sge, %get3A_2527, %ge3A_2529 : vector<16xi32>
      %lt3A_2531 = arith.constant 768 : i32
      %lt3A_2532 = vector.broadcast %lt3A_2531 : i32 to vector<16xi32>
      %lt3A_2533 = arith.cmpi slt, %get3A_2527, %lt3A_2532 : vector<16xi32>
      %and3A_2534 = arith.andi %ge3A_2530, %lt3A_2533 : vector<16xi1>
      %add3A_2535 = arith.constant 64 : i32
      %add3A_2536 = vector.broadcast %add3A_2535 : i32 to vector<16xi32>
      %add3A_2537 = arith.addi %iota3A, %add3A_2536 : vector<16xi32>
      tpu.vector_store_idx %arg5[%get3A_2527, %add3A_2537], %broadcast_in_dim3A_3 masked %and3A_2534 : memref<1000x128xf32, #tpu.memory_space<vmem>>[vector<16xi32>, vector<16xi32>], vector<16xf32>, vector<16xi1>
      %jit3A_2538 = arith.constant 4 : i32
      %eq3A_2539 = arith.constant 0 : i32
      %eq3A_2540 = arith.cmpi eq, %jit3A_2538, %eq3A_2539 : i32
      %jit3A_2541 = arith.constant 1 : i32
      %select_n3A_2542 = arith.select %eq3A_2540, %jit3A_2541, %jit3A_2538 : i32
      %rem3A_2543 = arith.remsi %scan3A_985, %select_n3A_2542 : i32
      %ne3A_2544 = arith.constant 0 : i32
      %ne3A_2545 = arith.cmpi ne, %rem3A_2543, %ne3A_2544 : i32
      %lt3A_2546 = arith.constant 0 : i32
      %lt3A_2547 = arith.cmpi slt, %rem3A_2543, %lt3A_2546 : i32
      %lt3A_2548 = arith.constant 0 : i32
      %lt3A_2549 = arith.cmpi slt, %select_n3A_2542, %lt3A_2548 : i32
      %ne3A_2550 = arith.xori %lt3A_2547, %lt3A_2549 : i1
      %and3A_2551 = arith.andi %ne3A_2550, %ne3A_2545 : i1
      %add3A_2552 = arith.addi %rem3A_2543, %select_n3A_2542 : i32
      %select_n3A_2553 = arith.select %and3A_2551, %add3A_2552, %rem3A_2543 : i32
      %get3A_2554 = arith.index_cast %select_n3A_2553 : i32 to index
      %get3A_2555 = arith.constant 80 : index
      %get3A_2556 = tpu.vector_load %arg4[%get3A_2554, %get3A_2555] {strides = array<i32>} : memref<4x128xi32, #tpu.memory_space<vmem>>, vector<16xi32>,
      %ge3A_2557 = arith.constant 512 : i32
      %ge3A_2558 = vector.broadcast %ge3A_2557 : i32 to vector<16xi32>
      %ge3A_2559 = arith.cmpi sge, %get3A_2556, %ge3A_2558 : vector<16xi32>
      %lt3A_2560 = arith.constant 768 : i32
      %lt3A_2561 = vector.broadcast %lt3A_2560 : i32 to vector<16xi32>
      %lt3A_2562 = arith.cmpi slt, %get3A_2556, %lt3A_2561 : vector<16xi32>
      %and3A_2563 = arith.andi %ge3A_2559, %lt3A_2562 : vector<16xi1>
      %add3A_2564 = arith.constant 80 : i32
      %add3A_2565 = vector.broadcast %add3A_2564 : i32 to vector<16xi32>
      %add3A_2566 = arith.addi %iota3A, %add3A_2565 : vector<16xi32>
      tpu.vector_store_idx %arg5[%get3A_2556, %add3A_2566], %broadcast_in_dim3A_3 masked %and3A_2563 : memref<1000x128xf32, #tpu.memory_space<vmem>>[vector<16xi32>, vector<16xi32>], vector<16xf32>, vector<16xi1>
      %jit3A_2567 = arith.constant 4 : i32
      %eq3A_2568 = arith.constant 0 : i32
      %eq3A_2569 = arith.cmpi eq, %jit3A_2567, %eq3A_2568 : i32
      %jit3A_2570 = arith.constant 1 : i32
      %select_n3A_2571 = arith.select %eq3A_2569, %jit3A_2570, %jit3A_2567 : i32
      %rem3A_2572 = arith.remsi %scan3A_985, %select_n3A_2571 : i32
      %ne3A_2573 = arith.constant 0 : i32
      %ne3A_2574 = arith.cmpi ne, %rem3A_2572, %ne3A_2573 : i32
      %lt3A_2575 = arith.constant 0 : i32
      %lt3A_2576 = arith.cmpi slt, %rem3A_2572, %lt3A_2575 : i32
      %lt3A_2577 = arith.constant 0 : i32
      %lt3A_2578 = arith.cmpi slt, %select_n3A_2571, %lt3A_2577 : i32
      %ne3A_2579 = arith.xori %lt3A_2576, %lt3A_2578 : i1
      %and3A_2580 = arith.andi %ne3A_2579, %ne3A_2574 : i1
      %add3A_2581 = arith.addi %rem3A_2572, %select_n3A_2571 : i32
      %select_n3A_2582 = arith.select %and3A_2580, %add3A_2581, %rem3A_2572 : i32
      %get3A_2583 = arith.index_cast %select_n3A_2582 : i32 to index
      %get3A_2584 = arith.constant 96 : index
      %get3A_2585 = tpu.vector_load %arg4[%get3A_2583, %get3A_2584] {strides = array<i32>} : memref<4x128xi32, #tpu.memory_space<vmem>>, vector<16xi32>,
      %ge3A_2586 = arith.constant 512 : i32
      %ge3A_2587 = vector.broadcast %ge3A_2586 : i32 to vector<16xi32>
      %ge3A_2588 = arith.cmpi sge, %get3A_2585, %ge3A_2587 : vector<16xi32>
      %lt3A_2589 = arith.constant 768 : i32
      %lt3A_2590 = vector.broadcast %lt3A_2589 : i32 to vector<16xi32>
      %lt3A_2591 = arith.cmpi slt, %get3A_2585, %lt3A_2590 : vector<16xi32>
      %and3A_2592 = arith.andi %ge3A_2588, %lt3A_2591 : vector<16xi1>
      %add3A_2593 = arith.constant 96 : i32
      %add3A_2594 = vector.broadcast %add3A_2593 : i32 to vector<16xi32>
      %add3A_2595 = arith.addi %iota3A, %add3A_2594 : vector<16xi32>
      tpu.vector_store_idx %arg5[%get3A_2585, %add3A_2595], %broadcast_in_dim3A_3 masked %and3A_2592 : memref<1000x128xf32, #tpu.memory_space<vmem>>[vector<16xi32>, vector<16xi32>], vector<16xf32>, vector<16xi1>
      %jit3A_2596 = arith.constant 4 : i32
      %eq3A_2597 = arith.constant 0 : i32
      %eq3A_2598 = arith.cmpi eq, %jit3A_2596, %eq3A_2597 : i32
      %jit3A_2599 = arith.constant 1 : i32
      %select_n3A_2600 = arith.select %eq3A_2598, %jit3A_2599, %jit3A_2596 : i32
      %rem3A_2601 = arith.remsi %scan3A_985, %select_n3A_2600 : i32
      %ne3A_2602 = arith.constant 0 : i32
      %ne3A_2603 = arith.cmpi ne, %rem3A_2601, %ne3A_2602 : i32
      %lt3A_2604 = arith.constant 0 : i32
      %lt3A_2605 = arith.cmpi slt, %rem3A_2601, %lt3A_2604 : i32
      %lt3A_2606 = arith.constant 0 : i32
      %lt3A_2607 = arith.cmpi slt, %select_n3A_2600, %lt3A_2606 : i32
      %ne3A_2608 = arith.xori %lt3A_2605, %lt3A_2607 : i1
      %and3A_2609 = arith.andi %ne3A_2608, %ne3A_2603 : i1
      %add3A_2610 = arith.addi %rem3A_2601, %select_n3A_2600 : i32
      %select_n3A_2611 = arith.select %and3A_2609, %add3A_2610, %rem3A_2601 : i32
      %get3A_2612 = arith.index_cast %select_n3A_2611 : i32 to index
      %get3A_2613 = arith.constant 112 : index
      %get3A_2614 = tpu.vector_load %arg4[%get3A_2612, %get3A_2613] {strides = array<i32>} : memref<4x128xi32, #tpu.memory_space<vmem>>, vector<16xi32>,
      %ge3A_2615 = arith.constant 512 : i32
      %ge3A_2616 = vector.broadcast %ge3A_2615 : i32 to vector<16xi32>
      %ge3A_2617 = arith.cmpi sge, %get3A_2614, %ge3A_2616 : vector<16xi32>
      %lt3A_2618 = arith.constant 768 : i32
      %lt3A_2619 = vector.broadcast %lt3A_2618 : i32 to vector<16xi32>
      %lt3A_2620 = arith.cmpi slt, %get3A_2614, %lt3A_2619 : vector<16xi32>
      %and3A_2621 = arith.andi %ge3A_2617, %lt3A_2620 : vector<16xi1>
      %add3A_2622 = arith.constant 112 : i32
      %add3A_2623 = vector.broadcast %add3A_2622 : i32 to vector<16xi32>
      %add3A_2624 = arith.addi %iota3A, %add3A_2623 : vector<16xi32>
      tpu.vector_store_idx %arg5[%get3A_2614, %add3A_2624], %broadcast_in_dim3A_3 masked %and3A_2621 : memref<1000x128xf32, #tpu.memory_space<vmem>>[vector<16xi32>, vector<16xi32>], vector<16xf32>, vector<16xi1>
      %mul3A_2625 = arith.constant 32 : i32
      %mul3A_2626 = arith.muli %scan3A_985, %mul3A_2625 : i32
      %add3A_2627 = arith.addi %mul3A_2626, %add3A : i32
      %jit3A_2628 = arith.constant 32 : i32
      %div3A_2629 = arith.divsi %add3A_2627, %jit3A_2628 : i32
      %sign3A_2630 = arith.constant 0 : i32
      %sign3A_2631 = arith.cmpi sgt, %add3A_2627, %sign3A_2630 : i32
      %sign3A_2632 = arith.extui %sign3A_2631 : i1 to i32
      %sign3A_2633 = arith.constant 0 : i32
      %sign3A_2634 = arith.cmpi slt, %add3A_2627, %sign3A_2633 : i32
      %sign3A_2635 = arith.extui %sign3A_2634 : i1 to i32
      %sign3A_2636 = arith.subi %sign3A_2632, %sign3A_2635 : i32
      %sign3A_2637 = arith.constant 0 : i32
      %sign3A_2638 = arith.cmpi sgt, %jit3A_2628, %sign3A_2637 : i32
      %sign3A_2639 = arith.extui %sign3A_2638 : i1 to i32
      %sign3A_2640 = arith.constant 0 : i32
      %sign3A_2641 = arith.cmpi slt, %jit3A_2628, %sign3A_2640 : i32
      %sign3A_2642 = arith.extui %sign3A_2641 : i1 to i32
      %sign3A_2643 = arith.subi %sign3A_2639, %sign3A_2642 : i32
      %ne3A_2644 = arith.cmpi ne, %sign3A_2636, %sign3A_2643 : i32
      %rem3A_2645 = arith.remsi %add3A_2627, %jit3A_2628 : i32
      %ne3A_2646 = arith.constant 0 : i32
      %ne3A_2647 = arith.cmpi ne, %rem3A_2645, %ne3A_2646 : i32
      %and3A_2648 = arith.andi %ne3A_2644, %ne3A_2647 : i1
      %sub3A_2649 = arith.constant 1 : i32
      %sub3A_2650 = arith.subi %div3A_2629, %sub3A_2649 : i32
      %select_n3A_2651 = arith.select %and3A_2648, %sub3A_2650, %div3A_2629 : i32
      %jit3A_2652 = arith.constant 32 : i32
      %eq3A_2653 = arith.constant 0 : i32
      %eq3A_2654 = arith.cmpi eq, %jit3A_2652, %eq3A_2653 : i32
      %jit3A_2655 = arith.constant 1 : i32
      %select_n3A_2656 = arith.select %eq3A_2654, %jit3A_2655, %jit3A_2652 : i32
      %rem3A_2657 = arith.remsi %add3A_2627, %select_n3A_2656 : i32
      %ne3A_2658 = arith.constant 0 : i32
      %ne3A_2659 = arith.cmpi ne, %rem3A_2657, %ne3A_2658 : i32
      %lt3A_2660 = arith.constant 0 : i32
      %lt3A_2661 = arith.cmpi slt, %rem3A_2657, %lt3A_2660 : i32
      %lt3A_2662 = arith.constant 0 : i32
      %lt3A_2663 = arith.cmpi slt, %select_n3A_2656, %lt3A_2662 : i32
      %ne3A_2664 = arith.xori %lt3A_2661, %lt3A_2663 : i1
      %and3A_2665 = arith.andi %ne3A_2664, %ne3A_2659 : i1
      %add3A_2666 = arith.addi %rem3A_2657, %select_n3A_2656 : i32
      %select_n3A_2667 = arith.select %and3A_2665, %add3A_2666, %rem3A_2657 : i32
      %mul3A_2668 = arith.constant 128 : i32
      %mul3A_2669 = arith.muli %select_n3A_2667, %mul3A_2668 : i32
      %dma_start3A_2670 = arith.constant 512 : i32
      %dma_start3A_2671 = arith.constant 0 : i32
      %dma_start3A_2672 = tpu.memref_slice %arg5[%dma_start3A_2670, %dma_start3A_2671] : memref<1000x128xf32, #tpu.memory_space<vmem>> -> memref<256x128xf32, #tpu.memory_space<vmem>>
      %dma_start3A_2673 = arith.constant 512 : i32
      %dma_start3A_2674 = tpu.memref_slice %arg3[%select_n3A_2651, %dma_start3A_2673, %mul3A_2669] : memref<26x1000x4096xf32, #tpu.memory_space<hbm>> -> memref<1x256x128xf32, #tpu.memory_space<hbm>>
      %dma_start3A_2675 = tpu.memref_squeeze %dma_start3A_2674 : memref<1x256x128xf32, #tpu.memory_space<hbm>> -> memref<256x128xf32, #tpu.memory_space<hbm>>
      %dma_start3A_2676 = arith.constant 512 : i32
      %dma_start3A_2677 = tpu.memref_slice %arg3[%select_n3A_2651, %dma_start3A_2676, %mul3A_2669] : memref<26x1000x4096xf32, #tpu.memory_space<hbm>> -> memref<1x256x128xf32, #tpu.memory_space<hbm>>
      %dma_start3A_2678 = tpu.memref_squeeze %dma_start3A_2677 : memref<1x256x128xf32, #tpu.memory_space<hbm>> -> memref<256x128xf32, #tpu.memory_space<hbm>>
      %dma_start3A_2679 = arith.constant 512 : i32
      %dma_start3A_2680 = arith.constant 0 : i32
      %dma_start3A_2681 = tpu.memref_slice %arg5[%dma_start3A_2679, %dma_start3A_2680] : memref<1000x128xf32, #tpu.memory_space<vmem>> -> memref<256x128xf32, #tpu.memory_space<vmem>>
      tpu.enqueue_dma source(%dma_start3A_2681 : memref<256x128xf32, #tpu.memory_space<vmem>>) target(%dma_start3A_2678 : memref<256x128xf32, #tpu.memory_space<hbm>>) target_semaphore(%arg12 : memref<!tpu.dma_semaphore, #tpu.memory_space<semaphore_mem>>)
      %dma_wait3A_2682 = arith.constant 0 : i32
      %dma_wait3A_2683 = arith.constant 768 : i32
      %dma_wait3A_2684 = arith.constant 0 : i32
      %dma_wait3A_2685 = tpu.memref_slice %arg5[%dma_wait3A_2683, %dma_wait3A_2684] : memref<1000x128xf32, #tpu.memory_space<vmem>> -> memref<232x128xf32, #tpu.memory_space<vmem>>
      %dma_wait3A_2686 = arith.constant 768 : i32
      %dma_wait3A_2687 = arith.constant 0 : i32
      %dma_wait3A_2688 = tpu.memref_slice %arg3[%dma_wait3A_2682, %dma_wait3A_2686, %dma_wait3A_2687] : memref<26x1000x4096xf32, #tpu.memory_space<hbm>> -> memref<1x232x128xf32, #tpu.memory_space<hbm>>
      %dma_wait3A_2689 = tpu.memref_squeeze %dma_wait3A_2688 : memref<1x232x128xf32, #tpu.memory_space<hbm>> -> memref<232x128xf32, #tpu.memory_space<hbm>>
      %dma_wait3A_2690 = arith.constant 768 : i32
      %dma_wait3A_2691 = arith.constant 0 : i32
      %dma_wait3A_2692 = tpu.memref_slice %arg3[%dma_wait3A_2682, %dma_wait3A_2690, %dma_wait3A_2691] : memref<26x1000x4096xf32, #tpu.memory_space<hbm>> -> memref<1x232x128xf32, #tpu.memory_space<hbm>>
      %dma_wait3A_2693 = tpu.memref_squeeze %dma_wait3A_2692 : memref<1x232x128xf32, #tpu.memory_space<hbm>> -> memref<232x128xf32, #tpu.memory_space<hbm>>
      %dma_wait3A_2694 = arith.constant 768 : i32
      %dma_wait3A_2695 = arith.constant 0 : i32
      %dma_wait3A_2696 = tpu.memref_slice %arg5[%dma_wait3A_2694, %dma_wait3A_2695] : memref<1000x128xf32, #tpu.memory_space<vmem>> -> memref<232x128xf32, #tpu.memory_space<vmem>>
      tpu.wait_dma2 semaphore(%arg13 : memref<!tpu.dma_semaphore, #tpu.memory_space<semaphore_mem>>) src(%dma_wait3A_2696 : memref<232x128xf32, #tpu.memory_space<vmem>>) dst(%dma_wait3A_2693 : memref<232x128xf32, #tpu.memory_space<hbm>>)
      %sub3A_2697 = arith.constant 1 : i32
      %sub3A_2698 = arith.subi %scan3A_985, %sub3A_2697 : i32
      %jit3A_2699 = arith.constant 4 : i32
      %eq3A_2700 = arith.constant 0 : i32
      %eq3A_2701 = arith.cmpi eq, %jit3A_2699, %eq3A_2700 : i32
      %jit3A_2702 = arith.constant 1 : i32
      %select_n3A_2703 = arith.select %eq3A_2701, %jit3A_2702, %jit3A_2699 : i32
      %rem3A_2704 = arith.remsi %sub3A_2698, %select_n3A_2703 : i32
      %ne3A_2705 = arith.constant 0 : i32
      %ne3A_2706 = arith.cmpi ne, %rem3A_2704, %ne3A_2705 : i32
      %lt3A_2707 = arith.constant 0 : i32
      %lt3A_2708 = arith.cmpi slt, %rem3A_2704, %lt3A_2707 : i32
      %lt3A_2709 = arith.constant 0 : i32
      %lt3A_2710 = arith.cmpi slt, %select_n3A_2703, %lt3A_2709 : i32
      %ne3A_2711 = arith.xori %lt3A_2708, %lt3A_2710 : i1
      %and3A_2712 = arith.andi %ne3A_2711, %ne3A_2706 : i1
      %add3A_2713 = arith.addi %rem3A_2704, %select_n3A_2703 : i32
      %select_n3A_2714 = arith.select %and3A_2712, %add3A_2713, %rem3A_2704 : i32
      %get3A_2715 = arith.index_cast %select_n3A_2714 : i32 to index
      %get3A_2716 = arith.constant 0 : index
      %get3A_2717 = tpu.vector_load %arg4[%get3A_2715, %get3A_2716] {strides = array<i32>} : memref<4x128xi32, #tpu.memory_space<vmem>>, vector<16xi32>,
      %ge3A_2718 = arith.constant 768 : i32
      %ge3A_2719 = vector.broadcast %ge3A_2718 : i32 to vector<16xi32>
      %ge3A_2720 = arith.cmpi sge, %get3A_2717, %ge3A_2719 : vector<16xi32>
      %lt3A_2721 = arith.constant 1000 : i32
      %lt3A_2722 = vector.broadcast %lt3A_2721 : i32 to vector<16xi32>
      %lt3A_2723 = arith.cmpi slt, %get3A_2717, %lt3A_2722 : vector<16xi32>
      %and3A_2724 = arith.andi %ge3A_2720, %lt3A_2723 : vector<16xi1>
      %add3A_2725 = arith.constant 0 : i32
      %add3A_2726 = vector.broadcast %add3A_2725 : i32 to vector<16xi32>
      %add3A_2727 = arith.addi %iota3A, %add3A_2726 : vector<16xi32>
      tpu.vector_store_idx %arg5[%get3A_2717, %add3A_2727], %broadcast_in_dim3A_1 masked %and3A_2724 : memref<1000x128xf32, #tpu.memory_space<vmem>>[vector<16xi32>, vector<16xi32>], vector<16xf32>, vector<16xi1>
      %jit3A_2728 = arith.constant 4 : i32
      %eq3A_2729 = arith.constant 0 : i32
      %eq3A_2730 = arith.cmpi eq, %jit3A_2728, %eq3A_2729 : i32
      %jit3A_2731 = arith.constant 1 : i32
      %select_n3A_2732 = arith.select %eq3A_2730, %jit3A_2731, %jit3A_2728 : i32
      %rem3A_2733 = arith.remsi %sub3A_2698, %select_n3A_2732 : i32
      %ne3A_2734 = arith.constant 0 : i32
      %ne3A_2735 = arith.cmpi ne, %rem3A_2733, %ne3A_2734 : i32
      %lt3A_2736 = arith.constant 0 : i32
      %lt3A_2737 = arith.cmpi slt, %rem3A_2733, %lt3A_2736 : i32
      %lt3A_2738 = arith.constant 0 : i32
      %lt3A_2739 = arith.cmpi slt, %select_n3A_2732, %lt3A_2738 : i32
      %ne3A_2740 = arith.xori %lt3A_2737, %lt3A_2739 : i1
      %and3A_2741 = arith.andi %ne3A_2740, %ne3A_2735 : i1
      %add3A_2742 = arith.addi %rem3A_2733, %select_n3A_2732 : i32
      %select_n3A_2743 = arith.select %and3A_2741, %add3A_2742, %rem3A_2733 : i32
      %get3A_2744 = arith.index_cast %select_n3A_2743 : i32 to index
      %get3A_2745 = arith.constant 16 : index
      %get3A_2746 = tpu.vector_load %arg4[%get3A_2744, %get3A_2745] {strides = array<i32>} : memref<4x128xi32, #tpu.memory_space<vmem>>, vector<16xi32>,
      %ge3A_2747 = arith.constant 768 : i32
      %ge3A_2748 = vector.broadcast %ge3A_2747 : i32 to vector<16xi32>
      %ge3A_2749 = arith.cmpi sge, %get3A_2746, %ge3A_2748 : vector<16xi32>
      %lt3A_2750 = arith.constant 1000 : i32
      %lt3A_2751 = vector.broadcast %lt3A_2750 : i32 to vector<16xi32>
      %lt3A_2752 = arith.cmpi slt, %get3A_2746, %lt3A_2751 : vector<16xi32>
      %and3A_2753 = arith.andi %ge3A_2749, %lt3A_2752 : vector<16xi1>
      %add3A_2754 = arith.constant 16 : i32
      %add3A_2755 = vector.broadcast %add3A_2754 : i32 to vector<16xi32>
      %add3A_2756 = arith.addi %iota3A, %add3A_2755 : vector<16xi32>
      tpu.vector_store_idx %arg5[%get3A_2746, %add3A_2756], %broadcast_in_dim3A_1 masked %and3A_2753 : memref<1000x128xf32, #tpu.memory_space<vmem>>[vector<16xi32>, vector<16xi32>], vector<16xf32>, vector<16xi1>
      %jit3A_2757 = arith.constant 4 : i32
      %eq3A_2758 = arith.constant 0 : i32
      %eq3A_2759 = arith.cmpi eq, %jit3A_2757, %eq3A_2758 : i32
      %jit3A_2760 = arith.constant 1 : i32
      %select_n3A_2761 = arith.select %eq3A_2759, %jit3A_2760, %jit3A_2757 : i32
      %rem3A_2762 = arith.remsi %sub3A_2698, %select_n3A_2761 : i32
      %ne3A_2763 = arith.constant 0 : i32
      %ne3A_2764 = arith.cmpi ne, %rem3A_2762, %ne3A_2763 : i32
      %lt3A_2765 = arith.constant 0 : i32
      %lt3A_2766 = arith.cmpi slt, %rem3A_2762, %lt3A_2765 : i32
      %lt3A_2767 = arith.constant 0 : i32
      %lt3A_2768 = arith.cmpi slt, %select_n3A_2761, %lt3A_2767 : i32
      %ne3A_2769 = arith.xori %lt3A_2766, %lt3A_2768 : i1
      %and3A_2770 = arith.andi %ne3A_2769, %ne3A_2764 : i1
      %add3A_2771 = arith.addi %rem3A_2762, %select_n3A_2761 : i32
      %select_n3A_2772 = arith.select %and3A_2770, %add3A_2771, %rem3A_2762 : i32
      %get3A_2773 = arith.index_cast %select_n3A_2772 : i32 to index
      %get3A_2774 = arith.constant 32 : index
      %get3A_2775 = tpu.vector_load %arg4[%get3A_2773, %get3A_2774] {strides = array<i32>} : memref<4x128xi32, #tpu.memory_space<vmem>>, vector<16xi32>,
      %ge3A_2776 = arith.constant 768 : i32
      %ge3A_2777 = vector.broadcast %ge3A_2776 : i32 to vector<16xi32>
      %ge3A_2778 = arith.cmpi sge, %get3A_2775, %ge3A_2777 : vector<16xi32>
      %lt3A_2779 = arith.constant 1000 : i32
      %lt3A_2780 = vector.broadcast %lt3A_2779 : i32 to vector<16xi32>
      %lt3A_2781 = arith.cmpi slt, %get3A_2775, %lt3A_2780 : vector<16xi32>
      %and3A_2782 = arith.andi %ge3A_2778, %lt3A_2781 : vector<16xi1>
      %add3A_2783 = arith.constant 32 : i32
      %add3A_2784 = vector.broadcast %add3A_2783 : i32 to vector<16xi32>
      %add3A_2785 = arith.addi %iota3A, %add3A_2784 : vector<16xi32>
      tpu.vector_store_idx %arg5[%get3A_2775, %add3A_2785], %broadcast_in_dim3A_1 masked %and3A_2782 : memref<1000x128xf32, #tpu.memory_space<vmem>>[vector<16xi32>, vector<16xi32>], vector<16xf32>, vector<16xi1>
      %jit3A_2786 = arith.constant 4 : i32
      %eq3A_2787 = arith.constant 0 : i32
      %eq3A_2788 = arith.cmpi eq, %jit3A_2786, %eq3A_2787 : i32
      %jit3A_2789 = arith.constant 1 : i32
      %select_n3A_2790 = arith.select %eq3A_2788, %jit3A_2789, %jit3A_2786 : i32
      %rem3A_2791 = arith.remsi %sub3A_2698, %select_n3A_2790 : i32
      %ne3A_2792 = arith.constant 0 : i32
      %ne3A_2793 = arith.cmpi ne, %rem3A_2791, %ne3A_2792 : i32
      %lt3A_2794 = arith.constant 0 : i32
      %lt3A_2795 = arith.cmpi slt, %rem3A_2791, %lt3A_2794 : i32
      %lt3A_2796 = arith.constant 0 : i32
      %lt3A_2797 = arith.cmpi slt, %select_n3A_2790, %lt3A_2796 : i32
      %ne3A_2798 = arith.xori %lt3A_2795, %lt3A_2797 : i1
      %and3A_2799 = arith.andi %ne3A_2798, %ne3A_2793 : i1
      %add3A_2800 = arith.addi %rem3A_2791, %select_n3A_2790 : i32
      %select_n3A_2801 = arith.select %and3A_2799, %add3A_2800, %rem3A_2791 : i32
      %get3A_2802 = arith.index_cast %select_n3A_2801 : i32 to index
      %get3A_2803 = arith.constant 48 : index
      %get3A_2804 = tpu.vector_load %arg4[%get3A_2802, %get3A_2803] {strides = array<i32>} : memref<4x128xi32, #tpu.memory_space<vmem>>, vector<16xi32>,
      %ge3A_2805 = arith.constant 768 : i32
      %ge3A_2806 = vector.broadcast %ge3A_2805 : i32 to vector<16xi32>
      %ge3A_2807 = arith.cmpi sge, %get3A_2804, %ge3A_2806 : vector<16xi32>
      %lt3A_2808 = arith.constant 1000 : i32
      %lt3A_2809 = vector.broadcast %lt3A_2808 : i32 to vector<16xi32>
      %lt3A_2810 = arith.cmpi slt, %get3A_2804, %lt3A_2809 : vector<16xi32>
      %and3A_2811 = arith.andi %ge3A_2807, %lt3A_2810 : vector<16xi1>
      %add3A_2812 = arith.constant 48 : i32
      %add3A_2813 = vector.broadcast %add3A_2812 : i32 to vector<16xi32>
      %add3A_2814 = arith.addi %iota3A, %add3A_2813 : vector<16xi32>
      tpu.vector_store_idx %arg5[%get3A_2804, %add3A_2814], %broadcast_in_dim3A_1 masked %and3A_2811 : memref<1000x128xf32, #tpu.memory_space<vmem>>[vector<16xi32>, vector<16xi32>], vector<16xf32>, vector<16xi1>
      %jit3A_2815 = arith.constant 4 : i32
      %eq3A_2816 = arith.constant 0 : i32
      %eq3A_2817 = arith.cmpi eq, %jit3A_2815, %eq3A_2816 : i32
      %jit3A_2818 = arith.constant 1 : i32
      %select_n3A_2819 = arith.select %eq3A_2817, %jit3A_2818, %jit3A_2815 : i32
      %rem3A_2820 = arith.remsi %sub3A_2698, %select_n3A_2819 : i32
      %ne3A_2821 = arith.constant 0 : i32
      %ne3A_2822 = arith.cmpi ne, %rem3A_2820, %ne3A_2821 : i32
      %lt3A_2823 = arith.constant 0 : i32
      %lt3A_2824 = arith.cmpi slt, %rem3A_2820, %lt3A_2823 : i32
      %lt3A_2825 = arith.constant 0 : i32
      %lt3A_2826 = arith.cmpi slt, %select_n3A_2819, %lt3A_2825 : i32
      %ne3A_2827 = arith.xori %lt3A_2824, %lt3A_2826 : i1
      %and3A_2828 = arith.andi %ne3A_2827, %ne3A_2822 : i1
      %add3A_2829 = arith.addi %rem3A_2820, %select_n3A_2819 : i32
      %select_n3A_2830 = arith.select %and3A_2828, %add3A_2829, %rem3A_2820 : i32
      %get3A_2831 = arith.index_cast %select_n3A_2830 : i32 to index
      %get3A_2832 = arith.constant 64 : index
      %get3A_2833 = tpu.vector_load %arg4[%get3A_2831, %get3A_2832] {strides = array<i32>} : memref<4x128xi32, #tpu.memory_space<vmem>>, vector<16xi32>,
      %ge3A_2834 = arith.constant 768 : i32
      %ge3A_2835 = vector.broadcast %ge3A_2834 : i32 to vector<16xi32>
      %ge3A_2836 = arith.cmpi sge, %get3A_2833, %ge3A_2835 : vector<16xi32>
      %lt3A_2837 = arith.constant 1000 : i32
      %lt3A_2838 = vector.broadcast %lt3A_2837 : i32 to vector<16xi32>
      %lt3A_2839 = arith.cmpi slt, %get3A_2833, %lt3A_2838 : vector<16xi32>
      %and3A_2840 = arith.andi %ge3A_2836, %lt3A_2839 : vector<16xi1>
      %add3A_2841 = arith.constant 64 : i32
      %add3A_2842 = vector.broadcast %add3A_2841 : i32 to vector<16xi32>
      %add3A_2843 = arith.addi %iota3A, %add3A_2842 : vector<16xi32>
      tpu.vector_store_idx %arg5[%get3A_2833, %add3A_2843], %broadcast_in_dim3A_1 masked %and3A_2840 : memref<1000x128xf32, #tpu.memory_space<vmem>>[vector<16xi32>, vector<16xi32>], vector<16xf32>, vector<16xi1>
      %jit3A_2844 = arith.constant 4 : i32
      %eq3A_2845 = arith.constant 0 : i32
      %eq3A_2846 = arith.cmpi eq, %jit3A_2844, %eq3A_2845 : i32
      %jit3A_2847 = arith.constant 1 : i32
      %select_n3A_2848 = arith.select %eq3A_2846, %jit3A_2847, %jit3A_2844 : i32
      %rem3A_2849 = arith.remsi %sub3A_2698, %select_n3A_2848 : i32
      %ne3A_2850 = arith.constant 0 : i32
      %ne3A_2851 = arith.cmpi ne, %rem3A_2849, %ne3A_2850 : i32
      %lt3A_2852 = arith.constant 0 : i32
      %lt3A_2853 = arith.cmpi slt, %rem3A_2849, %lt3A_2852 : i32
      %lt3A_2854 = arith.constant 0 : i32
      %lt3A_2855 = arith.cmpi slt, %select_n3A_2848, %lt3A_2854 : i32
      %ne3A_2856 = arith.xori %lt3A_2853, %lt3A_2855 : i1
      %and3A_2857 = arith.andi %ne3A_2856, %ne3A_2851 : i1
      %add3A_2858 = arith.addi %rem3A_2849, %select_n3A_2848 : i32
      %select_n3A_2859 = arith.select %and3A_2857, %add3A_2858, %rem3A_2849 : i32
      %get3A_2860 = arith.index_cast %select_n3A_2859 : i32 to index
      %get3A_2861 = arith.constant 80 : index
      %get3A_2862 = tpu.vector_load %arg4[%get3A_2860, %get3A_2861] {strides = array<i32>} : memref<4x128xi32, #tpu.memory_space<vmem>>, vector<16xi32>,
      %ge3A_2863 = arith.constant 768 : i32
      %ge3A_2864 = vector.broadcast %ge3A_2863 : i32 to vector<16xi32>
      %ge3A_2865 = arith.cmpi sge, %get3A_2862, %ge3A_2864 : vector<16xi32>
      %lt3A_2866 = arith.constant 1000 : i32
      %lt3A_2867 = vector.broadcast %lt3A_2866 : i32 to vector<16xi32>
      %lt3A_2868 = arith.cmpi slt, %get3A_2862, %lt3A_2867 : vector<16xi32>
      %and3A_2869 = arith.andi %ge3A_2865, %lt3A_2868 : vector<16xi1>
      %add3A_2870 = arith.constant 80 : i32
      %add3A_2871 = vector.broadcast %add3A_2870 : i32 to vector<16xi32>
      %add3A_2872 = arith.addi %iota3A, %add3A_2871 : vector<16xi32>
      tpu.vector_store_idx %arg5[%get3A_2862, %add3A_2872], %broadcast_in_dim3A_1 masked %and3A_2869 : memref<1000x128xf32, #tpu.memory_space<vmem>>[vector<16xi32>, vector<16xi32>], vector<16xf32>, vector<16xi1>
      %jit3A_2873 = arith.constant 4 : i32
      %eq3A_2874 = arith.constant 0 : i32
      %eq3A_2875 = arith.cmpi eq, %jit3A_2873, %eq3A_2874 : i32
      %jit3A_2876 = arith.constant 1 : i32
      %select_n3A_2877 = arith.select %eq3A_2875, %jit3A_2876, %jit3A_2873 : i32
      %rem3A_2878 = arith.remsi %sub3A_2698, %select_n3A_2877 : i32
      %ne3A_2879 = arith.constant 0 : i32
      %ne3A_2880 = arith.cmpi ne, %rem3A_2878, %ne3A_2879 : i32
      %lt3A_2881 = arith.constant 0 : i32
      %lt3A_2882 = arith.cmpi slt, %rem3A_2878, %lt3A_2881 : i32
      %lt3A_2883 = arith.constant 0 : i32
      %lt3A_2884 = arith.cmpi slt, %select_n3A_2877, %lt3A_2883 : i32
      %ne3A_2885 = arith.xori %lt3A_2882, %lt3A_2884 : i1
      %and3A_2886 = arith.andi %ne3A_2885, %ne3A_2880 : i1
      %add3A_2887 = arith.addi %rem3A_2878, %select_n3A_2877 : i32
      %select_n3A_2888 = arith.select %and3A_2886, %add3A_2887, %rem3A_2878 : i32
      %get3A_2889 = arith.index_cast %select_n3A_2888 : i32 to index
      %get3A_2890 = arith.constant 96 : index
      %get3A_2891 = tpu.vector_load %arg4[%get3A_2889, %get3A_2890] {strides = array<i32>} : memref<4x128xi32, #tpu.memory_space<vmem>>, vector<16xi32>,
      %ge3A_2892 = arith.constant 768 : i32
      %ge3A_2893 = vector.broadcast %ge3A_2892 : i32 to vector<16xi32>
      %ge3A_2894 = arith.cmpi sge, %get3A_2891, %ge3A_2893 : vector<16xi32>
      %lt3A_2895 = arith.constant 1000 : i32
      %lt3A_2896 = vector.broadcast %lt3A_2895 : i32 to vector<16xi32>
      %lt3A_2897 = arith.cmpi slt, %get3A_2891, %lt3A_2896 : vector<16xi32>
      %and3A_2898 = arith.andi %ge3A_2894, %lt3A_2897 : vector<16xi1>
      %add3A_2899 = arith.constant 96 : i32
      %add3A_2900 = vector.broadcast %add3A_2899 : i32 to vector<16xi32>
      %add3A_2901 = arith.addi %iota3A, %add3A_2900 : vector<16xi32>
      tpu.vector_store_idx %arg5[%get3A_2891, %add3A_2901], %broadcast_in_dim3A_1 masked %and3A_2898 : memref<1000x128xf32, #tpu.memory_space<vmem>>[vector<16xi32>, vector<16xi32>], vector<16xf32>, vector<16xi1>
      %jit3A_2902 = arith.constant 4 : i32
      %eq3A_2903 = arith.constant 0 : i32
      %eq3A_2904 = arith.cmpi eq, %jit3A_2902, %eq3A_2903 : i32
      %jit3A_2905 = arith.constant 1 : i32
      %select_n3A_2906 = arith.select %eq3A_2904, %jit3A_2905, %jit3A_2902 : i32
      %rem3A_2907 = arith.remsi %sub3A_2698, %select_n3A_2906 : i32
      %ne3A_2908 = arith.constant 0 : i32
      %ne3A_2909 = arith.cmpi ne, %rem3A_2907, %ne3A_2908 : i32
      %lt3A_2910 = arith.constant 0 : i32
      %lt3A_2911 = arith.cmpi slt, %rem3A_2907, %lt3A_2910 : i32
      %lt3A_2912 = arith.constant 0 : i32
      %lt3A_2913 = arith.cmpi slt, %select_n3A_2906, %lt3A_2912 : i32
      %ne3A_2914 = arith.xori %lt3A_2911, %lt3A_2913 : i1
      %and3A_2915 = arith.andi %ne3A_2914, %ne3A_2909 : i1
      %add3A_2916 = arith.addi %rem3A_2907, %select_n3A_2906 : i32
      %select_n3A_2917 = arith.select %and3A_2915, %add3A_2916, %rem3A_2907 : i32
      %get3A_2918 = arith.index_cast %select_n3A_2917 : i32 to index
      %get3A_2919 = arith.constant 112 : index
      %get3A_2920 = tpu.vector_load %arg4[%get3A_2918, %get3A_2919] {strides = array<i32>} : memref<4x128xi32, #tpu.memory_space<vmem>>, vector<16xi32>,
      %ge3A_2921 = arith.constant 768 : i32
      %ge3A_2922 = vector.broadcast %ge3A_2921 : i32 to vector<16xi32>
      %ge3A_2923 = arith.cmpi sge, %get3A_2920, %ge3A_2922 : vector<16xi32>
      %lt3A_2924 = arith.constant 1000 : i32
      %lt3A_2925 = vector.broadcast %lt3A_2924 : i32 to vector<16xi32>
      %lt3A_2926 = arith.cmpi slt, %get3A_2920, %lt3A_2925 : vector<16xi32>
      %and3A_2927 = arith.andi %ge3A_2923, %lt3A_2926 : vector<16xi1>
      %add3A_2928 = arith.constant 112 : i32
      %add3A_2929 = vector.broadcast %add3A_2928 : i32 to vector<16xi32>
      %add3A_2930 = arith.addi %iota3A, %add3A_2929 : vector<16xi32>
      tpu.vector_store_idx %arg5[%get3A_2920, %add3A_2930], %broadcast_in_dim3A_1 masked %and3A_2927 : memref<1000x128xf32, #tpu.memory_space<vmem>>[vector<16xi32>, vector<16xi32>], vector<16xf32>, vector<16xi1>
      %jit3A_2931 = arith.constant 4 : i32
      %eq3A_2932 = arith.constant 0 : i32
      %eq3A_2933 = arith.cmpi eq, %jit3A_2931, %eq3A_2932 : i32
      %jit3A_2934 = arith.constant 1 : i32
      %select_n3A_2935 = arith.select %eq3A_2933, %jit3A_2934, %jit3A_2931 : i32
      %rem3A_2936 = arith.remsi %scan3A_985, %select_n3A_2935 : i32
      %ne3A_2937 = arith.constant 0 : i32
      %ne3A_2938 = arith.cmpi ne, %rem3A_2936, %ne3A_2937 : i32
      %lt3A_2939 = arith.constant 0 : i32
      %lt3A_2940 = arith.cmpi slt, %rem3A_2936, %lt3A_2939 : i32
      %lt3A_2941 = arith.constant 0 : i32
      %lt3A_2942 = arith.cmpi slt, %select_n3A_2935, %lt3A_2941 : i32
      %ne3A_2943 = arith.xori %lt3A_2940, %lt3A_2942 : i1
      %and3A_2944 = arith.andi %ne3A_2943, %ne3A_2938 : i1
      %add3A_2945 = arith.addi %rem3A_2936, %select_n3A_2935 : i32
      %select_n3A_2946 = arith.select %and3A_2944, %add3A_2945, %rem3A_2936 : i32
      %get3A_2947 = arith.index_cast %select_n3A_2946 : i32 to index
      %get3A_2948 = arith.constant 0 : index
      %get3A_2949 = tpu.vector_load %arg4[%get3A_2947, %get3A_2948] {strides = array<i32>} : memref<4x128xi32, #tpu.memory_space<vmem>>, vector<16xi32>,
      %ge3A_2950 = arith.constant 768 : i32
      %ge3A_2951 = vector.broadcast %ge3A_2950 : i32 to vector<16xi32>
      %ge3A_2952 = arith.cmpi sge, %get3A_2949, %ge3A_2951 : vector<16xi32>
      %lt3A_2953 = arith.constant 1000 : i32
      %lt3A_2954 = vector.broadcast %lt3A_2953 : i32 to vector<16xi32>
      %lt3A_2955 = arith.cmpi slt, %get3A_2949, %lt3A_2954 : vector<16xi32>
      %and3A_2956 = arith.andi %ge3A_2952, %lt3A_2955 : vector<16xi1>
      %add3A_2957 = arith.constant 0 : i32
      %add3A_2958 = vector.broadcast %add3A_2957 : i32 to vector<16xi32>
      %add3A_2959 = arith.addi %iota3A, %add3A_2958 : vector<16xi32>
      tpu.vector_store_idx %arg5[%get3A_2949, %add3A_2959], %broadcast_in_dim3A_3 masked %and3A_2956 : memref<1000x128xf32, #tpu.memory_space<vmem>>[vector<16xi32>, vector<16xi32>], vector<16xf32>, vector<16xi1>
      %jit3A_2960 = arith.constant 4 : i32
      %eq3A_2961 = arith.constant 0 : i32
      %eq3A_2962 = arith.cmpi eq, %jit3A_2960, %eq3A_2961 : i32
      %jit3A_2963 = arith.constant 1 : i32
      %select_n3A_2964 = arith.select %eq3A_2962, %jit3A_2963, %jit3A_2960 : i32
      %rem3A_2965 = arith.remsi %scan3A_985, %select_n3A_2964 : i32
      %ne3A_2966 = arith.constant 0 : i32
      %ne3A_2967 = arith.cmpi ne, %rem3A_2965, %ne3A_2966 : i32
      %lt3A_2968 = arith.constant 0 : i32
      %lt3A_2969 = arith.cmpi slt, %rem3A_2965, %lt3A_2968 : i32
      %lt3A_2970 = arith.constant 0 : i32
      %lt3A_2971 = arith.cmpi slt, %select_n3A_2964, %lt3A_2970 : i32
      %ne3A_2972 = arith.xori %lt3A_2969, %lt3A_2971 : i1
      %and3A_2973 = arith.andi %ne3A_2972, %ne3A_2967 : i1
      %add3A_2974 = arith.addi %rem3A_2965, %select_n3A_2964 : i32
      %select_n3A_2975 = arith.select %and3A_2973, %add3A_2974, %rem3A_2965 : i32
      %get3A_2976 = arith.index_cast %select_n3A_2975 : i32 to index
      %get3A_2977 = arith.constant 16 : index
      %get3A_2978 = tpu.vector_load %arg4[%get3A_2976, %get3A_2977] {strides = array<i32>} : memref<4x128xi32, #tpu.memory_space<vmem>>, vector<16xi32>,
      %ge3A_2979 = arith.constant 768 : i32
      %ge3A_2980 = vector.broadcast %ge3A_2979 : i32 to vector<16xi32>
      %ge3A_2981 = arith.cmpi sge, %get3A_2978, %ge3A_2980 : vector<16xi32>
      %lt3A_2982 = arith.constant 1000 : i32
      %lt3A_2983 = vector.broadcast %lt3A_2982 : i32 to vector<16xi32>
      %lt3A_2984 = arith.cmpi slt, %get3A_2978, %lt3A_2983 : vector<16xi32>
      %and3A_2985 = arith.andi %ge3A_2981, %lt3A_2984 : vector<16xi1>
      %add3A_2986 = arith.constant 16 : i32
      %add3A_2987 = vector.broadcast %add3A_2986 : i32 to vector<16xi32>
      %add3A_2988 = arith.addi %iota3A, %add3A_2987 : vector<16xi32>
      tpu.vector_store_idx %arg5[%get3A_2978, %add3A_2988], %broadcast_in_dim3A_3 masked %and3A_2985 : memref<1000x128xf32, #tpu.memory_space<vmem>>[vector<16xi32>, vector<16xi32>], vector<16xf32>, vector<16xi1>
      %jit3A_2989 = arith.constant 4 : i32
      %eq3A_2990 = arith.constant 0 : i32
      %eq3A_2991 = arith.cmpi eq, %jit3A_2989, %eq3A_2990 : i32
      %jit3A_2992 = arith.constant 1 : i32
      %select_n3A_2993 = arith.select %eq3A_2991, %jit3A_2992, %jit3A_2989 : i32
      %rem3A_2994 = arith.remsi %scan3A_985, %select_n3A_2993 : i32
      %ne3A_2995 = arith.constant 0 : i32
      %ne3A_2996 = arith.cmpi ne, %rem3A_2994, %ne3A_2995 : i32
      %lt3A_2997 = arith.constant 0 : i32
      %lt3A_2998 = arith.cmpi slt, %rem3A_2994, %lt3A_2997 : i32
      %lt3A_2999 = arith.constant 0 : i32
      %lt3A_3000 = arith.cmpi slt, %select_n3A_2993, %lt3A_2999 : i32
      %ne3A_3001 = arith.xori %lt3A_2998, %lt3A_3000 : i1
      %and3A_3002 = arith.andi %ne3A_3001, %ne3A_2996 : i1
      %add3A_3003 = arith.addi %rem3A_2994, %select_n3A_2993 : i32
      %select_n3A_3004 = arith.select %and3A_3002, %add3A_3003, %rem3A_2994 : i32
      %get3A_3005 = arith.index_cast %select_n3A_3004 : i32 to index
      %get3A_3006 = arith.constant 32 : index
      %get3A_3007 = tpu.vector_load %arg4[%get3A_3005, %get3A_3006] {strides = array<i32>} : memref<4x128xi32, #tpu.memory_space<vmem>>, vector<16xi32>,
      %ge3A_3008 = arith.constant 768 : i32
      %ge3A_3009 = vector.broadcast %ge3A_3008 : i32 to vector<16xi32>
      %ge3A_3010 = arith.cmpi sge, %get3A_3007, %ge3A_3009 : vector<16xi32>
      %lt3A_3011 = arith.constant 1000 : i32
      %lt3A_3012 = vector.broadcast %lt3A_3011 : i32 to vector<16xi32>
      %lt3A_3013 = arith.cmpi slt, %get3A_3007, %lt3A_3012 : vector<16xi32>
      %and3A_3014 = arith.andi %ge3A_3010, %lt3A_3013 : vector<16xi1>
      %add3A_3015 = arith.constant 32 : i32
      %add3A_3016 = vector.broadcast %add3A_3015 : i32 to vector<16xi32>
      %add3A_3017 = arith.addi %iota3A, %add3A_3016 : vector<16xi32>
      tpu.vector_store_idx %arg5[%get3A_3007, %add3A_3017], %broadcast_in_dim3A_3 masked %and3A_3014 : memref<1000x128xf32, #tpu.memory_space<vmem>>[vector<16xi32>, vector<16xi32>], vector<16xf32>, vector<16xi1>
      %jit3A_3018 = arith.constant 4 : i32
      %eq3A_3019 = arith.constant 0 : i32
      %eq3A_3020 = arith.cmpi eq, %jit3A_3018, %eq3A_3019 : i32
      %jit3A_3021 = arith.constant 1 : i32
      %select_n3A_3022 = arith.select %eq3A_3020, %jit3A_3021, %jit3A_3018 : i32
      %rem3A_3023 = arith.remsi %scan3A_985, %select_n3A_3022 : i32
      %ne3A_3024 = arith.constant 0 : i32
      %ne3A_3025 = arith.cmpi ne, %rem3A_3023, %ne3A_3024 : i32
      %lt3A_3026 = arith.constant 0 : i32
      %lt3A_3027 = arith.cmpi slt, %rem3A_3023, %lt3A_3026 : i32
      %lt3A_3028 = arith.constant 0 : i32
      %lt3A_3029 = arith.cmpi slt, %select_n3A_3022, %lt3A_3028 : i32
      %ne3A_3030 = arith.xori %lt3A_3027, %lt3A_3029 : i1
      %and3A_3031 = arith.andi %ne3A_3030, %ne3A_3025 : i1
      %add3A_3032 = arith.addi %rem3A_3023, %select_n3A_3022 : i32
      %select_n3A_3033 = arith.select %and3A_3031, %add3A_3032, %rem3A_3023 : i32
      %get3A_3034 = arith.index_cast %select_n3A_3033 : i32 to index
      %get3A_3035 = arith.constant 48 : index
      %get3A_3036 = tpu.vector_load %arg4[%get3A_3034, %get3A_3035] {strides = array<i32>} : memref<4x128xi32, #tpu.memory_space<vmem>>, vector<16xi32>,
      %ge3A_3037 = arith.constant 768 : i32
      %ge3A_3038 = vector.broadcast %ge3A_3037 : i32 to vector<16xi32>
      %ge3A_3039 = arith.cmpi sge, %get3A_3036, %ge3A_3038 : vector<16xi32>
      %lt3A_3040 = arith.constant 1000 : i32
      %lt3A_3041 = vector.broadcast %lt3A_3040 : i32 to vector<16xi32>
      %lt3A_3042 = arith.cmpi slt, %get3A_3036, %lt3A_3041 : vector<16xi32>
      %and3A_3043 = arith.andi %ge3A_3039, %lt3A_3042 : vector<16xi1>
      %add3A_3044 = arith.constant 48 : i32
      %add3A_3045 = vector.broadcast %add3A_3044 : i32 to vector<16xi32>
      %add3A_3046 = arith.addi %iota3A, %add3A_3045 : vector<16xi32>
      tpu.vector_store_idx %arg5[%get3A_3036, %add3A_3046], %broadcast_in_dim3A_3 masked %and3A_3043 : memref<1000x128xf32, #tpu.memory_space<vmem>>[vector<16xi32>, vector<16xi32>], vector<16xf32>, vector<16xi1>
      %jit3A_3047 = arith.constant 4 : i32
      %eq3A_3048 = arith.constant 0 : i32
      %eq3A_3049 = arith.cmpi eq, %jit3A_3047, %eq3A_3048 : i32
      %jit3A_3050 = arith.constant 1 : i32
      %select_n3A_3051 = arith.select %eq3A_3049, %jit3A_3050, %jit3A_3047 : i32
      %rem3A_3052 = arith.remsi %scan3A_985, %select_n3A_3051 : i32
      %ne3A_3053 = arith.constant 0 : i32
      %ne3A_3054 = arith.cmpi ne, %rem3A_3052, %ne3A_3053 : i32
      %lt3A_3055 = arith.constant 0 : i32
      %lt3A_3056 = arith.cmpi slt, %rem3A_3052, %lt3A_3055 : i32
      %lt3A_3057 = arith.constant 0 : i32
      %lt3A_3058 = arith.cmpi slt, %select_n3A_3051, %lt3A_3057 : i32
      %ne3A_3059 = arith.xori %lt3A_3056, %lt3A_3058 : i1
      %and3A_3060 = arith.andi %ne3A_3059, %ne3A_3054 : i1
      %add3A_3061 = arith.addi %rem3A_3052, %select_n3A_3051 : i32
      %select_n3A_3062 = arith.select %and3A_3060, %add3A_3061, %rem3A_3052 : i32
      %get3A_3063 = arith.index_cast %select_n3A_3062 : i32 to index
      %get3A_3064 = arith.constant 64 : index
      %get3A_3065 = tpu.vector_load %arg4[%get3A_3063, %get3A_3064] {strides = array<i32>} : memref<4x128xi32, #tpu.memory_space<vmem>>, vector<16xi32>,
      %ge3A_3066 = arith.constant 768 : i32
      %ge3A_3067 = vector.broadcast %ge3A_3066 : i32 to vector<16xi32>
      %ge3A_3068 = arith.cmpi sge, %get3A_3065, %ge3A_3067 : vector<16xi32>
      %lt3A_3069 = arith.constant 1000 : i32
      %lt3A_3070 = vector.broadcast %lt3A_3069 : i32 to vector<16xi32>
      %lt3A_3071 = arith.cmpi slt, %get3A_3065, %lt3A_3070 : vector<16xi32>
      %and3A_3072 = arith.andi %ge3A_3068, %lt3A_3071 : vector<16xi1>
      %add3A_3073 = arith.constant 64 : i32
      %add3A_3074 = vector.broadcast %add3A_3073 : i32 to vector<16xi32>
      %add3A_3075 = arith.addi %iota3A, %add3A_3074 : vector<16xi32>
      tpu.vector_store_idx %arg5[%get3A_3065, %add3A_3075], %broadcast_in_dim3A_3 masked %and3A_3072 : memref<1000x128xf32, #tpu.memory_space<vmem>>[vector<16xi32>, vector<16xi32>], vector<16xf32>, vector<16xi1>
      %jit3A_3076 = arith.constant 4 : i32
      %eq3A_3077 = arith.constant 0 : i32
      %eq3A_3078 = arith.cmpi eq, %jit3A_3076, %eq3A_3077 : i32
      %jit3A_3079 = arith.constant 1 : i32
      %select_n3A_3080 = arith.select %eq3A_3078, %jit3A_3079, %jit3A_3076 : i32
      %rem3A_3081 = arith.remsi %scan3A_985, %select_n3A_3080 : i32
      %ne3A_3082 = arith.constant 0 : i32
      %ne3A_3083 = arith.cmpi ne, %rem3A_3081, %ne3A_3082 : i32
      %lt3A_3084 = arith.constant 0 : i32
      %lt3A_3085 = arith.cmpi slt, %rem3A_3081, %lt3A_3084 : i32
      %lt3A_3086 = arith.constant 0 : i32
      %lt3A_3087 = arith.cmpi slt, %select_n3A_3080, %lt3A_3086 : i32
      %ne3A_3088 = arith.xori %lt3A_3085, %lt3A_3087 : i1
      %and3A_3089 = arith.andi %ne3A_3088, %ne3A_3083 : i1
      %add3A_3090 = arith.addi %rem3A_3081, %select_n3A_3080 : i32
      %select_n3A_3091 = arith.select %and3A_3089, %add3A_3090, %rem3A_3081 : i32
      %get3A_3092 = arith.index_cast %select_n3A_3091 : i32 to index
      %get3A_3093 = arith.constant 80 : index
      %get3A_3094 = tpu.vector_load %arg4[%get3A_3092, %get3A_3093] {strides = array<i32>} : memref<4x128xi32, #tpu.memory_space<vmem>>, vector<16xi32>,
      %ge3A_3095 = arith.constant 768 : i32
      %ge3A_3096 = vector.broadcast %ge3A_3095 : i32 to vector<16xi32>
      %ge3A_3097 = arith.cmpi sge, %get3A_3094, %ge3A_3096 : vector<16xi32>
      %lt3A_3098 = arith.constant 1000 : i32
      %lt3A_3099 = vector.broadcast %lt3A_3098 : i32 to vector<16xi32>
      %lt3A_3100 = arith.cmpi slt, %get3A_3094, %lt3A_3099 : vector<16xi32>
      %and3A_3101 = arith.andi %ge3A_3097, %lt3A_3100 : vector<16xi1>
      %add3A_3102 = arith.constant 80 : i32
      %add3A_3103 = vector.broadcast %add3A_3102 : i32 to vector<16xi32>
      %add3A_3104 = arith.addi %iota3A, %add3A_3103 : vector<16xi32>
      tpu.vector_store_idx %arg5[%get3A_3094, %add3A_3104], %broadcast_in_dim3A_3 masked %and3A_3101 : memref<1000x128xf32, #tpu.memory_space<vmem>>[vector<16xi32>, vector<16xi32>], vector<16xf32>, vector<16xi1>
      %jit3A_3105 = arith.constant 4 : i32
      %eq3A_3106 = arith.constant 0 : i32
      %eq3A_3107 = arith.cmpi eq, %jit3A_3105, %eq3A_3106 : i32
      %jit3A_3108 = arith.constant 1 : i32
      %select_n3A_3109 = arith.select %eq3A_3107, %jit3A_3108, %jit3A_3105 : i32
      %rem3A_3110 = arith.remsi %scan3A_985, %select_n3A_3109 : i32
      %ne3A_3111 = arith.constant 0 : i32
      %ne3A_3112 = arith.cmpi ne, %rem3A_3110, %ne3A_3111 : i32
      %lt3A_3113 = arith.constant 0 : i32
      %lt3A_3114 = arith.cmpi slt, %rem3A_3110, %lt3A_3113 : i32
      %lt3A_3115 = arith.constant 0 : i32
      %lt3A_3116 = arith.cmpi slt, %select_n3A_3109, %lt3A_3115 : i32
      %ne3A_3117 = arith.xori %lt3A_3114, %lt3A_3116 : i1
      %and3A_3118 = arith.andi %ne3A_3117, %ne3A_3112 : i1
      %add3A_3119 = arith.addi %rem3A_3110, %select_n3A_3109 : i32
      %select_n3A_3120 = arith.select %and3A_3118, %add3A_3119, %rem3A_3110 : i32
      %get3A_3121 = arith.index_cast %select_n3A_3120 : i32 to index
      %get3A_3122 = arith.constant 96 : index
      %get3A_3123 = tpu.vector_load %arg4[%get3A_3121, %get3A_3122] {strides = array<i32>} : memref<4x128xi32, #tpu.memory_space<vmem>>, vector<16xi32>,
      %ge3A_3124 = arith.constant 768 : i32
      %ge3A_3125 = vector.broadcast %ge3A_3124 : i32 to vector<16xi32>
      %ge3A_3126 = arith.cmpi sge, %get3A_3123, %ge3A_3125 : vector<16xi32>
      %lt3A_3127 = arith.constant 1000 : i32
      %lt3A_3128 = vector.broadcast %lt3A_3127 : i32 to vector<16xi32>
      %lt3A_3129 = arith.cmpi slt, %get3A_3123, %lt3A_3128 : vector<16xi32>
      %and3A_3130 = arith.andi %ge3A_3126, %lt3A_3129 : vector<16xi1>
      %add3A_3131 = arith.constant 96 : i32
      %add3A_3132 = vector.broadcast %add3A_3131 : i32 to vector<16xi32>
      %add3A_3133 = arith.addi %iota3A, %add3A_3132 : vector<16xi32>
      tpu.vector_store_idx %arg5[%get3A_3123, %add3A_3133], %broadcast_in_dim3A_3 masked %and3A_3130 : memref<1000x128xf32, #tpu.memory_space<vmem>>[vector<16xi32>, vector<16xi32>], vector<16xf32>, vector<16xi1>
      %jit3A_3134 = arith.constant 4 : i32
      %eq3A_3135 = arith.constant 0 : i32
      %eq3A_3136 = arith.cmpi eq, %jit3A_3134, %eq3A_3135 : i32
      %jit3A_3137 = arith.constant 1 : i32
      %select_n3A_3138 = arith.select %eq3A_3136, %jit3A_3137, %jit3A_3134 : i32
      %rem3A_3139 = arith.remsi %scan3A_985, %select_n3A_3138 : i32
      %ne3A_3140 = arith.constant 0 : i32
      %ne3A_3141 = arith.cmpi ne, %rem3A_3139, %ne3A_3140 : i32
      %lt3A_3142 = arith.constant 0 : i32
      %lt3A_3143 = arith.cmpi slt, %rem3A_3139, %lt3A_3142 : i32
      %lt3A_3144 = arith.constant 0 : i32
      %lt3A_3145 = arith.cmpi slt, %select_n3A_3138, %lt3A_3144 : i32
      %ne3A_3146 = arith.xori %lt3A_3143, %lt3A_3145 : i1
      %and3A_3147 = arith.andi %ne3A_3146, %ne3A_3141 : i1
      %add3A_3148 = arith.addi %rem3A_3139, %select_n3A_3138 : i32
      %select_n3A_3149 = arith.select %and3A_3147, %add3A_3148, %rem3A_3139 : i32
      %get3A_3150 = arith.index_cast %select_n3A_3149 : i32 to index
      %get3A_3151 = arith.constant 112 : index
      %get3A_3152 = tpu.vector_load %arg4[%get3A_3150, %get3A_3151] {strides = array<i32>} : memref<4x128xi32, #tpu.memory_space<vmem>>, vector<16xi32>,
      %ge3A_3153 = arith.constant 768 : i32
      %ge3A_3154 = vector.broadcast %ge3A_3153 : i32 to vector<16xi32>
      %ge3A_3155 = arith.cmpi sge, %get3A_3152, %ge3A_3154 : vector<16xi32>
      %lt3A_3156 = arith.constant 1000 : i32
      %lt3A_3157 = vector.broadcast %lt3A_3156 : i32 to vector<16xi32>
      %lt3A_3158 = arith.cmpi slt, %get3A_3152, %lt3A_3157 : vector<16xi32>
      %and3A_3159 = arith.andi %ge3A_3155, %lt3A_3158 : vector<16xi1>
      %add3A_3160 = arith.constant 112 : i32
      %add3A_3161 = vector.broadcast %add3A_3160 : i32 to vector<16xi32>
      %add3A_3162 = arith.addi %iota3A, %add3A_3161 : vector<16xi32>
      tpu.vector_store_idx %arg5[%get3A_3152, %add3A_3162], %broadcast_in_dim3A_3 masked %and3A_3159 : memref<1000x128xf32, #tpu.memory_space<vmem>>[vector<16xi32>, vector<16xi32>], vector<16xf32>, vector<16xi1>
      %mul3A_3163 = arith.constant 32 : i32
      %mul3A_3164 = arith.muli %scan3A_985, %mul3A_3163 : i32
      %add3A_3165 = arith.addi %mul3A_3164, %add3A : i32
      %jit3A_3166 = arith.constant 32 : i32
      %div3A_3167 = arith.divsi %add3A_3165, %jit3A_3166 : i32
      %sign3A_3168 = arith.constant 0 : i32
      %sign3A_3169 = arith.cmpi sgt, %add3A_3165, %sign3A_3168 : i32
      %sign3A_3170 = arith.extui %sign3A_3169 : i1 to i32
      %sign3A_3171 = arith.constant 0 : i32
      %sign3A_3172 = arith.cmpi slt, %add3A_3165, %sign3A_3171 : i32
      %sign3A_3173 = arith.extui %sign3A_3172 : i1 to i32
      %sign3A_3174 = arith.subi %sign3A_3170, %sign3A_3173 : i32
      %sign3A_3175 = arith.constant 0 : i32
      %sign3A_3176 = arith.cmpi sgt, %jit3A_3166, %sign3A_3175 : i32
      %sign3A_3177 = arith.extui %sign3A_3176 : i1 to i32
      %sign3A_3178 = arith.constant 0 : i32
      %sign3A_3179 = arith.cmpi slt, %jit3A_3166, %sign3A_3178 : i32
      %sign3A_3180 = arith.extui %sign3A_3179 : i1 to i32
      %sign3A_3181 = arith.subi %sign3A_3177, %sign3A_3180 : i32
      %ne3A_3182 = arith.cmpi ne, %sign3A_3174, %sign3A_3181 : i32
      %rem3A_3183 = arith.remsi %add3A_3165, %jit3A_3166 : i32
      %ne3A_3184 = arith.constant 0 : i32
      %ne3A_3185 = arith.cmpi ne, %rem3A_3183, %ne3A_3184 : i32
      %and3A_3186 = arith.andi %ne3A_3182, %ne3A_3185 : i1
      %sub3A_3187 = arith.constant 1 : i32
      %sub3A_3188 = arith.subi %div3A_3167, %sub3A_3187 : i32
      %select_n3A_3189 = arith.select %and3A_3186, %sub3A_3188, %div3A_3167 : i32
      %jit3A_3190 = arith.constant 32 : i32
      %eq3A_3191 = arith.constant 0 : i32
      %eq3A_3192 = arith.cmpi eq, %jit3A_3190, %eq3A_3191 : i32
      %jit3A_3193 = arith.constant 1 : i32
      %select_n3A_3194 = arith.select %eq3A_3192, %jit3A_3193, %jit3A_3190 : i32
      %rem3A_3195 = arith.remsi %add3A_3165, %select_n3A_3194 : i32
      %ne3A_3196 = arith.constant 0 : i32
      %ne3A_3197 = arith.cmpi ne, %rem3A_3195, %ne3A_3196 : i32
      %lt3A_3198 = arith.constant 0 : i32
      %lt3A_3199 = arith.cmpi slt, %rem3A_3195, %lt3A_3198 : i32
      %lt3A_3200 = arith.constant 0 : i32
      %lt3A_3201 = arith.cmpi slt, %select_n3A_3194, %lt3A_3200 : i32
      %ne3A_3202 = arith.xori %lt3A_3199, %lt3A_3201 : i1
      %and3A_3203 = arith.andi %ne3A_3202, %ne3A_3197 : i1
      %add3A_3204 = arith.addi %rem3A_3195, %select_n3A_3194 : i32
      %select_n3A_3205 = arith.select %and3A_3203, %add3A_3204, %rem3A_3195 : i32
      %mul3A_3206 = arith.constant 128 : i32
      %mul3A_3207 = arith.muli %select_n3A_3205, %mul3A_3206 : i32
      %dma_start3A_3208 = arith.constant 768 : i32
      %dma_start3A_3209 = arith.constant 0 : i32
      %dma_start3A_3210 = tpu.memref_slice %arg5[%dma_start3A_3208, %dma_start3A_3209] : memref<1000x128xf32, #tpu.memory_space<vmem>> -> memref<232x128xf32, #tpu.memory_space<vmem>>
      %dma_start3A_3211 = arith.constant 768 : i32
      %dma_start3A_3212 = tpu.memref_slice %arg3[%select_n3A_3189, %dma_start3A_3211, %mul3A_3207] : memref<26x1000x4096xf32, #tpu.memory_space<hbm>> -> memref<1x232x128xf32, #tpu.memory_space<hbm>>
      %dma_start3A_3213 = tpu.memref_squeeze %dma_start3A_3212 : memref<1x232x128xf32, #tpu.memory_space<hbm>> -> memref<232x128xf32, #tpu.memory_space<hbm>>
      %dma_start3A_3214 = arith.constant 768 : i32
      %dma_start3A_3215 = tpu.memref_slice %arg3[%select_n3A_3189, %dma_start3A_3214, %mul3A_3207] : memref<26x1000x4096xf32, #tpu.memory_space<hbm>> -> memref<1x232x128xf32, #tpu.memory_space<hbm>>
      %dma_start3A_3216 = tpu.memref_squeeze %dma_start3A_3215 : memref<1x232x128xf32, #tpu.memory_space<hbm>> -> memref<232x128xf32, #tpu.memory_space<hbm>>
      %dma_start3A_3217 = arith.constant 768 : i32
      %dma_start3A_3218 = arith.constant 0 : i32
      %dma_start3A_3219 = tpu.memref_slice %arg5[%dma_start3A_3217, %dma_start3A_3218] : memref<1000x128xf32, #tpu.memory_space<vmem>> -> memref<232x128xf32, #tpu.memory_space<vmem>>
      tpu.enqueue_dma source(%dma_start3A_3219 : memref<232x128xf32, #tpu.memory_space<vmem>>) target(%dma_start3A_3216 : memref<232x128xf32, #tpu.memory_space<hbm>>) target_semaphore(%arg13 : memref<!tpu.dma_semaphore, #tpu.memory_space<semaphore_mem>>)
      %add3A_3220 = arith.constant 4 : i32
      %add3A_3221 = arith.addi %scan3A_985, %add3A_3220 : i32
      %sub3A_3222 = arith.constant 1 : i32
      %sub3A_3223 = arith.subi %add3A_3221, %sub3A_3222 : i32
      %lt3A_3224 = arith.constant 26 : i32
      %lt3A_3225 = arith.cmpi slt, %sub3A_3223, %lt3A_3224 : i32
      %jit3A_3226 = arith.constant 4 : i32
      %eq3A_3227 = arith.constant 0 : i32
      %eq3A_3228 = arith.cmpi eq, %jit3A_3226, %eq3A_3227 : i32
      %jit3A_3229 = arith.constant 1 : i32
      %select_n3A_3230 = arith.select %eq3A_3228, %jit3A_3229, %jit3A_3226 : i32
      %rem3A_3231 = arith.remsi %sub3A_3223, %select_n3A_3230 : i32
      %ne3A_3232 = arith.constant 0 : i32
      %ne3A_3233 = arith.cmpi ne, %rem3A_3231, %ne3A_3232 : i32
      %lt3A_3234 = arith.constant 0 : i32
      %lt3A_3235 = arith.cmpi slt, %rem3A_3231, %lt3A_3234 : i32
      %lt3A_3236 = arith.constant 0 : i32
      %lt3A_3237 = arith.cmpi slt, %select_n3A_3230, %lt3A_3236 : i32
      %ne3A_3238 = arith.xori %lt3A_3235, %lt3A_3237 : i1
      %and3A_3239 = arith.andi %ne3A_3238, %ne3A_3233 : i1
      %add3A_3240 = arith.addi %rem3A_3231, %select_n3A_3230 : i32
      %select_n3A_3241 = arith.select %and3A_3239, %add3A_3240, %rem3A_3231 : i32
      %eq3A_3242 = arith.constant 0 : i32
      %eq3A_3243 = arith.cmpi eq, %select_n3A_3241, %eq3A_3242 : i32
      %and3A_3244 = arith.andi %lt3A_3225, %eq3A_3243 : i1
      %convert_element_type3A_3245 = arith.extui %and3A_3244 : i1 to i32
      %cond3A_3246 = arith.constant 0 : i32
      %cond3A_3247 = arith.cmpi ne, %convert_element_type3A_3245, %cond3A_3246 : i32
      scf.if %cond3A_3247 {
        %mul3A_3320 = arith.constant 32 : i32
        %mul3A_3321 = arith.muli %sub3A_3223, %mul3A_3320 : i32
        %add3A_3322 = arith.addi %mul3A_3321, %add3A : i32
        %jit3A_3323 = arith.constant 32 : i32
        %div3A_3324 = arith.divsi %add3A_3322, %jit3A_3323 : i32
        %sign3A_3325 = arith.constant 0 : i32
        %sign3A_3326 = arith.cmpi sgt, %add3A_3322, %sign3A_3325 : i32
        %sign3A_3327 = arith.extui %sign3A_3326 : i1 to i32
        %sign3A_3328 = arith.constant 0 : i32
        %sign3A_3329 = arith.cmpi slt, %add3A_3322, %sign3A_3328 : i32
        %sign3A_3330 = arith.extui %sign3A_3329 : i1 to i32
        %sign3A_3331 = arith.subi %sign3A_3327, %sign3A_3330 : i32
        %sign3A_3332 = arith.constant 0 : i32
        %sign3A_3333 = arith.cmpi sgt, %jit3A_3323, %sign3A_3332 : i32
        %sign3A_3334 = arith.extui %sign3A_3333 : i1 to i32
        %sign3A_3335 = arith.constant 0 : i32
        %sign3A_3336 = arith.cmpi slt, %jit3A_3323, %sign3A_3335 : i32
        %sign3A_3337 = arith.extui %sign3A_3336 : i1 to i32
        %sign3A_3338 = arith.subi %sign3A_3334, %sign3A_3337 : i32
        %ne3A_3339 = arith.cmpi ne, %sign3A_3331, %sign3A_3338 : i32
        %rem3A_3340 = arith.remsi %add3A_3322, %jit3A_3323 : i32
        %ne3A_3341 = arith.constant 0 : i32
        %ne3A_3342 = arith.cmpi ne, %rem3A_3340, %ne3A_3341 : i32
        %and3A_3343 = arith.andi %ne3A_3339, %ne3A_3342 : i1
        %sub3A_3344 = arith.constant 1 : i32
        %sub3A_3345 = arith.subi %div3A_3324, %sub3A_3344 : i32
        %select_n3A_3346 = arith.select %and3A_3343, %sub3A_3345, %div3A_3324 : i32
        %jit3A_3347 = arith.constant 32 : i32
        %eq3A_3348 = arith.constant 0 : i32
        %eq3A_3349 = arith.cmpi eq, %jit3A_3347, %eq3A_3348 : i32
        %jit3A_3350 = arith.constant 1 : i32
        %select_n3A_3351 = arith.select %eq3A_3349, %jit3A_3350, %jit3A_3347 : i32
        %rem3A_3352 = arith.remsi %add3A_3322, %select_n3A_3351 : i32
        %ne3A_3353 = arith.constant 0 : i32
        %ne3A_3354 = arith.cmpi ne, %rem3A_3352, %ne3A_3353 : i32
        %lt3A_3355 = arith.constant 0 : i32
        %lt3A_3356 = arith.cmpi slt, %rem3A_3352, %lt3A_3355 : i32
        %lt3A_3357 = arith.constant 0 : i32
        %lt3A_3358 = arith.cmpi slt, %select_n3A_3351, %lt3A_3357 : i32
        %ne3A_3359 = arith.xori %lt3A_3356, %lt3A_3358 : i1
        %and3A_3360 = arith.andi %ne3A_3359, %ne3A_3354 : i1
        %add3A_3361 = arith.addi %rem3A_3352, %select_n3A_3351 : i32
        %select_n3A_3362 = arith.select %and3A_3360, %add3A_3361, %rem3A_3352 : i32
        %mul3A_3363 = arith.constant 128 : i32
        %mul3A_3364 = arith.muli %select_n3A_3362, %mul3A_3363 : i32
        %dma_start3A_3365 = arith.constant 0 : i32
        %dma_start3A_3366 = arith.constant 0 : i32
        %dma_start3A_3367 = tpu.memref_slice %arg4[%dma_start3A_3365, %dma_start3A_3366] : memref<4x128xi32, #tpu.memory_space<vmem>> -> memref<1x128xi32, #tpu.memory_space<vmem>>
        %dma_start3A_3368 = tpu.memref_squeeze %dma_start3A_3367 : memref<1x128xi32, #tpu.memory_space<vmem>> -> memref<128xi32, #tpu.memory_space<vmem>>
        %dma_start3A_3369 = tpu.memref_slice %arg2[%select_n3A_3346, %mul3A_3364] : memref<26x4096xi32, #tpu.memory_space<hbm>> -> memref<1x128xi32, #tpu.memory_space<hbm>>
        %dma_start3A_3370 = tpu.memref_squeeze %dma_start3A_3369 : memref<1x128xi32, #tpu.memory_space<hbm>> -> memref<128xi32, #tpu.memory_space<hbm>>
        %dma_start3A_3371 = arith.constant 0 : i32
        %dma_start3A_3372 = tpu.memref_slice %arg4[%dma_start3A_3365, %dma_start3A_3371] : memref<4x128xi32, #tpu.memory_space<vmem>> -> memref<1x128xi32, #tpu.memory_space<vmem>>
        %dma_start3A_3373 = tpu.memref_squeeze %dma_start3A_3372 : memref<1x128xi32, #tpu.memory_space<vmem>> -> memref<128xi32, #tpu.memory_space<vmem>>
        %dma_start3A_3374 = tpu.memref_slice %arg2[%select_n3A_3346, %mul3A_3364] : memref<26x4096xi32, #tpu.memory_space<hbm>> -> memref<1x128xi32, #tpu.memory_space<hbm>>
        %dma_start3A_3375 = tpu.memref_squeeze %dma_start3A_3374 : memref<1x128xi32, #tpu.memory_space<hbm>> -> memref<128xi32, #tpu.memory_space<hbm>>
        tpu.enqueue_dma source(%dma_start3A_3375 : memref<128xi32, #tpu.memory_space<hbm>>) target(%dma_start3A_3373 : memref<128xi32, #tpu.memory_space<vmem>>) target_semaphore(%arg6 : memref<!tpu.dma_semaphore, #tpu.memory_space<semaphore_mem>>)
      } else {
      }
      %lt3A_3248 = arith.constant 26 : i32
      %lt3A_3249 = arith.cmpi slt, %sub3A_3223, %lt3A_3248 : i32
      %jit3A_3250 = arith.constant 4 : i32
      %eq3A_3251 = arith.constant 0 : i32
      %eq3A_3252 = arith.cmpi eq, %jit3A_3250, %eq3A_3251 : i32
      %jit3A_3253 = arith.constant 1 : i32
      %select_n3A_3254 = arith.select %eq3A_3252, %jit3A_3253, %jit3A_3250 : i32
      %rem3A_3255 = arith.remsi %sub3A_3223, %select_n3A_3254 : i32
      %ne3A_3256 = arith.constant 0 : i32
      %ne3A_3257 = arith.cmpi ne, %rem3A_3255, %ne3A_3256 : i32
      %lt3A_3258 = arith.constant 0 : i32
      %lt3A_3259 = arith.cmpi slt, %rem3A_3255, %lt3A_3258 : i32
      %lt3A_3260 = arith.constant 0 : i32
      %lt3A_3261 = arith.cmpi slt, %select_n3A_3254, %lt3A_3260 : i32
      %ne3A_3262 = arith.xori %lt3A_3259, %lt3A_3261 : i1
      %and3A_3263 = arith.andi %ne3A_3262, %ne3A_3257 : i1
      %add3A_3264 = arith.addi %rem3A_3255, %select_n3A_3254 : i32
      %select_n3A_3265 = arith.select %and3A_3263, %add3A_3264, %rem3A_3255 : i32
      %eq3A_3266 = arith.constant 1 : i32
      %eq3A_3267 = arith.cmpi eq, %select_n3A_3265, %eq3A_3266 : i32
      %and3A_3268 = arith.andi %lt3A_3249, %eq3A_3267 : i1
      %convert_element_type3A_3269 = arith.extui %and3A_3268 : i1 to i32
      %cond3A_3270 = arith.constant 0 : i32
      %cond3A_3271 = arith.cmpi ne, %convert_element_type3A_3269, %cond3A_3270 : i32
      scf.if %cond3A_3271 {
        %mul3A_3320 = arith.constant 32 : i32
        %mul3A_3321 = arith.muli %sub3A_3223, %mul3A_3320 : i32
        %add3A_3322 = arith.addi %mul3A_3321, %add3A : i32
        %jit3A_3323 = arith.constant 32 : i32
        %div3A_3324 = arith.divsi %add3A_3322, %jit3A_3323 : i32
        %sign3A_3325 = arith.constant 0 : i32
        %sign3A_3326 = arith.cmpi sgt, %add3A_3322, %sign3A_3325 : i32
        %sign3A_3327 = arith.extui %sign3A_3326 : i1 to i32
        %sign3A_3328 = arith.constant 0 : i32
        %sign3A_3329 = arith.cmpi slt, %add3A_3322, %sign3A_3328 : i32
        %sign3A_3330 = arith.extui %sign3A_3329 : i1 to i32
        %sign3A_3331 = arith.subi %sign3A_3327, %sign3A_3330 : i32
        %sign3A_3332 = arith.constant 0 : i32
        %sign3A_3333 = arith.cmpi sgt, %jit3A_3323, %sign3A_3332 : i32
        %sign3A_3334 = arith.extui %sign3A_3333 : i1 to i32
        %sign3A_3335 = arith.constant 0 : i32
        %sign3A_3336 = arith.cmpi slt, %jit3A_3323, %sign3A_3335 : i32
        %sign3A_3337 = arith.extui %sign3A_3336 : i1 to i32
        %sign3A_3338 = arith.subi %sign3A_3334, %sign3A_3337 : i32
        %ne3A_3339 = arith.cmpi ne, %sign3A_3331, %sign3A_3338 : i32
        %rem3A_3340 = arith.remsi %add3A_3322, %jit3A_3323 : i32
        %ne3A_3341 = arith.constant 0 : i32
        %ne3A_3342 = arith.cmpi ne, %rem3A_3340, %ne3A_3341 : i32
        %and3A_3343 = arith.andi %ne3A_3339, %ne3A_3342 : i1
        %sub3A_3344 = arith.constant 1 : i32
        %sub3A_3345 = arith.subi %div3A_3324, %sub3A_3344 : i32
        %select_n3A_3346 = arith.select %and3A_3343, %sub3A_3345, %div3A_3324 : i32
        %jit3A_3347 = arith.constant 32 : i32
        %eq3A_3348 = arith.constant 0 : i32
        %eq3A_3349 = arith.cmpi eq, %jit3A_3347, %eq3A_3348 : i32
        %jit3A_3350 = arith.constant 1 : i32
        %select_n3A_3351 = arith.select %eq3A_3349, %jit3A_3350, %jit3A_3347 : i32
        %rem3A_3352 = arith.remsi %add3A_3322, %select_n3A_3351 : i32
        %ne3A_3353 = arith.constant 0 : i32
        %ne3A_3354 = arith.cmpi ne, %rem3A_3352, %ne3A_3353 : i32
        %lt3A_3355 = arith.constant 0 : i32
        %lt3A_3356 = arith.cmpi slt, %rem3A_3352, %lt3A_3355 : i32
        %lt3A_3357 = arith.constant 0 : i32
        %lt3A_3358 = arith.cmpi slt, %select_n3A_3351, %lt3A_3357 : i32
        %ne3A_3359 = arith.xori %lt3A_3356, %lt3A_3358 : i1
        %and3A_3360 = arith.andi %ne3A_3359, %ne3A_3354 : i1
        %add3A_3361 = arith.addi %rem3A_3352, %select_n3A_3351 : i32
        %select_n3A_3362 = arith.select %and3A_3360, %add3A_3361, %rem3A_3352 : i32
        %mul3A_3363 = arith.constant 128 : i32
        %mul3A_3364 = arith.muli %select_n3A_3362, %mul3A_3363 : i32
        %dma_start3A_3365 = arith.constant 1 : i32
        %dma_start3A_3366 = arith.constant 0 : i32
        %dma_start3A_3367 = tpu.memref_slice %arg4[%dma_start3A_3365, %dma_start3A_3366] : memref<4x128xi32, #tpu.memory_space<vmem>> -> memref<1x128xi32, #tpu.memory_space<vmem>>
        %dma_start3A_3368 = tpu.memref_squeeze %dma_start3A_3367 : memref<1x128xi32, #tpu.memory_space<vmem>> -> memref<128xi32, #tpu.memory_space<vmem>>
        %dma_start3A_3369 = tpu.memref_slice %arg2[%select_n3A_3346, %mul3A_3364] : memref<26x4096xi32, #tpu.memory_space<hbm>> -> memref<1x128xi32, #tpu.memory_space<hbm>>
        %dma_start3A_3370 = tpu.memref_squeeze %dma_start3A_3369 : memref<1x128xi32, #tpu.memory_space<hbm>> -> memref<128xi32, #tpu.memory_space<hbm>>
        %dma_start3A_3371 = arith.constant 0 : i32
        %dma_start3A_3372 = tpu.memref_slice %arg4[%dma_start3A_3365, %dma_start3A_3371] : memref<4x128xi32, #tpu.memory_space<vmem>> -> memref<1x128xi32, #tpu.memory_space<vmem>>
        %dma_start3A_3373 = tpu.memref_squeeze %dma_start3A_3372 : memref<1x128xi32, #tpu.memory_space<vmem>> -> memref<128xi32, #tpu.memory_space<vmem>>
        %dma_start3A_3374 = tpu.memref_slice %arg2[%select_n3A_3346, %mul3A_3364] : memref<26x4096xi32, #tpu.memory_space<hbm>> -> memref<1x128xi32, #tpu.memory_space<hbm>>
        %dma_start3A_3375 = tpu.memref_squeeze %dma_start3A_3374 : memref<1x128xi32, #tpu.memory_space<hbm>> -> memref<128xi32, #tpu.memory_space<hbm>>
        tpu.enqueue_dma source(%dma_start3A_3375 : memref<128xi32, #tpu.memory_space<hbm>>) target(%dma_start3A_3373 : memref<128xi32, #tpu.memory_space<vmem>>) target_semaphore(%arg7 : memref<!tpu.dma_semaphore, #tpu.memory_space<semaphore_mem>>)
      } else {
      }
      %lt3A_3272 = arith.constant 26 : i32
      %lt3A_3273 = arith.cmpi slt, %sub3A_3223, %lt3A_3272 : i32
      %jit3A_3274 = arith.constant 4 : i32
      %eq3A_3275 = arith.constant 0 : i32
      %eq3A_3276 = arith.cmpi eq, %jit3A_3274, %eq3A_3275 : i32
      %jit3A_3277 = arith.constant 1 : i32
      %select_n3A_3278 = arith.select %eq3A_3276, %jit3A_3277, %jit3A_3274 : i32
      %rem3A_3279 = arith.remsi %sub3A_3223, %select_n3A_3278 : i32
      %ne3A_3280 = arith.constant 0 : i32
      %ne3A_3281 = arith.cmpi ne, %rem3A_3279, %ne3A_3280 : i32
      %lt3A_3282 = arith.constant 0 : i32
      %lt3A_3283 = arith.cmpi slt, %rem3A_3279, %lt3A_3282 : i32
      %lt3A_3284 = arith.constant 0 : i32
      %lt3A_3285 = arith.cmpi slt, %select_n3A_3278, %lt3A_3284 : i32
      %ne3A_3286 = arith.xori %lt3A_3283, %lt3A_3285 : i1
      %and3A_3287 = arith.andi %ne3A_3286, %ne3A_3281 : i1
      %add3A_3288 = arith.addi %rem3A_3279, %select_n3A_3278 : i32
      %select_n3A_3289 = arith.select %and3A_3287, %add3A_3288, %rem3A_3279 : i32
      %eq3A_3290 = arith.constant 2 : i32
      %eq3A_3291 = arith.cmpi eq, %select_n3A_3289, %eq3A_3290 : i32
      %and3A_3292 = arith.andi %lt3A_3273, %eq3A_3291 : i1
      %convert_element_type3A_3293 = arith.extui %and3A_3292 : i1 to i32
      %cond3A_3294 = arith.constant 0 : i32
      %cond3A_3295 = arith.cmpi ne, %convert_element_type3A_3293, %cond3A_3294 : i32
      scf.if %cond3A_3295 {
        %mul3A_3320 = arith.constant 32 : i32
        %mul3A_3321 = arith.muli %sub3A_3223, %mul3A_3320 : i32
        %add3A_3322 = arith.addi %mul3A_3321, %add3A : i32
        %jit3A_3323 = arith.constant 32 : i32
        %div3A_3324 = arith.divsi %add3A_3322, %jit3A_3323 : i32
        %sign3A_3325 = arith.constant 0 : i32
        %sign3A_3326 = arith.cmpi sgt, %add3A_3322, %sign3A_3325 : i32
        %sign3A_3327 = arith.extui %sign3A_3326 : i1 to i32
        %sign3A_3328 = arith.constant 0 : i32
        %sign3A_3329 = arith.cmpi slt, %add3A_3322, %sign3A_3328 : i32
        %sign3A_3330 = arith.extui %sign3A_3329 : i1 to i32
        %sign3A_3331 = arith.subi %sign3A_3327, %sign3A_3330 : i32
        %sign3A_3332 = arith.constant 0 : i32
        %sign3A_3333 = arith.cmpi sgt, %jit3A_3323, %sign3A_3332 : i32
        %sign3A_3334 = arith.extui %sign3A_3333 : i1 to i32
        %sign3A_3335 = arith.constant 0 : i32
        %sign3A_3336 = arith.cmpi slt, %jit3A_3323, %sign3A_3335 : i32
        %sign3A_3337 = arith.extui %sign3A_3336 : i1 to i32
        %sign3A_3338 = arith.subi %sign3A_3334, %sign3A_3337 : i32
        %ne3A_3339 = arith.cmpi ne, %sign3A_3331, %sign3A_3338 : i32
        %rem3A_3340 = arith.remsi %add3A_3322, %jit3A_3323 : i32
        %ne3A_3341 = arith.constant 0 : i32
        %ne3A_3342 = arith.cmpi ne, %rem3A_3340, %ne3A_3341 : i32
        %and3A_3343 = arith.andi %ne3A_3339, %ne3A_3342 : i1
        %sub3A_3344 = arith.constant 1 : i32
        %sub3A_3345 = arith.subi %div3A_3324, %sub3A_3344 : i32
        %select_n3A_3346 = arith.select %and3A_3343, %sub3A_3345, %div3A_3324 : i32
        %jit3A_3347 = arith.constant 32 : i32
        %eq3A_3348 = arith.constant 0 : i32
        %eq3A_3349 = arith.cmpi eq, %jit3A_3347, %eq3A_3348 : i32
        %jit3A_3350 = arith.constant 1 : i32
        %select_n3A_3351 = arith.select %eq3A_3349, %jit3A_3350, %jit3A_3347 : i32
        %rem3A_3352 = arith.remsi %add3A_3322, %select_n3A_3351 : i32
        %ne3A_3353 = arith.constant 0 : i32
        %ne3A_3354 = arith.cmpi ne, %rem3A_3352, %ne3A_3353 : i32
        %lt3A_3355 = arith.constant 0 : i32
        %lt3A_3356 = arith.cmpi slt, %rem3A_3352, %lt3A_3355 : i32
        %lt3A_3357 = arith.constant 0 : i32
        %lt3A_3358 = arith.cmpi slt, %select_n3A_3351, %lt3A_3357 : i32
        %ne3A_3359 = arith.xori %lt3A_3356, %lt3A_3358 : i1
        %and3A_3360 = arith.andi %ne3A_3359, %ne3A_3354 : i1
        %add3A_3361 = arith.addi %rem3A_3352, %select_n3A_3351 : i32
        %select_n3A_3362 = arith.select %and3A_3360, %add3A_3361, %rem3A_3352 : i32
        %mul3A_3363 = arith.constant 128 : i32
        %mul3A_3364 = arith.muli %select_n3A_3362, %mul3A_3363 : i32
        %dma_start3A_3365 = arith.constant 2 : i32
        %dma_start3A_3366 = arith.constant 0 : i32
        %dma_start3A_3367 = tpu.memref_slice %arg4[%dma_start3A_3365, %dma_start3A_3366] : memref<4x128xi32, #tpu.memory_space<vmem>> -> memref<1x128xi32, #tpu.memory_space<vmem>>
        %dma_start3A_3368 = tpu.memref_squeeze %dma_start3A_3367 : memref<1x128xi32, #tpu.memory_space<vmem>> -> memref<128xi32, #tpu.memory_space<vmem>>
        %dma_start3A_3369 = tpu.memref_slice %arg2[%select_n3A_3346, %mul3A_3364] : memref<26x4096xi32, #tpu.memory_space<hbm>> -> memref<1x128xi32, #tpu.memory_space<hbm>>
        %dma_start3A_3370 = tpu.memref_squeeze %dma_start3A_3369 : memref<1x128xi32, #tpu.memory_space<hbm>> -> memref<128xi32, #tpu.memory_space<hbm>>
        %dma_start3A_3371 = arith.constant 0 : i32
        %dma_start3A_3372 = tpu.memref_slice %arg4[%dma_start3A_3365, %dma_start3A_3371] : memref<4x128xi32, #tpu.memory_space<vmem>> -> memref<1x128xi32, #tpu.memory_space<vmem>>
        %dma_start3A_3373 = tpu.memref_squeeze %dma_start3A_3372 : memref<1x128xi32, #tpu.memory_space<vmem>> -> memref<128xi32, #tpu.memory_space<vmem>>
        %dma_start3A_3374 = tpu.memref_slice %arg2[%select_n3A_3346, %mul3A_3364] : memref<26x4096xi32, #tpu.memory_space<hbm>> -> memref<1x128xi32, #tpu.memory_space<hbm>>
        %dma_start3A_3375 = tpu.memref_squeeze %dma_start3A_3374 : memref<1x128xi32, #tpu.memory_space<hbm>> -> memref<128xi32, #tpu.memory_space<hbm>>
        tpu.enqueue_dma source(%dma_start3A_3375 : memref<128xi32, #tpu.memory_space<hbm>>) target(%dma_start3A_3373 : memref<128xi32, #tpu.memory_space<vmem>>) target_semaphore(%arg8 : memref<!tpu.dma_semaphore, #tpu.memory_space<semaphore_mem>>)
      } else {
      }
      %lt3A_3296 = arith.constant 26 : i32
      %lt3A_3297 = arith.cmpi slt, %sub3A_3223, %lt3A_3296 : i32
      %jit3A_3298 = arith.constant 4 : i32
      %eq3A_3299 = arith.constant 0 : i32
      %eq3A_3300 = arith.cmpi eq, %jit3A_3298, %eq3A_3299 : i32
      %jit3A_3301 = arith.constant 1 : i32
      %select_n3A_3302 = arith.select %eq3A_3300, %jit3A_3301, %jit3A_3298 : i32
      %rem3A_3303 = arith.remsi %sub3A_3223, %select_n3A_3302 : i32
      %ne3A_3304 = arith.constant 0 : i32
      %ne3A_3305 = arith.cmpi ne, %rem3A_3303, %ne3A_3304 : i32
      %lt3A_3306 = arith.constant 0 : i32
      %lt3A_3307 = arith.cmpi slt, %rem3A_3303, %lt3A_3306 : i32
      %lt3A_3308 = arith.constant 0 : i32
      %lt3A_3309 = arith.cmpi slt, %select_n3A_3302, %lt3A_3308 : i32
      %ne3A_3310 = arith.xori %lt3A_3307, %lt3A_3309 : i1
      %and3A_3311 = arith.andi %ne3A_3310, %ne3A_3305 : i1
      %add3A_3312 = arith.addi %rem3A_3303, %select_n3A_3302 : i32
      %select_n3A_3313 = arith.select %and3A_3311, %add3A_3312, %rem3A_3303 : i32
      %eq3A_3314 = arith.constant 3 : i32
      %eq3A_3315 = arith.cmpi eq, %select_n3A_3313, %eq3A_3314 : i32
      %and3A_3316 = arith.andi %lt3A_3297, %eq3A_3315 : i1
      %convert_element_type3A_3317 = arith.extui %and3A_3316 : i1 to i32
      %cond3A_3318 = arith.constant 0 : i32
      %cond3A_3319 = arith.cmpi ne, %convert_element_type3A_3317, %cond3A_3318 : i32
      scf.if %cond3A_3319 {
        %mul3A_3320 = arith.constant 32 : i32
        %mul3A_3321 = arith.muli %sub3A_3223, %mul3A_3320 : i32
        %add3A_3322 = arith.addi %mul3A_3321, %add3A : i32
        %jit3A_3323 = arith.constant 32 : i32
        %div3A_3324 = arith.divsi %add3A_3322, %jit3A_3323 : i32
        %sign3A_3325 = arith.constant 0 : i32
        %sign3A_3326 = arith.cmpi sgt, %add3A_3322, %sign3A_3325 : i32
        %sign3A_3327 = arith.extui %sign3A_3326 : i1 to i32
        %sign3A_3328 = arith.constant 0 : i32
        %sign3A_3329 = arith.cmpi slt, %add3A_3322, %sign3A_3328 : i32
        %sign3A_3330 = arith.extui %sign3A_3329 : i1 to i32
        %sign3A_3331 = arith.subi %sign3A_3327, %sign3A_3330 : i32
        %sign3A_3332 = arith.constant 0 : i32
        %sign3A_3333 = arith.cmpi sgt, %jit3A_3323, %sign3A_3332 : i32
        %sign3A_3334 = arith.extui %sign3A_3333 : i1 to i32
        %sign3A_3335 = arith.constant 0 : i32
        %sign3A_3336 = arith.cmpi slt, %jit3A_3323, %sign3A_3335 : i32
        %sign3A_3337 = arith.extui %sign3A_3336 : i1 to i32
        %sign3A_3338 = arith.subi %sign3A_3334, %sign3A_3337 : i32
        %ne3A_3339 = arith.cmpi ne, %sign3A_3331, %sign3A_3338 : i32
        %rem3A_3340 = arith.remsi %add3A_3322, %jit3A_3323 : i32
        %ne3A_3341 = arith.constant 0 : i32
        %ne3A_3342 = arith.cmpi ne, %rem3A_3340, %ne3A_3341 : i32
        %and3A_3343 = arith.andi %ne3A_3339, %ne3A_3342 : i1
        %sub3A_3344 = arith.constant 1 : i32
        %sub3A_3345 = arith.subi %div3A_3324, %sub3A_3344 : i32
        %select_n3A_3346 = arith.select %and3A_3343, %sub3A_3345, %div3A_3324 : i32
        %jit3A_3347 = arith.constant 32 : i32
        %eq3A_3348 = arith.constant 0 : i32
        %eq3A_3349 = arith.cmpi eq, %jit3A_3347, %eq3A_3348 : i32
        %jit3A_3350 = arith.constant 1 : i32
        %select_n3A_3351 = arith.select %eq3A_3349, %jit3A_3350, %jit3A_3347 : i32
        %rem3A_3352 = arith.remsi %add3A_3322, %select_n3A_3351 : i32
        %ne3A_3353 = arith.constant 0 : i32
        %ne3A_3354 = arith.cmpi ne, %rem3A_3352, %ne3A_3353 : i32
        %lt3A_3355 = arith.constant 0 : i32
        %lt3A_3356 = arith.cmpi slt, %rem3A_3352, %lt3A_3355 : i32
        %lt3A_3357 = arith.constant 0 : i32
        %lt3A_3358 = arith.cmpi slt, %select_n3A_3351, %lt3A_3357 : i32
        %ne3A_3359 = arith.xori %lt3A_3356, %lt3A_3358 : i1
        %and3A_3360 = arith.andi %ne3A_3359, %ne3A_3354 : i1
        %add3A_3361 = arith.addi %rem3A_3352, %select_n3A_3351 : i32
        %select_n3A_3362 = arith.select %and3A_3360, %add3A_3361, %rem3A_3352 : i32
        %mul3A_3363 = arith.constant 128 : i32
        %mul3A_3364 = arith.muli %select_n3A_3362, %mul3A_3363 : i32
        %dma_start3A_3365 = arith.constant 3 : i32
        %dma_start3A_3366 = arith.constant 0 : i32
        %dma_start3A_3367 = tpu.memref_slice %arg4[%dma_start3A_3365, %dma_start3A_3366] : memref<4x128xi32, #tpu.memory_space<vmem>> -> memref<1x128xi32, #tpu.memory_space<vmem>>
        %dma_start3A_3368 = tpu.memref_squeeze %dma_start3A_3367 : memref<1x128xi32, #tpu.memory_space<vmem>> -> memref<128xi32, #tpu.memory_space<vmem>>
        %dma_start3A_3369 = tpu.memref_slice %arg2[%select_n3A_3346, %mul3A_3364] : memref<26x4096xi32, #tpu.memory_space<hbm>> -> memref<1x128xi32, #tpu.memory_space<hbm>>
        %dma_start3A_3370 = tpu.memref_squeeze %dma_start3A_3369 : memref<1x128xi32, #tpu.memory_space<hbm>> -> memref<128xi32, #tpu.memory_space<hbm>>
        %dma_start3A_3371 = arith.constant 0 : i32
        %dma_start3A_3372 = tpu.memref_slice %arg4[%dma_start3A_3365, %dma_start3A_3371] : memref<4x128xi32, #tpu.memory_space<vmem>> -> memref<1x128xi32, #tpu.memory_space<vmem>>
        %dma_start3A_3373 = tpu.memref_squeeze %dma_start3A_3372 : memref<1x128xi32, #tpu.memory_space<vmem>> -> memref<128xi32, #tpu.memory_space<vmem>>
        %dma_start3A_3374 = tpu.memref_slice %arg2[%select_n3A_3346, %mul3A_3364] : memref<26x4096xi32, #tpu.memory_space<hbm>> -> memref<1x128xi32, #tpu.memory_space<hbm>>
        %dma_start3A_3375 = tpu.memref_squeeze %dma_start3A_3374 : memref<1x128xi32, #tpu.memory_space<hbm>> -> memref<128xi32, #tpu.memory_space<hbm>>
        tpu.enqueue_dma source(%dma_start3A_3375 : memref<128xi32, #tpu.memory_space<hbm>>) target(%dma_start3A_3373 : memref<128xi32, #tpu.memory_space<vmem>>) target_semaphore(%arg9 : memref<!tpu.dma_semaphore, #tpu.memory_space<semaphore_mem>>)
      } else {
      }
    }
    %scan3A_924 = arith.constant 25 : i32
    %dma_wait3A_925 = arith.constant 0 : i32
    %dma_wait3A_926 = arith.constant 0 : i32
    %dma_wait3A_927 = arith.constant 0 : i32
    %dma_wait3A_928 = tpu.memref_slice %arg5[%dma_wait3A_926, %dma_wait3A_927] : memref<1000x128xf32, #tpu.memory_space<vmem>> -> memref<256x128xf32, #tpu.memory_space<vmem>>
    %dma_wait3A_929 = arith.constant 0 : i32
    %dma_wait3A_930 = arith.constant 0 : i32
    %dma_wait3A_931 = tpu.memref_slice %arg3[%dma_wait3A_925, %dma_wait3A_929, %dma_wait3A_930] : memref<26x1000x4096xf32, #tpu.memory_space<hbm>> -> memref<1x256x128xf32, #tpu.memory_space<hbm>>
    %dma_wait3A_932 = tpu.memref_squeeze %dma_wait3A_931 : memref<1x256x128xf32, #tpu.memory_space<hbm>> -> memref<256x128xf32, #tpu.memory_space<hbm>>
    %dma_wait3A_933 = arith.constant 0 : i32
    %dma_wait3A_934 = arith.constant 0 : i32
    %dma_wait3A_935 = tpu.memref_slice %arg3[%dma_wait3A_925, %dma_wait3A_933, %dma_wait3A_934] : memref<26x1000x4096xf32, #tpu.memory_space<hbm>> -> memref<1x256x128xf32, #tpu.memory_space<hbm>>
    %dma_wait3A_936 = tpu.memref_squeeze %dma_wait3A_935 : memref<1x256x128xf32, #tpu.memory_space<hbm>> -> memref<256x128xf32, #tpu.memory_space<hbm>>
    %dma_wait3A_937 = arith.constant 0 : i32
    %dma_wait3A_938 = arith.constant 0 : i32
    %dma_wait3A_939 = tpu.memref_slice %arg5[%dma_wait3A_937, %dma_wait3A_938] : memref<1000x128xf32, #tpu.memory_space<vmem>> -> memref<256x128xf32, #tpu.memory_space<vmem>>
    tpu.wait_dma2 semaphore(%arg10 : memref<!tpu.dma_semaphore, #tpu.memory_space<semaphore_mem>>) src(%dma_wait3A_939 : memref<256x128xf32, #tpu.memory_space<vmem>>) dst(%dma_wait3A_936 : memref<256x128xf32, #tpu.memory_space<hbm>>)
    %dma_wait3A_940 = arith.constant 0 : i32
    %dma_wait3A_941 = arith.constant 256 : i32
    %dma_wait3A_942 = arith.constant 0 : i32
    %dma_wait3A_943 = tpu.memref_slice %arg5[%dma_wait3A_941, %dma_wait3A_942] : memref<1000x128xf32, #tpu.memory_space<vmem>> -> memref<256x128xf32, #tpu.memory_space<vmem>>
    %dma_wait3A_944 = arith.constant 256 : i32
    %dma_wait3A_945 = arith.constant 0 : i32
    %dma_wait3A_946 = tpu.memref_slice %arg3[%dma_wait3A_940, %dma_wait3A_944, %dma_wait3A_945] : memref<26x1000x4096xf32, #tpu.memory_space<hbm>> -> memref<1x256x128xf32, #tpu.memory_space<hbm>>
    %dma_wait3A_947 = tpu.memref_squeeze %dma_wait3A_946 : memref<1x256x128xf32, #tpu.memory_space<hbm>> -> memref<256x128xf32, #tpu.memory_space<hbm>>
    %dma_wait3A_948 = arith.constant 256 : i32
    %dma_wait3A_949 = arith.constant 0 : i32
    %dma_wait3A_950 = tpu.memref_slice %arg3[%dma_wait3A_940, %dma_wait3A_948, %dma_wait3A_949] : memref<26x1000x4096xf32, #tpu.memory_space<hbm>> -> memref<1x256x128xf32, #tpu.memory_space<hbm>>
    %dma_wait3A_951 = tpu.memref_squeeze %dma_wait3A_950 : memref<1x256x128xf32, #tpu.memory_space<hbm>> -> memref<256x128xf32, #tpu.memory_space<hbm>>
    %dma_wait3A_952 = arith.constant 256 : i32
    %dma_wait3A_953 = arith.constant 0 : i32
    %dma_wait3A_954 = tpu.memref_slice %arg5[%dma_wait3A_952, %dma_wait3A_953] : memref<1000x128xf32, #tpu.memory_space<vmem>> -> memref<256x128xf32, #tpu.memory_space<vmem>>
    tpu.wait_dma2 semaphore(%arg11 : memref<!tpu.dma_semaphore, #tpu.memory_space<semaphore_mem>>) src(%dma_wait3A_954 : memref<256x128xf32, #tpu.memory_space<vmem>>) dst(%dma_wait3A_951 : memref<256x128xf32, #tpu.memory_space<hbm>>)
    %dma_wait3A_955 = arith.constant 0 : i32
    %dma_wait3A_956 = arith.constant 512 : i32
    %dma_wait3A_957 = arith.constant 0 : i32
    %dma_wait3A_958 = tpu.memref_slice %arg5[%dma_wait3A_956, %dma_wait3A_957] : memref<1000x128xf32, #tpu.memory_space<vmem>> -> memref<256x128xf32, #tpu.memory_space<vmem>>
    %dma_wait3A_959 = arith.constant 512 : i32
    %dma_wait3A_960 = arith.constant 0 : i32
    %dma_wait3A_961 = tpu.memref_slice %arg3[%dma_wait3A_955, %dma_wait3A_959, %dma_wait3A_960] : memref<26x1000x4096xf32, #tpu.memory_space<hbm>> -> memref<1x256x128xf32, #tpu.memory_space<hbm>>
    %dma_wait3A_962 = tpu.memref_squeeze %dma_wait3A_961 : memref<1x256x128xf32, #tpu.memory_space<hbm>> -> memref<256x128xf32, #tpu.memory_space<hbm>>
    %dma_wait3A_963 = arith.constant 512 : i32
    %dma_wait3A_964 = arith.constant 0 : i32
    %dma_wait3A_965 = tpu.memref_slice %arg3[%dma_wait3A_955, %dma_wait3A_963, %dma_wait3A_964] : memref<26x1000x4096xf32, #tpu.memory_space<hbm>> -> memref<1x256x128xf32, #tpu.memory_space<hbm>>
    %dma_wait3A_966 = tpu.memref_squeeze %dma_wait3A_965 : memref<1x256x128xf32, #tpu.memory_space<hbm>> -> memref<256x128xf32, #tpu.memory_space<hbm>>
    %dma_wait3A_967 = arith.constant 512 : i32
    %dma_wait3A_968 = arith.constant 0 : i32
    %dma_wait3A_969 = tpu.memref_slice %arg5[%dma_wait3A_967, %dma_wait3A_968] : memref<1000x128xf32, #tpu.memory_space<vmem>> -> memref<256x128xf32, #tpu.memory_space<vmem>>
    tpu.wait_dma2 semaphore(%arg12 : memref<!tpu.dma_semaphore, #tpu.memory_space<semaphore_mem>>) src(%dma_wait3A_969 : memref<256x128xf32, #tpu.memory_space<vmem>>) dst(%dma_wait3A_966 : memref<256x128xf32, #tpu.memory_space<hbm>>)
    %dma_wait3A_970 = arith.constant 0 : i32
    %dma_wait3A_971 = arith.constant 768 : i32
    %dma_wait3A_972 = arith.constant 0 : i32
    %dma_wait3A_973 = tpu.memref_slice %arg5[%dma_wait3A_971, %dma_wait3A_972] : memref<1000x128xf32, #tpu.memory_space<vmem>> -> memref<232x128xf32, #tpu.memory_space<vmem>>
    %dma_wait3A_974 = arith.constant 768 : i32
    %dma_wait3A_975 = arith.constant 0 : i32
    %dma_wait3A_976 = tpu.memref_slice %arg3[%dma_wait3A_970, %dma_wait3A_974, %dma_wait3A_975] : memref<26x1000x4096xf32, #tpu.memory_space<hbm>> -> memref<1x232x128xf32, #tpu.memory_space<hbm>>
    %dma_wait3A_977 = tpu.memref_squeeze %dma_wait3A_976 : memref<1x232x128xf32, #tpu.memory_space<hbm>> -> memref<232x128xf32, #tpu.memory_space<hbm>>
    %dma_wait3A_978 = arith.constant 768 : i32
    %dma_wait3A_979 = arith.constant 0 : i32
    %dma_wait3A_980 = tpu.memref_slice %arg3[%dma_wait3A_970, %dma_wait3A_978, %dma_wait3A_979] : memref<26x1000x4096xf32, #tpu.memory_space<hbm>> -> memref<1x232x128xf32, #tpu.memory_space<hbm>>
    %dma_wait3A_981 = tpu.memref_squeeze %dma_wait3A_980 : memref<1x232x128xf32, #tpu.memory_space<hbm>> -> memref<232x128xf32, #tpu.memory_space<hbm>>
    %dma_wait3A_982 = arith.constant 768 : i32
    %dma_wait3A_983 = arith.constant 0 : i32
    %dma_wait3A_984 = tpu.memref_slice %arg5[%dma_wait3A_982, %dma_wait3A_983] : memref<1000x128xf32, #tpu.memory_space<vmem>> -> memref<232x128xf32, #tpu.memory_space<vmem>>
    tpu.wait_dma2 semaphore(%arg13 : memref<!tpu.dma_semaphore, #tpu.memory_space<semaphore_mem>>) src(%dma_wait3A_984 : memref<232x128xf32, #tpu.memory_space<vmem>>) dst(%dma_wait3A_981 : memref<232x128xf32, #tpu.memory_space<hbm>>)
    return
  }
}

</mosaic_0001>

<sc_bundles>
// kernel: _one_hot_sc_t.3.cloned.1.call-start
scs
__scs_entry_jumppad:
0x0: {  	(pc) =	sbr.rel $0x88, $3  }
0x1: {  	(tag) =	ssettag $0x0;
	lr =	simm.s32 $0x1  }
0x2: {  	[smem:$0x3FA0] =	sst lr;
	_ =	strace $0xD0000000  }
0x3: {  	_ = 	snop  }
0x4: {  	_ = 	snop  }
0x5: {  	_ = 	snop  }
0x6: {  	_ = 	snop  }
0x7: {  	_ = 	snop  }
__scs_overlays_trampoline_lowered:
0x8: {  	[smem:$0x3FAF] =	sst s0  }
0x9: {  	[smem:$0x3FB0] =	sst s1  }
0xa: {  	[smem:$0x3FB1] =	sst s2  }
0xb: {  	[smem:$0x3FB2] =	sst s3  }
0xc: {  	[smem:$0x3FB3] =	sst s4  }
0xd: {  	[smem:$0x3FB4] =	sst s5  }
0xe: {  	[smem:$0x3FB5] =	sst s6  }
0xf: {  	[smem:$0x3FB6] =	sst s7  }
0x10: {  	[smem:$0x3FB7] =	sst s8  }
0x11: {  	[smem:$0x3FB8] =	sst s9;
	s0 =	simm.s32 @!p0 $0x0  }
0x12: {  	s1 =	sld [smem:$0x3F9E];
	s0 =	simm.s32 @p0 $0x1  }
0x13: {  	[smem:$0x3FB9] =	sst s0;
	s0 =	simm.s32 @!p1 $0x0  }
0x14: {  	s2 =	sld [smem:$0x3F9D];
	s0 =	simm.s32 @p1 $0x1  }
0x15: {  	[smem:$0x3FBA] =	sst s0;
	s0 =	simm.s32 @!p2 $0x0  }
0x16: {  	s3 =	sld [smem:$0x3FDB];
	s0 =	simm.s32 @p2 $0x1  }
0x17: {  	s4 =	simm.s32 $0x1BF5;
	[smem:$0x3FBC] =	sst s0  }
0x18: {  	s0 =	sld [smem:$0x3F9F];
	_ =	swait.ge [sflag:s4], $0x0  }
0x19: {  	s7 =	sld [smem:$0x3FA0]  }
0x1a: {  	s8 =	sadd.s32 $0xFFFFE003, lr  }
0x1b: {  	s9 =	sadd.s32 $0xFFFFFEF7, lr;
	s5 =	simm.s32 $0xFFFFFFFF;
	p2 =	slt.u32 s8, $0xFFFFF086  }
0x1c: {  	p1 =	slt.u32 s9, $0xF7A;
	s5 =	simm.s32 @!p2 $0x0  }
0x1d: {  	s5 =	simm.s32 @p1 $0x1;
	p0 =	seq.s32 s7, s2  }
0x1e: {  	s7 =	smul.u32 @!p0 $0xF7A, s2;
	p2 =	seq.s32 @!p0 s5, $0x0  }
0x1f: {  	s9 =	smul.u32 $0xF7A, s1;
	s8 =	simm.s32 @!p0 $0x1BF5;
	p2 =	por !p2, p0  }
0x20: {  	[sflag:s8] =	ssyncset.s32 @!p0 $0xFFFFF086;
	s6 =	sadd.s32 @!p0 s3, s7;
	s7 =	simm.s32 @!p0 $0x108  }
0x21: {  	s3 =	sadd.s32 s3, s9;
	s6 =	sadd.s32 @!p0 $0x88, s6;
	s7 =	simm.s32 @p2 $0x1082  }
0x22: {  	[simem:s7], [sflag:s8] =	dma.local @!p0 [hbm:s6], $0xF7A  }
0x23: {  	s9 =	sor.u32 $0xD0000000, s2;
	s6 =	simm.s32 $0x108;
	_ =	swait.ge @!p0 [sflag:s8], $0x0  }
0x24: {  	s3 =	sadd.s32 $0x88, s3;
	s6 =	simm.s32 @!p1 $0x1082;
	[sflag:s4] =	ssyncset.s32 $0xFFFFF086  }
0x25: {  	[simem:s6], [sflag:s4] =	dma.local [hbm:s3], $0xF7A  }
0x26: {  	[smem:$0x3FA0] =	sst s1;
	(tag) =	ssettag s2;
	_ =	strace s9  }
0x27: {  	s1 =	sld [smem:$0x3FB0]  }
0x28: {  	s2 =	sld [smem:$0x3FB1]  }
0x29: {  	s4 =	sld [smem:$0x3FB3]  }
0x2a: {  	p0 =	seq.s32 s5, $0x0;
	s5 =	sld [smem:$0x3FB4]  }
0x2b: {  	s6 =	sld [smem:$0x3FB5]  }
0x2c: {  	s7 =	sld [smem:$0x3FB6]  }
0x2d: {  	s3 =	simm.s32 $0x108;
	s8 =	sld [smem:$0x3FB7]  }
0x2e: {  	s3 =	simm.s32 @!p0 $0x1082;
	s9 =	sld [smem:$0x3FB8]  }
0x2f: {  	lr =	sadd.s32 s0, s3;
	s0 =	sld [smem:$0x3FAF]  }
0x30: {  	s3 =	sld [smem:$0x3FB2]  }
0x31: {  	[smem:$0x3FBB] =	sst s10  }
0x32: {  	s10 =	sld [smem:$0x3FB9];
	_ =	sdelay $0x3  }
0x33: {  	p0 =	seq.s32 s10, $0x1;
	s10 =	sld [smem:$0x3FBB];
	_ =	sdelay $0x3  }
0x34: {  	[smem:$0x3FBB] =	sst s10  }
0x35: {  	s10 =	sld [smem:$0x3FBA];
	_ =	sdelay $0x3  }
0x36: {  	p1 =	seq.s32 s10, $0x1;
	s10 =	sld [smem:$0x3FBB];
	_ =	sdelay $0x3  }
0x37: {  	[smem:$0x3FBB] =	sst s10  }
0x38: {  	s10 =	sld [smem:$0x3FBC]  }
0x39: {  	_ = 	snop;
	(pc) =	sbr.ind lr, $3  }
0x3a: {  	_ = 	snop  }
0x3b: {  	_ = 	snop  }
0x3c: {  	p2 =	seq.s32 s10, $0x1;
	s10 =	sld [smem:$0x3FBB]  }
0x3d: {  	_ =	shalt  }
0x3e: {  	_ =	shalt  }
0x3f: {  	_ =	shalt  }
0x40: {  	_ =	shalt  }
0x41: {  	_ =	shalt  }
0x42: {  	_ =	shalt  }
0x43: {  	_ =	shalt  }
0x44: {  	_ =	shalt  }
0x45: {  	_ =	shalt  }
0x46: {  	_ =	shalt  }
0x47: {  	_ =	shalt  }
0x48: {  	_ =	shalt  }
0x49: {  	_ =	shalt  }
0x4a: {  	_ =	shalt  }
0x4b: {  	_ =	shalt  }
0x4c: {  	_ =	shalt  }
0x4d: {  	_ =	shalt  }
0x4e: {  	_ =	shalt  }
0x4f: {  	_ =	shalt  }
0x50: {  	_ =	shalt  }
0x51: {  	_ =	shalt  }
0x52: {  	_ =	shalt  }
0x53: {  	_ =	shalt  }
0x54: {  	_ =	shalt  }
0x55: {  	_ =	shalt  }
0x56: {  	_ =	shalt  }
0x57: {  	_ =	shalt  }
0x58: {  	_ =	shalt  }
0x59: {  	_ =	shalt  }
0x5a: {  	_ =	shalt  }
0x5b: {  	_ =	shalt  }
0x5c: {  	_ =	shalt  }
0x5d: {  	_ =	shalt  }
0x5e: {  	_ =	shalt  }
0x5f: {  	_ =	shalt  }
0x60: {  	_ =	shalt  }
0x61: {  	_ =	shalt  }
0x62: {  	_ =	shalt  }
0x63: {  	_ =	shalt  }
0x64: {  	_ =	shalt  }
0x65: {  	_ =	shalt  }
0x66: {  	_ =	shalt  }
0x67: {  	_ =	shalt  }
0x68: {  	_ =	shalt  }
0x69: {  	_ =	shalt  }
0x6a: {  	_ =	shalt  }
0x6b: {  	_ =	shalt  }
0x6c: {  	_ =	shalt  }
0x6d: {  	_ =	shalt  }
0x6e: {  	_ =	shalt  }
0x6f: {  	_ =	shalt  }
0x70: {  	_ =	shalt  }
0x71: {  	_ =	shalt  }
0x72: {  	_ =	shalt  }
0x73: {  	_ =	shalt  }
0x74: {  	_ =	shalt  }
0x75: {  	_ =	shalt  }
0x76: {  	_ =	shalt  }
0x77: {  	_ =	shalt  }
0x78: {  	_ =	shalt  }
0x79: {  	_ =	shalt  }
0x7a: {  	_ =	shalt  }
0x7b: {  	_ =	shalt  }
0x7c: {  	_ =	shalt  }
0x7d: {  	_ =	shalt  }
0x7e: {  	_ =	shalt  }
0x7f: {  	_ =	shalt  }
0x80: {  	_ =	shalt  }
0x81: {  	_ =	shalt  }
0x82: {  	_ =	shalt  }
0x83: {  	_ =	shalt  }
0x84: {  	_ =	shalt  }
0x85: {  	_ =	shalt  }
0x86: {  	_ =	shalt  }
0x87: {  	_ =	shalt  }
.Lfunc_end0:
.L_simem_size_0:
called_computation_lowered:
.L_overlay_start_0:
0x88: {  	s2 =	sld [smem:$0x3FD9]  }
0x89: {  	s3 =	sld [smem:$0x3FFE];
	_ =	sdelay $0x1  }
0x8a: {  	s1 =	srdreg.scid  }
0x8b: {  	s0 =	sand.u32 $0x1, s1  }
0x8c: {  	s18 =	sshll.u32 s0, $0xA;
	s2 =	sadd.s32 s3, s2  }
0x8d: {  	s2 =	sadd.s32 s2, s18  }
0x8e: {  	[smem:$0x3FC7] =	sst s2  }
0x8f: {  	_ = 	snop  }
0x90: {  	s2 =	sld [smem:$0x3FC9]  }
0x91: {  	s19 =	sld [smem:$0x3FD0];
	(tm) =	ssettm $0x1  }
0x92: {  	s4 =	sld [smem:$0x3FFB];
	_ =	sdelay $0x3  }
0x93: {  	_ =	strace s4  }
0x94: {  	s4 =	sld [smem:$0x3FFC];
	_ =	sdelay $0x3  }
0x95: {  	_ =	strace s4  }
0x96: {  	s4 =	sld [smem:$0x3FFD];
	_ =	sdelay $0x3  }
0x97: {  	_ =	strace s4  }
0x98: {  	_ =	strace $0x8FFFFFFF  }
0x99: {  	s20 =	sld [smem:$0x3FDB];
	_ =	sdelay $0x1  }
0x9a: {  	s5 =	simm.s32 $_scs_section_size  }
0x9b: {  	s6 =	simm.s32 $_size__tile_overlayer_lowered;
	s7 =	simm.s32 $_tile_overlayer_lowered  }
0x9c: {  	s23 =	simm.s32 $0x1BFF;
	s22 =	sshll.u32 s7, $0x1;
	s4 =	sadd.s32 s5, s20  }
0x9d: {  	s8 =	simm.s32 $0x0;
	s21 =	sshll.u32 s6, $0x1;
	s6 =	sadd.s32 s22, s4  }
0x9e: {  	[timem:s8], [sflag:s23] =	dma.local [hbm:s6], s21  }
0x9f: {  	_ =	swait.ge [sflag:s23], s21  }
0xa0: {  	s5 =	ssub.s32 $0x0, s21;
	[sflag:s23] =	ssyncset.done $0x0  }
0xa1: {  	[sflag:s23] =	ssyncadd.s32 s5;
	_ =	sdelay $0x1  }
0xa2: {  	s24 =	simm.s32 $0x1B8B  }
0xa3: {  	_ =	swait.ge [sflag:s24], $0x1  }
0xa4: {  	[sflag:s24] =	ssyncset.done $0x0  }
0xa5: {  	s25 =	simm.s32 $0x1B8E;
	[sflag:s24] =	ssyncadd.s32 $0xFFFFFFFF  }
0xa6: {  	s26 =	simm.s32 $execute0_lowered;
	[smem:$0x3FD2] =	sst s25  }
0xa7: {  	s5 =	sshll.u32 s26, $0x1;
	_ =	strace $0x80000046;
	[dreg:$0x1] =	wrdreg $0xFFFFFFFF  }
0xa8: {  	s28 =	simm.s32 $_size_execute0_lowered;
	s4 =	sadd.s32 s4, s5;
	[dreg:$0x0] =	wrdreg $0x0  }
0xa9: {  	s5 =	sshll.u32 s28, $0x1;
	[dreg:$0x2] =	wrdreg s4  }
0xaa: {  	[dreg:$0x3] =	wrdreg s5  }
0xab: {  	[dreg:$0x4] =	wrdreg $0xC0  }
0xac: {  	_ =	task [dreg:s8], $0x5FFFF  }
0xad: {  	[dreg:$0x1] =	wrdreg $0xFFFFFFFF  }
0xae: {  	[dreg:$0x0] =	wrdreg $0x60  }
0xaf: {  	[dreg:$0x2] =	wrdreg s2  }
0xb0: {  	[dreg:$0x3] =	wrdreg s19  }
0xb1: {  	[dreg:$0x4] =	wrdreg $0x9  }
0xb2: {  	_ =	task.clear_ibuf [dreg:s8], $0x5FFFF;
	_ =	strace $0x90000046  }
0xb3: {  	s29 =	simm.s32 $0x9;
	_ =	strace $0x80000048  }
0xb4: {  	_ =	swait.ge [sflag:s29], $0x1  }
0xb5: {  	[sflag:s29] =	ssyncadd.s32 $0xFFFFFFFF  }
0xb6: {  	_ =	strace $0x90000048  }
0xb7: {  	_ =	sfence  }
0xb8: {  	s30 =	sld [smem:$0x0];
	_ =	sdelay $0x2  }
0xb9: {  	s31 =	sshll.u32 s1, $0xD;
	s1 =	sshrl.u32 s1, $0x2  }
0xba: {  	s3 =	sand.u32 $0x4000, s31;
	s1 =	sadd.s32 s1, s30  }
0xbb: {  	s0 =	sor.u32 s3, s0;
	s1 =	sshll.u32 s1, $0x11  }
0xbc: {  	s0 =	sor.u32 s1, s0  }
0xbd: {  	s0 =	sadd.s32 $0x8F2B, s0  }
0xbe: {  	[sflag:s0] =	ssyncadd.remote.s32 $0x1  }
0xbf: {  	_ =	sfence.sel $0xFFFF  }
0xc0: {  	[dreg:$0x0] =	wrdreg $0xFFFFFFFF;
	(pc) =	sbr.abs _section_cstart, $3  }
0xc1: {  	[dreg:$0x1] =	wrdreg $0xFFFFFFFF  }
0xc2: {  	_ =	task.clear_ibuf [dreg:s8], $0x2FFFF;
	_ =	strace $0x9FFFFFFF  }
0xc3: {  	(tm) =	ssettm $0x7FFFFFFF  }
tec
execute0_lowered:
.L_overlay_start_1:
0x0: {  	(tag) =	ssettag $0x1  }
0x1: {  	s0 =	rddreg [dreg:$0x0];
	s1 =	srdreg.scid  }
0x2: {  	s2 =	rddreg [dreg:$0x1];
	s8 =	stileid.u32;
	s1 =	sand.u32 $0x1, s1  }
0x3: {  	s5 =	sshll.u32 s8, $0x7;
	s4 =	ssub.s32 $0x2, s1;
	s6 =	sshll.u32 s1, $0xB  }
0x4: {  	s3 =	simm.s32 $0x0;
	s7 =	sshrl.u32 s4, $0x1;
	s5 =	sor.u32 s5, s6  }
0x5: {  	[smem:$0x7FF] =	sst s3;
	s16 =	ssub.s32 s4, s7;
	s4 =	sadd.s32 s0, s5  }
0x6: {  	s28 =	simm.s32 $0x5;
	_ =	strace $0x80000047;
	s0 =	sadd.s32 $0x10, s4  }
0x7: {  	s7 =	sadd.s32 s2, s5;
	s17 =	sadd.s32 $0x20, s4;
	[dreg:$0x3] =	wrdreg s0  }
0x8: {  	s29 =	simm.s32 $0x6;
	s18 =	sadd.s32 $0x20000, s7;
	[dreg:$0x4] =	wrdreg s17  }
0x9: {  	s30 =	simm.s32 $0x7;
	s5 =	sadd.s32 $0x40000, s7;
	[dreg:$0x5] =	wrdreg s18  }
0xa: {  	s31 =	simm.s32 $0x8;
	s21 =	sadd.s32 $0x60000, s7;
	[dreg:$0x6] =	wrdreg s5  }
0xb: {  	s20 =	sshll.u32 s8, $0xA;
	s22 =	sadd.s32 $0x30, s4;
	[dreg:$0x7] =	wrdreg s21  }
0xc: {  	s19 =	sshll.u32 s1, $0xE;
	s23 =	smax.u32 s16, $0x1;
	[dreg:$0x8] =	wrdreg s22  }
0xd: {  	s0 =	sor.u32 s20, s19;
	[dreg:$0x9] =	wrdreg s23;
	s17 =	simm.s32 $0x80  }
0xe: {  	s18 =	simm.s32 $0x100;
	s19 =	simm.s32 $0x1;
	s20 =	simm.s32 $0x200  }
0xf: {  	s21 =	simm.s32 $0x400;
	s22 =	simm.s32 $0x8000;
	s23 =	simm.s32 $0x8200  }
.Ltmp0:
0x10: {  	s24 =	sor.u32 $0x3E8000, s0;
	s25 =	sor.u32 $0x4E8000, s0;
	(pc) =	sbr.rel .LBB2_1-.Ltmp0, $4  }
0x11: {  	v0 =	vlaneseq.u32;
	s26 =	sor.u32 $0x5E8000, s0;
	s0 =	sor.u32 $0x6E8000, s0;
	[dreg:$0xa] =	wrdreg s24  }
0x12: {  	v1 =	vimm.f32 $0.0e+00;
	v2 =	vimm.f32 $1.000000000e+00;
	v3 =	vor.u32 $0x10, v0;
	s1 =	sshrl.u32 s25, $0x3;
	s5 =	sshrl.u32 s26, $0x3;
	s0 =	sshrl.u32 s0, $0x3  }
0x13: {  	v4 =	vor.u32 $0x20, v0;
	v5 =	vor.u32 $0x30, v0;
	v6 =	vor.u32 $0x40, v0;
	s24 =	simm.s32 $0x10200;
	s25 =	simm.s32 $0x18200;
	s14 =	sadd.s32 s1, s2  }
0x14: {  	v7 =	vor.u32 $0x50, v0;
	v8 =	vor.u32 $0x60, v0;
	v9 =	vor.u32 $0x70, v0;
	s15 =	sadd.s32 s5, s2;
	s16 =	sadd.s32 s0, s2;
	s0 =	simm.s32 $0x0  }
.LBB2_18:
0x15: {  	_ =	swait.ge [sflag:s28], $0x8000  }
0x16: {  	[sflag:s28] =	ssyncset.done $0x0  }
0x17: {  	[sflag:s28] =	ssyncadd.s32 $0xFFFF8000  }
0x18: {  	_ =	swait.ge [sflag:s29], $0x8000  }
0x19: {  	[sflag:s29] =	ssyncset.done $0x0  }
0x1a: {  	[sflag:s29] =	ssyncadd.s32 $0xFFFF8000  }
0x1b: {  	_ =	swait.ge [sflag:s30], $0x8000  }
0x1c: {  	[sflag:s30] =	ssyncset.done $0x0  }
0x1d: {  	[sflag:s30] =	ssyncadd.s32 $0xFFFF8000  }
0x1e: {  	_ =	swait.ge [sflag:s31], $0x7400  }
0x1f: {  	s0 =	sadd.s32 $0x1, s0;
	s1 =	rddreg [dreg:$0x9]  }
0x20: {  	p0 =	sne.s32 s0, s1  }
.Ltmp1:
0x21: {  	_ = 	snop;
	(pc) =	sbr.rel @!p0 .LBB2_19-.Ltmp1, $3  }
0x22: {  	_ =	sdelay $0x1  }
0x23: {  	[sflag:s31] =	ssyncset.done $0x0  }
0x24: {  	[sflag:s31] =	ssyncadd.s32 $0xFFFF8C00  }
.LBB2_1:
0x25: {  	[tilespmem:s3], [sflag:$0x1] =	stream.linear.gather [hbm4b:s4+s3], $0x80, $0x38;
	[tilespmem:$0x1F600] =	vst v63  }
0x26: {  	s1 =	rddreg [dreg:$0x3]  }
0x27: {  	[tilespmem:s17], [sflag:$0x2] =	stream.linear.gather [hbm4b:s1+s3], $0x80, $0x38;
	[tilespmem:$0x1F600] =	vst v63  }
0x28: {  	s26 =	rddreg [dreg:$0x4]  }
0x29: {  	[tilespmem:s18], [sflag:$0x3] =	stream.linear.gather [hbm4b:s26+s3], $0x80, $0x38;
	[tilespmem:$0x1F600] =	vst v63  }
0x2a: {  	_ =	swait.ge [sflag:s19], $0x80  }
0x2b: {  	[sflag:s19] =	ssyncset.done $0x0  }
0x2c: {  	s5 =	simm.s32 $0x1000;
	s1 =	simm.s32 $0x0;
	[sflag:s19] =	ssyncadd.s32 $0xFFFFFF80  }
.LBB2_2:
0x2d: {  	p0 =	sne.s32 s5, $0x1F000;
	[tilespmem:s1+$0x5F0] =	vst v1  }
0x2e: {  	[tilespmem:s1+$0x200] =	vst v1  }
0x2f: {  	[tilespmem:s1+$0x210] =	vst v1  }
0x30: {  	[tilespmem:s1+$0x220] =	vst v1  }
0x31: {  	[tilespmem:s1+$0x230] =	vst v1  }
0x32: {  	[tilespmem:s1+$0x240] =	vst v1  }
0x33: {  	[tilespmem:s1+$0x250] =	vst v1  }
0x34: {  	[tilespmem:s1+$0x260] =	vst v1  }
0x35: {  	[tilespmem:s1+$0x270] =	vst v1  }
0x36: {  	[tilespmem:s1+$0x280] =	vst v1  }
0x37: {  	[tilespmem:s1+$0x290] =	vst v1  }
0x38: {  	[tilespmem:s1+$0x2A0] =	vst v1  }
0x39: {  	[tilespmem:s1+$0x2B0] =	vst v1  }
0x3a: {  	[tilespmem:s1+$0x2C0] =	vst v1  }
0x3b: {  	[tilespmem:s1+$0x2D0] =	vst v1  }
0x3c: {  	[tilespmem:s1+$0x2E0] =	vst v1  }
0x3d: {  	[tilespmem:s1+$0x2F0] =	vst v1  }
0x3e: {  	[tilespmem:s1+$0x300] =	vst v1  }
0x3f: {  	[tilespmem:s1+$0x310] =	vst v1  }
0x40: {  	[tilespmem:s1+$0x320] =	vst v1  }
0x41: {  	[tilespmem:s1+$0x330] =	vst v1  }
0x42: {  	[tilespmem:s1+$0x340] =	vst v1  }
0x43: {  	[tilespmem:s1+$0x350] =	vst v1  }
0x44: {  	[tilespmem:s1+$0x360] =	vst v1  }
0x45: {  	[tilespmem:s1+$0x370] =	vst v1  }
0x46: {  	[tilespmem:s1+$0x380] =	vst v1  }
0x47: {  	[tilespmem:s1+$0x390] =	vst v1  }
0x48: {  	[tilespmem:s1+$0x3A0] =	vst v1  }
0x49: {  	[tilespmem:s1+$0x3B0] =	vst v1  }
0x4a: {  	[tilespmem:s1+$0x3C0] =	vst v1  }
0x4b: {  	[tilespmem:s1+$0x3D0] =	vst v1  }
0x4c: {  	[tilespmem:s1+$0x3E0] =	vst v1  }
0x4d: {  	[tilespmem:s1+$0x3F0] =	vst v1  }
0x4e: {  	[tilespmem:s1+$0x400] =	vst v1  }
0x4f: {  	[tilespmem:s1+$0x410] =	vst v1  }
0x50: {  	[tilespmem:s1+$0x420] =	vst v1  }
0x51: {  	[tilespmem:s1+$0x430] =	vst v1  }
0x52: {  	[tilespmem:s1+$0x440] =	vst v1  }
0x53: {  	[tilespmem:s1+$0x450] =	vst v1  }
0x54: {  	[tilespmem:s1+$0x460] =	vst v1  }
0x55: {  	[tilespmem:s1+$0x470] =	vst v1  }
0x56: {  	[tilespmem:s1+$0x480] =	vst v1  }
0x57: {  	[tilespmem:s1+$0x490] =	vst v1  }
0x58: {  	[tilespmem:s1+$0x4A0] =	vst v1  }
0x59: {  	[tilespmem:s1+$0x4B0] =	vst v1  }
0x5a: {  	[tilespmem:s1+$0x4C0] =	vst v1  }
0x5b: {  	[tilespmem:s1+$0x4D0] =	vst v1  }
0x5c: {  	[tilespmem:s1+$0x4E0] =	vst v1  }
0x5d: {  	[tilespmem:s1+$0x4F0] =	vst v1  }
0x5e: {  	[tilespmem:s1+$0x500] =	vst v1  }
0x5f: {  	[tilespmem:s1+$0x510] =	vst v1  }
0x60: {  	[tilespmem:s1+$0x520] =	vst v1  }
0x61: {  	[tilespmem:s1+$0x530] =	vst v1  }
0x62: {  	[tilespmem:s1+$0x540] =	vst v1  }
0x63: {  	[tilespmem:s1+$0x550] =	vst v1  }
0x64: {  	[tilespmem:s1+$0x560] =	vst v1  }
0x65: {  	[tilespmem:s1+$0x570] =	vst v1  }
0x66: {  	[tilespmem:s1+$0x580] =	vst v1  }
0x67: {  	[tilespmem:s1+$0x590] =	vst v1  }
.Ltmp2:
0x68: {  	[tilespmem:s1+$0x5A0] =	vst v1;
	(pc) =	sbr.rel @p0 .LBB2_2-.Ltmp2, $4  }
0x69: {  	[tilespmem:s1+$0x5B0] =	vst v1  }
0x6a: {  	[tilespmem:s1+$0x5C0] =	vst v1  }
0x6b: {  	[tilespmem:s1+$0x5D0] =	vst v1  }
0x6c: {  	[tilespmem:s1+$0x5E0] =	vst v1;
	s1 =	sshra.s32 s5, $0x2;
	s5 =	sadd.s32 $0x1000, s5  }
0x6d: {  	[tilespmem:s1+$0x5F0] =	vst v1  }
0x6e: {  	[tilespmem:s1+$0x200] =	vst v1  }
0x6f: {  	[tilespmem:s1+$0x210] =	vst v1  }
0x70: {  	[tilespmem:s1+$0x220] =	vst v1  }
0x71: {  	[tilespmem:s1+$0x230] =	vst v1  }
0x72: {  	[tilespmem:s1+$0x240] =	vst v1  }
0x73: {  	[tilespmem:s1+$0x250] =	vst v1  }
0x74: {  	[tilespmem:s1+$0x260] =	vst v1  }
0x75: {  	[tilespmem:s1+$0x270] =	vst v1  }
0x76: {  	[tilespmem:s1+$0x280] =	vst v1  }
0x77: {  	[tilespmem:s1+$0x290] =	vst v1  }
0x78: {  	[tilespmem:s1+$0x2A0] =	vst v1  }
0x79: {  	[tilespmem:s1+$0x2B0] =	vst v1  }
0x7a: {  	[tilespmem:s1+$0x2C0] =	vst v1  }
0x7b: {  	[tilespmem:s1+$0x2D0] =	vst v1  }
0x7c: {  	[tilespmem:s1+$0x2E0] =	vst v1  }
0x7d: {  	[tilespmem:s1+$0x2F0] =	vst v1  }
0x7e: {  	[tilespmem:s1+$0x300] =	vst v1  }
0x7f: {  	[tilespmem:s1+$0x310] =	vst v1  }
0x80: {  	[tilespmem:s1+$0x320] =	vst v1  }
0x81: {  	[tilespmem:s1+$0x330] =	vst v1  }
0x82: {  	[tilespmem:s1+$0x340] =	vst v1  }
0x83: {  	[tilespmem:s1+$0x350] =	vst v1  }
0x84: {  	[tilespmem:s1+$0x360] =	vst v1  }
0x85: {  	[tilespmem:s1+$0x370] =	vst v1  }
0x86: {  	[tilespmem:s1+$0x380] =	vst v1  }
0x87: {  	[tilespmem:s1+$0x390] =	vst v1  }
0x88: {  	[tilespmem:s1+$0x3A0] =	vst v1  }
0x89: {  	[tilespmem:s1+$0x3B0] =	vst v1  }
0x8a: {  	[tilespmem:s1+$0x3C0] =	vst v1  }
0x8b: {  	[tilespmem:s1+$0x3D0] =	vst v1  }
0x8c: {  	[tilespmem:s1+$0x3E0] =	vst v1  }
0x8d: {  	[tilespmem:s1+$0x3F0] =	vst v1  }
0x8e: {  	[tilespmem:s1+$0x400] =	vst v1  }
0x8f: {  	[tilespmem:s1+$0x410] =	vst v1  }
0x90: {  	[tilespmem:s1+$0x420] =	vst v1  }
0x91: {  	[tilespmem:s1+$0x430] =	vst v1  }
0x92: {  	[tilespmem:s1+$0x440] =	vst v1  }
0x93: {  	[tilespmem:s1+$0x450] =	vst v1  }
0x94: {  	[tilespmem:s1+$0x460] =	vst v1  }
0x95: {  	[tilespmem:s1+$0x470] =	vst v1  }
0x96: {  	[tilespmem:s1+$0x480] =	vst v1  }
0x97: {  	[tilespmem:s1+$0x490] =	vst v1  }
0x98: {  	[tilespmem:s1+$0x4A0] =	vst v1  }
0x99: {  	[tilespmem:s1+$0x4B0] =	vst v1  }
0x9a: {  	[tilespmem:s1+$0x4C0] =	vst v1  }
0x9b: {  	[tilespmem:s1+$0x4D0] =	vst v1  }
0x9c: {  	[tilespmem:s1+$0x4E0] =	vst v1  }
0x9d: {  	[tilespmem:s1+$0x4F0] =	vst v1  }
0x9e: {  	[tilespmem:s1+$0x500] =	vst v1  }
0x9f: {  	[tilespmem:s1+$0x510] =	vst v1  }
0xa0: {  	[tilespmem:s1+$0x520] =	vst v1  }
0xa1: {  	[tilespmem:s1+$0x530] =	vst v1  }
0xa2: {  	[tilespmem:s1+$0x540] =	vst v1  }
0xa3: {  	[tilespmem:s1+$0x550] =	vst v1  }
0xa4: {  	[tilespmem:s1+$0x560] =	vst v1  }
0xa5: {  	[tilespmem:s1+$0x570] =	vst v1  }
0xa6: {  	[tilespmem:s1+$0x580] =	vst v1  }
0xa7: {  	[tilespmem:s1+$0x590] =	vst v1  }
0xa8: {  	[tilespmem:s1+$0x5A0] =	vst v1  }
0xa9: {  	[tilespmem:s1+$0x5B0] =	vst v1  }
0xaa: {  	[tilespmem:s1+$0x5C0] =	vst v1  }
0xab: {  	[tilespmem:s1+$0x5D0] =	vst v1  }
0xac: {  	[tilespmem:s1+$0x5E0] =	vst v1  }
0xad: {  	v10 =	vld [tilespmem:$0x0];
	_ =	sdelay $0x4  }
0xae: {  	vm0 =	vlt.u32 v10, $0x100;
	v10 =	vshll.u32 v10, $0x7  }
0xaf: {  	v10 =	vor.u32 v0, v10;
	_ =	sdelay $0x4  }
0xb0: {  	[tilespmem:v10+s20+$0x0] =	vst.idx.msk vm0, v2  }
0xb1: {  	v10 =	vld [tilespmem:$0x10];
	_ =	sdelay $0x4  }
0xb2: {  	vm9 =	vlt.u32 v10, $0x100;
	v10 =	vshll.u32 v10, $0x7  }
0xb3: {  	v10 =	vor.u32 v3, v10;
	_ =	sdelay $0x4  }
0xb4: {  	[tilespmem:v10+s20+$0x0] =	vst.idx.msk vm9, v2  }
0xb5: {  	v10 =	vld [tilespmem:$0x20];
	_ =	sdelay $0x4  }
0xb6: {  	vm10 =	vlt.u32 v10, $0x100;
	v10 =	vshll.u32 v10, $0x7  }
0xb7: {  	v10 =	vor.u32 v4, v10;
	_ =	sdelay $0x4  }
0xb8: {  	[tilespmem:v10+s20+$0x0] =	vst.idx.msk vm10, v2  }
0xb9: {  	v10 =	vld [tilespmem:$0x30];
	_ =	sdelay $0x4  }
0xba: {  	vm11 =	vlt.u32 v10, $0x100;
	v10 =	vshll.u32 v10, $0x7  }
0xbb: {  	v10 =	vor.u32 v5, v10;
	_ =	sdelay $0x4  }
0xbc: {  	[tilespmem:v10+s20+$0x0] =	vst.idx.msk vm11, v2  }
0xbd: {  	v10 =	vld [tilespmem:$0x40];
	_ =	sdelay $0x4  }
0xbe: {  	vm12 =	vlt.u32 v10, $0x100;
	v10 =	vshll.u32 v10, $0x7  }
0xbf: {  	v10 =	vor.u32 v6, v10;
	_ =	sdelay $0x4  }
0xc0: {  	[tilespmem:v10+s20+$0x0] =	vst.idx.msk vm12, v2  }
0xc1: {  	v10 =	vld [tilespmem:$0x50];
	_ =	sdelay $0x4  }
0xc2: {  	vm13 =	vlt.u32 v10, $0x100;
	v10 =	vshll.u32 v10, $0x7  }
0xc3: {  	v10 =	vor.u32 v7, v10;
	_ =	sdelay $0x4  }
0xc4: {  	[tilespmem:v10+s20+$0x0] =	vst.idx.msk vm13, v2  }
0xc5: {  	v10 =	vld [tilespmem:$0x60];
	_ =	sdelay $0x4  }
0xc6: {  	vm14 =	vlt.u32 v10, $0x100;
	v10 =	vshll.u32 v10, $0x7  }
0xc7: {  	v10 =	vor.u32 v8, v10;
	_ =	sdelay $0x4  }
0xc8: {  	[tilespmem:v10+s20+$0x0] =	vst.idx.msk vm14, v2  }
0xc9: {  	v10 =	vld [tilespmem:$0x70];
	_ =	sdelay $0x4  }
0xca: {  	vm15 =	vlt.u32 v10, $0x100;
	v10 =	vshll.u32 v10, $0x7  }
0xcb: {  	v10 =	vor.u32 v9, v10;
	_ =	sdelay $0x4  }
0xcc: {  	s1 =	simm.s32 $0x0;
	s5 =	simm.s32 $0x1000;
	[tilespmem:v10+s20+$0x0] =	vst.idx.msk vm15, v2  }
0xcd: {  	[hbm4b:s7+s21] =	stream.strided.scatter [tilespmem:s20], [sflag:$0x5], $0x8000, s22, s21, $0x38;
	[tilespmem:$0x1F600] =	vst v63  }
.LBB2_4:
0xce: {  	p0 =	sne.s32 s5, $0x1F000;
	[tilespmem:s1+$0x85F0] =	vst v1  }
0xcf: {  	[tilespmem:s1+$0x8200] =	vst v1  }
0xd0: {  	[tilespmem:s1+$0x8210] =	vst v1  }
0xd1: {  	[tilespmem:s1+$0x8220] =	vst v1  }
0xd2: {  	[tilespmem:s1+$0x8230] =	vst v1  }
0xd3: {  	[tilespmem:s1+$0x8240] =	vst v1  }
0xd4: {  	[tilespmem:s1+$0x8250] =	vst v1  }
0xd5: {  	[tilespmem:s1+$0x8260] =	vst v1  }
0xd6: {  	[tilespmem:s1+$0x8270] =	vst v1  }
0xd7: {  	[tilespmem:s1+$0x8280] =	vst v1  }
0xd8: {  	[tilespmem:s1+$0x8290] =	vst v1  }
0xd9: {  	[tilespmem:s1+$0x82A0] =	vst v1  }
0xda: {  	[tilespmem:s1+$0x82B0] =	vst v1  }
0xdb: {  	[tilespmem:s1+$0x82C0] =	vst v1  }
0xdc: {  	[tilespmem:s1+$0x82D0] =	vst v1  }
0xdd: {  	[tilespmem:s1+$0x82E0] =	vst v1  }
0xde: {  	[tilespmem:s1+$0x82F0] =	vst v1  }
0xdf: {  	[tilespmem:s1+$0x8300] =	vst v1  }
0xe0: {  	[tilespmem:s1+$0x8310] =	vst v1  }
0xe1: {  	[tilespmem:s1+$0x8320] =	vst v1  }
0xe2: {  	[tilespmem:s1+$0x8330] =	vst v1  }
0xe3: {  	[tilespmem:s1+$0x8340] =	vst v1  }
0xe4: {  	[tilespmem:s1+$0x8350] =	vst v1  }
0xe5: {  	[tilespmem:s1+$0x8360] =	vst v1  }
0xe6: {  	[tilespmem:s1+$0x8370] =	vst v1  }
0xe7: {  	[tilespmem:s1+$0x8380] =	vst v1  }
0xe8: {  	[tilespmem:s1+$0x8390] =	vst v1  }
0xe9: {  	[tilespmem:s1+$0x83A0] =	vst v1  }
0xea: {  	[tilespmem:s1+$0x83B0] =	vst v1  }
0xeb: {  	[tilespmem:s1+$0x83C0] =	vst v1  }
0xec: {  	[tilespmem:s1+$0x83D0] =	vst v1  }
0xed: {  	[tilespmem:s1+$0x83E0] =	vst v1  }
0xee: {  	[tilespmem:s1+$0x83F0] =	vst v1  }
0xef: {  	[tilespmem:s1+$0x8400] =	vst v1  }
0xf0: {  	[tilespmem:s1+$0x8410] =	vst v1  }
0xf1: {  	[tilespmem:s1+$0x8420] =	vst v1  }
0xf2: {  	[tilespmem:s1+$0x8430] =	vst v1  }
0xf3: {  	[tilespmem:s1+$0x8440] =	vst v1  }
0xf4: {  	[tilespmem:s1+$0x8450] =	vst v1  }
0xf5: {  	[tilespmem:s1+$0x8460] =	vst v1  }
0xf6: {  	[tilespmem:s1+$0x8470] =	vst v1  }
0xf7: {  	[tilespmem:s1+$0x8480] =	vst v1  }
0xf8: {  	[tilespmem:s1+$0x8490] =	vst v1  }
0xf9: {  	[tilespmem:s1+$0x84A0] =	vst v1  }
0xfa: {  	[tilespmem:s1+$0x84B0] =	vst v1  }
0xfb: {  	[tilespmem:s1+$0x84C0] =	vst v1  }
0xfc: {  	[tilespmem:s1+$0x84D0] =	vst v1  }
0xfd: {  	[tilespmem:s1+$0x84E0] =	vst v1  }
0xfe: {  	[tilespmem:s1+$0x84F0] =	vst v1  }
0xff: {  	[tilespmem:s1+$0x8500] =	vst v1  }
0x100: {  	[tilespmem:s1+$0x8510] =	vst v1  }
0x101: {  	[tilespmem:s1+$0x8520] =	vst v1  }
0x102: {  	[tilespmem:s1+$0x8530] =	vst v1  }
0x103: {  	[tilespmem:s1+$0x8540] =	vst v1  }
0x104: {  	[tilespmem:s1+$0x8550] =	vst v1  }
0x105: {  	[tilespmem:s1+$0x8560] =	vst v1  }
0x106: {  	[tilespmem:s1+$0x8570] =	vst v1  }
0x107: {  	[tilespmem:s1+$0x8580] =	vst v1  }
0x108: {  	[tilespmem:s1+$0x8590] =	vst v1  }
.Ltmp3:
0x109: {  	[tilespmem:s1+$0x85A0] =	vst v1;
	(pc) =	sbr.rel @p0 .LBB2_4-.Ltmp3, $4  }
0x10a: {  	[tilespmem:s1+$0x85B0] =	vst v1  }
0x10b: {  	[tilespmem:s1+$0x85C0] =	vst v1  }
0x10c: {  	[tilespmem:s1+$0x85D0] =	vst v1  }
0x10d: {  	[tilespmem:s1+$0x85E0] =	vst v1;
	s1 =	sshra.s32 s5, $0x2;
	s5 =	sadd.s32 $0x1000, s5  }
0x10e: {  	[tilespmem:s1+$0x85F0] =	vst v1  }
0x10f: {  	[tilespmem:s1+$0x8200] =	vst v1  }
0x110: {  	[tilespmem:s1+$0x8210] =	vst v1  }
0x111: {  	[tilespmem:s1+$0x8220] =	vst v1  }
0x112: {  	[tilespmem:s1+$0x8230] =	vst v1  }
0x113: {  	[tilespmem:s1+$0x8240] =	vst v1  }
0x114: {  	[tilespmem:s1+$0x8250] =	vst v1  }
0x115: {  	[tilespmem:s1+$0x8260] =	vst v1  }
0x116: {  	[tilespmem:s1+$0x8270] =	vst v1  }
0x117: {  	[tilespmem:s1+$0x8280] =	vst v1  }
0x118: {  	[tilespmem:s1+$0x8290] =	vst v1  }
0x119: {  	[tilespmem:s1+$0x82A0] =	vst v1  }
0x11a: {  	[tilespmem:s1+$0x82B0] =	vst v1  }
0x11b: {  	[tilespmem:s1+$0x82C0] =	vst v1  }
0x11c: {  	[tilespmem:s1+$0x82D0] =	vst v1  }
0x11d: {  	[tilespmem:s1+$0x82E0] =	vst v1  }
0x11e: {  	[tilespmem:s1+$0x82F0] =	vst v1  }
0x11f: {  	[tilespmem:s1+$0x8300] =	vst v1  }
0x120: {  	[tilespmem:s1+$0x8310] =	vst v1  }
0x121: {  	[tilespmem:s1+$0x8320] =	vst v1  }
0x122: {  	[tilespmem:s1+$0x8330] =	vst v1  }
0x123: {  	[tilespmem:s1+$0x8340] =	vst v1  }
0x124: {  	[tilespmem:s1+$0x8350] =	vst v1  }
0x125: {  	[tilespmem:s1+$0x8360] =	vst v1  }
0x126: {  	[tilespmem:s1+$0x8370] =	vst v1  }
0x127: {  	[tilespmem:s1+$0x8380] =	vst v1  }
0x128: {  	[tilespmem:s1+$0x8390] =	vst v1  }
0x129: {  	[tilespmem:s1+$0x83A0] =	vst v1  }
0x12a: {  	[tilespmem:s1+$0x83B0] =	vst v1  }
0x12b: {  	[tilespmem:s1+$0x83C0] =	vst v1  }
0x12c: {  	[tilespmem:s1+$0x83D0] =	vst v1  }
0x12d: {  	[tilespmem:s1+$0x83E0] =	vst v1  }
0x12e: {  	[tilespmem:s1+$0x83F0] =	vst v1  }
0x12f: {  	[tilespmem:s1+$0x8400] =	vst v1  }
0x130: {  	[tilespmem:s1+$0x8410] =	vst v1  }
0x131: {  	[tilespmem:s1+$0x8420] =	vst v1  }
0x132: {  	[tilespmem:s1+$0x8430] =	vst v1  }
0x133: {  	[tilespmem:s1+$0x8440] =	vst v1  }
0x134: {  	[tilespmem:s1+$0x8450] =	vst v1  }
0x135: {  	[tilespmem:s1+$0x8460] =	vst v1  }
0x136: {  	[tilespmem:s1+$0x8470] =	vst v1  }
0x137: {  	[tilespmem:s1+$0x8480] =	vst v1  }
0x138: {  	[tilespmem:s1+$0x8490] =	vst v1  }
0x139: {  	[tilespmem:s1+$0x84A0] =	vst v1  }
0x13a: {  	[tilespmem:s1+$0x84B0] =	vst v1  }
0x13b: {  	[tilespmem:s1+$0x84C0] =	vst v1  }
0x13c: {  	[tilespmem:s1+$0x84D0] =	vst v1  }
0x13d: {  	[tilespmem:s1+$0x84E0] =	vst v1  }
0x13e: {  	[tilespmem:s1+$0x84F0] =	vst v1  }
0x13f: {  	[tilespmem:s1+$0x8500] =	vst v1  }
0x140: {  	[tilespmem:s1+$0x8510] =	vst v1  }
0x141: {  	[tilespmem:s1+$0x8520] =	vst v1  }
0x142: {  	[tilespmem:s1+$0x8530] =	vst v1  }
0x143: {  	[tilespmem:s1+$0x8540] =	vst v1  }
0x144: {  	[tilespmem:s1+$0x8550] =	vst v1  }
0x145: {  	[tilespmem:s1+$0x8560] =	vst v1  }
0x146: {  	[tilespmem:s1+$0x8570] =	vst v1  }
0x147: {  	[tilespmem:s1+$0x8580] =	vst v1  }
0x148: {  	[tilespmem:s1+$0x8590] =	vst v1  }
0x149: {  	[tilespmem:s1+$0x85A0] =	vst v1  }
0x14a: {  	[tilespmem:s1+$0x85B0] =	vst v1  }
0x14b: {  	[tilespmem:s1+$0x85C0] =	vst v1  }
0x14c: {  	[tilespmem:s1+$0x85D0] =	vst v1  }
0x14d: {  	[tilespmem:s1+$0x85E0] =	vst v1  }
0x14e: {  	v10 =	vld [tilespmem:$0x0];
	_ =	sdelay $0x4  }
0x14f: {  	v11 =	vand.u32 $0xFFFFFF00, v10  }
0x150: {  	v10 =	vshll.u32 v10, $0x7;
	vm0 =	veq.s32 v11, $0x100  }
0x151: {  	v10 =	vor.u32 v0, v10;
	_ =	sdelay $0x4  }
0x152: {  	[tilespmem:v10+s20+$0x0] =	vst.idx.msk vm0, v2  }
0x153: {  	v10 =	vld [tilespmem:$0x10];
	_ =	sdelay $0x4  }
0x154: {  	v11 =	vand.u32 $0xFFFFFF00, v10  }
0x155: {  	v10 =	vshll.u32 v10, $0x7;
	vm9 =	veq.s32 v11, $0x100  }
0x156: {  	v10 =	vor.u32 v3, v10;
	_ =	sdelay $0x4  }
0x157: {  	[tilespmem:v10+s20+$0x0] =	vst.idx.msk vm9, v2  }
0x158: {  	v10 =	vld [tilespmem:$0x20];
	_ =	sdelay $0x4  }
0x159: {  	v11 =	vand.u32 $0xFFFFFF00, v10  }
0x15a: {  	v10 =	vshll.u32 v10, $0x7;
	vm10 =	veq.s32 v11, $0x100  }
0x15b: {  	v10 =	vor.u32 v4, v10;
	_ =	sdelay $0x4  }
0x15c: {  	[tilespmem:v10+s20+$0x0] =	vst.idx.msk vm10, v2  }
0x15d: {  	v10 =	vld [tilespmem:$0x30];
	_ =	sdelay $0x4  }
0x15e: {  	v11 =	vand.u32 $0xFFFFFF00, v10  }
0x15f: {  	v10 =	vshll.u32 v10, $0x7;
	vm11 =	veq.s32 v11, $0x100  }
0x160: {  	v10 =	vor.u32 v5, v10;
	_ =	sdelay $0x4  }
0x161: {  	[tilespmem:v10+s20+$0x0] =	vst.idx.msk vm11, v2  }
0x162: {  	v10 =	vld [tilespmem:$0x40];
	_ =	sdelay $0x4  }
0x163: {  	v11 =	vand.u32 $0xFFFFFF00, v10  }
0x164: {  	v10 =	vshll.u32 v10, $0x7;
	vm12 =	veq.s32 v11, $0x100  }
0x165: {  	v10 =	vor.u32 v6, v10;
	_ =	sdelay $0x4  }
0x166: {  	[tilespmem:v10+s20+$0x0] =	vst.idx.msk vm12, v2  }
0x167: {  	v10 =	vld [tilespmem:$0x50];
	_ =	sdelay $0x4  }
0x168: {  	v11 =	vand.u32 $0xFFFFFF00, v10  }
0x169: {  	v10 =	vshll.u32 v10, $0x7;
	vm13 =	veq.s32 v11, $0x100  }
0x16a: {  	v10 =	vor.u32 v7, v10;
	_ =	sdelay $0x4  }
0x16b: {  	[tilespmem:v10+s20+$0x0] =	vst.idx.msk vm13, v2  }
0x16c: {  	v10 =	vld [tilespmem:$0x60];
	_ =	sdelay $0x4  }
0x16d: {  	v11 =	vand.u32 $0xFFFFFF00, v10  }
0x16e: {  	v10 =	vshll.u32 v10, $0x7;
	vm14 =	veq.s32 v11, $0x100  }
0x16f: {  	v10 =	vor.u32 v8, v10;
	_ =	sdelay $0x4  }
0x170: {  	[tilespmem:v10+s20+$0x0] =	vst.idx.msk vm14, v2  }
0x171: {  	v10 =	vld [tilespmem:$0x70];
	_ =	sdelay $0x4  }
0x172: {  	v11 =	vand.u32 $0xFFFFFF00, v10  }
0x173: {  	v10 =	vshll.u32 v10, $0x7;
	vm15 =	veq.s32 v11, $0x100  }
0x174: {  	v10 =	vor.u32 v9, v10;
	_ =	sdelay $0x4  }
0x175: {  	s26 =	rddreg [dreg:$0x5];
	s1 =	simm.s32 $0x0;
	s5 =	simm.s32 $0x1000;
	[tilespmem:v10+s20+$0x0] =	vst.idx.msk vm15, v2  }
0x176: {  	[hbm4b:s26+s21] =	stream.strided.scatter [tilespmem:s23], [sflag:$0x6], $0x8000, s22, s21, $0x38;
	[tilespmem:$0x1F600] =	vst v63  }
.LBB2_6:
0x177: {  	p0 =	sne.s32 s5, $0x1F000;
	[tilespmem:s1+$0x105F0] =	vst v1  }
0x178: {  	[tilespmem:s1+$0x10200] =	vst v1  }
0x179: {  	[tilespmem:s1+$0x10210] =	vst v1  }
0x17a: {  	[tilespmem:s1+$0x10220] =	vst v1  }
0x17b: {  	[tilespmem:s1+$0x10230] =	vst v1  }
0x17c: {  	[tilespmem:s1+$0x10240] =	vst v1  }
0x17d: {  	[tilespmem:s1+$0x10250] =	vst v1  }
0x17e: {  	[tilespmem:s1+$0x10260] =	vst v1  }
0x17f: {  	[tilespmem:s1+$0x10270] =	vst v1  }
0x180: {  	[tilespmem:s1+$0x10280] =	vst v1  }
0x181: {  	[tilespmem:s1+$0x10290] =	vst v1  }
0x182: {  	[tilespmem:s1+$0x102A0] =	vst v1  }
0x183: {  	[tilespmem:s1+$0x102B0] =	vst v1  }
0x184: {  	[tilespmem:s1+$0x102C0] =	vst v1  }
0x185: {  	[tilespmem:s1+$0x102D0] =	vst v1  }
0x186: {  	[tilespmem:s1+$0x102E0] =	vst v1  }
0x187: {  	[tilespmem:s1+$0x102F0] =	vst v1  }
0x188: {  	[tilespmem:s1+$0x10300] =	vst v1  }
0x189: {  	[tilespmem:s1+$0x10310] =	vst v1  }
0x18a: {  	[tilespmem:s1+$0x10320] =	vst v1  }
0x18b: {  	[tilespmem:s1+$0x10330] =	vst v1  }
0x18c: {  	[tilespmem:s1+$0x10340] =	vst v1  }
0x18d: {  	[tilespmem:s1+$0x10350] =	vst v1  }
0x18e: {  	[tilespmem:s1+$0x10360] =	vst v1  }
0x18f: {  	[tilespmem:s1+$0x10370] =	vst v1  }
0x190: {  	[tilespmem:s1+$0x10380] =	vst v1  }
0x191: {  	[tilespmem:s1+$0x10390] =	vst v1  }
0x192: {  	[tilespmem:s1+$0x103A0] =	vst v1  }
0x193: {  	[tilespmem:s1+$0x103B0] =	vst v1  }
0x194: {  	[tilespmem:s1+$0x103C0] =	vst v1  }
0x195: {  	[tilespmem:s1+$0x103D0] =	vst v1  }
0x196: {  	[tilespmem:s1+$0x103E0] =	vst v1  }
0x197: {  	[tilespmem:s1+$0x103F0] =	vst v1  }
0x198: {  	[tilespmem:s1+$0x10400] =	vst v1  }
0x199: {  	[tilespmem:s1+$0x10410] =	vst v1  }
0x19a: {  	[tilespmem:s1+$0x10420] =	vst v1  }
0x19b: {  	[tilespmem:s1+$0x10430] =	vst v1  }
0x19c: {  	[tilespmem:s1+$0x10440] =	vst v1  }
0x19d: {  	[tilespmem:s1+$0x10450] =	vst v1  }
0x19e: {  	[tilespmem:s1+$0x10460] =	vst v1  }
0x19f: {  	[tilespmem:s1+$0x10470] =	vst v1  }
0x1a0: {  	[tilespmem:s1+$0x10480] =	vst v1  }
0x1a1: {  	[tilespmem:s1+$0x10490] =	vst v1  }
0x1a2: {  	[tilespmem:s1+$0x104A0] =	vst v1  }
0x1a3: {  	[tilespmem:s1+$0x104B0] =	vst v1  }
0x1a4: {  	[tilespmem:s1+$0x104C0] =	vst v1  }
0x1a5: {  	[tilespmem:s1+$0x104D0] =	vst v1  }
0x1a6: {  	[tilespmem:s1+$0x104E0] =	vst v1  }
0x1a7: {  	[tilespmem:s1+$0x104F0] =	vst v1  }
0x1a8: {  	[tilespmem:s1+$0x10500] =	vst v1  }
0x1a9: {  	[tilespmem:s1+$0x10510] =	vst v1  }
0x1aa: {  	[tilespmem:s1+$0x10520] =	vst v1  }
0x1ab: {  	[tilespmem:s1+$0x10530] =	vst v1  }
0x1ac: {  	[tilespmem:s1+$0x10540] =	vst v1  }
0x1ad: {  	[tilespmem:s1+$0x10550] =	vst v1  }
0x1ae: {  	[tilespmem:s1+$0x10560] =	vst v1  }
0x1af: {  	[tilespmem:s1+$0x10570] =	vst v1  }
0x1b0: {  	[tilespmem:s1+$0x10580] =	vst v1  }
0x1b1: {  	[tilespmem:s1+$0x10590] =	vst v1  }
.Ltmp4:
0x1b2: {  	[tilespmem:s1+$0x105A0] =	vst v1;
	(pc) =	sbr.rel @p0 .LBB2_6-.Ltmp4, $4  }
0x1b3: {  	[tilespmem:s1+$0x105B0] =	vst v1  }
0x1b4: {  	[tilespmem:s1+$0x105C0] =	vst v1  }
0x1b5: {  	[tilespmem:s1+$0x105D0] =	vst v1  }
0x1b6: {  	[tilespmem:s1+$0x105E0] =	vst v1;
	s1 =	sshra.s32 s5, $0x2;
	s5 =	sadd.s32 $0x1000, s5  }
0x1b7: {  	[tilespmem:s1+$0x105F0] =	vst v1  }
0x1b8: {  	[tilespmem:s1+$0x10200] =	vst v1  }
0x1b9: {  	[tilespmem:s1+$0x10210] =	vst v1  }
0x1ba: {  	[tilespmem:s1+$0x10220] =	vst v1  }
0x1bb: {  	[tilespmem:s1+$0x10230] =	vst v1  }
0x1bc: {  	[tilespmem:s1+$0x10240] =	vst v1  }
0x1bd: {  	[tilespmem:s1+$0x10250] =	vst v1  }
0x1be: {  	[tilespmem:s1+$0x10260] =	vst v1  }
0x1bf: {  	[tilespmem:s1+$0x10270] =	vst v1  }
0x1c0: {  	[tilespmem:s1+$0x10280] =	vst v1  }
0x1c1: {  	[tilespmem:s1+$0x10290] =	vst v1  }
0x1c2: {  	[tilespmem:s1+$0x102A0] =	vst v1  }
0x1c3: {  	[tilespmem:s1+$0x102B0] =	vst v1  }
0x1c4: {  	[tilespmem:s1+$0x102C0] =	vst v1  }
0x1c5: {  	[tilespmem:s1+$0x102D0] =	vst v1  }
0x1c6: {  	[tilespmem:s1+$0x102E0] =	vst v1  }
0x1c7: {  	[tilespmem:s1+$0x102F0] =	vst v1  }
0x1c8: {  	[tilespmem:s1+$0x10300] =	vst v1  }
0x1c9: {  	[tilespmem:s1+$0x10310] =	vst v1  }
0x1ca: {  	[tilespmem:s1+$0x10320] =	vst v1  }
0x1cb: {  	[tilespmem:s1+$0x10330] =	vst v1  }
0x1cc: {  	[tilespmem:s1+$0x10340] =	vst v1  }
0x1cd: {  	[tilespmem:s1+$0x10350] =	vst v1  }
0x1ce: {  	[tilespmem:s1+$0x10360] =	vst v1  }
0x1cf: {  	[tilespmem:s1+$0x10370] =	vst v1  }
0x1d0: {  	[tilespmem:s1+$0x10380] =	vst v1  }
0x1d1: {  	[tilespmem:s1+$0x10390] =	vst v1  }
0x1d2: {  	[tilespmem:s1+$0x103A0] =	vst v1  }
0x1d3: {  	[tilespmem:s1+$0x103B0] =	vst v1  }
0x1d4: {  	[tilespmem:s1+$0x103C0] =	vst v1  }
0x1d5: {  	[tilespmem:s1+$0x103D0] =	vst v1  }
0x1d6: {  	[tilespmem:s1+$0x103E0] =	vst v1  }
0x1d7: {  	[tilespmem:s1+$0x103F0] =	vst v1  }
0x1d8: {  	[tilespmem:s1+$0x10400] =	vst v1  }
0x1d9: {  	[tilespmem:s1+$0x10410] =	vst v1  }
0x1da: {  	[tilespmem:s1+$0x10420] =	vst v1  }
0x1db: {  	[tilespmem:s1+$0x10430] =	vst v1  }
0x1dc: {  	[tilespmem:s1+$0x10440] =	vst v1  }
0x1dd: {  	[tilespmem:s1+$0x10450] =	vst v1  }
0x1de: {  	[tilespmem:s1+$0x10460] =	vst v1  }
0x1df: {  	[tilespmem:s1+$0x10470] =	vst v1  }
0x1e0: {  	[tilespmem:s1+$0x10480] =	vst v1  }
0x1e1: {  	[tilespmem:s1+$0x10490] =	vst v1  }
0x1e2: {  	[tilespmem:s1+$0x104A0] =	vst v1  }
0x1e3: {  	[tilespmem:s1+$0x104B0] =	vst v1  }
0x1e4: {  	[tilespmem:s1+$0x104C0] =	vst v1  }
0x1e5: {  	[tilespmem:s1+$0x104D0] =	vst v1  }
0x1e6: {  	[tilespmem:s1+$0x104E0] =	vst v1  }
0x1e7: {  	[tilespmem:s1+$0x104F0] =	vst v1  }
0x1e8: {  	[tilespmem:s1+$0x10500] =	vst v1  }
0x1e9: {  	[tilespmem:s1+$0x10510] =	vst v1  }
0x1ea: {  	[tilespmem:s1+$0x10520] =	vst v1  }
0x1eb: {  	[tilespmem:s1+$0x10530] =	vst v1  }
0x1ec: {  	[tilespmem:s1+$0x10540] =	vst v1  }
0x1ed: {  	[tilespmem:s1+$0x10550] =	vst v1  }
0x1ee: {  	[tilespmem:s1+$0x10560] =	vst v1  }
0x1ef: {  	[tilespmem:s1+$0x10570] =	vst v1  }
0x1f0: {  	[tilespmem:s1+$0x10580] =	vst v1  }
0x1f1: {  	[tilespmem:s1+$0x10590] =	vst v1  }
0x1f2: {  	[tilespmem:s1+$0x105A0] =	vst v1  }
0x1f3: {  	[tilespmem:s1+$0x105B0] =	vst v1  }
0x1f4: {  	[tilespmem:s1+$0x105C0] =	vst v1  }
0x1f5: {  	[tilespmem:s1+$0x105D0] =	vst v1  }
0x1f6: {  	[tilespmem:s1+$0x105E0] =	vst v1  }
0x1f7: {  	v10 =	vld [tilespmem:$0x0];
	_ =	sdelay $0x4  }
0x1f8: {  	v11 =	vand.u32 $0xFFFFFF00, v10  }
0x1f9: {  	v10 =	vshll.u32 v10, $0x7;
	vm0 =	veq.s32 v11, $0x200  }
0x1fa: {  	v10 =	vor.u32 v0, v10;
	_ =	sdelay $0x4  }
0x1fb: {  	[tilespmem:v10+s20+$0x0] =	vst.idx.msk vm0, v2  }
0x1fc: {  	v10 =	vld [tilespmem:$0x10];
	_ =	sdelay $0x4  }
0x1fd: {  	v11 =	vand.u32 $0xFFFFFF00, v10  }
0x1fe: {  	v10 =	vshll.u32 v10, $0x7;
	vm9 =	veq.s32 v11, $0x200  }
0x1ff: {  	v10 =	vor.u32 v3, v10;
	_ =	sdelay $0x4  }
0x200: {  	[tilespmem:v10+s20+$0x0] =	vst.idx.msk vm9, v2  }
0x201: {  	v10 =	vld [tilespmem:$0x20];
	_ =	sdelay $0x4  }
0x202: {  	v11 =	vand.u32 $0xFFFFFF00, v10  }
0x203: {  	v10 =	vshll.u32 v10, $0x7;
	vm10 =	veq.s32 v11, $0x200  }
0x204: {  	v10 =	vor.u32 v4, v10;
	_ =	sdelay $0x4  }
0x205: {  	[tilespmem:v10+s20+$0x0] =	vst.idx.msk vm10, v2  }
0x206: {  	v10 =	vld [tilespmem:$0x30];
	_ =	sdelay $0x4  }
0x207: {  	v11 =	vand.u32 $0xFFFFFF00, v10  }
0x208: {  	v10 =	vshll.u32 v10, $0x7;
	vm11 =	veq.s32 v11, $0x200  }
0x209: {  	v10 =	vor.u32 v5, v10;
	_ =	sdelay $0x4  }
0x20a: {  	[tilespmem:v10+s20+$0x0] =	vst.idx.msk vm11, v2  }
0x20b: {  	v10 =	vld [tilespmem:$0x40];
	_ =	sdelay $0x4  }
0x20c: {  	v11 =	vand.u32 $0xFFFFFF00, v10  }
0x20d: {  	v10 =	vshll.u32 v10, $0x7;
	vm12 =	veq.s32 v11, $0x200  }
0x20e: {  	v10 =	vor.u32 v6, v10;
	_ =	sdelay $0x4  }
0x20f: {  	[tilespmem:v10+s20+$0x0] =	vst.idx.msk vm12, v2  }
0x210: {  	v10 =	vld [tilespmem:$0x50];
	_ =	sdelay $0x4  }
0x211: {  	v11 =	vand.u32 $0xFFFFFF00, v10  }
0x212: {  	v10 =	vshll.u32 v10, $0x7;
	vm13 =	veq.s32 v11, $0x200  }
0x213: {  	v10 =	vor.u32 v7, v10;
	_ =	sdelay $0x4  }
0x214: {  	[tilespmem:v10+s20+$0x0] =	vst.idx.msk vm13, v2  }
0x215: {  	v10 =	vld [tilespmem:$0x60];
	_ =	sdelay $0x4  }
0x216: {  	v11 =	vand.u32 $0xFFFFFF00, v10  }
0x217: {  	v10 =	vshll.u32 v10, $0x7;
	vm14 =	veq.s32 v11, $0x200  }
0x218: {  	v10 =	vor.u32 v8, v10;
	_ =	sdelay $0x4  }
0x219: {  	[tilespmem:v10+s20+$0x0] =	vst.idx.msk vm14, v2  }
0x21a: {  	v10 =	vld [tilespmem:$0x70];
	_ =	sdelay $0x4  }
0x21b: {  	v11 =	vand.u32 $0xFFFFFF00, v10  }
0x21c: {  	v10 =	vshll.u32 v10, $0x7;
	vm15 =	veq.s32 v11, $0x200  }
0x21d: {  	v10 =	vor.u32 v9, v10;
	_ =	sdelay $0x4  }
0x21e: {  	s26 =	rddreg [dreg:$0x6];
	s1 =	simm.s32 $0x0;
	s5 =	simm.s32 $0x1000;
	[tilespmem:v10+s20+$0x0] =	vst.idx.msk vm15, v2  }
0x21f: {  	[hbm4b:s26+s21] =	stream.strided.scatter [tilespmem:s24], [sflag:$0x7], $0x8000, s22, s21, $0x38;
	[tilespmem:$0x1F600] =	vst v63  }
.LBB2_8:
0x220: {  	p0 =	sne.s32 s5, $0x1C000;
	[tilespmem:s1+$0x185F0] =	vst v1  }
0x221: {  	[tilespmem:s1+$0x18200] =	vst v1  }
0x222: {  	[tilespmem:s1+$0x18210] =	vst v1  }
0x223: {  	[tilespmem:s1+$0x18220] =	vst v1  }
0x224: {  	[tilespmem:s1+$0x18230] =	vst v1  }
0x225: {  	[tilespmem:s1+$0x18240] =	vst v1  }
0x226: {  	[tilespmem:s1+$0x18250] =	vst v1  }
0x227: {  	[tilespmem:s1+$0x18260] =	vst v1  }
0x228: {  	[tilespmem:s1+$0x18270] =	vst v1  }
0x229: {  	[tilespmem:s1+$0x18280] =	vst v1  }
0x22a: {  	[tilespmem:s1+$0x18290] =	vst v1  }
0x22b: {  	[tilespmem:s1+$0x182A0] =	vst v1  }
0x22c: {  	[tilespmem:s1+$0x182B0] =	vst v1  }
0x22d: {  	[tilespmem:s1+$0x182C0] =	vst v1  }
0x22e: {  	[tilespmem:s1+$0x182D0] =	vst v1  }
0x22f: {  	[tilespmem:s1+$0x182E0] =	vst v1  }
0x230: {  	[tilespmem:s1+$0x182F0] =	vst v1  }
0x231: {  	[tilespmem:s1+$0x18300] =	vst v1  }
0x232: {  	[tilespmem:s1+$0x18310] =	vst v1  }
0x233: {  	[tilespmem:s1+$0x18320] =	vst v1  }
0x234: {  	[tilespmem:s1+$0x18330] =	vst v1  }
0x235: {  	[tilespmem:s1+$0x18340] =	vst v1  }
0x236: {  	[tilespmem:s1+$0x18350] =	vst v1  }
0x237: {  	[tilespmem:s1+$0x18360] =	vst v1  }
0x238: {  	[tilespmem:s1+$0x18370] =	vst v1  }
0x239: {  	[tilespmem:s1+$0x18380] =	vst v1  }
0x23a: {  	[tilespmem:s1+$0x18390] =	vst v1  }
0x23b: {  	[tilespmem:s1+$0x183A0] =	vst v1  }
0x23c: {  	[tilespmem:s1+$0x183B0] =	vst v1  }
0x23d: {  	[tilespmem:s1+$0x183C0] =	vst v1  }
0x23e: {  	[tilespmem:s1+$0x183D0] =	vst v1  }
0x23f: {  	[tilespmem:s1+$0x183E0] =	vst v1  }
0x240: {  	[tilespmem:s1+$0x183F0] =	vst v1  }
0x241: {  	[tilespmem:s1+$0x18400] =	vst v1  }
0x242: {  	[tilespmem:s1+$0x18410] =	vst v1  }
0x243: {  	[tilespmem:s1+$0x18420] =	vst v1  }
0x244: {  	[tilespmem:s1+$0x18430] =	vst v1  }
0x245: {  	[tilespmem:s1+$0x18440] =	vst v1  }
0x246: {  	[tilespmem:s1+$0x18450] =	vst v1  }
0x247: {  	[tilespmem:s1+$0x18460] =	vst v1  }
0x248: {  	[tilespmem:s1+$0x18470] =	vst v1  }
0x249: {  	[tilespmem:s1+$0x18480] =	vst v1  }
0x24a: {  	[tilespmem:s1+$0x18490] =	vst v1  }
0x24b: {  	[tilespmem:s1+$0x184A0] =	vst v1  }
0x24c: {  	[tilespmem:s1+$0x184B0] =	vst v1  }
0x24d: {  	[tilespmem:s1+$0x184C0] =	vst v1  }
0x24e: {  	[tilespmem:s1+$0x184D0] =	vst v1  }
0x24f: {  	[tilespmem:s1+$0x184E0] =	vst v1  }
0x250: {  	[tilespmem:s1+$0x184F0] =	vst v1  }
0x251: {  	[tilespmem:s1+$0x18500] =	vst v1  }
0x252: {  	[tilespmem:s1+$0x18510] =	vst v1  }
0x253: {  	[tilespmem:s1+$0x18520] =	vst v1  }
0x254: {  	[tilespmem:s1+$0x18530] =	vst v1  }
0x255: {  	[tilespmem:s1+$0x18540] =	vst v1  }
0x256: {  	[tilespmem:s1+$0x18550] =	vst v1  }
0x257: {  	[tilespmem:s1+$0x18560] =	vst v1  }
0x258: {  	[tilespmem:s1+$0x18570] =	vst v1  }
0x259: {  	[tilespmem:s1+$0x18580] =	vst v1  }
0x25a: {  	[tilespmem:s1+$0x18590] =	vst v1  }
.Ltmp5:
0x25b: {  	[tilespmem:s1+$0x185A0] =	vst v1;
	(pc) =	sbr.rel @p0 .LBB2_8-.Ltmp5, $4  }
0x25c: {  	[tilespmem:s1+$0x185B0] =	vst v1  }
0x25d: {  	[tilespmem:s1+$0x185C0] =	vst v1  }
0x25e: {  	[tilespmem:s1+$0x185D0] =	vst v1  }
0x25f: {  	[tilespmem:s1+$0x185E0] =	vst v1;
	s1 =	sshra.s32 s5, $0x2;
	s5 =	sadd.s32 $0x1000, s5  }
0x260: {  	[tilespmem:s1+$0x185F0] =	vst v1  }
0x261: {  	[tilespmem:s1+$0x18200] =	vst v1  }
0x262: {  	[tilespmem:s1+$0x18210] =	vst v1  }
0x263: {  	[tilespmem:s1+$0x18220] =	vst v1  }
0x264: {  	[tilespmem:s1+$0x18230] =	vst v1  }
0x265: {  	[tilespmem:s1+$0x18240] =	vst v1  }
0x266: {  	[tilespmem:s1+$0x18250] =	vst v1  }
0x267: {  	[tilespmem:s1+$0x18260] =	vst v1  }
0x268: {  	[tilespmem:s1+$0x18270] =	vst v1  }
0x269: {  	[tilespmem:s1+$0x18280] =	vst v1  }
0x26a: {  	[tilespmem:s1+$0x18290] =	vst v1  }
0x26b: {  	[tilespmem:s1+$0x182A0] =	vst v1  }
0x26c: {  	[tilespmem:s1+$0x182B0] =	vst v1  }
0x26d: {  	[tilespmem:s1+$0x182C0] =	vst v1  }
0x26e: {  	[tilespmem:s1+$0x182D0] =	vst v1  }
0x26f: {  	[tilespmem:s1+$0x182E0] =	vst v1  }
0x270: {  	[tilespmem:s1+$0x182F0] =	vst v1  }
0x271: {  	[tilespmem:s1+$0x18300] =	vst v1  }
0x272: {  	[tilespmem:s1+$0x18310] =	vst v1  }
0x273: {  	[tilespmem:s1+$0x18320] =	vst v1  }
0x274: {  	[tilespmem:s1+$0x18330] =	vst v1  }
0x275: {  	[tilespmem:s1+$0x18340] =	vst v1  }
0x276: {  	[tilespmem:s1+$0x18350] =	vst v1  }
0x277: {  	[tilespmem:s1+$0x18360] =	vst v1  }
0x278: {  	[tilespmem:s1+$0x18370] =	vst v1  }
0x279: {  	[tilespmem:s1+$0x18380] =	vst v1  }
0x27a: {  	[tilespmem:s1+$0x18390] =	vst v1  }
0x27b: {  	[tilespmem:s1+$0x183A0] =	vst v1  }
0x27c: {  	[tilespmem:s1+$0x183B0] =	vst v1  }
0x27d: {  	[tilespmem:s1+$0x183C0] =	vst v1  }
0x27e: {  	[tilespmem:s1+$0x183D0] =	vst v1  }
0x27f: {  	[tilespmem:s1+$0x183E0] =	vst v1  }
0x280: {  	[tilespmem:s1+$0x183F0] =	vst v1  }
0x281: {  	[tilespmem:s1+$0x18400] =	vst v1  }
0x282: {  	[tilespmem:s1+$0x18410] =	vst v1  }
0x283: {  	[tilespmem:s1+$0x18420] =	vst v1  }
0x284: {  	[tilespmem:s1+$0x18430] =	vst v1  }
0x285: {  	[tilespmem:s1+$0x18440] =	vst v1  }
0x286: {  	[tilespmem:s1+$0x18450] =	vst v1  }
0x287: {  	[tilespmem:s1+$0x18460] =	vst v1  }
0x288: {  	[tilespmem:s1+$0x18470] =	vst v1  }
0x289: {  	[tilespmem:s1+$0x18480] =	vst v1  }
0x28a: {  	[tilespmem:s1+$0x18490] =	vst v1  }
0x28b: {  	[tilespmem:s1+$0x184A0] =	vst v1  }
0x28c: {  	[tilespmem:s1+$0x184B0] =	vst v1  }
0x28d: {  	[tilespmem:s1+$0x184C0] =	vst v1  }
0x28e: {  	[tilespmem:s1+$0x184D0] =	vst v1  }
0x28f: {  	[tilespmem:s1+$0x184E0] =	vst v1  }
0x290: {  	[tilespmem:s1+$0x184F0] =	vst v1  }
0x291: {  	[tilespmem:s1+$0x18500] =	vst v1  }
0x292: {  	[tilespmem:s1+$0x18510] =	vst v1  }
0x293: {  	[tilespmem:s1+$0x18520] =	vst v1  }
0x294: {  	[tilespmem:s1+$0x18530] =	vst v1  }
0x295: {  	[tilespmem:s1+$0x18540] =	vst v1  }
0x296: {  	[tilespmem:s1+$0x18550] =	vst v1  }
0x297: {  	[tilespmem:s1+$0x18560] =	vst v1  }
0x298: {  	[tilespmem:s1+$0x18570] =	vst v1  }
0x299: {  	[tilespmem:s1+$0x18580] =	vst v1  }
0x29a: {  	[tilespmem:s1+$0x18590] =	vst v1  }
0x29b: {  	[tilespmem:s1+$0x185A0] =	vst v1  }
0x29c: {  	[tilespmem:s1+$0x185B0] =	vst v1  }
0x29d: {  	[tilespmem:s1+$0x185C0] =	vst v1  }
0x29e: {  	[tilespmem:s1+$0x185D0] =	vst v1  }
0x29f: {  	[tilespmem:s1+$0x185E0] =	vst v1  }
0x2a0: {  	v10 =	vld [tilespmem:$0x0];
	_ =	sdelay $0x4  }
0x2a1: {  	v11 =	vadd.s32 $0xFFFFFD00, v10  }
0x2a2: {  	v10 =	vshll.u32 v10, $0x7;
	vm0 =	vlt.u32 v11, $0xE8  }
0x2a3: {  	v10 =	vor.u32 v0, v10;
	_ =	sdelay $0x3  }
0x2a4: {  	s1 =	simm.s32 $0x200  }
0x2a5: {  	[tilespmem:v10+s1+$0x0] =	vst.idx.msk vm0, v2  }
0x2a6: {  	v10 =	vld [tilespmem:$0x10];
	_ =	sdelay $0x4  }
0x2a7: {  	v11 =	vadd.s32 $0xFFFFFD00, v10  }
0x2a8: {  	v10 =	vshll.u32 v10, $0x7;
	vm9 =	vlt.u32 v11, $0xE8  }
0x2a9: {  	v10 =	vor.u32 v3, v10;
	_ =	sdelay $0x4  }
0x2aa: {  	[tilespmem:v10+s1+$0x0] =	vst.idx.msk vm9, v2  }
0x2ab: {  	v10 =	vld [tilespmem:$0x20];
	_ =	sdelay $0x4  }
0x2ac: {  	v11 =	vadd.s32 $0xFFFFFD00, v10  }
0x2ad: {  	v10 =	vshll.u32 v10, $0x7;
	vm10 =	vlt.u32 v11, $0xE8  }
0x2ae: {  	v10 =	vor.u32 v4, v10;
	_ =	sdelay $0x4  }
0x2af: {  	[tilespmem:v10+s1+$0x0] =	vst.idx.msk vm10, v2  }
0x2b0: {  	v10 =	vld [tilespmem:$0x30];
	_ =	sdelay $0x4  }
0x2b1: {  	v11 =	vadd.s32 $0xFFFFFD00, v10  }
0x2b2: {  	v10 =	vshll.u32 v10, $0x7;
	vm11 =	vlt.u32 v11, $0xE8  }
0x2b3: {  	v10 =	vor.u32 v5, v10;
	_ =	sdelay $0x4  }
0x2b4: {  	[tilespmem:v10+s1+$0x0] =	vst.idx.msk vm11, v2  }
0x2b5: {  	v10 =	vld [tilespmem:$0x40];
	_ =	sdelay $0x4  }
0x2b6: {  	v11 =	vadd.s32 $0xFFFFFD00, v10  }
0x2b7: {  	v10 =	vshll.u32 v10, $0x7;
	vm12 =	vlt.u32 v11, $0xE8  }
0x2b8: {  	v10 =	vor.u32 v6, v10;
	_ =	sdelay $0x4  }
0x2b9: {  	[tilespmem:v10+s1+$0x0] =	vst.idx.msk vm12, v2  }
0x2ba: {  	v10 =	vld [tilespmem:$0x50];
	_ =	sdelay $0x4  }
0x2bb: {  	v11 =	vadd.s32 $0xFFFFFD00, v10  }
0x2bc: {  	v10 =	vshll.u32 v10, $0x7;
	vm13 =	vlt.u32 v11, $0xE8  }
0x2bd: {  	v10 =	vor.u32 v7, v10;
	_ =	sdelay $0x4  }
0x2be: {  	[tilespmem:v10+s1+$0x0] =	vst.idx.msk vm13, v2  }
0x2bf: {  	v10 =	vld [tilespmem:$0x60];
	_ =	sdelay $0x4  }
0x2c0: {  	v11 =	vadd.s32 $0xFFFFFD00, v10  }
0x2c1: {  	v10 =	vshll.u32 v10, $0x7;
	vm14 =	vlt.u32 v11, $0xE8  }
0x2c2: {  	v10 =	vor.u32 v8, v10;
	_ =	sdelay $0x4  }
0x2c3: {  	[tilespmem:v10+s1+$0x0] =	vst.idx.msk vm14, v2  }
0x2c4: {  	v10 =	vld [tilespmem:$0x70];
	_ =	sdelay $0x4  }
0x2c5: {  	v11 =	vadd.s32 $0xFFFFFD00, v10  }
0x2c6: {  	v10 =	vshll.u32 v10, $0x7;
	vm15 =	vlt.u32 v11, $0xE8  }
0x2c7: {  	v10 =	vor.u32 v9, v10;
	_ =	sdelay $0x4  }
.Ltmp6:
0x2c8: {  	s5 =	rddreg [dreg:$0x7];
	s26 =	simm.s32 $0x0;
	[tilespmem:v10+s1+$0x0] =	vst.idx.msk vm15, v2;
	(pc) =	sbr.rel .LBB2_10-.Ltmp6, $4  }
0x2c9: {  	[hbm4b:s5+s21] =	stream.strided.scatter [tilespmem:s25], [sflag:$0x8], $0x7400, s22, s21, $0x38;
	[tilespmem:$0x1F600] =	vst v63  }
0x2ca: {  	s13 =	rddreg [dreg:$0x8];
	s6 =	simm.s32 $0x180;
	s8 =	simm.s32 $0x4  }
0x2cb: {  	[tilespmem:s6], [sflag:$0x4] =	stream.linear.gather [hbm4b:s13+s26], $0x80, $0x38;
	[tilespmem:$0x1F600] =	vst v63  }
0x2cc: {  	s5 =	simm.s32 $0x800;
	s6 =	simm.s32 $0x40;
	s13 =	rddreg [dreg:$0xa]  }
.LBB2_11:
0x2cd: {  	s9 =	sand.u32 $0x7000, s5;
	s10 =	sand.u32 $0x40, s6  }
0x2ce: {  	s9 =	sor.u32 s10, s9  }
0x2cf: {  	s9 =	sadd.s32 s9, s4  }
0x2d0: {  	[tilespmem:s3], [sflag:$0x1] =	stream.linear.gather [hbm4b:s9+s3], $0x80, $0x38;
	[tilespmem:$0x1F600] =	vst v63  }
.LBB2_17:
0x2d1: {  	s26 =	sadd.s32 $0x7D000, s26  }
0x2d2: {  	p0 =	sne.s32 s26, $0xC35000  }
.Ltmp7:
0x2d3: {  	_ = 	snop;
	(pc) =	sbr.rel @!p0 .LBB2_18-.Ltmp7, $3  }
0x2d4: {  	_ =	sdelay $0x1  }
0x2d5: {  	s1 =	sadd.s32 $0x80, s1;
	s5 =	sadd.s32 $0x200, s5  }
0x2d6: {  	s6 =	sadd.s32 $0x10, s6;
	s8 =	sadd.s32 $0x1, s8;
	s13 =	sadd.s32 $0x3E8000, s13  }
.LBB2_10:
0x2d7: {  	s10 =	sadd.s32 $0xFFFFFFFD, s8  }
0x2d8: {  	s11 =	sand.u32 $0x3, s10  }
0x2d9: {  	p0 =	sgt.s32 s11, $0x1  }
0x2da: {  	p1 =	seq.s32 @p0 s11, $0x2  }
0x2db: {  	p2 =	seq.s32 @!p0 s11, $0x0;
	p1 =	por !p1, !p0  }
0x2dc: {  	s12 =	simm.s32 $0x1;
	p2 =	por !p2, p0;
	s9 =	simm.s32 @!p1 $0x3  }
0x2dd: {  	s12 =	simm.s32 @p2 $0x2;
	s9 =	simm.s32 @p1 $0x4  }
0x2de: {  	s12 =	smov.u32 @p0 s9  }
0x2df: {  	_ =	swait.ge [sflag:s12], $0x80  }
0x2e0: {  	[sflag:s12] =	ssyncset.done $0x0  }
0x2e1: {  	[sflag:s12] =	ssyncadd.s32 $0xFFFFFF80  }
0x2e2: {  	_ =	swait.ge [sflag:s28], $0x8000  }
0x2e3: {  	[sflag:s28] =	ssyncset.done $0x0  }
0x2e4: {  	s12 =	sand.u32 $0x180, s1;
	[sflag:s28] =	ssyncadd.s32 $0xFFFF8000  }
0x2e5: {  	v10 =	vld [tilespmem:s12+$0x0];
	_ =	sdelay $0x4  }
0x2e6: {  	vm0 =	vlt.u32 v10, $0x100;
	v10 =	vshll.u32 v10, $0x7  }
0x2e7: {  	v10 =	vor.u32 v0, v10;
	_ =	sdelay $0x4  }
0x2e8: {  	[tilespmem:v10+s20+$0x0] =	vst.idx.msk vm0, v1  }
0x2e9: {  	v10 =	vld [tilespmem:s12+$0x10];
	_ =	sdelay $0x4  }
0x2ea: {  	vm13 =	vlt.u32 v10, $0x100;
	v10 =	vshll.u32 v10, $0x7  }
0x2eb: {  	v10 =	vor.u32 v3, v10;
	_ =	sdelay $0x4  }
0x2ec: {  	[tilespmem:v10+s20+$0x0] =	vst.idx.msk vm13, v1  }
0x2ed: {  	v10 =	vld [tilespmem:s12+$0x20];
	_ =	sdelay $0x4  }
0x2ee: {  	vm14 =	vlt.u32 v10, $0x100;
	v10 =	vshll.u32 v10, $0x7  }
0x2ef: {  	v10 =	vor.u32 v4, v10;
	_ =	sdelay $0x4  }
0x2f0: {  	[tilespmem:v10+s20+$0x0] =	vst.idx.msk vm14, v1  }
0x2f1: {  	v10 =	vld [tilespmem:s12+$0x30];
	_ =	sdelay $0x4  }
0x2f2: {  	vm15 =	vlt.u32 v10, $0x100;
	v10 =	vshll.u32 v10, $0x7  }
0x2f3: {  	v10 =	vor.u32 v5, v10;
	_ =	sdelay $0x4  }
0x2f4: {  	[tilespmem:v10+s20+$0x0] =	vst.idx.msk vm15, v1  }
0x2f5: {  	v10 =	vld [tilespmem:s12+$0x40];
	_ =	sdelay $0x4  }
0x2f6: {  	vm4 =	vlt.u32 v10, $0x100;
	v10 =	vshll.u32 v10, $0x7  }
0x2f7: {  	v10 =	vor.u32 v6, v10;
	_ =	sdelay $0x4  }
0x2f8: {  	[tilespmem:v10+s20+$0x0] =	vst.idx.msk vm4, v1  }
0x2f9: {  	v10 =	vld [tilespmem:s12+$0x50];
	_ =	sdelay $0x4  }
0x2fa: {  	vm5 =	vlt.u32 v10, $0x100;
	v10 =	vshll.u32 v10, $0x7  }
0x2fb: {  	v10 =	vor.u32 v7, v10;
	_ =	sdelay $0x4  }
0x2fc: {  	[tilespmem:v10+s20+$0x0] =	vst.idx.msk vm5, v1  }
0x2fd: {  	v10 =	vld [tilespmem:s12+$0x60];
	_ =	sdelay $0x4  }
0x2fe: {  	vm6 =	vlt.u32 v10, $0x100;
	v10 =	vshll.u32 v10, $0x7  }
0x2ff: {  	v10 =	vor.u32 v8, v10;
	_ =	sdelay $0x4  }
0x300: {  	[tilespmem:v10+s20+$0x0] =	vst.idx.msk vm6, v1  }
0x301: {  	v10 =	vld [tilespmem:s12+$0x70];
	_ =	sdelay $0x4  }
0x302: {  	vm7 =	vlt.u32 v10, $0x100;
	v10 =	vshll.u32 v10, $0x7  }
0x303: {  	v10 =	vor.u32 v9, v10;
	_ =	sdelay $0x4  }
0x304: {  	s11 =	sshll.u32 s11, $0x7;
	[tilespmem:v10+s20+$0x0] =	vst.idx.msk vm7, v1  }
0x305: {  	v10 =	vld [tilespmem:s11+$0x0];
	_ =	sdelay $0x4  }
0x306: {  	vm8 =	vlt.u32 v10, $0x100;
	v10 =	vshll.u32 v10, $0x7  }
0x307: {  	v10 =	vor.u32 v0, v10;
	_ =	sdelay $0x4  }
0x308: {  	[tilespmem:v10+s20+$0x0] =	vst.idx.msk vm8, v2  }
0x309: {  	v10 =	vld [tilespmem:s11+$0x10];
	_ =	sdelay $0x4  }
0x30a: {  	vm9 =	vlt.u32 v10, $0x100;
	v10 =	vshll.u32 v10, $0x7  }
0x30b: {  	v10 =	vor.u32 v3, v10;
	_ =	sdelay $0x4  }
0x30c: {  	[tilespmem:v10+s20+$0x0] =	vst.idx.msk vm9, v2  }
0x30d: {  	v10 =	vld [tilespmem:s11+$0x20];
	_ =	sdelay $0x4  }
0x30e: {  	vm10 =	vlt.u32 v10, $0x100;
	v10 =	vshll.u32 v10, $0x7  }
0x30f: {  	v10 =	vor.u32 v4, v10;
	_ =	sdelay $0x4  }
0x310: {  	[tilespmem:v10+s20+$0x0] =	vst.idx.msk vm10, v2  }
0x311: {  	v10 =	vld [tilespmem:s11+$0x30];
	_ =	sdelay $0x4  }
0x312: {  	vm11 =	vlt.u32 v10, $0x100;
	v10 =	vshll.u32 v10, $0x7  }
0x313: {  	v10 =	vor.u32 v5, v10;
	_ =	sdelay $0x4  }
0x314: {  	[tilespmem:v10+s20+$0x0] =	vst.idx.msk vm11, v2  }
0x315: {  	v10 =	vld [tilespmem:s11+$0x40];
	_ =	sdelay $0x4  }
0x316: {  	vm12 =	vlt.u32 v10, $0x100;
	v10 =	vshll.u32 v10, $0x7  }
0x317: {  	v10 =	vor.u32 v6, v10;
	_ =	sdelay $0x4  }
0x318: {  	[tilespmem:v10+s20+$0x0] =	vst.idx.msk vm12, v2  }
0x319: {  	v10 =	vld [tilespmem:s11+$0x50];
	_ =	sdelay $0x4  }
0x31a: {  	vm13 =	vlt.u32 v10, $0x100;
	v10 =	vshll.u32 v10, $0x7  }
0x31b: {  	v10 =	vor.u32 v7, v10;
	_ =	sdelay $0x4  }
0x31c: {  	[tilespmem:v10+s20+$0x0] =	vst.idx.msk vm13, v2  }
0x31d: {  	v10 =	vld [tilespmem:s11+$0x60];
	_ =	sdelay $0x4  }
0x31e: {  	vm14 =	vlt.u32 v10, $0x100;
	v10 =	vshll.u32 v10, $0x7  }
0x31f: {  	v10 =	vor.u32 v8, v10;
	_ =	sdelay $0x4  }
0x320: {  	[tilespmem:v10+s20+$0x0] =	vst.idx.msk vm14, v2  }
0x321: {  	v10 =	vld [tilespmem:s11+$0x70];
	_ =	sdelay $0x4  }
0x322: {  	vm15 =	vlt.u32 v10, $0x100;
	v10 =	vshll.u32 v10, $0x7  }
0x323: {  	v10 =	vor.u32 v9, v10;
	_ =	sdelay $0x3  }
0x324: {  	s9 =	sshrl.u32 s13, $0x3  }
0x325: {  	s9 =	sadd.s32 s2, s9;
	[tilespmem:v10+s20+$0x0] =	vst.idx.msk vm15, v2  }
0x326: {  	[hbm4b:s9+s21] =	stream.strided.scatter [tilespmem:s20], [sflag:$0x5], $0x8000, s22, s21, $0x38;
	[tilespmem:$0x1F600] =	vst v63  }
0x327: {  	_ =	swait.ge [sflag:s29], $0x8000  }
0x328: {  	[sflag:s29] =	ssyncset.done $0x0  }
0x329: {  	[sflag:s29] =	ssyncadd.s32 $0xFFFF8000  }
0x32a: {  	v10 =	vld [tilespmem:s12+$0x0];
	_ =	sdelay $0x4  }
0x32b: {  	v11 =	vand.u32 $0xFFFFFF00, v10  }
0x32c: {  	v10 =	vshll.u32 v10, $0x7;
	vm4 =	veq.s32 v11, $0x100  }
0x32d: {  	v10 =	vor.u32 v0, v10;
	_ =	sdelay $0x4  }
0x32e: {  	[tilespmem:v10+s20+$0x0] =	vst.idx.msk vm4, v1  }
0x32f: {  	v10 =	vld [tilespmem:s12+$0x10];
	_ =	sdelay $0x4  }
0x330: {  	v11 =	vand.u32 $0xFFFFFF00, v10  }
0x331: {  	v10 =	vshll.u32 v10, $0x7;
	vm5 =	veq.s32 v11, $0x100  }
0x332: {  	v10 =	vor.u32 v3, v10;
	_ =	sdelay $0x4  }
0x333: {  	[tilespmem:v10+s20+$0x0] =	vst.idx.msk vm5, v1  }
0x334: {  	v10 =	vld [tilespmem:s12+$0x20];
	_ =	sdelay $0x4  }
0x335: {  	v11 =	vand.u32 $0xFFFFFF00, v10  }
0x336: {  	v10 =	vshll.u32 v10, $0x7;
	vm6 =	veq.s32 v11, $0x100  }
0x337: {  	v10 =	vor.u32 v4, v10;
	_ =	sdelay $0x4  }
0x338: {  	[tilespmem:v10+s20+$0x0] =	vst.idx.msk vm6, v1  }
0x339: {  	v10 =	vld [tilespmem:s12+$0x30];
	_ =	sdelay $0x4  }
0x33a: {  	v11 =	vand.u32 $0xFFFFFF00, v10  }
0x33b: {  	v10 =	vshll.u32 v10, $0x7;
	vm7 =	veq.s32 v11, $0x100  }
0x33c: {  	v10 =	vor.u32 v5, v10;
	_ =	sdelay $0x4  }
0x33d: {  	[tilespmem:v10+s20+$0x0] =	vst.idx.msk vm7, v1  }
0x33e: {  	v10 =	vld [tilespmem:s12+$0x40];
	_ =	sdelay $0x4  }
0x33f: {  	v11 =	vand.u32 $0xFFFFFF00, v10  }
0x340: {  	v10 =	vshll.u32 v10, $0x7;
	vm8 =	veq.s32 v11, $0x100  }
0x341: {  	v10 =	vor.u32 v6, v10;
	_ =	sdelay $0x4  }
0x342: {  	[tilespmem:v10+s20+$0x0] =	vst.idx.msk vm8, v1  }
0x343: {  	v10 =	vld [tilespmem:s12+$0x50];
	_ =	sdelay $0x4  }
0x344: {  	v11 =	vand.u32 $0xFFFFFF00, v10  }
0x345: {  	v10 =	vshll.u32 v10, $0x7;
	vm9 =	veq.s32 v11, $0x100  }
0x346: {  	v10 =	vor.u32 v7, v10;
	_ =	sdelay $0x4  }
0x347: {  	[tilespmem:v10+s20+$0x0] =	vst.idx.msk vm9, v1  }
0x348: {  	v10 =	vld [tilespmem:s12+$0x60];
	_ =	sdelay $0x4  }
0x349: {  	v11 =	vand.u32 $0xFFFFFF00, v10  }
0x34a: {  	v10 =	vshll.u32 v10, $0x7;
	vm10 =	veq.s32 v11, $0x100  }
0x34b: {  	v10 =	vor.u32 v8, v10;
	_ =	sdelay $0x4  }
0x34c: {  	[tilespmem:v10+s20+$0x0] =	vst.idx.msk vm10, v1  }
0x34d: {  	v10 =	vld [tilespmem:s12+$0x70];
	_ =	sdelay $0x4  }
0x34e: {  	v11 =	vand.u32 $0xFFFFFF00, v10  }
0x34f: {  	v10 =	vshll.u32 v10, $0x7;
	vm11 =	veq.s32 v11, $0x100  }
0x350: {  	v10 =	vor.u32 v9, v10;
	_ =	sdelay $0x4  }
0x351: {  	[tilespmem:v10+s20+$0x0] =	vst.idx.msk vm11, v1  }
0x352: {  	v10 =	vld [tilespmem:s11+$0x0];
	_ =	sdelay $0x4  }
0x353: {  	v11 =	vand.u32 $0xFFFFFF00, v10  }
0x354: {  	v10 =	vshll.u32 v10, $0x7;
	vm12 =	veq.s32 v11, $0x100  }
0x355: {  	v10 =	vor.u32 v0, v10;
	_ =	sdelay $0x4  }
0x356: {  	[tilespmem:v10+s20+$0x0] =	vst.idx.msk vm12, v2  }
0x357: {  	v10 =	vld [tilespmem:s11+$0x10];
	_ =	sdelay $0x4  }
0x358: {  	v11 =	vand.u32 $0xFFFFFF00, v10  }
0x359: {  	v10 =	vshll.u32 v10, $0x7;
	vm13 =	veq.s32 v11, $0x100  }
0x35a: {  	v10 =	vor.u32 v3, v10;
	_ =	sdelay $0x4  }
0x35b: {  	[tilespmem:v10+s20+$0x0] =	vst.idx.msk vm13, v2  }
0x35c: {  	v10 =	vld [tilespmem:s11+$0x20];
	_ =	sdelay $0x4  }
0x35d: {  	v11 =	vand.u32 $0xFFFFFF00, v10  }
0x35e: {  	v10 =	vshll.u32 v10, $0x7;
	vm14 =	veq.s32 v11, $0x100  }
0x35f: {  	v10 =	vor.u32 v4, v10;
	_ =	sdelay $0x4  }
0x360: {  	[tilespmem:v10+s20+$0x0] =	vst.idx.msk vm14, v2  }
0x361: {  	v10 =	vld [tilespmem:s11+$0x30];
	_ =	sdelay $0x4  }
0x362: {  	v11 =	vand.u32 $0xFFFFFF00, v10  }
0x363: {  	v10 =	vshll.u32 v10, $0x7;
	vm15 =	veq.s32 v11, $0x100  }
0x364: {  	v10 =	vor.u32 v5, v10;
	_ =	sdelay $0x4  }
0x365: {  	[tilespmem:v10+s20+$0x0] =	vst.idx.msk vm15, v2  }
0x366: {  	v10 =	vld [tilespmem:s11+$0x40];
	_ =	sdelay $0x4  }
0x367: {  	v11 =	vand.u32 $0xFFFFFF00, v10  }
0x368: {  	v10 =	vshll.u32 v10, $0x7;
	vm4 =	veq.s32 v11, $0x100  }
0x369: {  	v10 =	vor.u32 v6, v10;
	_ =	sdelay $0x4  }
0x36a: {  	[tilespmem:v10+s20+$0x0] =	vst.idx.msk vm4, v2  }
0x36b: {  	v10 =	vld [tilespmem:s11+$0x50];
	_ =	sdelay $0x4  }
0x36c: {  	v11 =	vand.u32 $0xFFFFFF00, v10  }
0x36d: {  	v10 =	vshll.u32 v10, $0x7;
	vm5 =	veq.s32 v11, $0x100  }
0x36e: {  	v10 =	vor.u32 v7, v10;
	_ =	sdelay $0x4  }
0x36f: {  	[tilespmem:v10+s20+$0x0] =	vst.idx.msk vm5, v2  }
0x370: {  	v10 =	vld [tilespmem:s11+$0x60];
	_ =	sdelay $0x4  }
0x371: {  	v11 =	vand.u32 $0xFFFFFF00, v10  }
0x372: {  	v10 =	vshll.u32 v10, $0x7;
	vm6 =	veq.s32 v11, $0x100  }
0x373: {  	v10 =	vor.u32 v8, v10;
	_ =	sdelay $0x4  }
0x374: {  	[tilespmem:v10+s20+$0x0] =	vst.idx.msk vm6, v2  }
0x375: {  	v10 =	vld [tilespmem:s11+$0x70];
	_ =	sdelay $0x4  }
0x376: {  	v11 =	vand.u32 $0xFFFFFF00, v10  }
0x377: {  	v10 =	vshll.u32 v10, $0x7;
	vm7 =	veq.s32 v11, $0x100  }
0x378: {  	v10 =	vor.u32 v9, v10;
	_ =	sdelay $0x4  }
0x379: {  	s9 =	sadd.s32 s26, s14;
	[tilespmem:v10+s20+$0x0] =	vst.idx.msk vm7, v2  }
0x37a: {  	[hbm4b:s9+s21] =	stream.strided.scatter [tilespmem:s23], [sflag:$0x6], $0x8000, s22, s21, $0x38;
	[tilespmem:$0x1F600] =	vst v63  }
0x37b: {  	_ =	swait.ge [sflag:s30], $0x8000  }
0x37c: {  	[sflag:s30] =	ssyncset.done $0x0  }
0x37d: {  	[sflag:s30] =	ssyncadd.s32 $0xFFFF8000  }
0x37e: {  	v10 =	vld [tilespmem:s12+$0x0];
	_ =	sdelay $0x4  }
0x37f: {  	v11 =	vand.u32 $0xFFFFFF00, v10  }
0x380: {  	v10 =	vshll.u32 v10, $0x7;
	vm8 =	veq.s32 v11, $0x200  }
0x381: {  	v10 =	vor.u32 v0, v10;
	_ =	sdelay $0x4  }
0x382: {  	[tilespmem:v10+s20+$0x0] =	vst.idx.msk vm8, v1  }
0x383: {  	v10 =	vld [tilespmem:s12+$0x10];
	_ =	sdelay $0x4  }
0x384: {  	v11 =	vand.u32 $0xFFFFFF00, v10  }
0x385: {  	v10 =	vshll.u32 v10, $0x7;
	vm9 =	veq.s32 v11, $0x200  }
0x386: {  	v10 =	vor.u32 v3, v10;
	_ =	sdelay $0x4  }
0x387: {  	[tilespmem:v10+s20+$0x0] =	vst.idx.msk vm9, v1  }
0x388: {  	v10 =	vld [tilespmem:s12+$0x20];
	_ =	sdelay $0x4  }
0x389: {  	v11 =	vand.u32 $0xFFFFFF00, v10  }
0x38a: {  	v10 =	vshll.u32 v10, $0x7;
	vm10 =	veq.s32 v11, $0x200  }
0x38b: {  	v10 =	vor.u32 v4, v10;
	_ =	sdelay $0x4  }
0x38c: {  	[tilespmem:v10+s20+$0x0] =	vst.idx.msk vm10, v1  }
0x38d: {  	v10 =	vld [tilespmem:s12+$0x30];
	_ =	sdelay $0x4  }
0x38e: {  	v11 =	vand.u32 $0xFFFFFF00, v10  }
0x38f: {  	v10 =	vshll.u32 v10, $0x7;
	vm11 =	veq.s32 v11, $0x200  }
0x390: {  	v10 =	vor.u32 v5, v10;
	_ =	sdelay $0x4  }
0x391: {  	[tilespmem:v10+s20+$0x0] =	vst.idx.msk vm11, v1  }
0x392: {  	v10 =	vld [tilespmem:s12+$0x40];
	_ =	sdelay $0x4  }
0x393: {  	v11 =	vand.u32 $0xFFFFFF00, v10  }
0x394: {  	v10 =	vshll.u32 v10, $0x7;
	vm12 =	veq.s32 v11, $0x200  }
0x395: {  	v10 =	vor.u32 v6, v10;
	_ =	sdelay $0x4  }
0x396: {  	[tilespmem:v10+s20+$0x0] =	vst.idx.msk vm12, v1  }
0x397: {  	v10 =	vld [tilespmem:s12+$0x50];
	_ =	sdelay $0x4  }
0x398: {  	v11 =	vand.u32 $0xFFFFFF00, v10  }
0x399: {  	v10 =	vshll.u32 v10, $0x7;
	vm13 =	veq.s32 v11, $0x200  }
0x39a: {  	v10 =	vor.u32 v7, v10;
	_ =	sdelay $0x4  }
0x39b: {  	[tilespmem:v10+s20+$0x0] =	vst.idx.msk vm13, v1  }
0x39c: {  	v10 =	vld [tilespmem:s12+$0x60];
	_ =	sdelay $0x4  }
0x39d: {  	v11 =	vand.u32 $0xFFFFFF00, v10  }
0x39e: {  	v10 =	vshll.u32 v10, $0x7;
	vm14 =	veq.s32 v11, $0x200  }
0x39f: {  	v10 =	vor.u32 v8, v10;
	_ =	sdelay $0x4  }
0x3a0: {  	[tilespmem:v10+s20+$0x0] =	vst.idx.msk vm14, v1  }
0x3a1: {  	v10 =	vld [tilespmem:s12+$0x70];
	_ =	sdelay $0x4  }
0x3a2: {  	v11 =	vand.u32 $0xFFFFFF00, v10  }
0x3a3: {  	v10 =	vshll.u32 v10, $0x7;
	vm15 =	veq.s32 v11, $0x200  }
0x3a4: {  	v10 =	vor.u32 v9, v10;
	_ =	sdelay $0x4  }
0x3a5: {  	[tilespmem:v10+s20+$0x0] =	vst.idx.msk vm15, v1  }
0x3a6: {  	v10 =	vld [tilespmem:s11+$0x0];
	_ =	sdelay $0x4  }
0x3a7: {  	v11 =	vand.u32 $0xFFFFFF00, v10  }
0x3a8: {  	v10 =	vshll.u32 v10, $0x7;
	vm4 =	veq.s32 v11, $0x200  }
0x3a9: {  	v10 =	vor.u32 v0, v10;
	_ =	sdelay $0x4  }
0x3aa: {  	[tilespmem:v10+s20+$0x0] =	vst.idx.msk vm4, v2  }
0x3ab: {  	v10 =	vld [tilespmem:s11+$0x10];
	_ =	sdelay $0x4  }
0x3ac: {  	v11 =	vand.u32 $0xFFFFFF00, v10  }
0x3ad: {  	v10 =	vshll.u32 v10, $0x7;
	vm5 =	veq.s32 v11, $0x200  }
0x3ae: {  	v10 =	vor.u32 v3, v10;
	_ =	sdelay $0x4  }
0x3af: {  	[tilespmem:v10+s20+$0x0] =	vst.idx.msk vm5, v2  }
0x3b0: {  	v10 =	vld [tilespmem:s11+$0x20];
	_ =	sdelay $0x4  }
0x3b1: {  	v11 =	vand.u32 $0xFFFFFF00, v10  }
0x3b2: {  	v10 =	vshll.u32 v10, $0x7;
	vm6 =	veq.s32 v11, $0x200  }
0x3b3: {  	v10 =	vor.u32 v4, v10;
	_ =	sdelay $0x4  }
0x3b4: {  	[tilespmem:v10+s20+$0x0] =	vst.idx.msk vm6, v2  }
0x3b5: {  	v10 =	vld [tilespmem:s11+$0x30];
	_ =	sdelay $0x4  }
0x3b6: {  	v11 =	vand.u32 $0xFFFFFF00, v10  }
0x3b7: {  	v10 =	vshll.u32 v10, $0x7;
	vm7 =	veq.s32 v11, $0x200  }
0x3b8: {  	v10 =	vor.u32 v5, v10;
	_ =	sdelay $0x4  }
0x3b9: {  	[tilespmem:v10+s20+$0x0] =	vst.idx.msk vm7, v2  }
0x3ba: {  	v10 =	vld [tilespmem:s11+$0x40];
	_ =	sdelay $0x4  }
0x3bb: {  	v11 =	vand.u32 $0xFFFFFF00, v10  }
0x3bc: {  	v10 =	vshll.u32 v10, $0x7;
	vm8 =	veq.s32 v11, $0x200  }
0x3bd: {  	v10 =	vor.u32 v6, v10;
	_ =	sdelay $0x4  }
0x3be: {  	[tilespmem:v10+s20+$0x0] =	vst.idx.msk vm8, v2  }
0x3bf: {  	v10 =	vld [tilespmem:s11+$0x50];
	_ =	sdelay $0x4  }
0x3c0: {  	v11 =	vand.u32 $0xFFFFFF00, v10  }
0x3c1: {  	v10 =	vshll.u32 v10, $0x7;
	vm9 =	veq.s32 v11, $0x200  }
0x3c2: {  	v10 =	vor.u32 v7, v10;
	_ =	sdelay $0x4  }
0x3c3: {  	[tilespmem:v10+s20+$0x0] =	vst.idx.msk vm9, v2  }
0x3c4: {  	v10 =	vld [tilespmem:s11+$0x60];
	_ =	sdelay $0x4  }
0x3c5: {  	v11 =	vand.u32 $0xFFFFFF00, v10  }
0x3c6: {  	v10 =	vshll.u32 v10, $0x7;
	vm10 =	veq.s32 v11, $0x200  }
0x3c7: {  	v10 =	vor.u32 v8, v10;
	_ =	sdelay $0x4  }
0x3c8: {  	[tilespmem:v10+s20+$0x0] =	vst.idx.msk vm10, v2  }
0x3c9: {  	v10 =	vld [tilespmem:s11+$0x70];
	_ =	sdelay $0x4  }
0x3ca: {  	v11 =	vand.u32 $0xFFFFFF00, v10  }
0x3cb: {  	v10 =	vshll.u32 v10, $0x7;
	vm11 =	veq.s32 v11, $0x200  }
0x3cc: {  	v10 =	vor.u32 v9, v10;
	_ =	sdelay $0x4  }
0x3cd: {  	s9 =	sadd.s32 s26, s15;
	[tilespmem:v10+s20+$0x0] =	vst.idx.msk vm11, v2  }
0x3ce: {  	[hbm4b:s9+s21] =	stream.strided.scatter [tilespmem:s24], [sflag:$0x7], $0x8000, s22, s21, $0x38;
	[tilespmem:$0x1F600] =	vst v63  }
0x3cf: {  	_ =	swait.ge [sflag:s31], $0x7400  }
0x3d0: {  	[sflag:s31] =	ssyncset.done $0x0  }
0x3d1: {  	[sflag:s31] =	ssyncadd.s32 $0xFFFF8C00  }
0x3d2: {  	v10 =	vld [tilespmem:s12+$0x0];
	_ =	sdelay $0x4  }
0x3d3: {  	v11 =	vadd.s32 $0xFFFFFD00, v10  }
0x3d4: {  	v10 =	vshll.u32 v10, $0x7;
	vm12 =	vlt.u32 v11, $0xE8  }
0x3d5: {  	v10 =	vor.u32 v0, v10;
	_ =	sdelay $0x4  }
0x3d6: {  	[tilespmem:v10+s20+$0x0] =	vst.idx.msk vm12, v1  }
0x3d7: {  	v10 =	vld [tilespmem:s12+$0x10];
	_ =	sdelay $0x4  }
0x3d8: {  	v11 =	vadd.s32 $0xFFFFFD00, v10  }
0x3d9: {  	v10 =	vshll.u32 v10, $0x7;
	vm13 =	vlt.u32 v11, $0xE8  }
0x3da: {  	v10 =	vor.u32 v3, v10;
	_ =	sdelay $0x4  }
0x3db: {  	[tilespmem:v10+s20+$0x0] =	vst.idx.msk vm13, v1  }
0x3dc: {  	v10 =	vld [tilespmem:s12+$0x20];
	_ =	sdelay $0x4  }
0x3dd: {  	v11 =	vadd.s32 $0xFFFFFD00, v10  }
0x3de: {  	v10 =	vshll.u32 v10, $0x7;
	vm14 =	vlt.u32 v11, $0xE8  }
0x3df: {  	v10 =	vor.u32 v4, v10;
	_ =	sdelay $0x4  }
0x3e0: {  	[tilespmem:v10+s20+$0x0] =	vst.idx.msk vm14, v1  }
0x3e1: {  	v10 =	vld [tilespmem:s12+$0x30];
	_ =	sdelay $0x4  }
0x3e2: {  	v11 =	vadd.s32 $0xFFFFFD00, v10  }
0x3e3: {  	v10 =	vshll.u32 v10, $0x7;
	vm15 =	vlt.u32 v11, $0xE8  }
0x3e4: {  	v10 =	vor.u32 v5, v10;
	_ =	sdelay $0x4  }
0x3e5: {  	[tilespmem:v10+s20+$0x0] =	vst.idx.msk vm15, v1  }
0x3e6: {  	v10 =	vld [tilespmem:s12+$0x40];
	_ =	sdelay $0x4  }
0x3e7: {  	v11 =	vadd.s32 $0xFFFFFD00, v10  }
0x3e8: {  	v10 =	vshll.u32 v10, $0x7;
	vm4 =	vlt.u32 v11, $0xE8  }
0x3e9: {  	v10 =	vor.u32 v6, v10;
	_ =	sdelay $0x4  }
0x3ea: {  	[tilespmem:v10+s20+$0x0] =	vst.idx.msk vm4, v1  }
0x3eb: {  	v10 =	vld [tilespmem:s12+$0x50];
	_ =	sdelay $0x4  }
0x3ec: {  	v11 =	vadd.s32 $0xFFFFFD00, v10  }
0x3ed: {  	v10 =	vshll.u32 v10, $0x7;
	vm5 =	vlt.u32 v11, $0xE8  }
0x3ee: {  	v10 =	vor.u32 v7, v10;
	_ =	sdelay $0x4  }
0x3ef: {  	[tilespmem:v10+s20+$0x0] =	vst.idx.msk vm5, v1  }
0x3f0: {  	v10 =	vld [tilespmem:s12+$0x60];
	_ =	sdelay $0x4  }
0x3f1: {  	v11 =	vadd.s32 $0xFFFFFD00, v10  }
0x3f2: {  	v10 =	vshll.u32 v10, $0x7;
	vm6 =	vlt.u32 v11, $0xE8  }
0x3f3: {  	v10 =	vor.u32 v8, v10;
	_ =	sdelay $0x4  }
0x3f4: {  	[tilespmem:v10+s20+$0x0] =	vst.idx.msk vm6, v1  }
0x3f5: {  	v10 =	vld [tilespmem:s12+$0x70];
	_ =	sdelay $0x4  }
0x3f6: {  	v11 =	vadd.s32 $0xFFFFFD00, v10  }
0x3f7: {  	v10 =	vshll.u32 v10, $0x7;
	vm7 =	vlt.u32 v11, $0xE8  }
0x3f8: {  	v10 =	vor.u32 v9, v10;
	_ =	sdelay $0x4  }
0x3f9: {  	[tilespmem:v10+s20+$0x0] =	vst.idx.msk vm7, v1  }
0x3fa: {  	v10 =	vld [tilespmem:s11+$0x0];
	_ =	sdelay $0x4  }
0x3fb: {  	v11 =	vadd.s32 $0xFFFFFD00, v10  }
0x3fc: {  	v10 =	vshll.u32 v10, $0x7;
	vm8 =	vlt.u32 v11, $0xE8  }
0x3fd: {  	v10 =	vor.u32 v0, v10;
	_ =	sdelay $0x4  }
0x3fe: {  	[tilespmem:v10+s20+$0x0] =	vst.idx.msk vm8, v2  }
0x3ff: {  	v10 =	vld [tilespmem:s11+$0x10];
	_ =	sdelay $0x4  }
0x400: {  	v11 =	vadd.s32 $0xFFFFFD00, v10  }
0x401: {  	v10 =	vshll.u32 v10, $0x7;
	vm9 =	vlt.u32 v11, $0xE8  }
0x402: {  	v10 =	vor.u32 v3, v10;
	_ =	sdelay $0x4  }
0x403: {  	[tilespmem:v10+s20+$0x0] =	vst.idx.msk vm9, v2  }
0x404: {  	v10 =	vld [tilespmem:s11+$0x20];
	_ =	sdelay $0x4  }
0x405: {  	v11 =	vadd.s32 $0xFFFFFD00, v10  }
0x406: {  	v10 =	vshll.u32 v10, $0x7;
	vm10 =	vlt.u32 v11, $0xE8  }
0x407: {  	v10 =	vor.u32 v4, v10;
	_ =	sdelay $0x4  }
0x408: {  	[tilespmem:v10+s20+$0x0] =	vst.idx.msk vm10, v2  }
0x409: {  	v10 =	vld [tilespmem:s11+$0x30];
	_ =	sdelay $0x4  }
0x40a: {  	v11 =	vadd.s32 $0xFFFFFD00, v10  }
0x40b: {  	v10 =	vshll.u32 v10, $0x7;
	vm11 =	vlt.u32 v11, $0xE8  }
0x40c: {  	v10 =	vor.u32 v5, v10;
	_ =	sdelay $0x4  }
0x40d: {  	[tilespmem:v10+s20+$0x0] =	vst.idx.msk vm11, v2  }
0x40e: {  	v10 =	vld [tilespmem:s11+$0x40];
	_ =	sdelay $0x4  }
0x40f: {  	v11 =	vadd.s32 $0xFFFFFD00, v10  }
0x410: {  	v10 =	vshll.u32 v10, $0x7;
	vm12 =	vlt.u32 v11, $0xE8  }
0x411: {  	v10 =	vor.u32 v6, v10;
	_ =	sdelay $0x4  }
0x412: {  	[tilespmem:v10+s20+$0x0] =	vst.idx.msk vm12, v2  }
0x413: {  	v10 =	vld [tilespmem:s11+$0x50];
	_ =	sdelay $0x4  }
0x414: {  	v11 =	vadd.s32 $0xFFFFFD00, v10  }
0x415: {  	v10 =	vshll.u32 v10, $0x7;
	vm13 =	vlt.u32 v11, $0xE8  }
0x416: {  	v10 =	vor.u32 v7, v10;
	_ =	sdelay $0x4  }
0x417: {  	[tilespmem:v10+s20+$0x0] =	vst.idx.msk vm13, v2  }
0x418: {  	v10 =	vld [tilespmem:s11+$0x60];
	_ =	sdelay $0x4  }
0x419: {  	v11 =	vadd.s32 $0xFFFFFD00, v10  }
0x41a: {  	v10 =	vshll.u32 v10, $0x7;
	vm14 =	vlt.u32 v11, $0xE8  }
0x41b: {  	v10 =	vor.u32 v8, v10;
	_ =	sdelay $0x4  }
0x41c: {  	[tilespmem:v10+s20+$0x0] =	vst.idx.msk vm14, v2  }
0x41d: {  	v10 =	vld [tilespmem:s11+$0x70];
	_ =	sdelay $0x4  }
0x41e: {  	v11 =	vadd.s32 $0xFFFFFD00, v10  }
0x41f: {  	p0 =	sgt.u32 s10, $0x16;
	s10 =	sand.u32 $0x3, s8;
	v10 =	vshll.u32 v10, $0x7;
	vm15 =	vlt.u32 v11, $0xE8  }
0x420: {  	p1 =	sne.s32 @!p0 s10, $0x0;
	v10 =	vor.u32 v9, v10  }
0x421: {  	p1 =	por p0, p1  }
.Ltmp8:
0x422: {  	_ = 	snop;
	(pc) =	sbr.rel @!p1 .LBB2_11-.Ltmp8, $3  }
0x423: {  	_ =	sdelay $0x1  }
0x424: {  	s12 =	sadd.s32 s26, s16;
	[tilespmem:v10+s20+$0x0] =	vst.idx.msk vm15, v2  }
0x425: {  	[hbm4b:s12+s21] =	stream.strided.scatter [tilespmem:s25], [sflag:$0x8], $0x7400, s22, s21, $0x38;
	[tilespmem:$0x1F600] =	vst v63  }
0x426: {  	p1 =	sne.s32 @!p0 s10, $0x1  }
0x427: {  	p1 =	por p0, p1  }
.Ltmp9:
0x428: {  	_ = 	snop;
	(pc) =	sbr.rel @p1 .LBB2_14-.Ltmp9, $1  }
0x429: {  	_ =	sdelay $0x3  }
.Ltmp10:
0x42a: {  	(pc) =	sbr.rel .LBB2_17-.Ltmp10, $4  }
0x42b: {  	s9 =	sand.u32 $0x7000, s5;
	s10 =	sand.u32 $0x50, s6  }
0x42c: {  	s9 =	sor.u32 s10, s9  }
0x42d: {  	s9 =	sadd.s32 s9, s4  }
0x42e: {  	[tilespmem:s17], [sflag:$0x2] =	stream.linear.gather [hbm4b:s9+s3], $0x80, $0x38;
	[tilespmem:$0x1F600] =	vst v63  }
.LBB2_14:
0x42f: {  	p1 =	sne.s32 @!p0 s10, $0x2  }
0x430: {  	p1 =	por p0, p1  }
.Ltmp11:
0x431: {  	_ = 	snop;
	(pc) =	sbr.rel @p1 .LBB2_16-.Ltmp11, $1  }
0x432: {  	_ =	sdelay $0x3  }
.Ltmp12:
0x433: {  	(pc) =	sbr.rel .LBB2_17-.Ltmp12, $4  }
0x434: {  	s9 =	sand.u32 $0x7000, s5;
	s10 =	sand.u32 $0x60, s6  }
0x435: {  	s9 =	sor.u32 s10, s9  }
0x436: {  	s9 =	sadd.s32 s9, s4  }
0x437: {  	[tilespmem:s18], [sflag:$0x3] =	stream.linear.gather [hbm4b:s9+s3], $0x80, $0x38;
	[tilespmem:$0x1F600] =	vst v63  }
.LBB2_16:
0x438: {  	p1 =	sne.s32 @!p0 s10, $0x3  }
.Ltmp13:
0x439: {  	p0 =	por p1, p0;
	(pc) =	sbr.rel .LBB2_17-.Ltmp13, $4  }
0x43a: {  	s9 =	sand.u32 @!p0 $0x7000, s5;
	s10 =	sand.u32 @!p0 $0x70, s6  }
0x43b: {  	s9 =	sor.u32 @!p0 s10, s9  }
0x43c: {  	s11 =	simm.s32 @!p0 $0x180;
	s10 =	simm.s32 @!p0 $0x0;
	s9 =	sadd.s32 @!p0 s9, s4  }
0x43d: {  	[tilespmem:s11], [sflag:$0x4] =	stream.linear.gather @!p0 [hbm4b:s9+s10], $0x80, $0x38;
	[tilespmem:$0x1F600] =	vst v63  }
.LBB2_19:
0x43e: {  	_ =	sfence.sel $0x180000  }
0x43f: {  	[bflag:$0x0] =	sbarrier.arrive $0xFFFF  }
0x440: {  	_ =	strace $0x90000047  }
0x441: {  	s0 =	stileid.u32;
	[bflag:$0x2] =	sbarrier.arrive $0xFFFF  }
0x442: {  	p0 =	sne.s32 s0, $0x0;
	s0 =	rddreg [dreg:$0x2]  }
0x443: {  	s0 =	sadd.s32 @!p0 $0x100000, s0  }
0x444: {  	[sflag:s0] =	ssyncadd.tile.s32 @!p0 $0x1;
	_ =	shalt  }
.Lfunc_end2:
_tile_overlayer_lowered:
.L_overlay_start_2:
0x445: {  	(tag) =	ssettag $0x2  }
0x446: {  	s0 =	rddreg [dreg:$0x0];
	s2 =	stileid.u32  }
0x447: {  	s1 =	rddreg [dreg:$0x1];
	p0 =	sne.s32 s2, $0x0  }
0x448: {  	s3 =	rddreg [dreg:$0x2];
	[bflag:$0x3] =	sbarrier.arrive $0xFFFF;
	s2 =	simm.s32 @!p0 $0x1C09  }
0x449: {  	[timem:s3], [sflag:s2] =	dma.local @!p0 [hbm:s0], s1  }
0x44a: {  	s0 =	simm.s32 @!p0 $0x9  }
0x44b: {  	_ =	swait.ge @!p0 [sflag:s0], s1  }
0x44c: {  	s1 =	ssub.s32 @!p0 $0x0, s1;
	[sflag:s0] =	ssyncset.done @!p0 $0x0  }
0x44d: {  	[sflag:s0] =	ssyncadd.s32 @!p0 s1  }
0x44e: {  	[bflag:$0x3] =	sbarrier.arrive $0xFFFF  }
0x44f: {  	_ =	shalt  }

</sc_bundles>
